<compile_context>
chip_gen: v7x
topology: tpu7x:2x2x1
jax: 0.10.2.dev20260603
libtpu: 0.0.44.dev20260713+nightly
codegen_flags: <defaults>
</compile_context>

<pallas_src>
import functools

import jax
import jax.numpy as jnp
from jax import lax
from jax.experimental import pallas as pl
from jax.experimental.pallas import tpu as pltpu
from jax.experimental.pallas import tpu_sc as plsc

RANK = 32
NC, NS, L = 2, 16, 16
NW = NC * NS
CHUNK = 256


def _sc_body(b_per_w, i_hbm, j_hbm, p_hbm, q_hbm, out_hbm,
             idx_i_v, idx_j_v, p_rows, q_rows, out_v, sem_p, sem_q):
    wid = lax.axis_index("s") * NC + lax.axis_index("c")
    base = wid * b_per_w
    pltpu.sync_copy(i_hbm.at[pl.ds(base, b_per_w)], idx_i_v)
    pltpu.sync_copy(j_hbm.at[pl.ds(base, b_per_w)], idx_j_v)

    for c in range(b_per_w // CHUNK):
        def fire(g, carry):
            vi = idx_i_v[pl.ds(c * CHUNK + g * L, L)]
            vj = idx_j_v[pl.ds(c * CHUNK + g * L, L)]
            for r in range(L):
                t = g * L + r
                pltpu.async_copy(p_hbm.at[vi[r]],
                                 p_rows.at[t, pl.ds(0, RANK)], sem_p)
                pltpu.async_copy(q_hbm.at[vj[r]],
                                 q_rows.at[t, pl.ds(0, RANK + 1)], sem_q)
            return carry

        lax.fori_loop(0, CHUNK // L, fire, 0)

        def drain(t, carry):
            pltpu.make_async_copy(p_hbm.at[0],
                                  p_rows.at[0, pl.ds(0, RANK)], sem_p).wait()
            pltpu.make_async_copy(q_hbm.at[0],
                                  q_rows.at[0, pl.ds(0, RANK + 1)], sem_q).wait()
            return carry

        lax.fori_loop(0, CHUNK, drain, 0)

        def group(g, carry):
            rows16 = g * L + lax.iota(jnp.int32, L)
            acc = plsc.load_gather(q_rows, [rows16, jnp.full((L,), RANK, jnp.int32)])
            for k in range(RANK):
                kk = jnp.full((L,), k, jnp.int32)
                pv = plsc.load_gather(p_rows, [rows16, kk])
                qv = plsc.load_gather(q_rows, [rows16, kk])
                acc = acc + pv * qv
            out_v[pl.ds(c * CHUNK + g * L, L)] = 1.0 / (1.0 + jnp.exp(-acc))
            return carry

        lax.fori_loop(0, CHUNK // L, group, 0)

    pltpu.sync_copy(out_v, out_hbm.at[pl.ds(base, b_per_w)])


def kernel(i, j, p_weight, q_weight):
    b = i.shape[0]
    b_per_w = b // NW
    mesh = plsc.VectorSubcoreMesh(core_axis_name="c", subcore_axis_name="s")
    kfn = pl.kernel(
        functools.partial(_sc_body, b_per_w),
        out_type=jax.ShapeDtypeStruct((b,), jnp.float32),
        mesh=mesh,
        scratch_types=[
            pltpu.VMEM((b_per_w,), jnp.int32),
            pltpu.VMEM((b_per_w,), jnp.int32),
            pltpu.VMEM((CHUNK, 128), jnp.float32),
            pltpu.VMEM((CHUNK, 128), jnp.float32),
            pltpu.VMEM((b_per_w,), jnp.float32),
            pltpu.SemaphoreType.DMA,
            pltpu.SemaphoreType.DMA,
        ],
        compiler_params=pltpu.CompilerParams(
            needs_layout_passes=False, use_tc_tiling_on_sc=True),
    )
    out = kfn(i.astype(jnp.int32), j.astype(jnp.int32), p_weight, q_weight)
    return out.reshape(-1, 1)

# --- scband reference (transcript-rebuilt; emitter-appended) ---
"""Pipeline reference for scband-ln-torch-8323646620618 (READ-ONLY COPY).

The authoritative reference and input builder live on the scoring server;
editing this copy changes nothing except your own understanding.
"""

import jax, jax.numpy as jnp
import numpy as np

N_P = 1000000
N_Q = 1000000
RANK = 32
BATCH = 16384

def setup_inputs(seed: int = 0) -> dict:
    key = jax.random.key(seed)
    k1, k2, k3, k4 = jax.random.split(key, 4)
    i = jax.random.randint(k1, (BATCH,), 0, N_P, dtype=jnp.int64 if jax.config.jax_enable_x64 else jnp.int32)
    j = jax.random.randint(k2, (BATCH,), 0, N_Q, dtype=jnp.int64 if jax.config.jax_enable_x64 else jnp.int32)
    p_weight = jax.random.normal(k3, (N_P, RANK), dtype=jnp.float32)
    q_weight = jax.random.normal(k4, (N_Q, RANK + 1), dtype=jnp.float32)
    return {"i": i, "j": j, "p_weight": p_weight, "q_weight": q_weight}

def reference(i, j, p_weight, q_weight):
    # torch.nn.Embedding lookup -> gather
    p = jnp.take(p_weight, i, axis=0)          # [B, rank]
    q = jnp.take(q_weight, j, axis=0)          # [B, rank+1]
    # q.T[:-1].T == q[:, :-1]; q.T[-1] == q[:, -1]
    logits = jnp.sum(p * q[:, :-1], axis=1) + q[:, -1]
    return jax.nn.sigmoid(logits).reshape(-1, 1)

if __name__ == "__main__":
    import jax
    _d = setup_inputs()
    print(jax.jit(kernel)(*tuple(_d.values())))

</pallas_src>

<mosaic_0001>
#map = affine_map<(d0, d1) -> (0)>
#map1 = affine_map<(d0, d1) -> (0, 0)>
module attributes {stable_mosaic.version = 14 : i64} {
  func.func @_sc_body(%arg0: i32, %arg1: i32, %arg2: memref<16384xi32, #tpu.memory_space<hbm>>, %arg3: memref<16384xi32, #tpu.memory_space<hbm>>, %arg4: memref<1000000x32xf32, #tpu.memory_space<hbm>>, %arg5: memref<1000000x33xf32, #tpu.memory_space<hbm>>, %arg6: memref<16384xf32, #tpu.memory_space<hbm>>, %arg7: memref<512xi32, #tpu.memory_space<vmem>>, %arg8: memref<512xi32, #tpu.memory_space<vmem>>, %arg9: memref<256x128xf32, #tpu.memory_space<vmem>>, %arg10: memref<256x128xf32, #tpu.memory_space<vmem>>, %arg11: memref<512xf32, #tpu.memory_space<vmem>>, %arg12: memref<!tpu.dma_semaphore, #tpu.memory_space<semaphore_mem>>, %arg13: memref<!tpu.dma_semaphore, #tpu.memory_space<semaphore_mem>>) attributes {dimension_semantics = [#tpu.dimension_semantics<core_parallel>, #tpu.dimension_semantics<subcore_parallel>], iteration_bounds = array<i64: 2, 16>, scalar_prefetch = 0 : i64, scratch_operands = 7 : i64, tpu.core_type = #tpu.core_type<sc_vector_subcore>, window_params = [{transform_indices = #map}, {transform_indices = #map}, {transform_indices = #map1}, {transform_indices = #map1}, {transform_indices = #map}]} {
    %mul3A = arith.constant 2 : i32
    %mul3A_0 = arith.muli %arg1, %mul3A : i32
    %add3A = arith.addi %mul3A_0, %arg0 : i32
    %mul3A_1 = arith.constant 512 : i32
    %mul3A_2 = arith.muli %add3A, %mul3A_1 : i32
    "tpu.region"() ({
      %run_scoped3A = tpu.sem_alloc : memref<!tpu.dma_semaphore, #tpu.memory_space<semaphore_mem>>
      %dma_start3A = tpu.memref_slice %arg2[%mul3A_2] : memref<16384xi32, #tpu.memory_space<hbm>> -> memref<512xi32, #tpu.memory_space<hbm>>
      %dma_start3A_38 = tpu.memref_slice %arg2[%mul3A_2] : memref<16384xi32, #tpu.memory_space<hbm>> -> memref<512xi32, #tpu.memory_space<hbm>>
      tpu.enqueue_dma source(%dma_start3A_38 : memref<512xi32, #tpu.memory_space<hbm>>) target(%arg7 : memref<512xi32, #tpu.memory_space<vmem>>) target_semaphore(%run_scoped3A : memref<!tpu.dma_semaphore, #tpu.memory_space<semaphore_mem>>)
      %dma_wait3A = tpu.memref_slice %arg2[%mul3A_2] : memref<16384xi32, #tpu.memory_space<hbm>> -> memref<512xi32, #tpu.memory_space<hbm>>
      %dma_wait3A_39 = tpu.memref_slice %arg2[%mul3A_2] : memref<16384xi32, #tpu.memory_space<hbm>> -> memref<512xi32, #tpu.memory_space<hbm>>
      tpu.wait_dma2 semaphore(%run_scoped3A : memref<!tpu.dma_semaphore, #tpu.memory_space<semaphore_mem>>) src(%dma_wait3A_39 : memref<512xi32, #tpu.memory_space<hbm>>) dst(%arg7 : memref<512xi32, #tpu.memory_space<vmem>>)
      tpu.yield
    }) : () -> ()
    "tpu.region"() ({
      %run_scoped3A = tpu.sem_alloc : memref<!tpu.dma_semaphore, #tpu.memory_space<semaphore_mem>>
      %dma_start3A = tpu.memref_slice %arg3[%mul3A_2] : memref<16384xi32, #tpu.memory_space<hbm>> -> memref<512xi32, #tpu.memory_space<hbm>>
      %dma_start3A_38 = tpu.memref_slice %arg3[%mul3A_2] : memref<16384xi32, #tpu.memory_space<hbm>> -> memref<512xi32, #tpu.memory_space<hbm>>
      tpu.enqueue_dma source(%dma_start3A_38 : memref<512xi32, #tpu.memory_space<hbm>>) target(%arg8 : memref<512xi32, #tpu.memory_space<vmem>>) target_semaphore(%run_scoped3A : memref<!tpu.dma_semaphore, #tpu.memory_space<semaphore_mem>>)
      %dma_wait3A = tpu.memref_slice %arg3[%mul3A_2] : memref<16384xi32, #tpu.memory_space<hbm>> -> memref<512xi32, #tpu.memory_space<hbm>>
      %dma_wait3A_39 = tpu.memref_slice %arg3[%mul3A_2] : memref<16384xi32, #tpu.memory_space<hbm>> -> memref<512xi32, #tpu.memory_space<hbm>>
      tpu.wait_dma2 semaphore(%run_scoped3A : memref<!tpu.dma_semaphore, #tpu.memory_space<semaphore_mem>>) src(%dma_wait3A_39 : memref<512xi32, #tpu.memory_space<hbm>>) dst(%arg8 : memref<512xi32, #tpu.memory_space<vmem>>)
      tpu.yield
    }) : () -> ()
    %scan3A = arith.constant 0 : i32
    %scan3A_3 = arith.constant 0 : i32
    %scan3A_4 = arith.constant 16 : i32
    %scan3A_5 = arith.addi %scan3A_3, %scan3A_4 : i32
    %scan3A_6 = arith.constant 1 : i32
    scf.for %scan3A_38 = %scan3A_3 to %scan3A_5 step %scan3A_6  : i32 {
      %mul3A_39 = arith.constant 16 : i32
      %mul3A_40 = arith.muli %scan3A_38, %mul3A_39 : i32
      %add3A_41 = arith.constant 0 : i32
      %add3A_42 = arith.addi %add3A_41, %mul3A_40 : i32
      %get3A = arith.index_cast %add3A_42 : i32 to index
      %get3A_43 = tpu.vector_load %arg7[%get3A] {strides = array<i32>} : memref<512xi32, #tpu.memory_space<vmem>>, vector<16xi32>,
      %mul3A_44 = arith.constant 16 : i32
      %mul3A_45 = arith.muli %scan3A_38, %mul3A_44 : i32
      %add3A_46 = arith.constant 0 : i32
      %add3A_47 = arith.addi %add3A_46, %mul3A_45 : i32
      %get3A_48 = arith.index_cast %add3A_47 : i32 to index
      %get3A_49 = tpu.vector_load %arg8[%get3A_48] {strides = array<i32>} : memref<512xi32, #tpu.memory_space<vmem>>, vector<16xi32>,
      %mul3A_50 = arith.constant 16 : i32
      %mul3A_51 = arith.muli %scan3A_38, %mul3A_50 : i32
      %add3A_52 = arith.constant 0 : i32
      %add3A_53 = arith.addi %mul3A_51, %add3A_52 : i32
      %slice3A = vector.extract_strided_slice %get3A_43 {offsets = [0], sizes = [1], strides = [1]} : vector<16xi32> to vector<1xi32>
      %squeeze3A = vector.extract %slice3A[0] : i32 from vector<1xi32>
      %dma_start3A = arith.constant 0 : i32
      %dma_start3A_54 = tpu.memref_slice %arg9[%add3A_53, %dma_start3A] : memref<256x128xf32, #tpu.memory_space<vmem>> -> memref<1x32xf32, #tpu.memory_space<vmem>>
      %dma_start3A_55 = tpu.memref_squeeze %dma_start3A_54 : memref<1x32xf32, #tpu.memory_space<vmem>> -> memref<32xf32, #tpu.memory_space<vmem>>
      %dma_start3A_56 = arith.constant 0 : i32
      %dma_start3A_57 = tpu.memref_slice %arg4[%squeeze3A, %dma_start3A_56] : memref<1000000x32xf32, #tpu.memory_space<hbm>> -> memref<1x32xf32, #tpu.memory_space<hbm>>
      %dma_start3A_58 = tpu.memref_squeeze %dma_start3A_57 : memref<1x32xf32, #tpu.memory_space<hbm>> -> memref<32xf32, #tpu.memory_space<hbm>>
      %dma_start3A_59 = arith.constant 0 : i32
      %dma_start3A_60 = tpu.memref_slice %arg9[%add3A_53, %dma_start3A_59] : memref<256x128xf32, #tpu.memory_space<vmem>> -> memref<1x32xf32, #tpu.memory_space<vmem>>
      %dma_start3A_61 = tpu.memref_squeeze %dma_start3A_60 : memref<1x32xf32, #tpu.memory_space<vmem>> -> memref<32xf32, #tpu.memory_space<vmem>>
      %dma_start3A_62 = arith.constant 0 : i32
      %dma_start3A_63 = tpu.memref_slice %arg4[%squeeze3A, %dma_start3A_62] : memref<1000000x32xf32, #tpu.memory_space<hbm>> -> memref<1x32xf32, #tpu.memory_space<hbm>>
      %dma_start3A_64 = tpu.memref_squeeze %dma_start3A_63 : memref<1x32xf32, #tpu.memory_space<hbm>> -> memref<32xf32, #tpu.memory_space<hbm>>
      tpu.enqueue_dma source(%dma_start3A_64 : memref<32xf32, #tpu.memory_space<hbm>>) target(%dma_start3A_61 : memref<32xf32, #tpu.memory_space<vmem>>) target_semaphore(%arg12 : memref<!tpu.dma_semaphore, #tpu.memory_space<semaphore_mem>>)
      %slice3A_65 = vector.extract_strided_slice %get3A_49 {offsets = [0], sizes = [1], strides = [1]} : vector<16xi32> to vector<1xi32>
      %squeeze3A_66 = vector.extract %slice3A_65[0] : i32 from vector<1xi32>
      %dma_start3A_67 = arith.constant 0 : i32
      %dma_start3A_68 = tpu.memref_slice %arg10[%add3A_53, %dma_start3A_67] : memref<256x128xf32, #tpu.memory_space<vmem>> -> memref<1x33xf32, #tpu.memory_space<vmem>>
      %dma_start3A_69 = tpu.memref_squeeze %dma_start3A_68 : memref<1x33xf32, #tpu.memory_space<vmem>> -> memref<33xf32, #tpu.memory_space<vmem>>
      %dma_start3A_70 = arith.constant 0 : i32
      %dma_start3A_71 = tpu.memref_slice %arg5[%squeeze3A_66, %dma_start3A_70] : memref<1000000x33xf32, #tpu.memory_space<hbm>> -> memref<1x33xf32, #tpu.memory_space<hbm>>
      %dma_start3A_72 = tpu.memref_squeeze %dma_start3A_71 : memref<1x33xf32, #tpu.memory_space<hbm>> -> memref<33xf32, #tpu.memory_space<hbm>>
      %dma_start3A_73 = arith.constant 0 : i32
      %dma_start3A_74 = tpu.memref_slice %arg10[%add3A_53, %dma_start3A_73] : memref<256x128xf32, #tpu.memory_space<vmem>> -> memref<1x33xf32, #tpu.memory_space<vmem>>
      %dma_start3A_75 = tpu.memref_squeeze %dma_start3A_74 : memref<1x33xf32, #tpu.memory_space<vmem>> -> memref<33xf32, #tpu.memory_space<vmem>>
      %dma_start3A_76 = arith.constant 0 : i32
      %dma_start3A_77 = tpu.memref_slice %arg5[%squeeze3A_66, %dma_start3A_76] : memref<1000000x33xf32, #tpu.memory_space<hbm>> -> memref<1x33xf32, #tpu.memory_space<hbm>>
      %dma_start3A_78 = tpu.memref_squeeze %dma_start3A_77 : memref<1x33xf32, #tpu.memory_space<hbm>> -> memref<33xf32, #tpu.memory_space<hbm>>
      tpu.enqueue_dma source(%dma_start3A_78 : memref<33xf32, #tpu.memory_space<hbm>>) target(%dma_start3A_75 : memref<33xf32, #tpu.memory_space<vmem>>) target_semaphore(%arg13 : memref<!tpu.dma_semaphore, #tpu.memory_space<semaphore_mem>>)
      %mul3A_79 = arith.constant 16 : i32
      %mul3A_80 = arith.muli %scan3A_38, %mul3A_79 : i32
      %add3A_81 = arith.constant 1 : i32
      %add3A_82 = arith.addi %mul3A_80, %add3A_81 : i32
      %slice3A_83 = vector.extract_strided_slice %get3A_43 {offsets = [1], sizes = [1], strides = [1]} : vector<16xi32> to vector<1xi32>
      %squeeze3A_84 = vector.extract %slice3A_83[0] : i32 from vector<1xi32>
      %dma_start3A_85 = arith.constant 0 : i32
      %dma_start3A_86 = tpu.memref_slice %arg9[%add3A_82, %dma_start3A_85] : memref<256x128xf32, #tpu.memory_space<vmem>> -> memref<1x32xf32, #tpu.memory_space<vmem>>
      %dma_start3A_87 = tpu.memref_squeeze %dma_start3A_86 : memref<1x32xf32, #tpu.memory_space<vmem>> -> memref<32xf32, #tpu.memory_space<vmem>>
      %dma_start3A_88 = arith.constant 0 : i32
      %dma_start3A_89 = tpu.memref_slice %arg4[%squeeze3A_84, %dma_start3A_88] : memref<1000000x32xf32, #tpu.memory_space<hbm>> -> memref<1x32xf32, #tpu.memory_space<hbm>>
      %dma_start3A_90 = tpu.memref_squeeze %dma_start3A_89 : memref<1x32xf32, #tpu.memory_space<hbm>> -> memref<32xf32, #tpu.memory_space<hbm>>
      %dma_start3A_91 = arith.constant 0 : i32
      %dma_start3A_92 = tpu.memref_slice %arg9[%add3A_82, %dma_start3A_91] : memref<256x128xf32, #tpu.memory_space<vmem>> -> memref<1x32xf32, #tpu.memory_space<vmem>>
      %dma_start3A_93 = tpu.memref_squeeze %dma_start3A_92 : memref<1x32xf32, #tpu.memory_space<vmem>> -> memref<32xf32, #tpu.memory_space<vmem>>
      %dma_start3A_94 = arith.constant 0 : i32
      %dma_start3A_95 = tpu.memref_slice %arg4[%squeeze3A_84, %dma_start3A_94] : memref<1000000x32xf32, #tpu.memory_space<hbm>> -> memref<1x32xf32, #tpu.memory_space<hbm>>
      %dma_start3A_96 = tpu.memref_squeeze %dma_start3A_95 : memref<1x32xf32, #tpu.memory_space<hbm>> -> memref<32xf32, #tpu.memory_space<hbm>>
      tpu.enqueue_dma source(%dma_start3A_96 : memref<32xf32, #tpu.memory_space<hbm>>) target(%dma_start3A_93 : memref<32xf32, #tpu.memory_space<vmem>>) target_semaphore(%arg12 : memref<!tpu.dma_semaphore, #tpu.memory_space<semaphore_mem>>)
      %slice3A_97 = vector.extract_strided_slice %get3A_49 {offsets = [1], sizes = [1], strides = [1]} : vector<16xi32> to vector<1xi32>
      %squeeze3A_98 = vector.extract %slice3A_97[0] : i32 from vector<1xi32>
      %dma_start3A_99 = arith.constant 0 : i32
      %dma_start3A_100 = tpu.memref_slice %arg10[%add3A_82, %dma_start3A_99] : memref<256x128xf32, #tpu.memory_space<vmem>> -> memref<1x33xf32, #tpu.memory_space<vmem>>
      %dma_start3A_101 = tpu.memref_squeeze %dma_start3A_100 : memref<1x33xf32, #tpu.memory_space<vmem>> -> memref<33xf32, #tpu.memory_space<vmem>>
      %dma_start3A_102 = arith.constant 0 : i32
      %dma_start3A_103 = tpu.memref_slice %arg5[%squeeze3A_98, %dma_start3A_102] : memref<1000000x33xf32, #tpu.memory_space<hbm>> -> memref<1x33xf32, #tpu.memory_space<hbm>>
      %dma_start3A_104 = tpu.memref_squeeze %dma_start3A_103 : memref<1x33xf32, #tpu.memory_space<hbm>> -> memref<33xf32, #tpu.memory_space<hbm>>
      %dma_start3A_105 = arith.constant 0 : i32
      %dma_start3A_106 = tpu.memref_slice %arg10[%add3A_82, %dma_start3A_105] : memref<256x128xf32, #tpu.memory_space<vmem>> -> memref<1x33xf32, #tpu.memory_space<vmem>>
      %dma_start3A_107 = tpu.memref_squeeze %dma_start3A_106 : memref<1x33xf32, #tpu.memory_space<vmem>> -> memref<33xf32, #tpu.memory_space<vmem>>
      %dma_start3A_108 = arith.constant 0 : i32
      %dma_start3A_109 = tpu.memref_slice %arg5[%squeeze3A_98, %dma_start3A_108] : memref<1000000x33xf32, #tpu.memory_space<hbm>> -> memref<1x33xf32, #tpu.memory_space<hbm>>
      %dma_start3A_110 = tpu.memref_squeeze %dma_start3A_109 : memref<1x33xf32, #tpu.memory_space<hbm>> -> memref<33xf32, #tpu.memory_space<hbm>>
      tpu.enqueue_dma source(%dma_start3A_110 : memref<33xf32, #tpu.memory_space<hbm>>) target(%dma_start3A_107 : memref<33xf32, #tpu.memory_space<vmem>>) target_semaphore(%arg13 : memref<!tpu.dma_semaphore, #tpu.memory_space<semaphore_mem>>)
      %mul3A_111 = arith.constant 16 : i32
      %mul3A_112 = arith.muli %scan3A_38, %mul3A_111 : i32
      %add3A_113 = arith.constant 2 : i32
      %add3A_114 = arith.addi %mul3A_112, %add3A_113 : i32
      %slice3A_115 = vector.extract_strided_slice %get3A_43 {offsets = [2], sizes = [1], strides = [1]} : vector<16xi32> to vector<1xi32>
      %squeeze3A_116 = vector.extract %slice3A_115[0] : i32 from vector<1xi32>
      %dma_start3A_117 = arith.constant 0 : i32
      %dma_start3A_118 = tpu.memref_slice %arg9[%add3A_114, %dma_start3A_117] : memref<256x128xf32, #tpu.memory_space<vmem>> -> memref<1x32xf32, #tpu.memory_space<vmem>>
      %dma_start3A_119 = tpu.memref_squeeze %dma_start3A_118 : memref<1x32xf32, #tpu.memory_space<vmem>> -> memref<32xf32, #tpu.memory_space<vmem>>
      %dma_start3A_120 = arith.constant 0 : i32
      %dma_start3A_121 = tpu.memref_slice %arg4[%squeeze3A_116, %dma_start3A_120] : memref<1000000x32xf32, #tpu.memory_space<hbm>> -> memref<1x32xf32, #tpu.memory_space<hbm>>
      %dma_start3A_122 = tpu.memref_squeeze %dma_start3A_121 : memref<1x32xf32, #tpu.memory_space<hbm>> -> memref<32xf32, #tpu.memory_space<hbm>>
      %dma_start3A_123 = arith.constant 0 : i32
      %dma_start3A_124 = tpu.memref_slice %arg9[%add3A_114, %dma_start3A_123] : memref<256x128xf32, #tpu.memory_space<vmem>> -> memref<1x32xf32, #tpu.memory_space<vmem>>
      %dma_start3A_125 = tpu.memref_squeeze %dma_start3A_124 : memref<1x32xf32, #tpu.memory_space<vmem>> -> memref<32xf32, #tpu.memory_space<vmem>>
      %dma_start3A_126 = arith.constant 0 : i32
      %dma_start3A_127 = tpu.memref_slice %arg4[%squeeze3A_116, %dma_start3A_126] : memref<1000000x32xf32, #tpu.memory_space<hbm>> -> memref<1x32xf32, #tpu.memory_space<hbm>>
      %dma_start3A_128 = tpu.memref_squeeze %dma_start3A_127 : memref<1x32xf32, #tpu.memory_space<hbm>> -> memref<32xf32, #tpu.memory_space<hbm>>
      tpu.enqueue_dma source(%dma_start3A_128 : memref<32xf32, #tpu.memory_space<hbm>>) target(%dma_start3A_125 : memref<32xf32, #tpu.memory_space<vmem>>) target_semaphore(%arg12 : memref<!tpu.dma_semaphore, #tpu.memory_space<semaphore_mem>>)
      %slice3A_129 = vector.extract_strided_slice %get3A_49 {offsets = [2], sizes = [1], strides = [1]} : vector<16xi32> to vector<1xi32>
      %squeeze3A_130 = vector.extract %slice3A_129[0] : i32 from vector<1xi32>
      %dma_start3A_131 = arith.constant 0 : i32
      %dma_start3A_132 = tpu.memref_slice %arg10[%add3A_114, %dma_start3A_131] : memref<256x128xf32, #tpu.memory_space<vmem>> -> memref<1x33xf32, #tpu.memory_space<vmem>>
      %dma_start3A_133 = tpu.memref_squeeze %dma_start3A_132 : memref<1x33xf32, #tpu.memory_space<vmem>> -> memref<33xf32, #tpu.memory_space<vmem>>
      %dma_start3A_134 = arith.constant 0 : i32
      %dma_start3A_135 = tpu.memref_slice %arg5[%squeeze3A_130, %dma_start3A_134] : memref<1000000x33xf32, #tpu.memory_space<hbm>> -> memref<1x33xf32, #tpu.memory_space<hbm>>
      %dma_start3A_136 = tpu.memref_squeeze %dma_start3A_135 : memref<1x33xf32, #tpu.memory_space<hbm>> -> memref<33xf32, #tpu.memory_space<hbm>>
      %dma_start3A_137 = arith.constant 0 : i32
      %dma_start3A_138 = tpu.memref_slice %arg10[%add3A_114, %dma_start3A_137] : memref<256x128xf32, #tpu.memory_space<vmem>> -> memref<1x33xf32, #tpu.memory_space<vmem>>
      %dma_start3A_139 = tpu.memref_squeeze %dma_start3A_138 : memref<1x33xf32, #tpu.memory_space<vmem>> -> memref<33xf32, #tpu.memory_space<vmem>>
      %dma_start3A_140 = arith.constant 0 : i32
      %dma_start3A_141 = tpu.memref_slice %arg5[%squeeze3A_130, %dma_start3A_140] : memref<1000000x33xf32, #tpu.memory_space<hbm>> -> memref<1x33xf32, #tpu.memory_space<hbm>>
      %dma_start3A_142 = tpu.memref_squeeze %dma_start3A_141 : memref<1x33xf32, #tpu.memory_space<hbm>> -> memref<33xf32, #tpu.memory_space<hbm>>
      tpu.enqueue_dma source(%dma_start3A_142 : memref<33xf32, #tpu.memory_space<hbm>>) target(%dma_start3A_139 : memref<33xf32, #tpu.memory_space<vmem>>) target_semaphore(%arg13 : memref<!tpu.dma_semaphore, #tpu.memory_space<semaphore_mem>>)
      %mul3A_143 = arith.constant 16 : i32
      %mul3A_144 = arith.muli %scan3A_38, %mul3A_143 : i32
      %add3A_145 = arith.constant 3 : i32
      %add3A_146 = arith.addi %mul3A_144, %add3A_145 : i32
      %slice3A_147 = vector.extract_strided_slice %get3A_43 {offsets = [3], sizes = [1], strides = [1]} : vector<16xi32> to vector<1xi32>
      %squeeze3A_148 = vector.extract %slice3A_147[0] : i32 from vector<1xi32>
      %dma_start3A_149 = arith.constant 0 : i32
      %dma_start3A_150 = tpu.memref_slice %arg9[%add3A_146, %dma_start3A_149] : memref<256x128xf32, #tpu.memory_space<vmem>> -> memref<1x32xf32, #tpu.memory_space<vmem>>
      %dma_start3A_151 = tpu.memref_squeeze %dma_start3A_150 : memref<1x32xf32, #tpu.memory_space<vmem>> -> memref<32xf32, #tpu.memory_space<vmem>>
      %dma_start3A_152 = arith.constant 0 : i32
      %dma_start3A_153 = tpu.memref_slice %arg4[%squeeze3A_148, %dma_start3A_152] : memref<1000000x32xf32, #tpu.memory_space<hbm>> -> memref<1x32xf32, #tpu.memory_space<hbm>>
      %dma_start3A_154 = tpu.memref_squeeze %dma_start3A_153 : memref<1x32xf32, #tpu.memory_space<hbm>> -> memref<32xf32, #tpu.memory_space<hbm>>
      %dma_start3A_155 = arith.constant 0 : i32
      %dma_start3A_156 = tpu.memref_slice %arg9[%add3A_146, %dma_start3A_155] : memref<256x128xf32, #tpu.memory_space<vmem>> -> memref<1x32xf32, #tpu.memory_space<vmem>>
      %dma_start3A_157 = tpu.memref_squeeze %dma_start3A_156 : memref<1x32xf32, #tpu.memory_space<vmem>> -> memref<32xf32, #tpu.memory_space<vmem>>
      %dma_start3A_158 = arith.constant 0 : i32
      %dma_start3A_159 = tpu.memref_slice %arg4[%squeeze3A_148, %dma_start3A_158] : memref<1000000x32xf32, #tpu.memory_space<hbm>> -> memref<1x32xf32, #tpu.memory_space<hbm>>
      %dma_start3A_160 = tpu.memref_squeeze %dma_start3A_159 : memref<1x32xf32, #tpu.memory_space<hbm>> -> memref<32xf32, #tpu.memory_space<hbm>>
      tpu.enqueue_dma source(%dma_start3A_160 : memref<32xf32, #tpu.memory_space<hbm>>) target(%dma_start3A_157 : memref<32xf32, #tpu.memory_space<vmem>>) target_semaphore(%arg12 : memref<!tpu.dma_semaphore, #tpu.memory_space<semaphore_mem>>)
      %slice3A_161 = vector.extract_strided_slice %get3A_49 {offsets = [3], sizes = [1], strides = [1]} : vector<16xi32> to vector<1xi32>
      %squeeze3A_162 = vector.extract %slice3A_161[0] : i32 from vector<1xi32>
      %dma_start3A_163 = arith.constant 0 : i32
      %dma_start3A_164 = tpu.memref_slice %arg10[%add3A_146, %dma_start3A_163] : memref<256x128xf32, #tpu.memory_space<vmem>> -> memref<1x33xf32, #tpu.memory_space<vmem>>
      %dma_start3A_165 = tpu.memref_squeeze %dma_start3A_164 : memref<1x33xf32, #tpu.memory_space<vmem>> -> memref<33xf32, #tpu.memory_space<vmem>>
      %dma_start3A_166 = arith.constant 0 : i32
      %dma_start3A_167 = tpu.memref_slice %arg5[%squeeze3A_162, %dma_start3A_166] : memref<1000000x33xf32, #tpu.memory_space<hbm>> -> memref<1x33xf32, #tpu.memory_space<hbm>>
      %dma_start3A_168 = tpu.memref_squeeze %dma_start3A_167 : memref<1x33xf32, #tpu.memory_space<hbm>> -> memref<33xf32, #tpu.memory_space<hbm>>
      %dma_start3A_169 = arith.constant 0 : i32
      %dma_start3A_170 = tpu.memref_slice %arg10[%add3A_146, %dma_start3A_169] : memref<256x128xf32, #tpu.memory_space<vmem>> -> memref<1x33xf32, #tpu.memory_space<vmem>>
      %dma_start3A_171 = tpu.memref_squeeze %dma_start3A_170 : memref<1x33xf32, #tpu.memory_space<vmem>> -> memref<33xf32, #tpu.memory_space<vmem>>
      %dma_start3A_172 = arith.constant 0 : i32
      %dma_start3A_173 = tpu.memref_slice %arg5[%squeeze3A_162, %dma_start3A_172] : memref<1000000x33xf32, #tpu.memory_space<hbm>> -> memref<1x33xf32, #tpu.memory_space<hbm>>
      %dma_start3A_174 = tpu.memref_squeeze %dma_start3A_173 : memref<1x33xf32, #tpu.memory_space<hbm>> -> memref<33xf32, #tpu.memory_space<hbm>>
      tpu.enqueue_dma source(%dma_start3A_174 : memref<33xf32, #tpu.memory_space<hbm>>) target(%dma_start3A_171 : memref<33xf32, #tpu.memory_space<vmem>>) target_semaphore(%arg13 : memref<!tpu.dma_semaphore, #tpu.memory_space<semaphore_mem>>)
      %mul3A_175 = arith.constant 16 : i32
      %mul3A_176 = arith.muli %scan3A_38, %mul3A_175 : i32
      %add3A_177 = arith.constant 4 : i32
      %add3A_178 = arith.addi %mul3A_176, %add3A_177 : i32
      %slice3A_179 = vector.extract_strided_slice %get3A_43 {offsets = [4], sizes = [1], strides = [1]} : vector<16xi32> to vector<1xi32>
      %squeeze3A_180 = vector.extract %slice3A_179[0] : i32 from vector<1xi32>
      %dma_start3A_181 = arith.constant 0 : i32
      %dma_start3A_182 = tpu.memref_slice %arg9[%add3A_178, %dma_start3A_181] : memref<256x128xf32, #tpu.memory_space<vmem>> -> memref<1x32xf32, #tpu.memory_space<vmem>>
      %dma_start3A_183 = tpu.memref_squeeze %dma_start3A_182 : memref<1x32xf32, #tpu.memory_space<vmem>> -> memref<32xf32, #tpu.memory_space<vmem>>
      %dma_start3A_184 = arith.constant 0 : i32
      %dma_start3A_185 = tpu.memref_slice %arg4[%squeeze3A_180, %dma_start3A_184] : memref<1000000x32xf32, #tpu.memory_space<hbm>> -> memref<1x32xf32, #tpu.memory_space<hbm>>
      %dma_start3A_186 = tpu.memref_squeeze %dma_start3A_185 : memref<1x32xf32, #tpu.memory_space<hbm>> -> memref<32xf32, #tpu.memory_space<hbm>>
      %dma_start3A_187 = arith.constant 0 : i32
      %dma_start3A_188 = tpu.memref_slice %arg9[%add3A_178, %dma_start3A_187] : memref<256x128xf32, #tpu.memory_space<vmem>> -> memref<1x32xf32, #tpu.memory_space<vmem>>
      %dma_start3A_189 = tpu.memref_squeeze %dma_start3A_188 : memref<1x32xf32, #tpu.memory_space<vmem>> -> memref<32xf32, #tpu.memory_space<vmem>>
      %dma_start3A_190 = arith.constant 0 : i32
      %dma_start3A_191 = tpu.memref_slice %arg4[%squeeze3A_180, %dma_start3A_190] : memref<1000000x32xf32, #tpu.memory_space<hbm>> -> memref<1x32xf32, #tpu.memory_space<hbm>>
      %dma_start3A_192 = tpu.memref_squeeze %dma_start3A_191 : memref<1x32xf32, #tpu.memory_space<hbm>> -> memref<32xf32, #tpu.memory_space<hbm>>
      tpu.enqueue_dma source(%dma_start3A_192 : memref<32xf32, #tpu.memory_space<hbm>>) target(%dma_start3A_189 : memref<32xf32, #tpu.memory_space<vmem>>) target_semaphore(%arg12 : memref<!tpu.dma_semaphore, #tpu.memory_space<semaphore_mem>>)
      %slice3A_193 = vector.extract_strided_slice %get3A_49 {offsets = [4], sizes = [1], strides = [1]} : vector<16xi32> to vector<1xi32>
      %squeeze3A_194 = vector.extract %slice3A_193[0] : i32 from vector<1xi32>
      %dma_start3A_195 = arith.constant 0 : i32
      %dma_start3A_196 = tpu.memref_slice %arg10[%add3A_178, %dma_start3A_195] : memref<256x128xf32, #tpu.memory_space<vmem>> -> memref<1x33xf32, #tpu.memory_space<vmem>>
      %dma_start3A_197 = tpu.memref_squeeze %dma_start3A_196 : memref<1x33xf32, #tpu.memory_space<vmem>> -> memref<33xf32, #tpu.memory_space<vmem>>
      %dma_start3A_198 = arith.constant 0 : i32
      %dma_start3A_199 = tpu.memref_slice %arg5[%squeeze3A_194, %dma_start3A_198] : memref<1000000x33xf32, #tpu.memory_space<hbm>> -> memref<1x33xf32, #tpu.memory_space<hbm>>
      %dma_start3A_200 = tpu.memref_squeeze %dma_start3A_199 : memref<1x33xf32, #tpu.memory_space<hbm>> -> memref<33xf32, #tpu.memory_space<hbm>>
      %dma_start3A_201 = arith.constant 0 : i32
      %dma_start3A_202 = tpu.memref_slice %arg10[%add3A_178, %dma_start3A_201] : memref<256x128xf32, #tpu.memory_space<vmem>> -> memref<1x33xf32, #tpu.memory_space<vmem>>
      %dma_start3A_203 = tpu.memref_squeeze %dma_start3A_202 : memref<1x33xf32, #tpu.memory_space<vmem>> -> memref<33xf32, #tpu.memory_space<vmem>>
      %dma_start3A_204 = arith.constant 0 : i32
      %dma_start3A_205 = tpu.memref_slice %arg5[%squeeze3A_194, %dma_start3A_204] : memref<1000000x33xf32, #tpu.memory_space<hbm>> -> memref<1x33xf32, #tpu.memory_space<hbm>>
      %dma_start3A_206 = tpu.memref_squeeze %dma_start3A_205 : memref<1x33xf32, #tpu.memory_space<hbm>> -> memref<33xf32, #tpu.memory_space<hbm>>
      tpu.enqueue_dma source(%dma_start3A_206 : memref<33xf32, #tpu.memory_space<hbm>>) target(%dma_start3A_203 : memref<33xf32, #tpu.memory_space<vmem>>) target_semaphore(%arg13 : memref<!tpu.dma_semaphore, #tpu.memory_space<semaphore_mem>>)
      %mul3A_207 = arith.constant 16 : i32
      %mul3A_208 = arith.muli %scan3A_38, %mul3A_207 : i32
      %add3A_209 = arith.constant 5 : i32
      %add3A_210 = arith.addi %mul3A_208, %add3A_209 : i32
      %slice3A_211 = vector.extract_strided_slice %get3A_43 {offsets = [5], sizes = [1], strides = [1]} : vector<16xi32> to vector<1xi32>
      %squeeze3A_212 = vector.extract %slice3A_211[0] : i32 from vector<1xi32>
      %dma_start3A_213 = arith.constant 0 : i32
      %dma_start3A_214 = tpu.memref_slice %arg9[%add3A_210, %dma_start3A_213] : memref<256x128xf32, #tpu.memory_space<vmem>> -> memref<1x32xf32, #tpu.memory_space<vmem>>
      %dma_start3A_215 = tpu.memref_squeeze %dma_start3A_214 : memref<1x32xf32, #tpu.memory_space<vmem>> -> memref<32xf32, #tpu.memory_space<vmem>>
      %dma_start3A_216 = arith.constant 0 : i32
      %dma_start3A_217 = tpu.memref_slice %arg4[%squeeze3A_212, %dma_start3A_216] : memref<1000000x32xf32, #tpu.memory_space<hbm>> -> memref<1x32xf32, #tpu.memory_space<hbm>>
      %dma_start3A_218 = tpu.memref_squeeze %dma_start3A_217 : memref<1x32xf32, #tpu.memory_space<hbm>> -> memref<32xf32, #tpu.memory_space<hbm>>
      %dma_start3A_219 = arith.constant 0 : i32
      %dma_start3A_220 = tpu.memref_slice %arg9[%add3A_210, %dma_start3A_219] : memref<256x128xf32, #tpu.memory_space<vmem>> -> memref<1x32xf32, #tpu.memory_space<vmem>>
      %dma_start3A_221 = tpu.memref_squeeze %dma_start3A_220 : memref<1x32xf32, #tpu.memory_space<vmem>> -> memref<32xf32, #tpu.memory_space<vmem>>
      %dma_start3A_222 = arith.constant 0 : i32
      %dma_start3A_223 = tpu.memref_slice %arg4[%squeeze3A_212, %dma_start3A_222] : memref<1000000x32xf32, #tpu.memory_space<hbm>> -> memref<1x32xf32, #tpu.memory_space<hbm>>
      %dma_start3A_224 = tpu.memref_squeeze %dma_start3A_223 : memref<1x32xf32, #tpu.memory_space<hbm>> -> memref<32xf32, #tpu.memory_space<hbm>>
      tpu.enqueue_dma source(%dma_start3A_224 : memref<32xf32, #tpu.memory_space<hbm>>) target(%dma_start3A_221 : memref<32xf32, #tpu.memory_space<vmem>>) target_semaphore(%arg12 : memref<!tpu.dma_semaphore, #tpu.memory_space<semaphore_mem>>)
      %slice3A_225 = vector.extract_strided_slice %get3A_49 {offsets = [5], sizes = [1], strides = [1]} : vector<16xi32> to vector<1xi32>
      %squeeze3A_226 = vector.extract %slice3A_225[0] : i32 from vector<1xi32>
      %dma_start3A_227 = arith.constant 0 : i32
      %dma_start3A_228 = tpu.memref_slice %arg10[%add3A_210, %dma_start3A_227] : memref<256x128xf32, #tpu.memory_space<vmem>> -> memref<1x33xf32, #tpu.memory_space<vmem>>
      %dma_start3A_229 = tpu.memref_squeeze %dma_start3A_228 : memref<1x33xf32, #tpu.memory_space<vmem>> -> memref<33xf32, #tpu.memory_space<vmem>>
      %dma_start3A_230 = arith.constant 0 : i32
      %dma_start3A_231 = tpu.memref_slice %arg5[%squeeze3A_226, %dma_start3A_230] : memref<1000000x33xf32, #tpu.memory_space<hbm>> -> memref<1x33xf32, #tpu.memory_space<hbm>>
      %dma_start3A_232 = tpu.memref_squeeze %dma_start3A_231 : memref<1x33xf32, #tpu.memory_space<hbm>> -> memref<33xf32, #tpu.memory_space<hbm>>
      %dma_start3A_233 = arith.constant 0 : i32
      %dma_start3A_234 = tpu.memref_slice %arg10[%add3A_210, %dma_start3A_233] : memref<256x128xf32, #tpu.memory_space<vmem>> -> memref<1x33xf32, #tpu.memory_space<vmem>>
      %dma_start3A_235 = tpu.memref_squeeze %dma_start3A_234 : memref<1x33xf32, #tpu.memory_space<vmem>> -> memref<33xf32, #tpu.memory_space<vmem>>
      %dma_start3A_236 = arith.constant 0 : i32
      %dma_start3A_237 = tpu.memref_slice %arg5[%squeeze3A_226, %dma_start3A_236] : memref<1000000x33xf32, #tpu.memory_space<hbm>> -> memref<1x33xf32, #tpu.memory_space<hbm>>
      %dma_start3A_238 = tpu.memref_squeeze %dma_start3A_237 : memref<1x33xf32, #tpu.memory_space<hbm>> -> memref<33xf32, #tpu.memory_space<hbm>>
      tpu.enqueue_dma source(%dma_start3A_238 : memref<33xf32, #tpu.memory_space<hbm>>) target(%dma_start3A_235 : memref<33xf32, #tpu.memory_space<vmem>>) target_semaphore(%arg13 : memref<!tpu.dma_semaphore, #tpu.memory_space<semaphore_mem>>)
      %mul3A_239 = arith.constant 16 : i32
      %mul3A_240 = arith.muli %scan3A_38, %mul3A_239 : i32
      %add3A_241 = arith.constant 6 : i32
      %add3A_242 = arith.addi %mul3A_240, %add3A_241 : i32
      %slice3A_243 = vector.extract_strided_slice %get3A_43 {offsets = [6], sizes = [1], strides = [1]} : vector<16xi32> to vector<1xi32>
      %squeeze3A_244 = vector.extract %slice3A_243[0] : i32 from vector<1xi32>
      %dma_start3A_245 = arith.constant 0 : i32
      %dma_start3A_246 = tpu.memref_slice %arg9[%add3A_242, %dma_start3A_245] : memref<256x128xf32, #tpu.memory_space<vmem>> -> memref<1x32xf32, #tpu.memory_space<vmem>>
      %dma_start3A_247 = tpu.memref_squeeze %dma_start3A_246 : memref<1x32xf32, #tpu.memory_space<vmem>> -> memref<32xf32, #tpu.memory_space<vmem>>
      %dma_start3A_248 = arith.constant 0 : i32
      %dma_start3A_249 = tpu.memref_slice %arg4[%squeeze3A_244, %dma_start3A_248] : memref<1000000x32xf32, #tpu.memory_space<hbm>> -> memref<1x32xf32, #tpu.memory_space<hbm>>
      %dma_start3A_250 = tpu.memref_squeeze %dma_start3A_249 : memref<1x32xf32, #tpu.memory_space<hbm>> -> memref<32xf32, #tpu.memory_space<hbm>>
      %dma_start3A_251 = arith.constant 0 : i32
      %dma_start3A_252 = tpu.memref_slice %arg9[%add3A_242, %dma_start3A_251] : memref<256x128xf32, #tpu.memory_space<vmem>> -> memref<1x32xf32, #tpu.memory_space<vmem>>
      %dma_start3A_253 = tpu.memref_squeeze %dma_start3A_252 : memref<1x32xf32, #tpu.memory_space<vmem>> -> memref<32xf32, #tpu.memory_space<vmem>>
      %dma_start3A_254 = arith.constant 0 : i32
      %dma_start3A_255 = tpu.memref_slice %arg4[%squeeze3A_244, %dma_start3A_254] : memref<1000000x32xf32, #tpu.memory_space<hbm>> -> memref<1x32xf32, #tpu.memory_space<hbm>>
      %dma_start3A_256 = tpu.memref_squeeze %dma_start3A_255 : memref<1x32xf32, #tpu.memory_space<hbm>> -> memref<32xf32, #tpu.memory_space<hbm>>
      tpu.enqueue_dma source(%dma_start3A_256 : memref<32xf32, #tpu.memory_space<hbm>>) target(%dma_start3A_253 : memref<32xf32, #tpu.memory_space<vmem>>) target_semaphore(%arg12 : memref<!tpu.dma_semaphore, #tpu.memory_space<semaphore_mem>>)
      %slice3A_257 = vector.extract_strided_slice %get3A_49 {offsets = [6], sizes = [1], strides = [1]} : vector<16xi32> to vector<1xi32>
      %squeeze3A_258 = vector.extract %slice3A_257[0] : i32 from vector<1xi32>
      %dma_start3A_259 = arith.constant 0 : i32
      %dma_start3A_260 = tpu.memref_slice %arg10[%add3A_242, %dma_start3A_259] : memref<256x128xf32, #tpu.memory_space<vmem>> -> memref<1x33xf32, #tpu.memory_space<vmem>>
      %dma_start3A_261 = tpu.memref_squeeze %dma_start3A_260 : memref<1x33xf32, #tpu.memory_space<vmem>> -> memref<33xf32, #tpu.memory_space<vmem>>
      %dma_start3A_262 = arith.constant 0 : i32
      %dma_start3A_263 = tpu.memref_slice %arg5[%squeeze3A_258, %dma_start3A_262] : memref<1000000x33xf32, #tpu.memory_space<hbm>> -> memref<1x33xf32, #tpu.memory_space<hbm>>
      %dma_start3A_264 = tpu.memref_squeeze %dma_start3A_263 : memref<1x33xf32, #tpu.memory_space<hbm>> -> memref<33xf32, #tpu.memory_space<hbm>>
      %dma_start3A_265 = arith.constant 0 : i32
      %dma_start3A_266 = tpu.memref_slice %arg10[%add3A_242, %dma_start3A_265] : memref<256x128xf32, #tpu.memory_space<vmem>> -> memref<1x33xf32, #tpu.memory_space<vmem>>
      %dma_start3A_267 = tpu.memref_squeeze %dma_start3A_266 : memref<1x33xf32, #tpu.memory_space<vmem>> -> memref<33xf32, #tpu.memory_space<vmem>>
      %dma_start3A_268 = arith.constant 0 : i32
      %dma_start3A_269 = tpu.memref_slice %arg5[%squeeze3A_258, %dma_start3A_268] : memref<1000000x33xf32, #tpu.memory_space<hbm>> -> memref<1x33xf32, #tpu.memory_space<hbm>>
      %dma_start3A_270 = tpu.memref_squeeze %dma_start3A_269 : memref<1x33xf32, #tpu.memory_space<hbm>> -> memref<33xf32, #tpu.memory_space<hbm>>
      tpu.enqueue_dma source(%dma_start3A_270 : memref<33xf32, #tpu.memory_space<hbm>>) target(%dma_start3A_267 : memref<33xf32, #tpu.memory_space<vmem>>) target_semaphore(%arg13 : memref<!tpu.dma_semaphore, #tpu.memory_space<semaphore_mem>>)
      %mul3A_271 = arith.constant 16 : i32
      %mul3A_272 = arith.muli %scan3A_38, %mul3A_271 : i32
      %add3A_273 = arith.constant 7 : i32
      %add3A_274 = arith.addi %mul3A_272, %add3A_273 : i32
      %slice3A_275 = vector.extract_strided_slice %get3A_43 {offsets = [7], sizes = [1], strides = [1]} : vector<16xi32> to vector<1xi32>
      %squeeze3A_276 = vector.extract %slice3A_275[0] : i32 from vector<1xi32>
      %dma_start3A_277 = arith.constant 0 : i32
      %dma_start3A_278 = tpu.memref_slice %arg9[%add3A_274, %dma_start3A_277] : memref<256x128xf32, #tpu.memory_space<vmem>> -> memref<1x32xf32, #tpu.memory_space<vmem>>
      %dma_start3A_279 = tpu.memref_squeeze %dma_start3A_278 : memref<1x32xf32, #tpu.memory_space<vmem>> -> memref<32xf32, #tpu.memory_space<vmem>>
      %dma_start3A_280 = arith.constant 0 : i32
      %dma_start3A_281 = tpu.memref_slice %arg4[%squeeze3A_276, %dma_start3A_280] : memref<1000000x32xf32, #tpu.memory_space<hbm>> -> memref<1x32xf32, #tpu.memory_space<hbm>>
      %dma_start3A_282 = tpu.memref_squeeze %dma_start3A_281 : memref<1x32xf32, #tpu.memory_space<hbm>> -> memref<32xf32, #tpu.memory_space<hbm>>
      %dma_start3A_283 = arith.constant 0 : i32
      %dma_start3A_284 = tpu.memref_slice %arg9[%add3A_274, %dma_start3A_283] : memref<256x128xf32, #tpu.memory_space<vmem>> -> memref<1x32xf32, #tpu.memory_space<vmem>>
      %dma_start3A_285 = tpu.memref_squeeze %dma_start3A_284 : memref<1x32xf32, #tpu.memory_space<vmem>> -> memref<32xf32, #tpu.memory_space<vmem>>
      %dma_start3A_286 = arith.constant 0 : i32
      %dma_start3A_287 = tpu.memref_slice %arg4[%squeeze3A_276, %dma_start3A_286] : memref<1000000x32xf32, #tpu.memory_space<hbm>> -> memref<1x32xf32, #tpu.memory_space<hbm>>
      %dma_start3A_288 = tpu.memref_squeeze %dma_start3A_287 : memref<1x32xf32, #tpu.memory_space<hbm>> -> memref<32xf32, #tpu.memory_space<hbm>>
      tpu.enqueue_dma source(%dma_start3A_288 : memref<32xf32, #tpu.memory_space<hbm>>) target(%dma_start3A_285 : memref<32xf32, #tpu.memory_space<vmem>>) target_semaphore(%arg12 : memref<!tpu.dma_semaphore, #tpu.memory_space<semaphore_mem>>)
      %slice3A_289 = vector.extract_strided_slice %get3A_49 {offsets = [7], sizes = [1], strides = [1]} : vector<16xi32> to vector<1xi32>
      %squeeze3A_290 = vector.extract %slice3A_289[0] : i32 from vector<1xi32>
      %dma_start3A_291 = arith.constant 0 : i32
      %dma_start3A_292 = tpu.memref_slice %arg10[%add3A_274, %dma_start3A_291] : memref<256x128xf32, #tpu.memory_space<vmem>> -> memref<1x33xf32, #tpu.memory_space<vmem>>
      %dma_start3A_293 = tpu.memref_squeeze %dma_start3A_292 : memref<1x33xf32, #tpu.memory_space<vmem>> -> memref<33xf32, #tpu.memory_space<vmem>>
      %dma_start3A_294 = arith.constant 0 : i32
      %dma_start3A_295 = tpu.memref_slice %arg5[%squeeze3A_290, %dma_start3A_294] : memref<1000000x33xf32, #tpu.memory_space<hbm>> -> memref<1x33xf32, #tpu.memory_space<hbm>>
      %dma_start3A_296 = tpu.memref_squeeze %dma_start3A_295 : memref<1x33xf32, #tpu.memory_space<hbm>> -> memref<33xf32, #tpu.memory_space<hbm>>
      %dma_start3A_297 = arith.constant 0 : i32
      %dma_start3A_298 = tpu.memref_slice %arg10[%add3A_274, %dma_start3A_297] : memref<256x128xf32, #tpu.memory_space<vmem>> -> memref<1x33xf32, #tpu.memory_space<vmem>>
      %dma_start3A_299 = tpu.memref_squeeze %dma_start3A_298 : memref<1x33xf32, #tpu.memory_space<vmem>> -> memref<33xf32, #tpu.memory_space<vmem>>
      %dma_start3A_300 = arith.constant 0 : i32
      %dma_start3A_301 = tpu.memref_slice %arg5[%squeeze3A_290, %dma_start3A_300] : memref<1000000x33xf32, #tpu.memory_space<hbm>> -> memref<1x33xf32, #tpu.memory_space<hbm>>
      %dma_start3A_302 = tpu.memref_squeeze %dma_start3A_301 : memref<1x33xf32, #tpu.memory_space<hbm>> -> memref<33xf32, #tpu.memory_space<hbm>>
      tpu.enqueue_dma source(%dma_start3A_302 : memref<33xf32, #tpu.memory_space<hbm>>) target(%dma_start3A_299 : memref<33xf32, #tpu.memory_space<vmem>>) target_semaphore(%arg13 : memref<!tpu.dma_semaphore, #tpu.memory_space<semaphore_mem>>)
      %mul3A_303 = arith.constant 16 : i32
      %mul3A_304 = arith.muli %scan3A_38, %mul3A_303 : i32
      %add3A_305 = arith.constant 8 : i32
      %add3A_306 = arith.addi %mul3A_304, %add3A_305 : i32
      %slice3A_307 = vector.extract_strided_slice %get3A_43 {offsets = [8], sizes = [1], strides = [1]} : vector<16xi32> to vector<1xi32>
      %squeeze3A_308 = vector.extract %slice3A_307[0] : i32 from vector<1xi32>
      %dma_start3A_309 = arith.constant 0 : i32
      %dma_start3A_310 = tpu.memref_slice %arg9[%add3A_306, %dma_start3A_309] : memref<256x128xf32, #tpu.memory_space<vmem>> -> memref<1x32xf32, #tpu.memory_space<vmem>>
      %dma_start3A_311 = tpu.memref_squeeze %dma_start3A_310 : memref<1x32xf32, #tpu.memory_space<vmem>> -> memref<32xf32, #tpu.memory_space<vmem>>
      %dma_start3A_312 = arith.constant 0 : i32
      %dma_start3A_313 = tpu.memref_slice %arg4[%squeeze3A_308, %dma_start3A_312] : memref<1000000x32xf32, #tpu.memory_space<hbm>> -> memref<1x32xf32, #tpu.memory_space<hbm>>
      %dma_start3A_314 = tpu.memref_squeeze %dma_start3A_313 : memref<1x32xf32, #tpu.memory_space<hbm>> -> memref<32xf32, #tpu.memory_space<hbm>>
      %dma_start3A_315 = arith.constant 0 : i32
      %dma_start3A_316 = tpu.memref_slice %arg9[%add3A_306, %dma_start3A_315] : memref<256x128xf32, #tpu.memory_space<vmem>> -> memref<1x32xf32, #tpu.memory_space<vmem>>
      %dma_start3A_317 = tpu.memref_squeeze %dma_start3A_316 : memref<1x32xf32, #tpu.memory_space<vmem>> -> memref<32xf32, #tpu.memory_space<vmem>>
      %dma_start3A_318 = arith.constant 0 : i32
      %dma_start3A_319 = tpu.memref_slice %arg4[%squeeze3A_308, %dma_start3A_318] : memref<1000000x32xf32, #tpu.memory_space<hbm>> -> memref<1x32xf32, #tpu.memory_space<hbm>>
      %dma_start3A_320 = tpu.memref_squeeze %dma_start3A_319 : memref<1x32xf32, #tpu.memory_space<hbm>> -> memref<32xf32, #tpu.memory_space<hbm>>
      tpu.enqueue_dma source(%dma_start3A_320 : memref<32xf32, #tpu.memory_space<hbm>>) target(%dma_start3A_317 : memref<32xf32, #tpu.memory_space<vmem>>) target_semaphore(%arg12 : memref<!tpu.dma_semaphore, #tpu.memory_space<semaphore_mem>>)
      %slice3A_321 = vector.extract_strided_slice %get3A_49 {offsets = [8], sizes = [1], strides = [1]} : vector<16xi32> to vector<1xi32>
      %squeeze3A_322 = vector.extract %slice3A_321[0] : i32 from vector<1xi32>
      %dma_start3A_323 = arith.constant 0 : i32
      %dma_start3A_324 = tpu.memref_slice %arg10[%add3A_306, %dma_start3A_323] : memref<256x128xf32, #tpu.memory_space<vmem>> -> memref<1x33xf32, #tpu.memory_space<vmem>>
      %dma_start3A_325 = tpu.memref_squeeze %dma_start3A_324 : memref<1x33xf32, #tpu.memory_space<vmem>> -> memref<33xf32, #tpu.memory_space<vmem>>
      %dma_start3A_326 = arith.constant 0 : i32
      %dma_start3A_327 = tpu.memref_slice %arg5[%squeeze3A_322, %dma_start3A_326] : memref<1000000x33xf32, #tpu.memory_space<hbm>> -> memref<1x33xf32, #tpu.memory_space<hbm>>
      %dma_start3A_328 = tpu.memref_squeeze %dma_start3A_327 : memref<1x33xf32, #tpu.memory_space<hbm>> -> memref<33xf32, #tpu.memory_space<hbm>>
      %dma_start3A_329 = arith.constant 0 : i32
      %dma_start3A_330 = tpu.memref_slice %arg10[%add3A_306, %dma_start3A_329] : memref<256x128xf32, #tpu.memory_space<vmem>> -> memref<1x33xf32, #tpu.memory_space<vmem>>
      %dma_start3A_331 = tpu.memref_squeeze %dma_start3A_330 : memref<1x33xf32, #tpu.memory_space<vmem>> -> memref<33xf32, #tpu.memory_space<vmem>>
      %dma_start3A_332 = arith.constant 0 : i32
      %dma_start3A_333 = tpu.memref_slice %arg5[%squeeze3A_322, %dma_start3A_332] : memref<1000000x33xf32, #tpu.memory_space<hbm>> -> memref<1x33xf32, #tpu.memory_space<hbm>>
      %dma_start3A_334 = tpu.memref_squeeze %dma_start3A_333 : memref<1x33xf32, #tpu.memory_space<hbm>> -> memref<33xf32, #tpu.memory_space<hbm>>
      tpu.enqueue_dma source(%dma_start3A_334 : memref<33xf32, #tpu.memory_space<hbm>>) target(%dma_start3A_331 : memref<33xf32, #tpu.memory_space<vmem>>) target_semaphore(%arg13 : memref<!tpu.dma_semaphore, #tpu.memory_space<semaphore_mem>>)
      %mul3A_335 = arith.constant 16 : i32
      %mul3A_336 = arith.muli %scan3A_38, %mul3A_335 : i32
      %add3A_337 = arith.constant 9 : i32
      %add3A_338 = arith.addi %mul3A_336, %add3A_337 : i32
      %slice3A_339 = vector.extract_strided_slice %get3A_43 {offsets = [9], sizes = [1], strides = [1]} : vector<16xi32> to vector<1xi32>
      %squeeze3A_340 = vector.extract %slice3A_339[0] : i32 from vector<1xi32>
      %dma_start3A_341 = arith.constant 0 : i32
      %dma_start3A_342 = tpu.memref_slice %arg9[%add3A_338, %dma_start3A_341] : memref<256x128xf32, #tpu.memory_space<vmem>> -> memref<1x32xf32, #tpu.memory_space<vmem>>
      %dma_start3A_343 = tpu.memref_squeeze %dma_start3A_342 : memref<1x32xf32, #tpu.memory_space<vmem>> -> memref<32xf32, #tpu.memory_space<vmem>>
      %dma_start3A_344 = arith.constant 0 : i32
      %dma_start3A_345 = tpu.memref_slice %arg4[%squeeze3A_340, %dma_start3A_344] : memref<1000000x32xf32, #tpu.memory_space<hbm>> -> memref<1x32xf32, #tpu.memory_space<hbm>>
      %dma_start3A_346 = tpu.memref_squeeze %dma_start3A_345 : memref<1x32xf32, #tpu.memory_space<hbm>> -> memref<32xf32, #tpu.memory_space<hbm>>
      %dma_start3A_347 = arith.constant 0 : i32
      %dma_start3A_348 = tpu.memref_slice %arg9[%add3A_338, %dma_start3A_347] : memref<256x128xf32, #tpu.memory_space<vmem>> -> memref<1x32xf32, #tpu.memory_space<vmem>>
      %dma_start3A_349 = tpu.memref_squeeze %dma_start3A_348 : memref<1x32xf32, #tpu.memory_space<vmem>> -> memref<32xf32, #tpu.memory_space<vmem>>
      %dma_start3A_350 = arith.constant 0 : i32
      %dma_start3A_351 = tpu.memref_slice %arg4[%squeeze3A_340, %dma_start3A_350] : memref<1000000x32xf32, #tpu.memory_space<hbm>> -> memref<1x32xf32, #tpu.memory_space<hbm>>
      %dma_start3A_352 = tpu.memref_squeeze %dma_start3A_351 : memref<1x32xf32, #tpu.memory_space<hbm>> -> memref<32xf32, #tpu.memory_space<hbm>>
      tpu.enqueue_dma source(%dma_start3A_352 : memref<32xf32, #tpu.memory_space<hbm>>) target(%dma_start3A_349 : memref<32xf32, #tpu.memory_space<vmem>>) target_semaphore(%arg12 : memref<!tpu.dma_semaphore, #tpu.memory_space<semaphore_mem>>)
      %slice3A_353 = vector.extract_strided_slice %get3A_49 {offsets = [9], sizes = [1], strides = [1]} : vector<16xi32> to vector<1xi32>
      %squeeze3A_354 = vector.extract %slice3A_353[0] : i32 from vector<1xi32>
      %dma_start3A_355 = arith.constant 0 : i32
      %dma_start3A_356 = tpu.memref_slice %arg10[%add3A_338, %dma_start3A_355] : memref<256x128xf32, #tpu.memory_space<vmem>> -> memref<1x33xf32, #tpu.memory_space<vmem>>
      %dma_start3A_357 = tpu.memref_squeeze %dma_start3A_356 : memref<1x33xf32, #tpu.memory_space<vmem>> -> memref<33xf32, #tpu.memory_space<vmem>>
      %dma_start3A_358 = arith.constant 0 : i32
      %dma_start3A_359 = tpu.memref_slice %arg5[%squeeze3A_354, %dma_start3A_358] : memref<1000000x33xf32, #tpu.memory_space<hbm>> -> memref<1x33xf32, #tpu.memory_space<hbm>>
      %dma_start3A_360 = tpu.memref_squeeze %dma_start3A_359 : memref<1x33xf32, #tpu.memory_space<hbm>> -> memref<33xf32, #tpu.memory_space<hbm>>
      %dma_start3A_361 = arith.constant 0 : i32
      %dma_start3A_362 = tpu.memref_slice %arg10[%add3A_338, %dma_start3A_361] : memref<256x128xf32, #tpu.memory_space<vmem>> -> memref<1x33xf32, #tpu.memory_space<vmem>>
      %dma_start3A_363 = tpu.memref_squeeze %dma_start3A_362 : memref<1x33xf32, #tpu.memory_space<vmem>> -> memref<33xf32, #tpu.memory_space<vmem>>
      %dma_start3A_364 = arith.constant 0 : i32
      %dma_start3A_365 = tpu.memref_slice %arg5[%squeeze3A_354, %dma_start3A_364] : memref<1000000x33xf32, #tpu.memory_space<hbm>> -> memref<1x33xf32, #tpu.memory_space<hbm>>
      %dma_start3A_366 = tpu.memref_squeeze %dma_start3A_365 : memref<1x33xf32, #tpu.memory_space<hbm>> -> memref<33xf32, #tpu.memory_space<hbm>>
      tpu.enqueue_dma source(%dma_start3A_366 : memref<33xf32, #tpu.memory_space<hbm>>) target(%dma_start3A_363 : memref<33xf32, #tpu.memory_space<vmem>>) target_semaphore(%arg13 : memref<!tpu.dma_semaphore, #tpu.memory_space<semaphore_mem>>)
      %mul3A_367 = arith.constant 16 : i32
      %mul3A_368 = arith.muli %scan3A_38, %mul3A_367 : i32
      %add3A_369 = arith.constant 10 : i32
      %add3A_370 = arith.addi %mul3A_368, %add3A_369 : i32
      %slice3A_371 = vector.extract_strided_slice %get3A_43 {offsets = [10], sizes = [1], strides = [1]} : vector<16xi32> to vector<1xi32>
      %squeeze3A_372 = vector.extract %slice3A_371[0] : i32 from vector<1xi32>
      %dma_start3A_373 = arith.constant 0 : i32
      %dma_start3A_374 = tpu.memref_slice %arg9[%add3A_370, %dma_start3A_373] : memref<256x128xf32, #tpu.memory_space<vmem>> -> memref<1x32xf32, #tpu.memory_space<vmem>>
      %dma_start3A_375 = tpu.memref_squeeze %dma_start3A_374 : memref<1x32xf32, #tpu.memory_space<vmem>> -> memref<32xf32, #tpu.memory_space<vmem>>
      %dma_start3A_376 = arith.constant 0 : i32
      %dma_start3A_377 = tpu.memref_slice %arg4[%squeeze3A_372, %dma_start3A_376] : memref<1000000x32xf32, #tpu.memory_space<hbm>> -> memref<1x32xf32, #tpu.memory_space<hbm>>
      %dma_start3A_378 = tpu.memref_squeeze %dma_start3A_377 : memref<1x32xf32, #tpu.memory_space<hbm>> -> memref<32xf32, #tpu.memory_space<hbm>>
      %dma_start3A_379 = arith.constant 0 : i32
      %dma_start3A_380 = tpu.memref_slice %arg9[%add3A_370, %dma_start3A_379] : memref<256x128xf32, #tpu.memory_space<vmem>> -> memref<1x32xf32, #tpu.memory_space<vmem>>
      %dma_start3A_381 = tpu.memref_squeeze %dma_start3A_380 : memref<1x32xf32, #tpu.memory_space<vmem>> -> memref<32xf32, #tpu.memory_space<vmem>>
      %dma_start3A_382 = arith.constant 0 : i32
      %dma_start3A_383 = tpu.memref_slice %arg4[%squeeze3A_372, %dma_start3A_382] : memref<1000000x32xf32, #tpu.memory_space<hbm>> -> memref<1x32xf32, #tpu.memory_space<hbm>>
      %dma_start3A_384 = tpu.memref_squeeze %dma_start3A_383 : memref<1x32xf32, #tpu.memory_space<hbm>> -> memref<32xf32, #tpu.memory_space<hbm>>
      tpu.enqueue_dma source(%dma_start3A_384 : memref<32xf32, #tpu.memory_space<hbm>>) target(%dma_start3A_381 : memref<32xf32, #tpu.memory_space<vmem>>) target_semaphore(%arg12 : memref<!tpu.dma_semaphore, #tpu.memory_space<semaphore_mem>>)
      %slice3A_385 = vector.extract_strided_slice %get3A_49 {offsets = [10], sizes = [1], strides = [1]} : vector<16xi32> to vector<1xi32>
      %squeeze3A_386 = vector.extract %slice3A_385[0] : i32 from vector<1xi32>
      %dma_start3A_387 = arith.constant 0 : i32
      %dma_start3A_388 = tpu.memref_slice %arg10[%add3A_370, %dma_start3A_387] : memref<256x128xf32, #tpu.memory_space<vmem>> -> memref<1x33xf32, #tpu.memory_space<vmem>>
      %dma_start3A_389 = tpu.memref_squeeze %dma_start3A_388 : memref<1x33xf32, #tpu.memory_space<vmem>> -> memref<33xf32, #tpu.memory_space<vmem>>
      %dma_start3A_390 = arith.constant 0 : i32
      %dma_start3A_391 = tpu.memref_slice %arg5[%squeeze3A_386, %dma_start3A_390] : memref<1000000x33xf32, #tpu.memory_space<hbm>> -> memref<1x33xf32, #tpu.memory_space<hbm>>
      %dma_start3A_392 = tpu.memref_squeeze %dma_start3A_391 : memref<1x33xf32, #tpu.memory_space<hbm>> -> memref<33xf32, #tpu.memory_space<hbm>>
      %dma_start3A_393 = arith.constant 0 : i32
      %dma_start3A_394 = tpu.memref_slice %arg10[%add3A_370, %dma_start3A_393] : memref<256x128xf32, #tpu.memory_space<vmem>> -> memref<1x33xf32, #tpu.memory_space<vmem>>
      %dma_start3A_395 = tpu.memref_squeeze %dma_start3A_394 : memref<1x33xf32, #tpu.memory_space<vmem>> -> memref<33xf32, #tpu.memory_space<vmem>>
      %dma_start3A_396 = arith.constant 0 : i32
      %dma_start3A_397 = tpu.memref_slice %arg5[%squeeze3A_386, %dma_start3A_396] : memref<1000000x33xf32, #tpu.memory_space<hbm>> -> memref<1x33xf32, #tpu.memory_space<hbm>>
      %dma_start3A_398 = tpu.memref_squeeze %dma_start3A_397 : memref<1x33xf32, #tpu.memory_space<hbm>> -> memref<33xf32, #tpu.memory_space<hbm>>
      tpu.enqueue_dma source(%dma_start3A_398 : memref<33xf32, #tpu.memory_space<hbm>>) target(%dma_start3A_395 : memref<33xf32, #tpu.memory_space<vmem>>) target_semaphore(%arg13 : memref<!tpu.dma_semaphore, #tpu.memory_space<semaphore_mem>>)
      %mul3A_399 = arith.constant 16 : i32
      %mul3A_400 = arith.muli %scan3A_38, %mul3A_399 : i32
      %add3A_401 = arith.constant 11 : i32
      %add3A_402 = arith.addi %mul3A_400, %add3A_401 : i32
      %slice3A_403 = vector.extract_strided_slice %get3A_43 {offsets = [11], sizes = [1], strides = [1]} : vector<16xi32> to vector<1xi32>
      %squeeze3A_404 = vector.extract %slice3A_403[0] : i32 from vector<1xi32>
      %dma_start3A_405 = arith.constant 0 : i32
      %dma_start3A_406 = tpu.memref_slice %arg9[%add3A_402, %dma_start3A_405] : memref<256x128xf32, #tpu.memory_space<vmem>> -> memref<1x32xf32, #tpu.memory_space<vmem>>
      %dma_start3A_407 = tpu.memref_squeeze %dma_start3A_406 : memref<1x32xf32, #tpu.memory_space<vmem>> -> memref<32xf32, #tpu.memory_space<vmem>>
      %dma_start3A_408 = arith.constant 0 : i32
      %dma_start3A_409 = tpu.memref_slice %arg4[%squeeze3A_404, %dma_start3A_408] : memref<1000000x32xf32, #tpu.memory_space<hbm>> -> memref<1x32xf32, #tpu.memory_space<hbm>>
      %dma_start3A_410 = tpu.memref_squeeze %dma_start3A_409 : memref<1x32xf32, #tpu.memory_space<hbm>> -> memref<32xf32, #tpu.memory_space<hbm>>
      %dma_start3A_411 = arith.constant 0 : i32
      %dma_start3A_412 = tpu.memref_slice %arg9[%add3A_402, %dma_start3A_411] : memref<256x128xf32, #tpu.memory_space<vmem>> -> memref<1x32xf32, #tpu.memory_space<vmem>>
      %dma_start3A_413 = tpu.memref_squeeze %dma_start3A_412 : memref<1x32xf32, #tpu.memory_space<vmem>> -> memref<32xf32, #tpu.memory_space<vmem>>
      %dma_start3A_414 = arith.constant 0 : i32
      %dma_start3A_415 = tpu.memref_slice %arg4[%squeeze3A_404, %dma_start3A_414] : memref<1000000x32xf32, #tpu.memory_space<hbm>> -> memref<1x32xf32, #tpu.memory_space<hbm>>
      %dma_start3A_416 = tpu.memref_squeeze %dma_start3A_415 : memref<1x32xf32, #tpu.memory_space<hbm>> -> memref<32xf32, #tpu.memory_space<hbm>>
      tpu.enqueue_dma source(%dma_start3A_416 : memref<32xf32, #tpu.memory_space<hbm>>) target(%dma_start3A_413 : memref<32xf32, #tpu.memory_space<vmem>>) target_semaphore(%arg12 : memref<!tpu.dma_semaphore, #tpu.memory_space<semaphore_mem>>)
      %slice3A_417 = vector.extract_strided_slice %get3A_49 {offsets = [11], sizes = [1], strides = [1]} : vector<16xi32> to vector<1xi32>
      %squeeze3A_418 = vector.extract %slice3A_417[0] : i32 from vector<1xi32>
      %dma_start3A_419 = arith.constant 0 : i32
      %dma_start3A_420 = tpu.memref_slice %arg10[%add3A_402, %dma_start3A_419] : memref<256x128xf32, #tpu.memory_space<vmem>> -> memref<1x33xf32, #tpu.memory_space<vmem>>
      %dma_start3A_421 = tpu.memref_squeeze %dma_start3A_420 : memref<1x33xf32, #tpu.memory_space<vmem>> -> memref<33xf32, #tpu.memory_space<vmem>>
      %dma_start3A_422 = arith.constant 0 : i32
      %dma_start3A_423 = tpu.memref_slice %arg5[%squeeze3A_418, %dma_start3A_422] : memref<1000000x33xf32, #tpu.memory_space<hbm>> -> memref<1x33xf32, #tpu.memory_space<hbm>>
      %dma_start3A_424 = tpu.memref_squeeze %dma_start3A_423 : memref<1x33xf32, #tpu.memory_space<hbm>> -> memref<33xf32, #tpu.memory_space<hbm>>
      %dma_start3A_425 = arith.constant 0 : i32
      %dma_start3A_426 = tpu.memref_slice %arg10[%add3A_402, %dma_start3A_425] : memref<256x128xf32, #tpu.memory_space<vmem>> -> memref<1x33xf32, #tpu.memory_space<vmem>>
      %dma_start3A_427 = tpu.memref_squeeze %dma_start3A_426 : memref<1x33xf32, #tpu.memory_space<vmem>> -> memref<33xf32, #tpu.memory_space<vmem>>
      %dma_start3A_428 = arith.constant 0 : i32
      %dma_start3A_429 = tpu.memref_slice %arg5[%squeeze3A_418, %dma_start3A_428] : memref<1000000x33xf32, #tpu.memory_space<hbm>> -> memref<1x33xf32, #tpu.memory_space<hbm>>
      %dma_start3A_430 = tpu.memref_squeeze %dma_start3A_429 : memref<1x33xf32, #tpu.memory_space<hbm>> -> memref<33xf32, #tpu.memory_space<hbm>>
      tpu.enqueue_dma source(%dma_start3A_430 : memref<33xf32, #tpu.memory_space<hbm>>) target(%dma_start3A_427 : memref<33xf32, #tpu.memory_space<vmem>>) target_semaphore(%arg13 : memref<!tpu.dma_semaphore, #tpu.memory_space<semaphore_mem>>)
      %mul3A_431 = arith.constant 16 : i32
      %mul3A_432 = arith.muli %scan3A_38, %mul3A_431 : i32
      %add3A_433 = arith.constant 12 : i32
      %add3A_434 = arith.addi %mul3A_432, %add3A_433 : i32
      %slice3A_435 = vector.extract_strided_slice %get3A_43 {offsets = [12], sizes = [1], strides = [1]} : vector<16xi32> to vector<1xi32>
      %squeeze3A_436 = vector.extract %slice3A_435[0] : i32 from vector<1xi32>
      %dma_start3A_437 = arith.constant 0 : i32
      %dma_start3A_438 = tpu.memref_slice %arg9[%add3A_434, %dma_start3A_437] : memref<256x128xf32, #tpu.memory_space<vmem>> -> memref<1x32xf32, #tpu.memory_space<vmem>>
      %dma_start3A_439 = tpu.memref_squeeze %dma_start3A_438 : memref<1x32xf32, #tpu.memory_space<vmem>> -> memref<32xf32, #tpu.memory_space<vmem>>
      %dma_start3A_440 = arith.constant 0 : i32
      %dma_start3A_441 = tpu.memref_slice %arg4[%squeeze3A_436, %dma_start3A_440] : memref<1000000x32xf32, #tpu.memory_space<hbm>> -> memref<1x32xf32, #tpu.memory_space<hbm>>
      %dma_start3A_442 = tpu.memref_squeeze %dma_start3A_441 : memref<1x32xf32, #tpu.memory_space<hbm>> -> memref<32xf32, #tpu.memory_space<hbm>>
      %dma_start3A_443 = arith.constant 0 : i32
      %dma_start3A_444 = tpu.memref_slice %arg9[%add3A_434, %dma_start3A_443] : memref<256x128xf32, #tpu.memory_space<vmem>> -> memref<1x32xf32, #tpu.memory_space<vmem>>
      %dma_start3A_445 = tpu.memref_squeeze %dma_start3A_444 : memref<1x32xf32, #tpu.memory_space<vmem>> -> memref<32xf32, #tpu.memory_space<vmem>>
      %dma_start3A_446 = arith.constant 0 : i32
      %dma_start3A_447 = tpu.memref_slice %arg4[%squeeze3A_436, %dma_start3A_446] : memref<1000000x32xf32, #tpu.memory_space<hbm>> -> memref<1x32xf32, #tpu.memory_space<hbm>>
      %dma_start3A_448 = tpu.memref_squeeze %dma_start3A_447 : memref<1x32xf32, #tpu.memory_space<hbm>> -> memref<32xf32, #tpu.memory_space<hbm>>
      tpu.enqueue_dma source(%dma_start3A_448 : memref<32xf32, #tpu.memory_space<hbm>>) target(%dma_start3A_445 : memref<32xf32, #tpu.memory_space<vmem>>) target_semaphore(%arg12 : memref<!tpu.dma_semaphore, #tpu.memory_space<semaphore_mem>>)
      %slice3A_449 = vector.extract_strided_slice %get3A_49 {offsets = [12], sizes = [1], strides = [1]} : vector<16xi32> to vector<1xi32>
      %squeeze3A_450 = vector.extract %slice3A_449[0] : i32 from vector<1xi32>
      %dma_start3A_451 = arith.constant 0 : i32
      %dma_start3A_452 = tpu.memref_slice %arg10[%add3A_434, %dma_start3A_451] : memref<256x128xf32, #tpu.memory_space<vmem>> -> memref<1x33xf32, #tpu.memory_space<vmem>>
      %dma_start3A_453 = tpu.memref_squeeze %dma_start3A_452 : memref<1x33xf32, #tpu.memory_space<vmem>> -> memref<33xf32, #tpu.memory_space<vmem>>
      %dma_start3A_454 = arith.constant 0 : i32
      %dma_start3A_455 = tpu.memref_slice %arg5[%squeeze3A_450, %dma_start3A_454] : memref<1000000x33xf32, #tpu.memory_space<hbm>> -> memref<1x33xf32, #tpu.memory_space<hbm>>
      %dma_start3A_456 = tpu.memref_squeeze %dma_start3A_455 : memref<1x33xf32, #tpu.memory_space<hbm>> -> memref<33xf32, #tpu.memory_space<hbm>>
      %dma_start3A_457 = arith.constant 0 : i32
      %dma_start3A_458 = tpu.memref_slice %arg10[%add3A_434, %dma_start3A_457] : memref<256x128xf32, #tpu.memory_space<vmem>> -> memref<1x33xf32, #tpu.memory_space<vmem>>
      %dma_start3A_459 = tpu.memref_squeeze %dma_start3A_458 : memref<1x33xf32, #tpu.memory_space<vmem>> -> memref<33xf32, #tpu.memory_space<vmem>>
      %dma_start3A_460 = arith.constant 0 : i32
      %dma_start3A_461 = tpu.memref_slice %arg5[%squeeze3A_450, %dma_start3A_460] : memref<1000000x33xf32, #tpu.memory_space<hbm>> -> memref<1x33xf32, #tpu.memory_space<hbm>>
      %dma_start3A_462 = tpu.memref_squeeze %dma_start3A_461 : memref<1x33xf32, #tpu.memory_space<hbm>> -> memref<33xf32, #tpu.memory_space<hbm>>
      tpu.enqueue_dma source(%dma_start3A_462 : memref<33xf32, #tpu.memory_space<hbm>>) target(%dma_start3A_459 : memref<33xf32, #tpu.memory_space<vmem>>) target_semaphore(%arg13 : memref<!tpu.dma_semaphore, #tpu.memory_space<semaphore_mem>>)
      %mul3A_463 = arith.constant 16 : i32
      %mul3A_464 = arith.muli %scan3A_38, %mul3A_463 : i32
      %add3A_465 = arith.constant 13 : i32
      %add3A_466 = arith.addi %mul3A_464, %add3A_465 : i32
      %slice3A_467 = vector.extract_strided_slice %get3A_43 {offsets = [13], sizes = [1], strides = [1]} : vector<16xi32> to vector<1xi32>
      %squeeze3A_468 = vector.extract %slice3A_467[0] : i32 from vector<1xi32>
      %dma_start3A_469 = arith.constant 0 : i32
      %dma_start3A_470 = tpu.memref_slice %arg9[%add3A_466, %dma_start3A_469] : memref<256x128xf32, #tpu.memory_space<vmem>> -> memref<1x32xf32, #tpu.memory_space<vmem>>
      %dma_start3A_471 = tpu.memref_squeeze %dma_start3A_470 : memref<1x32xf32, #tpu.memory_space<vmem>> -> memref<32xf32, #tpu.memory_space<vmem>>
      %dma_start3A_472 = arith.constant 0 : i32
      %dma_start3A_473 = tpu.memref_slice %arg4[%squeeze3A_468, %dma_start3A_472] : memref<1000000x32xf32, #tpu.memory_space<hbm>> -> memref<1x32xf32, #tpu.memory_space<hbm>>
      %dma_start3A_474 = tpu.memref_squeeze %dma_start3A_473 : memref<1x32xf32, #tpu.memory_space<hbm>> -> memref<32xf32, #tpu.memory_space<hbm>>
      %dma_start3A_475 = arith.constant 0 : i32
      %dma_start3A_476 = tpu.memref_slice %arg9[%add3A_466, %dma_start3A_475] : memref<256x128xf32, #tpu.memory_space<vmem>> -> memref<1x32xf32, #tpu.memory_space<vmem>>
      %dma_start3A_477 = tpu.memref_squeeze %dma_start3A_476 : memref<1x32xf32, #tpu.memory_space<vmem>> -> memref<32xf32, #tpu.memory_space<vmem>>
      %dma_start3A_478 = arith.constant 0 : i32
      %dma_start3A_479 = tpu.memref_slice %arg4[%squeeze3A_468, %dma_start3A_478] : memref<1000000x32xf32, #tpu.memory_space<hbm>> -> memref<1x32xf32, #tpu.memory_space<hbm>>
      %dma_start3A_480 = tpu.memref_squeeze %dma_start3A_479 : memref<1x32xf32, #tpu.memory_space<hbm>> -> memref<32xf32, #tpu.memory_space<hbm>>
      tpu.enqueue_dma source(%dma_start3A_480 : memref<32xf32, #tpu.memory_space<hbm>>) target(%dma_start3A_477 : memref<32xf32, #tpu.memory_space<vmem>>) target_semaphore(%arg12 : memref<!tpu.dma_semaphore, #tpu.memory_space<semaphore_mem>>)
      %slice3A_481 = vector.extract_strided_slice %get3A_49 {offsets = [13], sizes = [1], strides = [1]} : vector<16xi32> to vector<1xi32>
      %squeeze3A_482 = vector.extract %slice3A_481[0] : i32 from vector<1xi32>
      %dma_start3A_483 = arith.constant 0 : i32
      %dma_start3A_484 = tpu.memref_slice %arg10[%add3A_466, %dma_start3A_483] : memref<256x128xf32, #tpu.memory_space<vmem>> -> memref<1x33xf32, #tpu.memory_space<vmem>>
      %dma_start3A_485 = tpu.memref_squeeze %dma_start3A_484 : memref<1x33xf32, #tpu.memory_space<vmem>> -> memref<33xf32, #tpu.memory_space<vmem>>
      %dma_start3A_486 = arith.constant 0 : i32
      %dma_start3A_487 = tpu.memref_slice %arg5[%squeeze3A_482, %dma_start3A_486] : memref<1000000x33xf32, #tpu.memory_space<hbm>> -> memref<1x33xf32, #tpu.memory_space<hbm>>
      %dma_start3A_488 = tpu.memref_squeeze %dma_start3A_487 : memref<1x33xf32, #tpu.memory_space<hbm>> -> memref<33xf32, #tpu.memory_space<hbm>>
      %dma_start3A_489 = arith.constant 0 : i32
      %dma_start3A_490 = tpu.memref_slice %arg10[%add3A_466, %dma_start3A_489] : memref<256x128xf32, #tpu.memory_space<vmem>> -> memref<1x33xf32, #tpu.memory_space<vmem>>
      %dma_start3A_491 = tpu.memref_squeeze %dma_start3A_490 : memref<1x33xf32, #tpu.memory_space<vmem>> -> memref<33xf32, #tpu.memory_space<vmem>>
      %dma_start3A_492 = arith.constant 0 : i32
      %dma_start3A_493 = tpu.memref_slice %arg5[%squeeze3A_482, %dma_start3A_492] : memref<1000000x33xf32, #tpu.memory_space<hbm>> -> memref<1x33xf32, #tpu.memory_space<hbm>>
      %dma_start3A_494 = tpu.memref_squeeze %dma_start3A_493 : memref<1x33xf32, #tpu.memory_space<hbm>> -> memref<33xf32, #tpu.memory_space<hbm>>
      tpu.enqueue_dma source(%dma_start3A_494 : memref<33xf32, #tpu.memory_space<hbm>>) target(%dma_start3A_491 : memref<33xf32, #tpu.memory_space<vmem>>) target_semaphore(%arg13 : memref<!tpu.dma_semaphore, #tpu.memory_space<semaphore_mem>>)
      %mul3A_495 = arith.constant 16 : i32
      %mul3A_496 = arith.muli %scan3A_38, %mul3A_495 : i32
      %add3A_497 = arith.constant 14 : i32
      %add3A_498 = arith.addi %mul3A_496, %add3A_497 : i32
      %slice3A_499 = vector.extract_strided_slice %get3A_43 {offsets = [14], sizes = [1], strides = [1]} : vector<16xi32> to vector<1xi32>
      %squeeze3A_500 = vector.extract %slice3A_499[0] : i32 from vector<1xi32>
      %dma_start3A_501 = arith.constant 0 : i32
      %dma_start3A_502 = tpu.memref_slice %arg9[%add3A_498, %dma_start3A_501] : memref<256x128xf32, #tpu.memory_space<vmem>> -> memref<1x32xf32, #tpu.memory_space<vmem>>
      %dma_start3A_503 = tpu.memref_squeeze %dma_start3A_502 : memref<1x32xf32, #tpu.memory_space<vmem>> -> memref<32xf32, #tpu.memory_space<vmem>>
      %dma_start3A_504 = arith.constant 0 : i32
      %dma_start3A_505 = tpu.memref_slice %arg4[%squeeze3A_500, %dma_start3A_504] : memref<1000000x32xf32, #tpu.memory_space<hbm>> -> memref<1x32xf32, #tpu.memory_space<hbm>>
      %dma_start3A_506 = tpu.memref_squeeze %dma_start3A_505 : memref<1x32xf32, #tpu.memory_space<hbm>> -> memref<32xf32, #tpu.memory_space<hbm>>
      %dma_start3A_507 = arith.constant 0 : i32
      %dma_start3A_508 = tpu.memref_slice %arg9[%add3A_498, %dma_start3A_507] : memref<256x128xf32, #tpu.memory_space<vmem>> -> memref<1x32xf32, #tpu.memory_space<vmem>>
      %dma_start3A_509 = tpu.memref_squeeze %dma_start3A_508 : memref<1x32xf32, #tpu.memory_space<vmem>> -> memref<32xf32, #tpu.memory_space<vmem>>
      %dma_start3A_510 = arith.constant 0 : i32
      %dma_start3A_511 = tpu.memref_slice %arg4[%squeeze3A_500, %dma_start3A_510] : memref<1000000x32xf32, #tpu.memory_space<hbm>> -> memref<1x32xf32, #tpu.memory_space<hbm>>
      %dma_start3A_512 = tpu.memref_squeeze %dma_start3A_511 : memref<1x32xf32, #tpu.memory_space<hbm>> -> memref<32xf32, #tpu.memory_space<hbm>>
      tpu.enqueue_dma source(%dma_start3A_512 : memref<32xf32, #tpu.memory_space<hbm>>) target(%dma_start3A_509 : memref<32xf32, #tpu.memory_space<vmem>>) target_semaphore(%arg12 : memref<!tpu.dma_semaphore, #tpu.memory_space<semaphore_mem>>)
      %slice3A_513 = vector.extract_strided_slice %get3A_49 {offsets = [14], sizes = [1], strides = [1]} : vector<16xi32> to vector<1xi32>
      %squeeze3A_514 = vector.extract %slice3A_513[0] : i32 from vector<1xi32>
      %dma_start3A_515 = arith.constant 0 : i32
      %dma_start3A_516 = tpu.memref_slice %arg10[%add3A_498, %dma_start3A_515] : memref<256x128xf32, #tpu.memory_space<vmem>> -> memref<1x33xf32, #tpu.memory_space<vmem>>
      %dma_start3A_517 = tpu.memref_squeeze %dma_start3A_516 : memref<1x33xf32, #tpu.memory_space<vmem>> -> memref<33xf32, #tpu.memory_space<vmem>>
      %dma_start3A_518 = arith.constant 0 : i32
      %dma_start3A_519 = tpu.memref_slice %arg5[%squeeze3A_514, %dma_start3A_518] : memref<1000000x33xf32, #tpu.memory_space<hbm>> -> memref<1x33xf32, #tpu.memory_space<hbm>>
      %dma_start3A_520 = tpu.memref_squeeze %dma_start3A_519 : memref<1x33xf32, #tpu.memory_space<hbm>> -> memref<33xf32, #tpu.memory_space<hbm>>
      %dma_start3A_521 = arith.constant 0 : i32
      %dma_start3A_522 = tpu.memref_slice %arg10[%add3A_498, %dma_start3A_521] : memref<256x128xf32, #tpu.memory_space<vmem>> -> memref<1x33xf32, #tpu.memory_space<vmem>>
      %dma_start3A_523 = tpu.memref_squeeze %dma_start3A_522 : memref<1x33xf32, #tpu.memory_space<vmem>> -> memref<33xf32, #tpu.memory_space<vmem>>
      %dma_start3A_524 = arith.constant 0 : i32
      %dma_start3A_525 = tpu.memref_slice %arg5[%squeeze3A_514, %dma_start3A_524] : memref<1000000x33xf32, #tpu.memory_space<hbm>> -> memref<1x33xf32, #tpu.memory_space<hbm>>
      %dma_start3A_526 = tpu.memref_squeeze %dma_start3A_525 : memref<1x33xf32, #tpu.memory_space<hbm>> -> memref<33xf32, #tpu.memory_space<hbm>>
      tpu.enqueue_dma source(%dma_start3A_526 : memref<33xf32, #tpu.memory_space<hbm>>) target(%dma_start3A_523 : memref<33xf32, #tpu.memory_space<vmem>>) target_semaphore(%arg13 : memref<!tpu.dma_semaphore, #tpu.memory_space<semaphore_mem>>)
      %mul3A_527 = arith.constant 16 : i32
      %mul3A_528 = arith.muli %scan3A_38, %mul3A_527 : i32
      %add3A_529 = arith.constant 15 : i32
      %add3A_530 = arith.addi %mul3A_528, %add3A_529 : i32
      %slice3A_531 = vector.extract_strided_slice %get3A_43 {offsets = [15], sizes = [1], strides = [1]} : vector<16xi32> to vector<1xi32>
      %squeeze3A_532 = vector.extract %slice3A_531[0] : i32 from vector<1xi32>
      %dma_start3A_533 = arith.constant 0 : i32
      %dma_start3A_534 = tpu.memref_slice %arg9[%add3A_530, %dma_start3A_533] : memref<256x128xf32, #tpu.memory_space<vmem>> -> memref<1x32xf32, #tpu.memory_space<vmem>>
      %dma_start3A_535 = tpu.memref_squeeze %dma_start3A_534 : memref<1x32xf32, #tpu.memory_space<vmem>> -> memref<32xf32, #tpu.memory_space<vmem>>
      %dma_start3A_536 = arith.constant 0 : i32
      %dma_start3A_537 = tpu.memref_slice %arg4[%squeeze3A_532, %dma_start3A_536] : memref<1000000x32xf32, #tpu.memory_space<hbm>> -> memref<1x32xf32, #tpu.memory_space<hbm>>
      %dma_start3A_538 = tpu.memref_squeeze %dma_start3A_537 : memref<1x32xf32, #tpu.memory_space<hbm>> -> memref<32xf32, #tpu.memory_space<hbm>>
      %dma_start3A_539 = arith.constant 0 : i32
      %dma_start3A_540 = tpu.memref_slice %arg9[%add3A_530, %dma_start3A_539] : memref<256x128xf32, #tpu.memory_space<vmem>> -> memref<1x32xf32, #tpu.memory_space<vmem>>
      %dma_start3A_541 = tpu.memref_squeeze %dma_start3A_540 : memref<1x32xf32, #tpu.memory_space<vmem>> -> memref<32xf32, #tpu.memory_space<vmem>>
      %dma_start3A_542 = arith.constant 0 : i32
      %dma_start3A_543 = tpu.memref_slice %arg4[%squeeze3A_532, %dma_start3A_542] : memref<1000000x32xf32, #tpu.memory_space<hbm>> -> memref<1x32xf32, #tpu.memory_space<hbm>>
      %dma_start3A_544 = tpu.memref_squeeze %dma_start3A_543 : memref<1x32xf32, #tpu.memory_space<hbm>> -> memref<32xf32, #tpu.memory_space<hbm>>
      tpu.enqueue_dma source(%dma_start3A_544 : memref<32xf32, #tpu.memory_space<hbm>>) target(%dma_start3A_541 : memref<32xf32, #tpu.memory_space<vmem>>) target_semaphore(%arg12 : memref<!tpu.dma_semaphore, #tpu.memory_space<semaphore_mem>>)
      %slice3A_545 = vector.extract_strided_slice %get3A_49 {offsets = [15], sizes = [1], strides = [1]} : vector<16xi32> to vector<1xi32>
      %squeeze3A_546 = vector.extract %slice3A_545[0] : i32 from vector<1xi32>
      %dma_start3A_547 = arith.constant 0 : i32
      %dma_start3A_548 = tpu.memref_slice %arg10[%add3A_530, %dma_start3A_547] : memref<256x128xf32, #tpu.memory_space<vmem>> -> memref<1x33xf32, #tpu.memory_space<vmem>>
      %dma_start3A_549 = tpu.memref_squeeze %dma_start3A_548 : memref<1x33xf32, #tpu.memory_space<vmem>> -> memref<33xf32, #tpu.memory_space<vmem>>
      %dma_start3A_550 = arith.constant 0 : i32
      %dma_start3A_551 = tpu.memref_slice %arg5[%squeeze3A_546, %dma_start3A_550] : memref<1000000x33xf32, #tpu.memory_space<hbm>> -> memref<1x33xf32, #tpu.memory_space<hbm>>
      %dma_start3A_552 = tpu.memref_squeeze %dma_start3A_551 : memref<1x33xf32, #tpu.memory_space<hbm>> -> memref<33xf32, #tpu.memory_space<hbm>>
      %dma_start3A_553 = arith.constant 0 : i32
      %dma_start3A_554 = tpu.memref_slice %arg10[%add3A_530, %dma_start3A_553] : memref<256x128xf32, #tpu.memory_space<vmem>> -> memref<1x33xf32, #tpu.memory_space<vmem>>
      %dma_start3A_555 = tpu.memref_squeeze %dma_start3A_554 : memref<1x33xf32, #tpu.memory_space<vmem>> -> memref<33xf32, #tpu.memory_space<vmem>>
      %dma_start3A_556 = arith.constant 0 : i32
      %dma_start3A_557 = tpu.memref_slice %arg5[%squeeze3A_546, %dma_start3A_556] : memref<1000000x33xf32, #tpu.memory_space<hbm>> -> memref<1x33xf32, #tpu.memory_space<hbm>>
      %dma_start3A_558 = tpu.memref_squeeze %dma_start3A_557 : memref<1x33xf32, #tpu.memory_space<hbm>> -> memref<33xf32, #tpu.memory_space<hbm>>
      tpu.enqueue_dma source(%dma_start3A_558 : memref<33xf32, #tpu.memory_space<hbm>>) target(%dma_start3A_555 : memref<33xf32, #tpu.memory_space<vmem>>) target_semaphore(%arg13 : memref<!tpu.dma_semaphore, #tpu.memory_space<semaphore_mem>>)
    }
    %scan3A_7 = arith.constant 16 : i32
    %scan3A_8 = arith.constant 0 : i32
    %scan3A_9 = arith.constant 0 : i32
    %scan3A_10 = arith.constant 256 : i32
    %scan3A_11 = arith.addi %scan3A_9, %scan3A_10 : i32
    %scan3A_12 = arith.constant 1 : i32
    scf.for %scan3A_38 = %scan3A_9 to %scan3A_11 step %scan3A_12  : i32 {
      %dma_wait3A = arith.constant 0 : i32
      %dma_wait3A_39 = arith.constant 0 : i32
      %dma_wait3A_40 = arith.constant 0 : i32
      %dma_wait3A_41 = tpu.memref_slice %arg9[%dma_wait3A_39, %dma_wait3A_40] : memref<256x128xf32, #tpu.memory_space<vmem>> -> memref<1x32xf32, #tpu.memory_space<vmem>>
      %dma_wait3A_42 = tpu.memref_squeeze %dma_wait3A_41 : memref<1x32xf32, #tpu.memory_space<vmem>> -> memref<32xf32, #tpu.memory_space<vmem>>
      %dma_wait3A_43 = arith.constant 0 : i32
      %dma_wait3A_44 = tpu.memref_slice %arg4[%dma_wait3A, %dma_wait3A_43] : memref<1000000x32xf32, #tpu.memory_space<hbm>> -> memref<1x32xf32, #tpu.memory_space<hbm>>
      %dma_wait3A_45 = tpu.memref_squeeze %dma_wait3A_44 : memref<1x32xf32, #tpu.memory_space<hbm>> -> memref<32xf32, #tpu.memory_space<hbm>>
      %dma_wait3A_46 = arith.constant 0 : i32
      %dma_wait3A_47 = tpu.memref_slice %arg9[%dma_wait3A_39, %dma_wait3A_46] : memref<256x128xf32, #tpu.memory_space<vmem>> -> memref<1x32xf32, #tpu.memory_space<vmem>>
      %dma_wait3A_48 = tpu.memref_squeeze %dma_wait3A_47 : memref<1x32xf32, #tpu.memory_space<vmem>> -> memref<32xf32, #tpu.memory_space<vmem>>
      %dma_wait3A_49 = arith.constant 0 : i32
      %dma_wait3A_50 = tpu.memref_slice %arg4[%dma_wait3A, %dma_wait3A_49] : memref<1000000x32xf32, #tpu.memory_space<hbm>> -> memref<1x32xf32, #tpu.memory_space<hbm>>
      %dma_wait3A_51 = tpu.memref_squeeze %dma_wait3A_50 : memref<1x32xf32, #tpu.memory_space<hbm>> -> memref<32xf32, #tpu.memory_space<hbm>>
      tpu.wait_dma2 semaphore(%arg12 : memref<!tpu.dma_semaphore, #tpu.memory_space<semaphore_mem>>) src(%dma_wait3A_51 : memref<32xf32, #tpu.memory_space<hbm>>) dst(%dma_wait3A_48 : memref<32xf32, #tpu.memory_space<vmem>>)
      %dma_wait3A_52 = arith.constant 0 : i32
      %dma_wait3A_53 = arith.constant 0 : i32
      %dma_wait3A_54 = arith.constant 0 : i32
      %dma_wait3A_55 = tpu.memref_slice %arg10[%dma_wait3A_53, %dma_wait3A_54] : memref<256x128xf32, #tpu.memory_space<vmem>> -> memref<1x33xf32, #tpu.memory_space<vmem>>
      %dma_wait3A_56 = tpu.memref_squeeze %dma_wait3A_55 : memref<1x33xf32, #tpu.memory_space<vmem>> -> memref<33xf32, #tpu.memory_space<vmem>>
      %dma_wait3A_57 = arith.constant 0 : i32
      %dma_wait3A_58 = tpu.memref_slice %arg5[%dma_wait3A_52, %dma_wait3A_57] : memref<1000000x33xf32, #tpu.memory_space<hbm>> -> memref<1x33xf32, #tpu.memory_space<hbm>>
      %dma_wait3A_59 = tpu.memref_squeeze %dma_wait3A_58 : memref<1x33xf32, #tpu.memory_space<hbm>> -> memref<33xf32, #tpu.memory_space<hbm>>
      %dma_wait3A_60 = arith.constant 0 : i32
      %dma_wait3A_61 = tpu.memref_slice %arg10[%dma_wait3A_53, %dma_wait3A_60] : memref<256x128xf32, #tpu.memory_space<vmem>> -> memref<1x33xf32, #tpu.memory_space<vmem>>
      %dma_wait3A_62 = tpu.memref_squeeze %dma_wait3A_61 : memref<1x33xf32, #tpu.memory_space<vmem>> -> memref<33xf32, #tpu.memory_space<vmem>>
      %dma_wait3A_63 = arith.constant 0 : i32
      %dma_wait3A_64 = tpu.memref_slice %arg5[%dma_wait3A_52, %dma_wait3A_63] : memref<1000000x33xf32, #tpu.memory_space<hbm>> -> memref<1x33xf32, #tpu.memory_space<hbm>>
      %dma_wait3A_65 = tpu.memref_squeeze %dma_wait3A_64 : memref<1x33xf32, #tpu.memory_space<hbm>> -> memref<33xf32, #tpu.memory_space<hbm>>
      tpu.wait_dma2 semaphore(%arg13 : memref<!tpu.dma_semaphore, #tpu.memory_space<semaphore_mem>>) src(%dma_wait3A_65 : memref<33xf32, #tpu.memory_space<hbm>>) dst(%dma_wait3A_62 : memref<33xf32, #tpu.memory_space<vmem>>)
    }
    %scan3A_13 = arith.constant 256 : i32
    %scan3A_14 = arith.constant 0 : i32
    %scan3A_15 = arith.constant 0 : i32
    %scan3A_16 = arith.constant 16 : i32
    %scan3A_17 = arith.addi %scan3A_15, %scan3A_16 : i32
    %scan3A_18 = arith.constant 1 : i32
    scf.for %scan3A_38 = %scan3A_15 to %scan3A_17 step %scan3A_18  : i32 {
      %mul3A_39 = arith.constant 16 : i32
      %mul3A_40 = arith.muli %scan3A_38, %mul3A_39 : i32
      %iota3A = tpu.iota {dimensions = array<i32: 0>} : vector<16xi32>
      %add3A_41 = vector.broadcast %mul3A_40 : i32 to vector<16xi32>
      %add3A_42 = arith.addi %add3A_41, %iota3A : vector<16xi32>
      %broadcast_in_dim3A = arith.constant 32 : i32
      %broadcast_in_dim3A_43 = vector.broadcast %broadcast_in_dim3A : i32 to vector<16xi32>
      %gather3A = tpu.vector_load_idx %arg10[%add3A_42, %broadcast_in_dim3A_43] : memref<256x128xf32, #tpu.memory_space<vmem>>[vector<16xi32>, vector<16xi32>], vector<16xf32>,
      %broadcast_in_dim3A_44 = arith.constant 0 : i32
      %broadcast_in_dim3A_45 = vector.broadcast %broadcast_in_dim3A_44 : i32 to vector<16xi32>
      %gather3A_46 = tpu.vector_load_idx %arg9[%add3A_42, %broadcast_in_dim3A_45] : memref<256x128xf32, #tpu.memory_space<vmem>>[vector<16xi32>, vector<16xi32>], vector<16xf32>,
      %gather3A_47 = tpu.vector_load_idx %arg10[%add3A_42, %broadcast_in_dim3A_45] : memref<256x128xf32, #tpu.memory_space<vmem>>[vector<16xi32>, vector<16xi32>], vector<16xf32>,
      %mul3A_48 = arith.mulf %gather3A_46, %gather3A_47 : vector<16xf32>
      %add3A_49 = arith.addf %gather3A, %mul3A_48 : vector<16xf32>
      %broadcast_in_dim3A_50 = arith.constant 1 : i32
      %broadcast_in_dim3A_51 = vector.broadcast %broadcast_in_dim3A_50 : i32 to vector<16xi32>
      %gather3A_52 = tpu.vector_load_idx %arg9[%add3A_42, %broadcast_in_dim3A_51] : memref<256x128xf32, #tpu.memory_space<vmem>>[vector<16xi32>, vector<16xi32>], vector<16xf32>,
      %gather3A_53 = tpu.vector_load_idx %arg10[%add3A_42, %broadcast_in_dim3A_51] : memref<256x128xf32, #tpu.memory_space<vmem>>[vector<16xi32>, vector<16xi32>], vector<16xf32>,
      %mul3A_54 = arith.mulf %gather3A_52, %gather3A_53 : vector<16xf32>
      %add3A_55 = arith.addf %add3A_49, %mul3A_54 : vector<16xf32>
      %broadcast_in_dim3A_56 = arith.constant 2 : i32
      %broadcast_in_dim3A_57 = vector.broadcast %broadcast_in_dim3A_56 : i32 to vector<16xi32>
      %gather3A_58 = tpu.vector_load_idx %arg9[%add3A_42, %broadcast_in_dim3A_57] : memref<256x128xf32, #tpu.memory_space<vmem>>[vector<16xi32>, vector<16xi32>], vector<16xf32>,
      %gather3A_59 = tpu.vector_load_idx %arg10[%add3A_42, %broadcast_in_dim3A_57] : memref<256x128xf32, #tpu.memory_space<vmem>>[vector<16xi32>, vector<16xi32>], vector<16xf32>,
      %mul3A_60 = arith.mulf %gather3A_58, %gather3A_59 : vector<16xf32>
      %add3A_61 = arith.addf %add3A_55, %mul3A_60 : vector<16xf32>
      %broadcast_in_dim3A_62 = arith.constant 3 : i32
      %broadcast_in_dim3A_63 = vector.broadcast %broadcast_in_dim3A_62 : i32 to vector<16xi32>
      %gather3A_64 = tpu.vector_load_idx %arg9[%add3A_42, %broadcast_in_dim3A_63] : memref<256x128xf32, #tpu.memory_space<vmem>>[vector<16xi32>, vector<16xi32>], vector<16xf32>,
      %gather3A_65 = tpu.vector_load_idx %arg10[%add3A_42, %broadcast_in_dim3A_63] : memref<256x128xf32, #tpu.memory_space<vmem>>[vector<16xi32>, vector<16xi32>], vector<16xf32>,
      %mul3A_66 = arith.mulf %gather3A_64, %gather3A_65 : vector<16xf32>
      %add3A_67 = arith.addf %add3A_61, %mul3A_66 : vector<16xf32>
      %broadcast_in_dim3A_68 = arith.constant 4 : i32
      %broadcast_in_dim3A_69 = vector.broadcast %broadcast_in_dim3A_68 : i32 to vector<16xi32>
      %gather3A_70 = tpu.vector_load_idx %arg9[%add3A_42, %broadcast_in_dim3A_69] : memref<256x128xf32, #tpu.memory_space<vmem>>[vector<16xi32>, vector<16xi32>], vector<16xf32>,
      %gather3A_71 = tpu.vector_load_idx %arg10[%add3A_42, %broadcast_in_dim3A_69] : memref<256x128xf32, #tpu.memory_space<vmem>>[vector<16xi32>, vector<16xi32>], vector<16xf32>,
      %mul3A_72 = arith.mulf %gather3A_70, %gather3A_71 : vector<16xf32>
      %add3A_73 = arith.addf %add3A_67, %mul3A_72 : vector<16xf32>
      %broadcast_in_dim3A_74 = arith.constant 5 : i32
      %broadcast_in_dim3A_75 = vector.broadcast %broadcast_in_dim3A_74 : i32 to vector<16xi32>
      %gather3A_76 = tpu.vector_load_idx %arg9[%add3A_42, %broadcast_in_dim3A_75] : memref<256x128xf32, #tpu.memory_space<vmem>>[vector<16xi32>, vector<16xi32>], vector<16xf32>,
      %gather3A_77 = tpu.vector_load_idx %arg10[%add3A_42, %broadcast_in_dim3A_75] : memref<256x128xf32, #tpu.memory_space<vmem>>[vector<16xi32>, vector<16xi32>], vector<16xf32>,
      %mul3A_78 = arith.mulf %gather3A_76, %gather3A_77 : vector<16xf32>
      %add3A_79 = arith.addf %add3A_73, %mul3A_78 : vector<16xf32>
      %broadcast_in_dim3A_80 = arith.constant 6 : i32
      %broadcast_in_dim3A_81 = vector.broadcast %broadcast_in_dim3A_80 : i32 to vector<16xi32>
      %gather3A_82 = tpu.vector_load_idx %arg9[%add3A_42, %broadcast_in_dim3A_81] : memref<256x128xf32, #tpu.memory_space<vmem>>[vector<16xi32>, vector<16xi32>], vector<16xf32>,
      %gather3A_83 = tpu.vector_load_idx %arg10[%add3A_42, %broadcast_in_dim3A_81] : memref<256x128xf32, #tpu.memory_space<vmem>>[vector<16xi32>, vector<16xi32>], vector<16xf32>,
      %mul3A_84 = arith.mulf %gather3A_82, %gather3A_83 : vector<16xf32>
      %add3A_85 = arith.addf %add3A_79, %mul3A_84 : vector<16xf32>
      %broadcast_in_dim3A_86 = arith.constant 7 : i32
      %broadcast_in_dim3A_87 = vector.broadcast %broadcast_in_dim3A_86 : i32 to vector<16xi32>
      %gather3A_88 = tpu.vector_load_idx %arg9[%add3A_42, %broadcast_in_dim3A_87] : memref<256x128xf32, #tpu.memory_space<vmem>>[vector<16xi32>, vector<16xi32>], vector<16xf32>,
      %gather3A_89 = tpu.vector_load_idx %arg10[%add3A_42, %broadcast_in_dim3A_87] : memref<256x128xf32, #tpu.memory_space<vmem>>[vector<16xi32>, vector<16xi32>], vector<16xf32>,
      %mul3A_90 = arith.mulf %gather3A_88, %gather3A_89 : vector<16xf32>
      %add3A_91 = arith.addf %add3A_85, %mul3A_90 : vector<16xf32>
      %broadcast_in_dim3A_92 = arith.constant 8 : i32
      %broadcast_in_dim3A_93 = vector.broadcast %broadcast_in_dim3A_92 : i32 to vector<16xi32>
      %gather3A_94 = tpu.vector_load_idx %arg9[%add3A_42, %broadcast_in_dim3A_93] : memref<256x128xf32, #tpu.memory_space<vmem>>[vector<16xi32>, vector<16xi32>], vector<16xf32>,
      %gather3A_95 = tpu.vector_load_idx %arg10[%add3A_42, %broadcast_in_dim3A_93] : memref<256x128xf32, #tpu.memory_space<vmem>>[vector<16xi32>, vector<16xi32>], vector<16xf32>,
      %mul3A_96 = arith.mulf %gather3A_94, %gather3A_95 : vector<16xf32>
      %add3A_97 = arith.addf %add3A_91, %mul3A_96 : vector<16xf32>
      %broadcast_in_dim3A_98 = arith.constant 9 : i32
      %broadcast_in_dim3A_99 = vector.broadcast %broadcast_in_dim3A_98 : i32 to vector<16xi32>
      %gather3A_100 = tpu.vector_load_idx %arg9[%add3A_42, %broadcast_in_dim3A_99] : memref<256x128xf32, #tpu.memory_space<vmem>>[vector<16xi32>, vector<16xi32>], vector<16xf32>,
      %gather3A_101 = tpu.vector_load_idx %arg10[%add3A_42, %broadcast_in_dim3A_99] : memref<256x128xf32, #tpu.memory_space<vmem>>[vector<16xi32>, vector<16xi32>], vector<16xf32>,
      %mul3A_102 = arith.mulf %gather3A_100, %gather3A_101 : vector<16xf32>
      %add3A_103 = arith.addf %add3A_97, %mul3A_102 : vector<16xf32>
      %broadcast_in_dim3A_104 = arith.constant 10 : i32
      %broadcast_in_dim3A_105 = vector.broadcast %broadcast_in_dim3A_104 : i32 to vector<16xi32>
      %gather3A_106 = tpu.vector_load_idx %arg9[%add3A_42, %broadcast_in_dim3A_105] : memref<256x128xf32, #tpu.memory_space<vmem>>[vector<16xi32>, vector<16xi32>], vector<16xf32>,
      %gather3A_107 = tpu.vector_load_idx %arg10[%add3A_42, %broadcast_in_dim3A_105] : memref<256x128xf32, #tpu.memory_space<vmem>>[vector<16xi32>, vector<16xi32>], vector<16xf32>,
      %mul3A_108 = arith.mulf %gather3A_106, %gather3A_107 : vector<16xf32>
      %add3A_109 = arith.addf %add3A_103, %mul3A_108 : vector<16xf32>
      %broadcast_in_dim3A_110 = arith.constant 11 : i32
      %broadcast_in_dim3A_111 = vector.broadcast %broadcast_in_dim3A_110 : i32 to vector<16xi32>
      %gather3A_112 = tpu.vector_load_idx %arg9[%add3A_42, %broadcast_in_dim3A_111] : memref<256x128xf32, #tpu.memory_space<vmem>>[vector<16xi32>, vector<16xi32>], vector<16xf32>,
      %gather3A_113 = tpu.vector_load_idx %arg10[%add3A_42, %broadcast_in_dim3A_111] : memref<256x128xf32, #tpu.memory_space<vmem>>[vector<16xi32>, vector<16xi32>], vector<16xf32>,
      %mul3A_114 = arith.mulf %gather3A_112, %gather3A_113 : vector<16xf32>
      %add3A_115 = arith.addf %add3A_109, %mul3A_114 : vector<16xf32>
      %broadcast_in_dim3A_116 = arith.constant 12 : i32
      %broadcast_in_dim3A_117 = vector.broadcast %broadcast_in_dim3A_116 : i32 to vector<16xi32>
      %gather3A_118 = tpu.vector_load_idx %arg9[%add3A_42, %broadcast_in_dim3A_117] : memref<256x128xf32, #tpu.memory_space<vmem>>[vector<16xi32>, vector<16xi32>], vector<16xf32>,
      %gather3A_119 = tpu.vector_load_idx %arg10[%add3A_42, %broadcast_in_dim3A_117] : memref<256x128xf32, #tpu.memory_space<vmem>>[vector<16xi32>, vector<16xi32>], vector<16xf32>,
      %mul3A_120 = arith.mulf %gather3A_118, %gather3A_119 : vector<16xf32>
      %add3A_121 = arith.addf %add3A_115, %mul3A_120 : vector<16xf32>
      %broadcast_in_dim3A_122 = arith.constant 13 : i32
      %broadcast_in_dim3A_123 = vector.broadcast %broadcast_in_dim3A_122 : i32 to vector<16xi32>
      %gather3A_124 = tpu.vector_load_idx %arg9[%add3A_42, %broadcast_in_dim3A_123] : memref<256x128xf32, #tpu.memory_space<vmem>>[vector<16xi32>, vector<16xi32>], vector<16xf32>,
      %gather3A_125 = tpu.vector_load_idx %arg10[%add3A_42, %broadcast_in_dim3A_123] : memref<256x128xf32, #tpu.memory_space<vmem>>[vector<16xi32>, vector<16xi32>], vector<16xf32>,
      %mul3A_126 = arith.mulf %gather3A_124, %gather3A_125 : vector<16xf32>
      %add3A_127 = arith.addf %add3A_121, %mul3A_126 : vector<16xf32>
      %broadcast_in_dim3A_128 = arith.constant 14 : i32
      %broadcast_in_dim3A_129 = vector.broadcast %broadcast_in_dim3A_128 : i32 to vector<16xi32>
      %gather3A_130 = tpu.vector_load_idx %arg9[%add3A_42, %broadcast_in_dim3A_129] : memref<256x128xf32, #tpu.memory_space<vmem>>[vector<16xi32>, vector<16xi32>], vector<16xf32>,
      %gather3A_131 = tpu.vector_load_idx %arg10[%add3A_42, %broadcast_in_dim3A_129] : memref<256x128xf32, #tpu.memory_space<vmem>>[vector<16xi32>, vector<16xi32>], vector<16xf32>,
      %mul3A_132 = arith.mulf %gather3A_130, %gather3A_131 : vector<16xf32>
      %add3A_133 = arith.addf %add3A_127, %mul3A_132 : vector<16xf32>
      %broadcast_in_dim3A_134 = arith.constant 15 : i32
      %broadcast_in_dim3A_135 = vector.broadcast %broadcast_in_dim3A_134 : i32 to vector<16xi32>
      %gather3A_136 = tpu.vector_load_idx %arg9[%add3A_42, %broadcast_in_dim3A_135] : memref<256x128xf32, #tpu.memory_space<vmem>>[vector<16xi32>, vector<16xi32>], vector<16xf32>,
      %gather3A_137 = tpu.vector_load_idx %arg10[%add3A_42, %broadcast_in_dim3A_135] : memref<256x128xf32, #tpu.memory_space<vmem>>[vector<16xi32>, vector<16xi32>], vector<16xf32>,
      %mul3A_138 = arith.mulf %gather3A_136, %gather3A_137 : vector<16xf32>
      %add3A_139 = arith.addf %add3A_133, %mul3A_138 : vector<16xf32>
      %broadcast_in_dim3A_140 = arith.constant 16 : i32
      %broadcast_in_dim3A_141 = vector.broadcast %broadcast_in_dim3A_140 : i32 to vector<16xi32>
      %gather3A_142 = tpu.vector_load_idx %arg9[%add3A_42, %broadcast_in_dim3A_141] : memref<256x128xf32, #tpu.memory_space<vmem>>[vector<16xi32>, vector<16xi32>], vector<16xf32>,
      %gather3A_143 = tpu.vector_load_idx %arg10[%add3A_42, %broadcast_in_dim3A_141] : memref<256x128xf32, #tpu.memory_space<vmem>>[vector<16xi32>, vector<16xi32>], vector<16xf32>,
      %mul3A_144 = arith.mulf %gather3A_142, %gather3A_143 : vector<16xf32>
      %add3A_145 = arith.addf %add3A_139, %mul3A_144 : vector<16xf32>
      %broadcast_in_dim3A_146 = arith.constant 17 : i32
      %broadcast_in_dim3A_147 = vector.broadcast %broadcast_in_dim3A_146 : i32 to vector<16xi32>
      %gather3A_148 = tpu.vector_load_idx %arg9[%add3A_42, %broadcast_in_dim3A_147] : memref<256x128xf32, #tpu.memory_space<vmem>>[vector<16xi32>, vector<16xi32>], vector<16xf32>,
      %gather3A_149 = tpu.vector_load_idx %arg10[%add3A_42, %broadcast_in_dim3A_147] : memref<256x128xf32, #tpu.memory_space<vmem>>[vector<16xi32>, vector<16xi32>], vector<16xf32>,
      %mul3A_150 = arith.mulf %gather3A_148, %gather3A_149 : vector<16xf32>
      %add3A_151 = arith.addf %add3A_145, %mul3A_150 : vector<16xf32>
      %broadcast_in_dim3A_152 = arith.constant 18 : i32
      %broadcast_in_dim3A_153 = vector.broadcast %broadcast_in_dim3A_152 : i32 to vector<16xi32>
      %gather3A_154 = tpu.vector_load_idx %arg9[%add3A_42, %broadcast_in_dim3A_153] : memref<256x128xf32, #tpu.memory_space<vmem>>[vector<16xi32>, vector<16xi32>], vector<16xf32>,
      %gather3A_155 = tpu.vector_load_idx %arg10[%add3A_42, %broadcast_in_dim3A_153] : memref<256x128xf32, #tpu.memory_space<vmem>>[vector<16xi32>, vector<16xi32>], vector<16xf32>,
      %mul3A_156 = arith.mulf %gather3A_154, %gather3A_155 : vector<16xf32>
      %add3A_157 = arith.addf %add3A_151, %mul3A_156 : vector<16xf32>
      %broadcast_in_dim3A_158 = arith.constant 19 : i32
      %broadcast_in_dim3A_159 = vector.broadcast %broadcast_in_dim3A_158 : i32 to vector<16xi32>
      %gather3A_160 = tpu.vector_load_idx %arg9[%add3A_42, %broadcast_in_dim3A_159] : memref<256x128xf32, #tpu.memory_space<vmem>>[vector<16xi32>, vector<16xi32>], vector<16xf32>,
      %gather3A_161 = tpu.vector_load_idx %arg10[%add3A_42, %broadcast_in_dim3A_159] : memref<256x128xf32, #tpu.memory_space<vmem>>[vector<16xi32>, vector<16xi32>], vector<16xf32>,
      %mul3A_162 = arith.mulf %gather3A_160, %gather3A_161 : vector<16xf32>
      %add3A_163 = arith.addf %add3A_157, %mul3A_162 : vector<16xf32>
      %broadcast_in_dim3A_164 = arith.constant 20 : i32
      %broadcast_in_dim3A_165 = vector.broadcast %broadcast_in_dim3A_164 : i32 to vector<16xi32>
      %gather3A_166 = tpu.vector_load_idx %arg9[%add3A_42, %broadcast_in_dim3A_165] : memref<256x128xf32, #tpu.memory_space<vmem>>[vector<16xi32>, vector<16xi32>], vector<16xf32>,
      %gather3A_167 = tpu.vector_load_idx %arg10[%add3A_42, %broadcast_in_dim3A_165] : memref<256x128xf32, #tpu.memory_space<vmem>>[vector<16xi32>, vector<16xi32>], vector<16xf32>,
      %mul3A_168 = arith.mulf %gather3A_166, %gather3A_167 : vector<16xf32>
      %add3A_169 = arith.addf %add3A_163, %mul3A_168 : vector<16xf32>
      %broadcast_in_dim3A_170 = arith.constant 21 : i32
      %broadcast_in_dim3A_171 = vector.broadcast %broadcast_in_dim3A_170 : i32 to vector<16xi32>
      %gather3A_172 = tpu.vector_load_idx %arg9[%add3A_42, %broadcast_in_dim3A_171] : memref<256x128xf32, #tpu.memory_space<vmem>>[vector<16xi32>, vector<16xi32>], vector<16xf32>,
      %gather3A_173 = tpu.vector_load_idx %arg10[%add3A_42, %broadcast_in_dim3A_171] : memref<256x128xf32, #tpu.memory_space<vmem>>[vector<16xi32>, vector<16xi32>], vector<16xf32>,
      %mul3A_174 = arith.mulf %gather3A_172, %gather3A_173 : vector<16xf32>
      %add3A_175 = arith.addf %add3A_169, %mul3A_174 : vector<16xf32>
      %broadcast_in_dim3A_176 = arith.constant 22 : i32
      %broadcast_in_dim3A_177 = vector.broadcast %broadcast_in_dim3A_176 : i32 to vector<16xi32>
      %gather3A_178 = tpu.vector_load_idx %arg9[%add3A_42, %broadcast_in_dim3A_177] : memref<256x128xf32, #tpu.memory_space<vmem>>[vector<16xi32>, vector<16xi32>], vector<16xf32>,
      %gather3A_179 = tpu.vector_load_idx %arg10[%add3A_42, %broadcast_in_dim3A_177] : memref<256x128xf32, #tpu.memory_space<vmem>>[vector<16xi32>, vector<16xi32>], vector<16xf32>,
      %mul3A_180 = arith.mulf %gather3A_178, %gather3A_179 : vector<16xf32>
      %add3A_181 = arith.addf %add3A_175, %mul3A_180 : vector<16xf32>
      %broadcast_in_dim3A_182 = arith.constant 23 : i32
      %broadcast_in_dim3A_183 = vector.broadcast %broadcast_in_dim3A_182 : i32 to vector<16xi32>
      %gather3A_184 = tpu.vector_load_idx %arg9[%add3A_42, %broadcast_in_dim3A_183] : memref<256x128xf32, #tpu.memory_space<vmem>>[vector<16xi32>, vector<16xi32>], vector<16xf32>,
      %gather3A_185 = tpu.vector_load_idx %arg10[%add3A_42, %broadcast_in_dim3A_183] : memref<256x128xf32, #tpu.memory_space<vmem>>[vector<16xi32>, vector<16xi32>], vector<16xf32>,
      %mul3A_186 = arith.mulf %gather3A_184, %gather3A_185 : vector<16xf32>
      %add3A_187 = arith.addf %add3A_181, %mul3A_186 : vector<16xf32>
      %broadcast_in_dim3A_188 = arith.constant 24 : i32
      %broadcast_in_dim3A_189 = vector.broadcast %broadcast_in_dim3A_188 : i32 to vector<16xi32>
      %gather3A_190 = tpu.vector_load_idx %arg9[%add3A_42, %broadcast_in_dim3A_189] : memref<256x128xf32, #tpu.memory_space<vmem>>[vector<16xi32>, vector<16xi32>], vector<16xf32>,
      %gather3A_191 = tpu.vector_load_idx %arg10[%add3A_42, %broadcast_in_dim3A_189] : memref<256x128xf32, #tpu.memory_space<vmem>>[vector<16xi32>, vector<16xi32>], vector<16xf32>,
      %mul3A_192 = arith.mulf %gather3A_190, %gather3A_191 : vector<16xf32>
      %add3A_193 = arith.addf %add3A_187, %mul3A_192 : vector<16xf32>
      %broadcast_in_dim3A_194 = arith.constant 25 : i32
      %broadcast_in_dim3A_195 = vector.broadcast %broadcast_in_dim3A_194 : i32 to vector<16xi32>
      %gather3A_196 = tpu.vector_load_idx %arg9[%add3A_42, %broadcast_in_dim3A_195] : memref<256x128xf32, #tpu.memory_space<vmem>>[vector<16xi32>, vector<16xi32>], vector<16xf32>,
      %gather3A_197 = tpu.vector_load_idx %arg10[%add3A_42, %broadcast_in_dim3A_195] : memref<256x128xf32, #tpu.memory_space<vmem>>[vector<16xi32>, vector<16xi32>], vector<16xf32>,
      %mul3A_198 = arith.mulf %gather3A_196, %gather3A_197 : vector<16xf32>
      %add3A_199 = arith.addf %add3A_193, %mul3A_198 : vector<16xf32>
      %broadcast_in_dim3A_200 = arith.constant 26 : i32
      %broadcast_in_dim3A_201 = vector.broadcast %broadcast_in_dim3A_200 : i32 to vector<16xi32>
      %gather3A_202 = tpu.vector_load_idx %arg9[%add3A_42, %broadcast_in_dim3A_201] : memref<256x128xf32, #tpu.memory_space<vmem>>[vector<16xi32>, vector<16xi32>], vector<16xf32>,
      %gather3A_203 = tpu.vector_load_idx %arg10[%add3A_42, %broadcast_in_dim3A_201] : memref<256x128xf32, #tpu.memory_space<vmem>>[vector<16xi32>, vector<16xi32>], vector<16xf32>,
      %mul3A_204 = arith.mulf %gather3A_202, %gather3A_203 : vector<16xf32>
      %add3A_205 = arith.addf %add3A_199, %mul3A_204 : vector<16xf32>
      %broadcast_in_dim3A_206 = arith.constant 27 : i32
      %broadcast_in_dim3A_207 = vector.broadcast %broadcast_in_dim3A_206 : i32 to vector<16xi32>
      %gather3A_208 = tpu.vector_load_idx %arg9[%add3A_42, %broadcast_in_dim3A_207] : memref<256x128xf32, #tpu.memory_space<vmem>>[vector<16xi32>, vector<16xi32>], vector<16xf32>,
      %gather3A_209 = tpu.vector_load_idx %arg10[%add3A_42, %broadcast_in_dim3A_207] : memref<256x128xf32, #tpu.memory_space<vmem>>[vector<16xi32>, vector<16xi32>], vector<16xf32>,
      %mul3A_210 = arith.mulf %gather3A_208, %gather3A_209 : vector<16xf32>
      %add3A_211 = arith.addf %add3A_205, %mul3A_210 : vector<16xf32>
      %broadcast_in_dim3A_212 = arith.constant 28 : i32
      %broadcast_in_dim3A_213 = vector.broadcast %broadcast_in_dim3A_212 : i32 to vector<16xi32>
      %gather3A_214 = tpu.vector_load_idx %arg9[%add3A_42, %broadcast_in_dim3A_213] : memref<256x128xf32, #tpu.memory_space<vmem>>[vector<16xi32>, vector<16xi32>], vector<16xf32>,
      %gather3A_215 = tpu.vector_load_idx %arg10[%add3A_42, %broadcast_in_dim3A_213] : memref<256x128xf32, #tpu.memory_space<vmem>>[vector<16xi32>, vector<16xi32>], vector<16xf32>,
      %mul3A_216 = arith.mulf %gather3A_214, %gather3A_215 : vector<16xf32>
      %add3A_217 = arith.addf %add3A_211, %mul3A_216 : vector<16xf32>
      %broadcast_in_dim3A_218 = arith.constant 29 : i32
      %broadcast_in_dim3A_219 = vector.broadcast %broadcast_in_dim3A_218 : i32 to vector<16xi32>
      %gather3A_220 = tpu.vector_load_idx %arg9[%add3A_42, %broadcast_in_dim3A_219] : memref<256x128xf32, #tpu.memory_space<vmem>>[vector<16xi32>, vector<16xi32>], vector<16xf32>,
      %gather3A_221 = tpu.vector_load_idx %arg10[%add3A_42, %broadcast_in_dim3A_219] : memref<256x128xf32, #tpu.memory_space<vmem>>[vector<16xi32>, vector<16xi32>], vector<16xf32>,
      %mul3A_222 = arith.mulf %gather3A_220, %gather3A_221 : vector<16xf32>
      %add3A_223 = arith.addf %add3A_217, %mul3A_222 : vector<16xf32>
      %broadcast_in_dim3A_224 = arith.constant 30 : i32
      %broadcast_in_dim3A_225 = vector.broadcast %broadcast_in_dim3A_224 : i32 to vector<16xi32>
      %gather3A_226 = tpu.vector_load_idx %arg9[%add3A_42, %broadcast_in_dim3A_225] : memref<256x128xf32, #tpu.memory_space<vmem>>[vector<16xi32>, vector<16xi32>], vector<16xf32>,
      %gather3A_227 = tpu.vector_load_idx %arg10[%add3A_42, %broadcast_in_dim3A_225] : memref<256x128xf32, #tpu.memory_space<vmem>>[vector<16xi32>, vector<16xi32>], vector<16xf32>,
      %mul3A_228 = arith.mulf %gather3A_226, %gather3A_227 : vector<16xf32>
      %add3A_229 = arith.addf %add3A_223, %mul3A_228 : vector<16xf32>
      %broadcast_in_dim3A_230 = arith.constant 31 : i32
      %broadcast_in_dim3A_231 = vector.broadcast %broadcast_in_dim3A_230 : i32 to vector<16xi32>
      %gather3A_232 = tpu.vector_load_idx %arg9[%add3A_42, %broadcast_in_dim3A_231] : memref<256x128xf32, #tpu.memory_space<vmem>>[vector<16xi32>, vector<16xi32>], vector<16xf32>,
      %gather3A_233 = tpu.vector_load_idx %arg10[%add3A_42, %broadcast_in_dim3A_231] : memref<256x128xf32, #tpu.memory_space<vmem>>[vector<16xi32>, vector<16xi32>], vector<16xf32>,
      %mul3A_234 = arith.mulf %gather3A_232, %gather3A_233 : vector<16xf32>
      %add3A_235 = arith.addf %add3A_229, %mul3A_234 : vector<16xf32>
      %neg3A = arith.constant 0.000000e+00 : f32
      %neg3A_236 = vector.broadcast %neg3A : f32 to vector<16xf32>
      %neg3A_237 = arith.subf %neg3A_236, %add3A_235 : vector<16xf32>
      %exp3A = math.exp %neg3A_237 : vector<16xf32>
      %add3A_238 = arith.constant 1.000000e+00 : f32
      %add3A_239 = vector.broadcast %add3A_238 : f32 to vector<16xf32>
      %add3A_240 = arith.addf %add3A_239, %exp3A : vector<16xf32>
      %div3A = arith.constant 1.000000e+00 : f32
      %div3A_241 = vector.broadcast %div3A : f32 to vector<16xf32>
      %div3A_242 = arith.divf %div3A_241, %add3A_240 : vector<16xf32>
      %mul3A_243 = arith.constant 16 : i32
      %mul3A_244 = arith.muli %scan3A_38, %mul3A_243 : i32
      %add3A_245 = arith.constant 0 : i32
      %add3A_246 = arith.addi %add3A_245, %mul3A_244 : i32
      %swap3A = arith.index_cast %add3A_246 : i32 to index
      %swap3A_247 = tpu.vector_load %arg11[%swap3A] {strides = array<i32>} : memref<512xf32, #tpu.memory_space<vmem>>, vector<16xf32>,
      tpu.vector_store %arg11[%swap3A], %div3A_242 {strides = array<i32>} : memref<512xf32, #tpu.memory_space<vmem>>, vector<16xf32>,
    }
    %scan3A_19 = arith.constant 16 : i32
    %scan3A_20 = arith.constant 0 : i32
    %scan3A_21 = arith.constant 0 : i32
    %scan3A_22 = arith.constant 16 : i32
    %scan3A_23 = arith.addi %scan3A_21, %scan3A_22 : i32
    %scan3A_24 = arith.constant 1 : i32
    scf.for %scan3A_38 = %scan3A_21 to %scan3A_23 step %scan3A_24  : i32 {
      %mul3A_39 = arith.constant 16 : i32
      %mul3A_40 = arith.muli %scan3A_38, %mul3A_39 : i32
      %add3A_41 = arith.constant 256 : i32
      %add3A_42 = arith.addi %add3A_41, %mul3A_40 : i32
      %get3A = arith.index_cast %add3A_42 : i32 to index
      %get3A_43 = tpu.vector_load %arg7[%get3A] {strides = array<i32>} : memref<512xi32, #tpu.memory_space<vmem>>, vector<16xi32>,
      %mul3A_44 = arith.constant 16 : i32
      %mul3A_45 = arith.muli %scan3A_38, %mul3A_44 : i32
      %add3A_46 = arith.constant 256 : i32
      %add3A_47 = arith.addi %add3A_46, %mul3A_45 : i32
      %get3A_48 = arith.index_cast %add3A_47 : i32 to index
      %get3A_49 = tpu.vector_load %arg8[%get3A_48] {strides = array<i32>} : memref<512xi32, #tpu.memory_space<vmem>>, vector<16xi32>,
      %mul3A_50 = arith.constant 16 : i32
      %mul3A_51 = arith.muli %scan3A_38, %mul3A_50 : i32
      %add3A_52 = arith.constant 0 : i32
      %add3A_53 = arith.addi %mul3A_51, %add3A_52 : i32
      %slice3A = vector.extract_strided_slice %get3A_43 {offsets = [0], sizes = [1], strides = [1]} : vector<16xi32> to vector<1xi32>
      %squeeze3A = vector.extract %slice3A[0] : i32 from vector<1xi32>
      %dma_start3A = arith.constant 0 : i32
      %dma_start3A_54 = tpu.memref_slice %arg9[%add3A_53, %dma_start3A] : memref<256x128xf32, #tpu.memory_space<vmem>> -> memref<1x32xf32, #tpu.memory_space<vmem>>
      %dma_start3A_55 = tpu.memref_squeeze %dma_start3A_54 : memref<1x32xf32, #tpu.memory_space<vmem>> -> memref<32xf32, #tpu.memory_space<vmem>>
      %dma_start3A_56 = arith.constant 0 : i32
      %dma_start3A_57 = tpu.memref_slice %arg4[%squeeze3A, %dma_start3A_56] : memref<1000000x32xf32, #tpu.memory_space<hbm>> -> memref<1x32xf32, #tpu.memory_space<hbm>>
      %dma_start3A_58 = tpu.memref_squeeze %dma_start3A_57 : memref<1x32xf32, #tpu.memory_space<hbm>> -> memref<32xf32, #tpu.memory_space<hbm>>
      %dma_start3A_59 = arith.constant 0 : i32
      %dma_start3A_60 = tpu.memref_slice %arg9[%add3A_53, %dma_start3A_59] : memref<256x128xf32, #tpu.memory_space<vmem>> -> memref<1x32xf32, #tpu.memory_space<vmem>>
      %dma_start3A_61 = tpu.memref_squeeze %dma_start3A_60 : memref<1x32xf32, #tpu.memory_space<vmem>> -> memref<32xf32, #tpu.memory_space<vmem>>
      %dma_start3A_62 = arith.constant 0 : i32
      %dma_start3A_63 = tpu.memref_slice %arg4[%squeeze3A, %dma_start3A_62] : memref<1000000x32xf32, #tpu.memory_space<hbm>> -> memref<1x32xf32, #tpu.memory_space<hbm>>
      %dma_start3A_64 = tpu.memref_squeeze %dma_start3A_63 : memref<1x32xf32, #tpu.memory_space<hbm>> -> memref<32xf32, #tpu.memory_space<hbm>>
      tpu.enqueue_dma source(%dma_start3A_64 : memref<32xf32, #tpu.memory_space<hbm>>) target(%dma_start3A_61 : memref<32xf32, #tpu.memory_space<vmem>>) target_semaphore(%arg12 : memref<!tpu.dma_semaphore, #tpu.memory_space<semaphore_mem>>)
      %slice3A_65 = vector.extract_strided_slice %get3A_49 {offsets = [0], sizes = [1], strides = [1]} : vector<16xi32> to vector<1xi32>
      %squeeze3A_66 = vector.extract %slice3A_65[0] : i32 from vector<1xi32>
      %dma_start3A_67 = arith.constant 0 : i32
      %dma_start3A_68 = tpu.memref_slice %arg10[%add3A_53, %dma_start3A_67] : memref<256x128xf32, #tpu.memory_space<vmem>> -> memref<1x33xf32, #tpu.memory_space<vmem>>
      %dma_start3A_69 = tpu.memref_squeeze %dma_start3A_68 : memref<1x33xf32, #tpu.memory_space<vmem>> -> memref<33xf32, #tpu.memory_space<vmem>>
      %dma_start3A_70 = arith.constant 0 : i32
      %dma_start3A_71 = tpu.memref_slice %arg5[%squeeze3A_66, %dma_start3A_70] : memref<1000000x33xf32, #tpu.memory_space<hbm>> -> memref<1x33xf32, #tpu.memory_space<hbm>>
      %dma_start3A_72 = tpu.memref_squeeze %dma_start3A_71 : memref<1x33xf32, #tpu.memory_space<hbm>> -> memref<33xf32, #tpu.memory_space<hbm>>
      %dma_start3A_73 = arith.constant 0 : i32
      %dma_start3A_74 = tpu.memref_slice %arg10[%add3A_53, %dma_start3A_73] : memref<256x128xf32, #tpu.memory_space<vmem>> -> memref<1x33xf32, #tpu.memory_space<vmem>>
      %dma_start3A_75 = tpu.memref_squeeze %dma_start3A_74 : memref<1x33xf32, #tpu.memory_space<vmem>> -> memref<33xf32, #tpu.memory_space<vmem>>
      %dma_start3A_76 = arith.constant 0 : i32
      %dma_start3A_77 = tpu.memref_slice %arg5[%squeeze3A_66, %dma_start3A_76] : memref<1000000x33xf32, #tpu.memory_space<hbm>> -> memref<1x33xf32, #tpu.memory_space<hbm>>
      %dma_start3A_78 = tpu.memref_squeeze %dma_start3A_77 : memref<1x33xf32, #tpu.memory_space<hbm>> -> memref<33xf32, #tpu.memory_space<hbm>>
      tpu.enqueue_dma source(%dma_start3A_78 : memref<33xf32, #tpu.memory_space<hbm>>) target(%dma_start3A_75 : memref<33xf32, #tpu.memory_space<vmem>>) target_semaphore(%arg13 : memref<!tpu.dma_semaphore, #tpu.memory_space<semaphore_mem>>)
      %mul3A_79 = arith.constant 16 : i32
      %mul3A_80 = arith.muli %scan3A_38, %mul3A_79 : i32
      %add3A_81 = arith.constant 1 : i32
      %add3A_82 = arith.addi %mul3A_80, %add3A_81 : i32
      %slice3A_83 = vector.extract_strided_slice %get3A_43 {offsets = [1], sizes = [1], strides = [1]} : vector<16xi32> to vector<1xi32>
      %squeeze3A_84 = vector.extract %slice3A_83[0] : i32 from vector<1xi32>
      %dma_start3A_85 = arith.constant 0 : i32
      %dma_start3A_86 = tpu.memref_slice %arg9[%add3A_82, %dma_start3A_85] : memref<256x128xf32, #tpu.memory_space<vmem>> -> memref<1x32xf32, #tpu.memory_space<vmem>>
      %dma_start3A_87 = tpu.memref_squeeze %dma_start3A_86 : memref<1x32xf32, #tpu.memory_space<vmem>> -> memref<32xf32, #tpu.memory_space<vmem>>
      %dma_start3A_88 = arith.constant 0 : i32
      %dma_start3A_89 = tpu.memref_slice %arg4[%squeeze3A_84, %dma_start3A_88] : memref<1000000x32xf32, #tpu.memory_space<hbm>> -> memref<1x32xf32, #tpu.memory_space<hbm>>
      %dma_start3A_90 = tpu.memref_squeeze %dma_start3A_89 : memref<1x32xf32, #tpu.memory_space<hbm>> -> memref<32xf32, #tpu.memory_space<hbm>>
      %dma_start3A_91 = arith.constant 0 : i32
      %dma_start3A_92 = tpu.memref_slice %arg9[%add3A_82, %dma_start3A_91] : memref<256x128xf32, #tpu.memory_space<vmem>> -> memref<1x32xf32, #tpu.memory_space<vmem>>
      %dma_start3A_93 = tpu.memref_squeeze %dma_start3A_92 : memref<1x32xf32, #tpu.memory_space<vmem>> -> memref<32xf32, #tpu.memory_space<vmem>>
      %dma_start3A_94 = arith.constant 0 : i32
      %dma_start3A_95 = tpu.memref_slice %arg4[%squeeze3A_84, %dma_start3A_94] : memref<1000000x32xf32, #tpu.memory_space<hbm>> -> memref<1x32xf32, #tpu.memory_space<hbm>>
      %dma_start3A_96 = tpu.memref_squeeze %dma_start3A_95 : memref<1x32xf32, #tpu.memory_space<hbm>> -> memref<32xf32, #tpu.memory_space<hbm>>
      tpu.enqueue_dma source(%dma_start3A_96 : memref<32xf32, #tpu.memory_space<hbm>>) target(%dma_start3A_93 : memref<32xf32, #tpu.memory_space<vmem>>) target_semaphore(%arg12 : memref<!tpu.dma_semaphore, #tpu.memory_space<semaphore_mem>>)
      %slice3A_97 = vector.extract_strided_slice %get3A_49 {offsets = [1], sizes = [1], strides = [1]} : vector<16xi32> to vector<1xi32>
      %squeeze3A_98 = vector.extract %slice3A_97[0] : i32 from vector<1xi32>
      %dma_start3A_99 = arith.constant 0 : i32
      %dma_start3A_100 = tpu.memref_slice %arg10[%add3A_82, %dma_start3A_99] : memref<256x128xf32, #tpu.memory_space<vmem>> -> memref<1x33xf32, #tpu.memory_space<vmem>>
      %dma_start3A_101 = tpu.memref_squeeze %dma_start3A_100 : memref<1x33xf32, #tpu.memory_space<vmem>> -> memref<33xf32, #tpu.memory_space<vmem>>
      %dma_start3A_102 = arith.constant 0 : i32
      %dma_start3A_103 = tpu.memref_slice %arg5[%squeeze3A_98, %dma_start3A_102] : memref<1000000x33xf32, #tpu.memory_space<hbm>> -> memref<1x33xf32, #tpu.memory_space<hbm>>
      %dma_start3A_104 = tpu.memref_squeeze %dma_start3A_103 : memref<1x33xf32, #tpu.memory_space<hbm>> -> memref<33xf32, #tpu.memory_space<hbm>>
      %dma_start3A_105 = arith.constant 0 : i32
      %dma_start3A_106 = tpu.memref_slice %arg10[%add3A_82, %dma_start3A_105] : memref<256x128xf32, #tpu.memory_space<vmem>> -> memref<1x33xf32, #tpu.memory_space<vmem>>
      %dma_start3A_107 = tpu.memref_squeeze %dma_start3A_106 : memref<1x33xf32, #tpu.memory_space<vmem>> -> memref<33xf32, #tpu.memory_space<vmem>>
      %dma_start3A_108 = arith.constant 0 : i32
      %dma_start3A_109 = tpu.memref_slice %arg5[%squeeze3A_98, %dma_start3A_108] : memref<1000000x33xf32, #tpu.memory_space<hbm>> -> memref<1x33xf32, #tpu.memory_space<hbm>>
      %dma_start3A_110 = tpu.memref_squeeze %dma_start3A_109 : memref<1x33xf32, #tpu.memory_space<hbm>> -> memref<33xf32, #tpu.memory_space<hbm>>
      tpu.enqueue_dma source(%dma_start3A_110 : memref<33xf32, #tpu.memory_space<hbm>>) target(%dma_start3A_107 : memref<33xf32, #tpu.memory_space<vmem>>) target_semaphore(%arg13 : memref<!tpu.dma_semaphore, #tpu.memory_space<semaphore_mem>>)
      %mul3A_111 = arith.constant 16 : i32
      %mul3A_112 = arith.muli %scan3A_38, %mul3A_111 : i32
      %add3A_113 = arith.constant 2 : i32
      %add3A_114 = arith.addi %mul3A_112, %add3A_113 : i32
      %slice3A_115 = vector.extract_strided_slice %get3A_43 {offsets = [2], sizes = [1], strides = [1]} : vector<16xi32> to vector<1xi32>
      %squeeze3A_116 = vector.extract %slice3A_115[0] : i32 from vector<1xi32>
      %dma_start3A_117 = arith.constant 0 : i32
      %dma_start3A_118 = tpu.memref_slice %arg9[%add3A_114, %dma_start3A_117] : memref<256x128xf32, #tpu.memory_space<vmem>> -> memref<1x32xf32, #tpu.memory_space<vmem>>
      %dma_start3A_119 = tpu.memref_squeeze %dma_start3A_118 : memref<1x32xf32, #tpu.memory_space<vmem>> -> memref<32xf32, #tpu.memory_space<vmem>>
      %dma_start3A_120 = arith.constant 0 : i32
      %dma_start3A_121 = tpu.memref_slice %arg4[%squeeze3A_116, %dma_start3A_120] : memref<1000000x32xf32, #tpu.memory_space<hbm>> -> memref<1x32xf32, #tpu.memory_space<hbm>>
      %dma_start3A_122 = tpu.memref_squeeze %dma_start3A_121 : memref<1x32xf32, #tpu.memory_space<hbm>> -> memref<32xf32, #tpu.memory_space<hbm>>
      %dma_start3A_123 = arith.constant 0 : i32
      %dma_start3A_124 = tpu.memref_slice %arg9[%add3A_114, %dma_start3A_123] : memref<256x128xf32, #tpu.memory_space<vmem>> -> memref<1x32xf32, #tpu.memory_space<vmem>>
      %dma_start3A_125 = tpu.memref_squeeze %dma_start3A_124 : memref<1x32xf32, #tpu.memory_space<vmem>> -> memref<32xf32, #tpu.memory_space<vmem>>
      %dma_start3A_126 = arith.constant 0 : i32
      %dma_start3A_127 = tpu.memref_slice %arg4[%squeeze3A_116, %dma_start3A_126] : memref<1000000x32xf32, #tpu.memory_space<hbm>> -> memref<1x32xf32, #tpu.memory_space<hbm>>
      %dma_start3A_128 = tpu.memref_squeeze %dma_start3A_127 : memref<1x32xf32, #tpu.memory_space<hbm>> -> memref<32xf32, #tpu.memory_space<hbm>>
      tpu.enqueue_dma source(%dma_start3A_128 : memref<32xf32, #tpu.memory_space<hbm>>) target(%dma_start3A_125 : memref<32xf32, #tpu.memory_space<vmem>>) target_semaphore(%arg12 : memref<!tpu.dma_semaphore, #tpu.memory_space<semaphore_mem>>)
      %slice3A_129 = vector.extract_strided_slice %get3A_49 {offsets = [2], sizes = [1], strides = [1]} : vector<16xi32> to vector<1xi32>
      %squeeze3A_130 = vector.extract %slice3A_129[0] : i32 from vector<1xi32>
      %dma_start3A_131 = arith.constant 0 : i32
      %dma_start3A_132 = tpu.memref_slice %arg10[%add3A_114, %dma_start3A_131] : memref<256x128xf32, #tpu.memory_space<vmem>> -> memref<1x33xf32, #tpu.memory_space<vmem>>
      %dma_start3A_133 = tpu.memref_squeeze %dma_start3A_132 : memref<1x33xf32, #tpu.memory_space<vmem>> -> memref<33xf32, #tpu.memory_space<vmem>>
      %dma_start3A_134 = arith.constant 0 : i32
      %dma_start3A_135 = tpu.memref_slice %arg5[%squeeze3A_130, %dma_start3A_134] : memref<1000000x33xf32, #tpu.memory_space<hbm>> -> memref<1x33xf32, #tpu.memory_space<hbm>>
      %dma_start3A_136 = tpu.memref_squeeze %dma_start3A_135 : memref<1x33xf32, #tpu.memory_space<hbm>> -> memref<33xf32, #tpu.memory_space<hbm>>
      %dma_start3A_137 = arith.constant 0 : i32
      %dma_start3A_138 = tpu.memref_slice %arg10[%add3A_114, %dma_start3A_137] : memref<256x128xf32, #tpu.memory_space<vmem>> -> memref<1x33xf32, #tpu.memory_space<vmem>>
      %dma_start3A_139 = tpu.memref_squeeze %dma_start3A_138 : memref<1x33xf32, #tpu.memory_space<vmem>> -> memref<33xf32, #tpu.memory_space<vmem>>
      %dma_start3A_140 = arith.constant 0 : i32
      %dma_start3A_141 = tpu.memref_slice %arg5[%squeeze3A_130, %dma_start3A_140] : memref<1000000x33xf32, #tpu.memory_space<hbm>> -> memref<1x33xf32, #tpu.memory_space<hbm>>
      %dma_start3A_142 = tpu.memref_squeeze %dma_start3A_141 : memref<1x33xf32, #tpu.memory_space<hbm>> -> memref<33xf32, #tpu.memory_space<hbm>>
      tpu.enqueue_dma source(%dma_start3A_142 : memref<33xf32, #tpu.memory_space<hbm>>) target(%dma_start3A_139 : memref<33xf32, #tpu.memory_space<vmem>>) target_semaphore(%arg13 : memref<!tpu.dma_semaphore, #tpu.memory_space<semaphore_mem>>)
      %mul3A_143 = arith.constant 16 : i32
      %mul3A_144 = arith.muli %scan3A_38, %mul3A_143 : i32
      %add3A_145 = arith.constant 3 : i32
      %add3A_146 = arith.addi %mul3A_144, %add3A_145 : i32
      %slice3A_147 = vector.extract_strided_slice %get3A_43 {offsets = [3], sizes = [1], strides = [1]} : vector<16xi32> to vector<1xi32>
      %squeeze3A_148 = vector.extract %slice3A_147[0] : i32 from vector<1xi32>
      %dma_start3A_149 = arith.constant 0 : i32
      %dma_start3A_150 = tpu.memref_slice %arg9[%add3A_146, %dma_start3A_149] : memref<256x128xf32, #tpu.memory_space<vmem>> -> memref<1x32xf32, #tpu.memory_space<vmem>>
      %dma_start3A_151 = tpu.memref_squeeze %dma_start3A_150 : memref<1x32xf32, #tpu.memory_space<vmem>> -> memref<32xf32, #tpu.memory_space<vmem>>
      %dma_start3A_152 = arith.constant 0 : i32
      %dma_start3A_153 = tpu.memref_slice %arg4[%squeeze3A_148, %dma_start3A_152] : memref<1000000x32xf32, #tpu.memory_space<hbm>> -> memref<1x32xf32, #tpu.memory_space<hbm>>
      %dma_start3A_154 = tpu.memref_squeeze %dma_start3A_153 : memref<1x32xf32, #tpu.memory_space<hbm>> -> memref<32xf32, #tpu.memory_space<hbm>>
      %dma_start3A_155 = arith.constant 0 : i32
      %dma_start3A_156 = tpu.memref_slice %arg9[%add3A_146, %dma_start3A_155] : memref<256x128xf32, #tpu.memory_space<vmem>> -> memref<1x32xf32, #tpu.memory_space<vmem>>
      %dma_start3A_157 = tpu.memref_squeeze %dma_start3A_156 : memref<1x32xf32, #tpu.memory_space<vmem>> -> memref<32xf32, #tpu.memory_space<vmem>>
      %dma_start3A_158 = arith.constant 0 : i32
      %dma_start3A_159 = tpu.memref_slice %arg4[%squeeze3A_148, %dma_start3A_158] : memref<1000000x32xf32, #tpu.memory_space<hbm>> -> memref<1x32xf32, #tpu.memory_space<hbm>>
      %dma_start3A_160 = tpu.memref_squeeze %dma_start3A_159 : memref<1x32xf32, #tpu.memory_space<hbm>> -> memref<32xf32, #tpu.memory_space<hbm>>
      tpu.enqueue_dma source(%dma_start3A_160 : memref<32xf32, #tpu.memory_space<hbm>>) target(%dma_start3A_157 : memref<32xf32, #tpu.memory_space<vmem>>) target_semaphore(%arg12 : memref<!tpu.dma_semaphore, #tpu.memory_space<semaphore_mem>>)
      %slice3A_161 = vector.extract_strided_slice %get3A_49 {offsets = [3], sizes = [1], strides = [1]} : vector<16xi32> to vector<1xi32>
      %squeeze3A_162 = vector.extract %slice3A_161[0] : i32 from vector<1xi32>
      %dma_start3A_163 = arith.constant 0 : i32
      %dma_start3A_164 = tpu.memref_slice %arg10[%add3A_146, %dma_start3A_163] : memref<256x128xf32, #tpu.memory_space<vmem>> -> memref<1x33xf32, #tpu.memory_space<vmem>>
      %dma_start3A_165 = tpu.memref_squeeze %dma_start3A_164 : memref<1x33xf32, #tpu.memory_space<vmem>> -> memref<33xf32, #tpu.memory_space<vmem>>
      %dma_start3A_166 = arith.constant 0 : i32
      %dma_start3A_167 = tpu.memref_slice %arg5[%squeeze3A_162, %dma_start3A_166] : memref<1000000x33xf32, #tpu.memory_space<hbm>> -> memref<1x33xf32, #tpu.memory_space<hbm>>
      %dma_start3A_168 = tpu.memref_squeeze %dma_start3A_167 : memref<1x33xf32, #tpu.memory_space<hbm>> -> memref<33xf32, #tpu.memory_space<hbm>>
      %dma_start3A_169 = arith.constant 0 : i32
      %dma_start3A_170 = tpu.memref_slice %arg10[%add3A_146, %dma_start3A_169] : memref<256x128xf32, #tpu.memory_space<vmem>> -> memref<1x33xf32, #tpu.memory_space<vmem>>
      %dma_start3A_171 = tpu.memref_squeeze %dma_start3A_170 : memref<1x33xf32, #tpu.memory_space<vmem>> -> memref<33xf32, #tpu.memory_space<vmem>>
      %dma_start3A_172 = arith.constant 0 : i32
      %dma_start3A_173 = tpu.memref_slice %arg5[%squeeze3A_162, %dma_start3A_172] : memref<1000000x33xf32, #tpu.memory_space<hbm>> -> memref<1x33xf32, #tpu.memory_space<hbm>>
      %dma_start3A_174 = tpu.memref_squeeze %dma_start3A_173 : memref<1x33xf32, #tpu.memory_space<hbm>> -> memref<33xf32, #tpu.memory_space<hbm>>
      tpu.enqueue_dma source(%dma_start3A_174 : memref<33xf32, #tpu.memory_space<hbm>>) target(%dma_start3A_171 : memref<33xf32, #tpu.memory_space<vmem>>) target_semaphore(%arg13 : memref<!tpu.dma_semaphore, #tpu.memory_space<semaphore_mem>>)
      %mul3A_175 = arith.constant 16 : i32
      %mul3A_176 = arith.muli %scan3A_38, %mul3A_175 : i32
      %add3A_177 = arith.constant 4 : i32
      %add3A_178 = arith.addi %mul3A_176, %add3A_177 : i32
      %slice3A_179 = vector.extract_strided_slice %get3A_43 {offsets = [4], sizes = [1], strides = [1]} : vector<16xi32> to vector<1xi32>
      %squeeze3A_180 = vector.extract %slice3A_179[0] : i32 from vector<1xi32>
      %dma_start3A_181 = arith.constant 0 : i32
      %dma_start3A_182 = tpu.memref_slice %arg9[%add3A_178, %dma_start3A_181] : memref<256x128xf32, #tpu.memory_space<vmem>> -> memref<1x32xf32, #tpu.memory_space<vmem>>
      %dma_start3A_183 = tpu.memref_squeeze %dma_start3A_182 : memref<1x32xf32, #tpu.memory_space<vmem>> -> memref<32xf32, #tpu.memory_space<vmem>>
      %dma_start3A_184 = arith.constant 0 : i32
      %dma_start3A_185 = tpu.memref_slice %arg4[%squeeze3A_180, %dma_start3A_184] : memref<1000000x32xf32, #tpu.memory_space<hbm>> -> memref<1x32xf32, #tpu.memory_space<hbm>>
      %dma_start3A_186 = tpu.memref_squeeze %dma_start3A_185 : memref<1x32xf32, #tpu.memory_space<hbm>> -> memref<32xf32, #tpu.memory_space<hbm>>
      %dma_start3A_187 = arith.constant 0 : i32
      %dma_start3A_188 = tpu.memref_slice %arg9[%add3A_178, %dma_start3A_187] : memref<256x128xf32, #tpu.memory_space<vmem>> -> memref<1x32xf32, #tpu.memory_space<vmem>>
      %dma_start3A_189 = tpu.memref_squeeze %dma_start3A_188 : memref<1x32xf32, #tpu.memory_space<vmem>> -> memref<32xf32, #tpu.memory_space<vmem>>
      %dma_start3A_190 = arith.constant 0 : i32
      %dma_start3A_191 = tpu.memref_slice %arg4[%squeeze3A_180, %dma_start3A_190] : memref<1000000x32xf32, #tpu.memory_space<hbm>> -> memref<1x32xf32, #tpu.memory_space<hbm>>
      %dma_start3A_192 = tpu.memref_squeeze %dma_start3A_191 : memref<1x32xf32, #tpu.memory_space<hbm>> -> memref<32xf32, #tpu.memory_space<hbm>>
      tpu.enqueue_dma source(%dma_start3A_192 : memref<32xf32, #tpu.memory_space<hbm>>) target(%dma_start3A_189 : memref<32xf32, #tpu.memory_space<vmem>>) target_semaphore(%arg12 : memref<!tpu.dma_semaphore, #tpu.memory_space<semaphore_mem>>)
      %slice3A_193 = vector.extract_strided_slice %get3A_49 {offsets = [4], sizes = [1], strides = [1]} : vector<16xi32> to vector<1xi32>
      %squeeze3A_194 = vector.extract %slice3A_193[0] : i32 from vector<1xi32>
      %dma_start3A_195 = arith.constant 0 : i32
      %dma_start3A_196 = tpu.memref_slice %arg10[%add3A_178, %dma_start3A_195] : memref<256x128xf32, #tpu.memory_space<vmem>> -> memref<1x33xf32, #tpu.memory_space<vmem>>
      %dma_start3A_197 = tpu.memref_squeeze %dma_start3A_196 : memref<1x33xf32, #tpu.memory_space<vmem>> -> memref<33xf32, #tpu.memory_space<vmem>>
      %dma_start3A_198 = arith.constant 0 : i32
      %dma_start3A_199 = tpu.memref_slice %arg5[%squeeze3A_194, %dma_start3A_198] : memref<1000000x33xf32, #tpu.memory_space<hbm>> -> memref<1x33xf32, #tpu.memory_space<hbm>>
      %dma_start3A_200 = tpu.memref_squeeze %dma_start3A_199 : memref<1x33xf32, #tpu.memory_space<hbm>> -> memref<33xf32, #tpu.memory_space<hbm>>
      %dma_start3A_201 = arith.constant 0 : i32
      %dma_start3A_202 = tpu.memref_slice %arg10[%add3A_178, %dma_start3A_201] : memref<256x128xf32, #tpu.memory_space<vmem>> -> memref<1x33xf32, #tpu.memory_space<vmem>>
      %dma_start3A_203 = tpu.memref_squeeze %dma_start3A_202 : memref<1x33xf32, #tpu.memory_space<vmem>> -> memref<33xf32, #tpu.memory_space<vmem>>
      %dma_start3A_204 = arith.constant 0 : i32
      %dma_start3A_205 = tpu.memref_slice %arg5[%squeeze3A_194, %dma_start3A_204] : memref<1000000x33xf32, #tpu.memory_space<hbm>> -> memref<1x33xf32, #tpu.memory_space<hbm>>
      %dma_start3A_206 = tpu.memref_squeeze %dma_start3A_205 : memref<1x33xf32, #tpu.memory_space<hbm>> -> memref<33xf32, #tpu.memory_space<hbm>>
      tpu.enqueue_dma source(%dma_start3A_206 : memref<33xf32, #tpu.memory_space<hbm>>) target(%dma_start3A_203 : memref<33xf32, #tpu.memory_space<vmem>>) target_semaphore(%arg13 : memref<!tpu.dma_semaphore, #tpu.memory_space<semaphore_mem>>)
      %mul3A_207 = arith.constant 16 : i32
      %mul3A_208 = arith.muli %scan3A_38, %mul3A_207 : i32
      %add3A_209 = arith.constant 5 : i32
      %add3A_210 = arith.addi %mul3A_208, %add3A_209 : i32
      %slice3A_211 = vector.extract_strided_slice %get3A_43 {offsets = [5], sizes = [1], strides = [1]} : vector<16xi32> to vector<1xi32>
      %squeeze3A_212 = vector.extract %slice3A_211[0] : i32 from vector<1xi32>
      %dma_start3A_213 = arith.constant 0 : i32
      %dma_start3A_214 = tpu.memref_slice %arg9[%add3A_210, %dma_start3A_213] : memref<256x128xf32, #tpu.memory_space<vmem>> -> memref<1x32xf32, #tpu.memory_space<vmem>>
      %dma_start3A_215 = tpu.memref_squeeze %dma_start3A_214 : memref<1x32xf32, #tpu.memory_space<vmem>> -> memref<32xf32, #tpu.memory_space<vmem>>
      %dma_start3A_216 = arith.constant 0 : i32
      %dma_start3A_217 = tpu.memref_slice %arg4[%squeeze3A_212, %dma_start3A_216] : memref<1000000x32xf32, #tpu.memory_space<hbm>> -> memref<1x32xf32, #tpu.memory_space<hbm>>
      %dma_start3A_218 = tpu.memref_squeeze %dma_start3A_217 : memref<1x32xf32, #tpu.memory_space<hbm>> -> memref<32xf32, #tpu.memory_space<hbm>>
      %dma_start3A_219 = arith.constant 0 : i32
      %dma_start3A_220 = tpu.memref_slice %arg9[%add3A_210, %dma_start3A_219] : memref<256x128xf32, #tpu.memory_space<vmem>> -> memref<1x32xf32, #tpu.memory_space<vmem>>
      %dma_start3A_221 = tpu.memref_squeeze %dma_start3A_220 : memref<1x32xf32, #tpu.memory_space<vmem>> -> memref<32xf32, #tpu.memory_space<vmem>>
      %dma_start3A_222 = arith.constant 0 : i32
      %dma_start3A_223 = tpu.memref_slice %arg4[%squeeze3A_212, %dma_start3A_222] : memref<1000000x32xf32, #tpu.memory_space<hbm>> -> memref<1x32xf32, #tpu.memory_space<hbm>>
      %dma_start3A_224 = tpu.memref_squeeze %dma_start3A_223 : memref<1x32xf32, #tpu.memory_space<hbm>> -> memref<32xf32, #tpu.memory_space<hbm>>
      tpu.enqueue_dma source(%dma_start3A_224 : memref<32xf32, #tpu.memory_space<hbm>>) target(%dma_start3A_221 : memref<32xf32, #tpu.memory_space<vmem>>) target_semaphore(%arg12 : memref<!tpu.dma_semaphore, #tpu.memory_space<semaphore_mem>>)
      %slice3A_225 = vector.extract_strided_slice %get3A_49 {offsets = [5], sizes = [1], strides = [1]} : vector<16xi32> to vector<1xi32>
      %squeeze3A_226 = vector.extract %slice3A_225[0] : i32 from vector<1xi32>
      %dma_start3A_227 = arith.constant 0 : i32
      %dma_start3A_228 = tpu.memref_slice %arg10[%add3A_210, %dma_start3A_227] : memref<256x128xf32, #tpu.memory_space<vmem>> -> memref<1x33xf32, #tpu.memory_space<vmem>>
      %dma_start3A_229 = tpu.memref_squeeze %dma_start3A_228 : memref<1x33xf32, #tpu.memory_space<vmem>> -> memref<33xf32, #tpu.memory_space<vmem>>
      %dma_start3A_230 = arith.constant 0 : i32
      %dma_start3A_231 = tpu.memref_slice %arg5[%squeeze3A_226, %dma_start3A_230] : memref<1000000x33xf32, #tpu.memory_space<hbm>> -> memref<1x33xf32, #tpu.memory_space<hbm>>
      %dma_start3A_232 = tpu.memref_squeeze %dma_start3A_231 : memref<1x33xf32, #tpu.memory_space<hbm>> -> memref<33xf32, #tpu.memory_space<hbm>>
      %dma_start3A_233 = arith.constant 0 : i32
      %dma_start3A_234 = tpu.memref_slice %arg10[%add3A_210, %dma_start3A_233] : memref<256x128xf32, #tpu.memory_space<vmem>> -> memref<1x33xf32, #tpu.memory_space<vmem>>
      %dma_start3A_235 = tpu.memref_squeeze %dma_start3A_234 : memref<1x33xf32, #tpu.memory_space<vmem>> -> memref<33xf32, #tpu.memory_space<vmem>>
      %dma_start3A_236 = arith.constant 0 : i32
      %dma_start3A_237 = tpu.memref_slice %arg5[%squeeze3A_226, %dma_start3A_236] : memref<1000000x33xf32, #tpu.memory_space<hbm>> -> memref<1x33xf32, #tpu.memory_space<hbm>>
      %dma_start3A_238 = tpu.memref_squeeze %dma_start3A_237 : memref<1x33xf32, #tpu.memory_space<hbm>> -> memref<33xf32, #tpu.memory_space<hbm>>
      tpu.enqueue_dma source(%dma_start3A_238 : memref<33xf32, #tpu.memory_space<hbm>>) target(%dma_start3A_235 : memref<33xf32, #tpu.memory_space<vmem>>) target_semaphore(%arg13 : memref<!tpu.dma_semaphore, #tpu.memory_space<semaphore_mem>>)
      %mul3A_239 = arith.constant 16 : i32
      %mul3A_240 = arith.muli %scan3A_38, %mul3A_239 : i32
      %add3A_241 = arith.constant 6 : i32
      %add3A_242 = arith.addi %mul3A_240, %add3A_241 : i32
      %slice3A_243 = vector.extract_strided_slice %get3A_43 {offsets = [6], sizes = [1], strides = [1]} : vector<16xi32> to vector<1xi32>
      %squeeze3A_244 = vector.extract %slice3A_243[0] : i32 from vector<1xi32>
      %dma_start3A_245 = arith.constant 0 : i32
      %dma_start3A_246 = tpu.memref_slice %arg9[%add3A_242, %dma_start3A_245] : memref<256x128xf32, #tpu.memory_space<vmem>> -> memref<1x32xf32, #tpu.memory_space<vmem>>
      %dma_start3A_247 = tpu.memref_squeeze %dma_start3A_246 : memref<1x32xf32, #tpu.memory_space<vmem>> -> memref<32xf32, #tpu.memory_space<vmem>>
      %dma_start3A_248 = arith.constant 0 : i32
      %dma_start3A_249 = tpu.memref_slice %arg4[%squeeze3A_244, %dma_start3A_248] : memref<1000000x32xf32, #tpu.memory_space<hbm>> -> memref<1x32xf32, #tpu.memory_space<hbm>>
      %dma_start3A_250 = tpu.memref_squeeze %dma_start3A_249 : memref<1x32xf32, #tpu.memory_space<hbm>> -> memref<32xf32, #tpu.memory_space<hbm>>
      %dma_start3A_251 = arith.constant 0 : i32
      %dma_start3A_252 = tpu.memref_slice %arg9[%add3A_242, %dma_start3A_251] : memref<256x128xf32, #tpu.memory_space<vmem>> -> memref<1x32xf32, #tpu.memory_space<vmem>>
      %dma_start3A_253 = tpu.memref_squeeze %dma_start3A_252 : memref<1x32xf32, #tpu.memory_space<vmem>> -> memref<32xf32, #tpu.memory_space<vmem>>
      %dma_start3A_254 = arith.constant 0 : i32
      %dma_start3A_255 = tpu.memref_slice %arg4[%squeeze3A_244, %dma_start3A_254] : memref<1000000x32xf32, #tpu.memory_space<hbm>> -> memref<1x32xf32, #tpu.memory_space<hbm>>
      %dma_start3A_256 = tpu.memref_squeeze %dma_start3A_255 : memref<1x32xf32, #tpu.memory_space<hbm>> -> memref<32xf32, #tpu.memory_space<hbm>>
      tpu.enqueue_dma source(%dma_start3A_256 : memref<32xf32, #tpu.memory_space<hbm>>) target(%dma_start3A_253 : memref<32xf32, #tpu.memory_space<vmem>>) target_semaphore(%arg12 : memref<!tpu.dma_semaphore, #tpu.memory_space<semaphore_mem>>)
      %slice3A_257 = vector.extract_strided_slice %get3A_49 {offsets = [6], sizes = [1], strides = [1]} : vector<16xi32> to vector<1xi32>
      %squeeze3A_258 = vector.extract %slice3A_257[0] : i32 from vector<1xi32>
      %dma_start3A_259 = arith.constant 0 : i32
      %dma_start3A_260 = tpu.memref_slice %arg10[%add3A_242, %dma_start3A_259] : memref<256x128xf32, #tpu.memory_space<vmem>> -> memref<1x33xf32, #tpu.memory_space<vmem>>
      %dma_start3A_261 = tpu.memref_squeeze %dma_start3A_260 : memref<1x33xf32, #tpu.memory_space<vmem>> -> memref<33xf32, #tpu.memory_space<vmem>>
      %dma_start3A_262 = arith.constant 0 : i32
      %dma_start3A_263 = tpu.memref_slice %arg5[%squeeze3A_258, %dma_start3A_262] : memref<1000000x33xf32, #tpu.memory_space<hbm>> -> memref<1x33xf32, #tpu.memory_space<hbm>>
      %dma_start3A_264 = tpu.memref_squeeze %dma_start3A_263 : memref<1x33xf32, #tpu.memory_space<hbm>> -> memref<33xf32, #tpu.memory_space<hbm>>
      %dma_start3A_265 = arith.constant 0 : i32
      %dma_start3A_266 = tpu.memref_slice %arg10[%add3A_242, %dma_start3A_265] : memref<256x128xf32, #tpu.memory_space<vmem>> -> memref<1x33xf32, #tpu.memory_space<vmem>>
      %dma_start3A_267 = tpu.memref_squeeze %dma_start3A_266 : memref<1x33xf32, #tpu.memory_space<vmem>> -> memref<33xf32, #tpu.memory_space<vmem>>
      %dma_start3A_268 = arith.constant 0 : i32
      %dma_start3A_269 = tpu.memref_slice %arg5[%squeeze3A_258, %dma_start3A_268] : memref<1000000x33xf32, #tpu.memory_space<hbm>> -> memref<1x33xf32, #tpu.memory_space<hbm>>
      %dma_start3A_270 = tpu.memref_squeeze %dma_start3A_269 : memref<1x33xf32, #tpu.memory_space<hbm>> -> memref<33xf32, #tpu.memory_space<hbm>>
      tpu.enqueue_dma source(%dma_start3A_270 : memref<33xf32, #tpu.memory_space<hbm>>) target(%dma_start3A_267 : memref<33xf32, #tpu.memory_space<vmem>>) target_semaphore(%arg13 : memref<!tpu.dma_semaphore, #tpu.memory_space<semaphore_mem>>)
      %mul3A_271 = arith.constant 16 : i32
      %mul3A_272 = arith.muli %scan3A_38, %mul3A_271 : i32
      %add3A_273 = arith.constant 7 : i32
      %add3A_274 = arith.addi %mul3A_272, %add3A_273 : i32
      %slice3A_275 = vector.extract_strided_slice %get3A_43 {offsets = [7], sizes = [1], strides = [1]} : vector<16xi32> to vector<1xi32>
      %squeeze3A_276 = vector.extract %slice3A_275[0] : i32 from vector<1xi32>
      %dma_start3A_277 = arith.constant 0 : i32
      %dma_start3A_278 = tpu.memref_slice %arg9[%add3A_274, %dma_start3A_277] : memref<256x128xf32, #tpu.memory_space<vmem>> -> memref<1x32xf32, #tpu.memory_space<vmem>>
      %dma_start3A_279 = tpu.memref_squeeze %dma_start3A_278 : memref<1x32xf32, #tpu.memory_space<vmem>> -> memref<32xf32, #tpu.memory_space<vmem>>
      %dma_start3A_280 = arith.constant 0 : i32
      %dma_start3A_281 = tpu.memref_slice %arg4[%squeeze3A_276, %dma_start3A_280] : memref<1000000x32xf32, #tpu.memory_space<hbm>> -> memref<1x32xf32, #tpu.memory_space<hbm>>
      %dma_start3A_282 = tpu.memref_squeeze %dma_start3A_281 : memref<1x32xf32, #tpu.memory_space<hbm>> -> memref<32xf32, #tpu.memory_space<hbm>>
      %dma_start3A_283 = arith.constant 0 : i32
      %dma_start3A_284 = tpu.memref_slice %arg9[%add3A_274, %dma_start3A_283] : memref<256x128xf32, #tpu.memory_space<vmem>> -> memref<1x32xf32, #tpu.memory_space<vmem>>
      %dma_start3A_285 = tpu.memref_squeeze %dma_start3A_284 : memref<1x32xf32, #tpu.memory_space<vmem>> -> memref<32xf32, #tpu.memory_space<vmem>>
      %dma_start3A_286 = arith.constant 0 : i32
      %dma_start3A_287 = tpu.memref_slice %arg4[%squeeze3A_276, %dma_start3A_286] : memref<1000000x32xf32, #tpu.memory_space<hbm>> -> memref<1x32xf32, #tpu.memory_space<hbm>>
      %dma_start3A_288 = tpu.memref_squeeze %dma_start3A_287 : memref<1x32xf32, #tpu.memory_space<hbm>> -> memref<32xf32, #tpu.memory_space<hbm>>
      tpu.enqueue_dma source(%dma_start3A_288 : memref<32xf32, #tpu.memory_space<hbm>>) target(%dma_start3A_285 : memref<32xf32, #tpu.memory_space<vmem>>) target_semaphore(%arg12 : memref<!tpu.dma_semaphore, #tpu.memory_space<semaphore_mem>>)
      %slice3A_289 = vector.extract_strided_slice %get3A_49 {offsets = [7], sizes = [1], strides = [1]} : vector<16xi32> to vector<1xi32>
      %squeeze3A_290 = vector.extract %slice3A_289[0] : i32 from vector<1xi32>
      %dma_start3A_291 = arith.constant 0 : i32
      %dma_start3A_292 = tpu.memref_slice %arg10[%add3A_274, %dma_start3A_291] : memref<256x128xf32, #tpu.memory_space<vmem>> -> memref<1x33xf32, #tpu.memory_space<vmem>>
      %dma_start3A_293 = tpu.memref_squeeze %dma_start3A_292 : memref<1x33xf32, #tpu.memory_space<vmem>> -> memref<33xf32, #tpu.memory_space<vmem>>
      %dma_start3A_294 = arith.constant 0 : i32
      %dma_start3A_295 = tpu.memref_slice %arg5[%squeeze3A_290, %dma_start3A_294] : memref<1000000x33xf32, #tpu.memory_space<hbm>> -> memref<1x33xf32, #tpu.memory_space<hbm>>
      %dma_start3A_296 = tpu.memref_squeeze %dma_start3A_295 : memref<1x33xf32, #tpu.memory_space<hbm>> -> memref<33xf32, #tpu.memory_space<hbm>>
      %dma_start3A_297 = arith.constant 0 : i32
      %dma_start3A_298 = tpu.memref_slice %arg10[%add3A_274, %dma_start3A_297] : memref<256x128xf32, #tpu.memory_space<vmem>> -> memref<1x33xf32, #tpu.memory_space<vmem>>
      %dma_start3A_299 = tpu.memref_squeeze %dma_start3A_298 : memref<1x33xf32, #tpu.memory_space<vmem>> -> memref<33xf32, #tpu.memory_space<vmem>>
      %dma_start3A_300 = arith.constant 0 : i32
      %dma_start3A_301 = tpu.memref_slice %arg5[%squeeze3A_290, %dma_start3A_300] : memref<1000000x33xf32, #tpu.memory_space<hbm>> -> memref<1x33xf32, #tpu.memory_space<hbm>>
      %dma_start3A_302 = tpu.memref_squeeze %dma_start3A_301 : memref<1x33xf32, #tpu.memory_space<hbm>> -> memref<33xf32, #tpu.memory_space<hbm>>
      tpu.enqueue_dma source(%dma_start3A_302 : memref<33xf32, #tpu.memory_space<hbm>>) target(%dma_start3A_299 : memref<33xf32, #tpu.memory_space<vmem>>) target_semaphore(%arg13 : memref<!tpu.dma_semaphore, #tpu.memory_space<semaphore_mem>>)
      %mul3A_303 = arith.constant 16 : i32
      %mul3A_304 = arith.muli %scan3A_38, %mul3A_303 : i32
      %add3A_305 = arith.constant 8 : i32
      %add3A_306 = arith.addi %mul3A_304, %add3A_305 : i32
      %slice3A_307 = vector.extract_strided_slice %get3A_43 {offsets = [8], sizes = [1], strides = [1]} : vector<16xi32> to vector<1xi32>
      %squeeze3A_308 = vector.extract %slice3A_307[0] : i32 from vector<1xi32>
      %dma_start3A_309 = arith.constant 0 : i32
      %dma_start3A_310 = tpu.memref_slice %arg9[%add3A_306, %dma_start3A_309] : memref<256x128xf32, #tpu.memory_space<vmem>> -> memref<1x32xf32, #tpu.memory_space<vmem>>
      %dma_start3A_311 = tpu.memref_squeeze %dma_start3A_310 : memref<1x32xf32, #tpu.memory_space<vmem>> -> memref<32xf32, #tpu.memory_space<vmem>>
      %dma_start3A_312 = arith.constant 0 : i32
      %dma_start3A_313 = tpu.memref_slice %arg4[%squeeze3A_308, %dma_start3A_312] : memref<1000000x32xf32, #tpu.memory_space<hbm>> -> memref<1x32xf32, #tpu.memory_space<hbm>>
      %dma_start3A_314 = tpu.memref_squeeze %dma_start3A_313 : memref<1x32xf32, #tpu.memory_space<hbm>> -> memref<32xf32, #tpu.memory_space<hbm>>
      %dma_start3A_315 = arith.constant 0 : i32
      %dma_start3A_316 = tpu.memref_slice %arg9[%add3A_306, %dma_start3A_315] : memref<256x128xf32, #tpu.memory_space<vmem>> -> memref<1x32xf32, #tpu.memory_space<vmem>>
      %dma_start3A_317 = tpu.memref_squeeze %dma_start3A_316 : memref<1x32xf32, #tpu.memory_space<vmem>> -> memref<32xf32, #tpu.memory_space<vmem>>
      %dma_start3A_318 = arith.constant 0 : i32
      %dma_start3A_319 = tpu.memref_slice %arg4[%squeeze3A_308, %dma_start3A_318] : memref<1000000x32xf32, #tpu.memory_space<hbm>> -> memref<1x32xf32, #tpu.memory_space<hbm>>
      %dma_start3A_320 = tpu.memref_squeeze %dma_start3A_319 : memref<1x32xf32, #tpu.memory_space<hbm>> -> memref<32xf32, #tpu.memory_space<hbm>>
      tpu.enqueue_dma source(%dma_start3A_320 : memref<32xf32, #tpu.memory_space<hbm>>) target(%dma_start3A_317 : memref<32xf32, #tpu.memory_space<vmem>>) target_semaphore(%arg12 : memref<!tpu.dma_semaphore, #tpu.memory_space<semaphore_mem>>)
      %slice3A_321 = vector.extract_strided_slice %get3A_49 {offsets = [8], sizes = [1], strides = [1]} : vector<16xi32> to vector<1xi32>
      %squeeze3A_322 = vector.extract %slice3A_321[0] : i32 from vector<1xi32>
      %dma_start3A_323 = arith.constant 0 : i32
      %dma_start3A_324 = tpu.memref_slice %arg10[%add3A_306, %dma_start3A_323] : memref<256x128xf32, #tpu.memory_space<vmem>> -> memref<1x33xf32, #tpu.memory_space<vmem>>
      %dma_start3A_325 = tpu.memref_squeeze %dma_start3A_324 : memref<1x33xf32, #tpu.memory_space<vmem>> -> memref<33xf32, #tpu.memory_space<vmem>>
      %dma_start3A_326 = arith.constant 0 : i32
      %dma_start3A_327 = tpu.memref_slice %arg5[%squeeze3A_322, %dma_start3A_326] : memref<1000000x33xf32, #tpu.memory_space<hbm>> -> memref<1x33xf32, #tpu.memory_space<hbm>>
      %dma_start3A_328 = tpu.memref_squeeze %dma_start3A_327 : memref<1x33xf32, #tpu.memory_space<hbm>> -> memref<33xf32, #tpu.memory_space<hbm>>
      %dma_start3A_329 = arith.constant 0 : i32
      %dma_start3A_330 = tpu.memref_slice %arg10[%add3A_306, %dma_start3A_329] : memref<256x128xf32, #tpu.memory_space<vmem>> -> memref<1x33xf32, #tpu.memory_space<vmem>>
      %dma_start3A_331 = tpu.memref_squeeze %dma_start3A_330 : memref<1x33xf32, #tpu.memory_space<vmem>> -> memref<33xf32, #tpu.memory_space<vmem>>
      %dma_start3A_332 = arith.constant 0 : i32
      %dma_start3A_333 = tpu.memref_slice %arg5[%squeeze3A_322, %dma_start3A_332] : memref<1000000x33xf32, #tpu.memory_space<hbm>> -> memref<1x33xf32, #tpu.memory_space<hbm>>
      %dma_start3A_334 = tpu.memref_squeeze %dma_start3A_333 : memref<1x33xf32, #tpu.memory_space<hbm>> -> memref<33xf32, #tpu.memory_space<hbm>>
      tpu.enqueue_dma source(%dma_start3A_334 : memref<33xf32, #tpu.memory_space<hbm>>) target(%dma_start3A_331 : memref<33xf32, #tpu.memory_space<vmem>>) target_semaphore(%arg13 : memref<!tpu.dma_semaphore, #tpu.memory_space<semaphore_mem>>)
      %mul3A_335 = arith.constant 16 : i32
      %mul3A_336 = arith.muli %scan3A_38, %mul3A_335 : i32
      %add3A_337 = arith.constant 9 : i32
      %add3A_338 = arith.addi %mul3A_336, %add3A_337 : i32
      %slice3A_339 = vector.extract_strided_slice %get3A_43 {offsets = [9], sizes = [1], strides = [1]} : vector<16xi32> to vector<1xi32>
      %squeeze3A_340 = vector.extract %slice3A_339[0] : i32 from vector<1xi32>
      %dma_start3A_341 = arith.constant 0 : i32
      %dma_start3A_342 = tpu.memref_slice %arg9[%add3A_338, %dma_start3A_341] : memref<256x128xf32, #tpu.memory_space<vmem>> -> memref<1x32xf32, #tpu.memory_space<vmem>>
      %dma_start3A_343 = tpu.memref_squeeze %dma_start3A_342 : memref<1x32xf32, #tpu.memory_space<vmem>> -> memref<32xf32, #tpu.memory_space<vmem>>
      %dma_start3A_344 = arith.constant 0 : i32
      %dma_start3A_345 = tpu.memref_slice %arg4[%squeeze3A_340, %dma_start3A_344] : memref<1000000x32xf32, #tpu.memory_space<hbm>> -> memref<1x32xf32, #tpu.memory_space<hbm>>
      %dma_start3A_346 = tpu.memref_squeeze %dma_start3A_345 : memref<1x32xf32, #tpu.memory_space<hbm>> -> memref<32xf32, #tpu.memory_space<hbm>>
      %dma_start3A_347 = arith.constant 0 : i32
      %dma_start3A_348 = tpu.memref_slice %arg9[%add3A_338, %dma_start3A_347] : memref<256x128xf32, #tpu.memory_space<vmem>> -> memref<1x32xf32, #tpu.memory_space<vmem>>
      %dma_start3A_349 = tpu.memref_squeeze %dma_start3A_348 : memref<1x32xf32, #tpu.memory_space<vmem>> -> memref<32xf32, #tpu.memory_space<vmem>>
      %dma_start3A_350 = arith.constant 0 : i32
      %dma_start3A_351 = tpu.memref_slice %arg4[%squeeze3A_340, %dma_start3A_350] : memref<1000000x32xf32, #tpu.memory_space<hbm>> -> memref<1x32xf32, #tpu.memory_space<hbm>>
      %dma_start3A_352 = tpu.memref_squeeze %dma_start3A_351 : memref<1x32xf32, #tpu.memory_space<hbm>> -> memref<32xf32, #tpu.memory_space<hbm>>
      tpu.enqueue_dma source(%dma_start3A_352 : memref<32xf32, #tpu.memory_space<hbm>>) target(%dma_start3A_349 : memref<32xf32, #tpu.memory_space<vmem>>) target_semaphore(%arg12 : memref<!tpu.dma_semaphore, #tpu.memory_space<semaphore_mem>>)
      %slice3A_353 = vector.extract_strided_slice %get3A_49 {offsets = [9], sizes = [1], strides = [1]} : vector<16xi32> to vector<1xi32>
      %squeeze3A_354 = vector.extract %slice3A_353[0] : i32 from vector<1xi32>
      %dma_start3A_355 = arith.constant 0 : i32
      %dma_start3A_356 = tpu.memref_slice %arg10[%add3A_338, %dma_start3A_355] : memref<256x128xf32, #tpu.memory_space<vmem>> -> memref<1x33xf32, #tpu.memory_space<vmem>>
      %dma_start3A_357 = tpu.memref_squeeze %dma_start3A_356 : memref<1x33xf32, #tpu.memory_space<vmem>> -> memref<33xf32, #tpu.memory_space<vmem>>
      %dma_start3A_358 = arith.constant 0 : i32
      %dma_start3A_359 = tpu.memref_slice %arg5[%squeeze3A_354, %dma_start3A_358] : memref<1000000x33xf32, #tpu.memory_space<hbm>> -> memref<1x33xf32, #tpu.memory_space<hbm>>
      %dma_start3A_360 = tpu.memref_squeeze %dma_start3A_359 : memref<1x33xf32, #tpu.memory_space<hbm>> -> memref<33xf32, #tpu.memory_space<hbm>>
      %dma_start3A_361 = arith.constant 0 : i32
      %dma_start3A_362 = tpu.memref_slice %arg10[%add3A_338, %dma_start3A_361] : memref<256x128xf32, #tpu.memory_space<vmem>> -> memref<1x33xf32, #tpu.memory_space<vmem>>
      %dma_start3A_363 = tpu.memref_squeeze %dma_start3A_362 : memref<1x33xf32, #tpu.memory_space<vmem>> -> memref<33xf32, #tpu.memory_space<vmem>>
      %dma_start3A_364 = arith.constant 0 : i32
      %dma_start3A_365 = tpu.memref_slice %arg5[%squeeze3A_354, %dma_start3A_364] : memref<1000000x33xf32, #tpu.memory_space<hbm>> -> memref<1x33xf32, #tpu.memory_space<hbm>>
      %dma_start3A_366 = tpu.memref_squeeze %dma_start3A_365 : memref<1x33xf32, #tpu.memory_space<hbm>> -> memref<33xf32, #tpu.memory_space<hbm>>
      tpu.enqueue_dma source(%dma_start3A_366 : memref<33xf32, #tpu.memory_space<hbm>>) target(%dma_start3A_363 : memref<33xf32, #tpu.memory_space<vmem>>) target_semaphore(%arg13 : memref<!tpu.dma_semaphore, #tpu.memory_space<semaphore_mem>>)
      %mul3A_367 = arith.constant 16 : i32
      %mul3A_368 = arith.muli %scan3A_38, %mul3A_367 : i32
      %add3A_369 = arith.constant 10 : i32
      %add3A_370 = arith.addi %mul3A_368, %add3A_369 : i32
      %slice3A_371 = vector.extract_strided_slice %get3A_43 {offsets = [10], sizes = [1], strides = [1]} : vector<16xi32> to vector<1xi32>
      %squeeze3A_372 = vector.extract %slice3A_371[0] : i32 from vector<1xi32>
      %dma_start3A_373 = arith.constant 0 : i32
      %dma_start3A_374 = tpu.memref_slice %arg9[%add3A_370, %dma_start3A_373] : memref<256x128xf32, #tpu.memory_space<vmem>> -> memref<1x32xf32, #tpu.memory_space<vmem>>
      %dma_start3A_375 = tpu.memref_squeeze %dma_start3A_374 : memref<1x32xf32, #tpu.memory_space<vmem>> -> memref<32xf32, #tpu.memory_space<vmem>>
      %dma_start3A_376 = arith.constant 0 : i32
      %dma_start3A_377 = tpu.memref_slice %arg4[%squeeze3A_372, %dma_start3A_376] : memref<1000000x32xf32, #tpu.memory_space<hbm>> -> memref<1x32xf32, #tpu.memory_space<hbm>>
      %dma_start3A_378 = tpu.memref_squeeze %dma_start3A_377 : memref<1x32xf32, #tpu.memory_space<hbm>> -> memref<32xf32, #tpu.memory_space<hbm>>
      %dma_start3A_379 = arith.constant 0 : i32
      %dma_start3A_380 = tpu.memref_slice %arg9[%add3A_370, %dma_start3A_379] : memref<256x128xf32, #tpu.memory_space<vmem>> -> memref<1x32xf32, #tpu.memory_space<vmem>>
      %dma_start3A_381 = tpu.memref_squeeze %dma_start3A_380 : memref<1x32xf32, #tpu.memory_space<vmem>> -> memref<32xf32, #tpu.memory_space<vmem>>
      %dma_start3A_382 = arith.constant 0 : i32
      %dma_start3A_383 = tpu.memref_slice %arg4[%squeeze3A_372, %dma_start3A_382] : memref<1000000x32xf32, #tpu.memory_space<hbm>> -> memref<1x32xf32, #tpu.memory_space<hbm>>
      %dma_start3A_384 = tpu.memref_squeeze %dma_start3A_383 : memref<1x32xf32, #tpu.memory_space<hbm>> -> memref<32xf32, #tpu.memory_space<hbm>>
      tpu.enqueue_dma source(%dma_start3A_384 : memref<32xf32, #tpu.memory_space<hbm>>) target(%dma_start3A_381 : memref<32xf32, #tpu.memory_space<vmem>>) target_semaphore(%arg12 : memref<!tpu.dma_semaphore, #tpu.memory_space<semaphore_mem>>)
      %slice3A_385 = vector.extract_strided_slice %get3A_49 {offsets = [10], sizes = [1], strides = [1]} : vector<16xi32> to vector<1xi32>
      %squeeze3A_386 = vector.extract %slice3A_385[0] : i32 from vector<1xi32>
      %dma_start3A_387 = arith.constant 0 : i32
      %dma_start3A_388 = tpu.memref_slice %arg10[%add3A_370, %dma_start3A_387] : memref<256x128xf32, #tpu.memory_space<vmem>> -> memref<1x33xf32, #tpu.memory_space<vmem>>
      %dma_start3A_389 = tpu.memref_squeeze %dma_start3A_388 : memref<1x33xf32, #tpu.memory_space<vmem>> -> memref<33xf32, #tpu.memory_space<vmem>>
      %dma_start3A_390 = arith.constant 0 : i32
      %dma_start3A_391 = tpu.memref_slice %arg5[%squeeze3A_386, %dma_start3A_390] : memref<1000000x33xf32, #tpu.memory_space<hbm>> -> memref<1x33xf32, #tpu.memory_space<hbm>>
      %dma_start3A_392 = tpu.memref_squeeze %dma_start3A_391 : memref<1x33xf32, #tpu.memory_space<hbm>> -> memref<33xf32, #tpu.memory_space<hbm>>
      %dma_start3A_393 = arith.constant 0 : i32
      %dma_start3A_394 = tpu.memref_slice %arg10[%add3A_370, %dma_start3A_393] : memref<256x128xf32, #tpu.memory_space<vmem>> -> memref<1x33xf32, #tpu.memory_space<vmem>>
      %dma_start3A_395 = tpu.memref_squeeze %dma_start3A_394 : memref<1x33xf32, #tpu.memory_space<vmem>> -> memref<33xf32, #tpu.memory_space<vmem>>
      %dma_start3A_396 = arith.constant 0 : i32
      %dma_start3A_397 = tpu.memref_slice %arg5[%squeeze3A_386, %dma_start3A_396] : memref<1000000x33xf32, #tpu.memory_space<hbm>> -> memref<1x33xf32, #tpu.memory_space<hbm>>
      %dma_start3A_398 = tpu.memref_squeeze %dma_start3A_397 : memref<1x33xf32, #tpu.memory_space<hbm>> -> memref<33xf32, #tpu.memory_space<hbm>>
      tpu.enqueue_dma source(%dma_start3A_398 : memref<33xf32, #tpu.memory_space<hbm>>) target(%dma_start3A_395 : memref<33xf32, #tpu.memory_space<vmem>>) target_semaphore(%arg13 : memref<!tpu.dma_semaphore, #tpu.memory_space<semaphore_mem>>)
      %mul3A_399 = arith.constant 16 : i32
      %mul3A_400 = arith.muli %scan3A_38, %mul3A_399 : i32
      %add3A_401 = arith.constant 11 : i32
      %add3A_402 = arith.addi %mul3A_400, %add3A_401 : i32
      %slice3A_403 = vector.extract_strided_slice %get3A_43 {offsets = [11], sizes = [1], strides = [1]} : vector<16xi32> to vector<1xi32>
      %squeeze3A_404 = vector.extract %slice3A_403[0] : i32 from vector<1xi32>
      %dma_start3A_405 = arith.constant 0 : i32
      %dma_start3A_406 = tpu.memref_slice %arg9[%add3A_402, %dma_start3A_405] : memref<256x128xf32, #tpu.memory_space<vmem>> -> memref<1x32xf32, #tpu.memory_space<vmem>>
      %dma_start3A_407 = tpu.memref_squeeze %dma_start3A_406 : memref<1x32xf32, #tpu.memory_space<vmem>> -> memref<32xf32, #tpu.memory_space<vmem>>
      %dma_start3A_408 = arith.constant 0 : i32
      %dma_start3A_409 = tpu.memref_slice %arg4[%squeeze3A_404, %dma_start3A_408] : memref<1000000x32xf32, #tpu.memory_space<hbm>> -> memref<1x32xf32, #tpu.memory_space<hbm>>
      %dma_start3A_410 = tpu.memref_squeeze %dma_start3A_409 : memref<1x32xf32, #tpu.memory_space<hbm>> -> memref<32xf32, #tpu.memory_space<hbm>>
      %dma_start3A_411 = arith.constant 0 : i32
      %dma_start3A_412 = tpu.memref_slice %arg9[%add3A_402, %dma_start3A_411] : memref<256x128xf32, #tpu.memory_space<vmem>> -> memref<1x32xf32, #tpu.memory_space<vmem>>
      %dma_start3A_413 = tpu.memref_squeeze %dma_start3A_412 : memref<1x32xf32, #tpu.memory_space<vmem>> -> memref<32xf32, #tpu.memory_space<vmem>>
      %dma_start3A_414 = arith.constant 0 : i32
      %dma_start3A_415 = tpu.memref_slice %arg4[%squeeze3A_404, %dma_start3A_414] : memref<1000000x32xf32, #tpu.memory_space<hbm>> -> memref<1x32xf32, #tpu.memory_space<hbm>>
      %dma_start3A_416 = tpu.memref_squeeze %dma_start3A_415 : memref<1x32xf32, #tpu.memory_space<hbm>> -> memref<32xf32, #tpu.memory_space<hbm>>
      tpu.enqueue_dma source(%dma_start3A_416 : memref<32xf32, #tpu.memory_space<hbm>>) target(%dma_start3A_413 : memref<32xf32, #tpu.memory_space<vmem>>) target_semaphore(%arg12 : memref<!tpu.dma_semaphore, #tpu.memory_space<semaphore_mem>>)
      %slice3A_417 = vector.extract_strided_slice %get3A_49 {offsets = [11], sizes = [1], strides = [1]} : vector<16xi32> to vector<1xi32>
      %squeeze3A_418 = vector.extract %slice3A_417[0] : i32 from vector<1xi32>
      %dma_start3A_419 = arith.constant 0 : i32
      %dma_start3A_420 = tpu.memref_slice %arg10[%add3A_402, %dma_start3A_419] : memref<256x128xf32, #tpu.memory_space<vmem>> -> memref<1x33xf32, #tpu.memory_space<vmem>>
      %dma_start3A_421 = tpu.memref_squeeze %dma_start3A_420 : memref<1x33xf32, #tpu.memory_space<vmem>> -> memref<33xf32, #tpu.memory_space<vmem>>
      %dma_start3A_422 = arith.constant 0 : i32
      %dma_start3A_423 = tpu.memref_slice %arg5[%squeeze3A_418, %dma_start3A_422] : memref<1000000x33xf32, #tpu.memory_space<hbm>> -> memref<1x33xf32, #tpu.memory_space<hbm>>
      %dma_start3A_424 = tpu.memref_squeeze %dma_start3A_423 : memref<1x33xf32, #tpu.memory_space<hbm>> -> memref<33xf32, #tpu.memory_space<hbm>>
      %dma_start3A_425 = arith.constant 0 : i32
      %dma_start3A_426 = tpu.memref_slice %arg10[%add3A_402, %dma_start3A_425] : memref<256x128xf32, #tpu.memory_space<vmem>> -> memref<1x33xf32, #tpu.memory_space<vmem>>
      %dma_start3A_427 = tpu.memref_squeeze %dma_start3A_426 : memref<1x33xf32, #tpu.memory_space<vmem>> -> memref<33xf32, #tpu.memory_space<vmem>>
      %dma_start3A_428 = arith.constant 0 : i32
      %dma_start3A_429 = tpu.memref_slice %arg5[%squeeze3A_418, %dma_start3A_428] : memref<1000000x33xf32, #tpu.memory_space<hbm>> -> memref<1x33xf32, #tpu.memory_space<hbm>>
      %dma_start3A_430 = tpu.memref_squeeze %dma_start3A_429 : memref<1x33xf32, #tpu.memory_space<hbm>> -> memref<33xf32, #tpu.memory_space<hbm>>
      tpu.enqueue_dma source(%dma_start3A_430 : memref<33xf32, #tpu.memory_space<hbm>>) target(%dma_start3A_427 : memref<33xf32, #tpu.memory_space<vmem>>) target_semaphore(%arg13 : memref<!tpu.dma_semaphore, #tpu.memory_space<semaphore_mem>>)
      %mul3A_431 = arith.constant 16 : i32
      %mul3A_432 = arith.muli %scan3A_38, %mul3A_431 : i32
      %add3A_433 = arith.constant 12 : i32
      %add3A_434 = arith.addi %mul3A_432, %add3A_433 : i32
      %slice3A_435 = vector.extract_strided_slice %get3A_43 {offsets = [12], sizes = [1], strides = [1]} : vector<16xi32> to vector<1xi32>
      %squeeze3A_436 = vector.extract %slice3A_435[0] : i32 from vector<1xi32>
      %dma_start3A_437 = arith.constant 0 : i32
      %dma_start3A_438 = tpu.memref_slice %arg9[%add3A_434, %dma_start3A_437] : memref<256x128xf32, #tpu.memory_space<vmem>> -> memref<1x32xf32, #tpu.memory_space<vmem>>
      %dma_start3A_439 = tpu.memref_squeeze %dma_start3A_438 : memref<1x32xf32, #tpu.memory_space<vmem>> -> memref<32xf32, #tpu.memory_space<vmem>>
      %dma_start3A_440 = arith.constant 0 : i32
      %dma_start3A_441 = tpu.memref_slice %arg4[%squeeze3A_436, %dma_start3A_440] : memref<1000000x32xf32, #tpu.memory_space<hbm>> -> memref<1x32xf32, #tpu.memory_space<hbm>>
      %dma_start3A_442 = tpu.memref_squeeze %dma_start3A_441 : memref<1x32xf32, #tpu.memory_space<hbm>> -> memref<32xf32, #tpu.memory_space<hbm>>
      %dma_start3A_443 = arith.constant 0 : i32
      %dma_start3A_444 = tpu.memref_slice %arg9[%add3A_434, %dma_start3A_443] : memref<256x128xf32, #tpu.memory_space<vmem>> -> memref<1x32xf32, #tpu.memory_space<vmem>>
      %dma_start3A_445 = tpu.memref_squeeze %dma_start3A_444 : memref<1x32xf32, #tpu.memory_space<vmem>> -> memref<32xf32, #tpu.memory_space<vmem>>
      %dma_start3A_446 = arith.constant 0 : i32
      %dma_start3A_447 = tpu.memref_slice %arg4[%squeeze3A_436, %dma_start3A_446] : memref<1000000x32xf32, #tpu.memory_space<hbm>> -> memref<1x32xf32, #tpu.memory_space<hbm>>
      %dma_start3A_448 = tpu.memref_squeeze %dma_start3A_447 : memref<1x32xf32, #tpu.memory_space<hbm>> -> memref<32xf32, #tpu.memory_space<hbm>>
      tpu.enqueue_dma source(%dma_start3A_448 : memref<32xf32, #tpu.memory_space<hbm>>) target(%dma_start3A_445 : memref<32xf32, #tpu.memory_space<vmem>>) target_semaphore(%arg12 : memref<!tpu.dma_semaphore, #tpu.memory_space<semaphore_mem>>)
      %slice3A_449 = vector.extract_strided_slice %get3A_49 {offsets = [12], sizes = [1], strides = [1]} : vector<16xi32> to vector<1xi32>
      %squeeze3A_450 = vector.extract %slice3A_449[0] : i32 from vector<1xi32>
      %dma_start3A_451 = arith.constant 0 : i32
      %dma_start3A_452 = tpu.memref_slice %arg10[%add3A_434, %dma_start3A_451] : memref<256x128xf32, #tpu.memory_space<vmem>> -> memref<1x33xf32, #tpu.memory_space<vmem>>
      %dma_start3A_453 = tpu.memref_squeeze %dma_start3A_452 : memref<1x33xf32, #tpu.memory_space<vmem>> -> memref<33xf32, #tpu.memory_space<vmem>>
      %dma_start3A_454 = arith.constant 0 : i32
      %dma_start3A_455 = tpu.memref_slice %arg5[%squeeze3A_450, %dma_start3A_454] : memref<1000000x33xf32, #tpu.memory_space<hbm>> -> memref<1x33xf32, #tpu.memory_space<hbm>>
      %dma_start3A_456 = tpu.memref_squeeze %dma_start3A_455 : memref<1x33xf32, #tpu.memory_space<hbm>> -> memref<33xf32, #tpu.memory_space<hbm>>
      %dma_start3A_457 = arith.constant 0 : i32
      %dma_start3A_458 = tpu.memref_slice %arg10[%add3A_434, %dma_start3A_457] : memref<256x128xf32, #tpu.memory_space<vmem>> -> memref<1x33xf32, #tpu.memory_space<vmem>>
      %dma_start3A_459 = tpu.memref_squeeze %dma_start3A_458 : memref<1x33xf32, #tpu.memory_space<vmem>> -> memref<33xf32, #tpu.memory_space<vmem>>
      %dma_start3A_460 = arith.constant 0 : i32
      %dma_start3A_461 = tpu.memref_slice %arg5[%squeeze3A_450, %dma_start3A_460] : memref<1000000x33xf32, #tpu.memory_space<hbm>> -> memref<1x33xf32, #tpu.memory_space<hbm>>
      %dma_start3A_462 = tpu.memref_squeeze %dma_start3A_461 : memref<1x33xf32, #tpu.memory_space<hbm>> -> memref<33xf32, #tpu.memory_space<hbm>>
      tpu.enqueue_dma source(%dma_start3A_462 : memref<33xf32, #tpu.memory_space<hbm>>) target(%dma_start3A_459 : memref<33xf32, #tpu.memory_space<vmem>>) target_semaphore(%arg13 : memref<!tpu.dma_semaphore, #tpu.memory_space<semaphore_mem>>)
      %mul3A_463 = arith.constant 16 : i32
      %mul3A_464 = arith.muli %scan3A_38, %mul3A_463 : i32
      %add3A_465 = arith.constant 13 : i32
      %add3A_466 = arith.addi %mul3A_464, %add3A_465 : i32
      %slice3A_467 = vector.extract_strided_slice %get3A_43 {offsets = [13], sizes = [1], strides = [1]} : vector<16xi32> to vector<1xi32>
      %squeeze3A_468 = vector.extract %slice3A_467[0] : i32 from vector<1xi32>
      %dma_start3A_469 = arith.constant 0 : i32
      %dma_start3A_470 = tpu.memref_slice %arg9[%add3A_466, %dma_start3A_469] : memref<256x128xf32, #tpu.memory_space<vmem>> -> memref<1x32xf32, #tpu.memory_space<vmem>>
      %dma_start3A_471 = tpu.memref_squeeze %dma_start3A_470 : memref<1x32xf32, #tpu.memory_space<vmem>> -> memref<32xf32, #tpu.memory_space<vmem>>
      %dma_start3A_472 = arith.constant 0 : i32
      %dma_start3A_473 = tpu.memref_slice %arg4[%squeeze3A_468, %dma_start3A_472] : memref<1000000x32xf32, #tpu.memory_space<hbm>> -> memref<1x32xf32, #tpu.memory_space<hbm>>
      %dma_start3A_474 = tpu.memref_squeeze %dma_start3A_473 : memref<1x32xf32, #tpu.memory_space<hbm>> -> memref<32xf32, #tpu.memory_space<hbm>>
      %dma_start3A_475 = arith.constant 0 : i32
      %dma_start3A_476 = tpu.memref_slice %arg9[%add3A_466, %dma_start3A_475] : memref<256x128xf32, #tpu.memory_space<vmem>> -> memref<1x32xf32, #tpu.memory_space<vmem>>
      %dma_start3A_477 = tpu.memref_squeeze %dma_start3A_476 : memref<1x32xf32, #tpu.memory_space<vmem>> -> memref<32xf32, #tpu.memory_space<vmem>>
      %dma_start3A_478 = arith.constant 0 : i32
      %dma_start3A_479 = tpu.memref_slice %arg4[%squeeze3A_468, %dma_start3A_478] : memref<1000000x32xf32, #tpu.memory_space<hbm>> -> memref<1x32xf32, #tpu.memory_space<hbm>>
      %dma_start3A_480 = tpu.memref_squeeze %dma_start3A_479 : memref<1x32xf32, #tpu.memory_space<hbm>> -> memref<32xf32, #tpu.memory_space<hbm>>
      tpu.enqueue_dma source(%dma_start3A_480 : memref<32xf32, #tpu.memory_space<hbm>>) target(%dma_start3A_477 : memref<32xf32, #tpu.memory_space<vmem>>) target_semaphore(%arg12 : memref<!tpu.dma_semaphore, #tpu.memory_space<semaphore_mem>>)
      %slice3A_481 = vector.extract_strided_slice %get3A_49 {offsets = [13], sizes = [1], strides = [1]} : vector<16xi32> to vector<1xi32>
      %squeeze3A_482 = vector.extract %slice3A_481[0] : i32 from vector<1xi32>
      %dma_start3A_483 = arith.constant 0 : i32
      %dma_start3A_484 = tpu.memref_slice %arg10[%add3A_466, %dma_start3A_483] : memref<256x128xf32, #tpu.memory_space<vmem>> -> memref<1x33xf32, #tpu.memory_space<vmem>>
      %dma_start3A_485 = tpu.memref_squeeze %dma_start3A_484 : memref<1x33xf32, #tpu.memory_space<vmem>> -> memref<33xf32, #tpu.memory_space<vmem>>
      %dma_start3A_486 = arith.constant 0 : i32
      %dma_start3A_487 = tpu.memref_slice %arg5[%squeeze3A_482, %dma_start3A_486] : memref<1000000x33xf32, #tpu.memory_space<hbm>> -> memref<1x33xf32, #tpu.memory_space<hbm>>
      %dma_start3A_488 = tpu.memref_squeeze %dma_start3A_487 : memref<1x33xf32, #tpu.memory_space<hbm>> -> memref<33xf32, #tpu.memory_space<hbm>>
      %dma_start3A_489 = arith.constant 0 : i32
      %dma_start3A_490 = tpu.memref_slice %arg10[%add3A_466, %dma_start3A_489] : memref<256x128xf32, #tpu.memory_space<vmem>> -> memref<1x33xf32, #tpu.memory_space<vmem>>
      %dma_start3A_491 = tpu.memref_squeeze %dma_start3A_490 : memref<1x33xf32, #tpu.memory_space<vmem>> -> memref<33xf32, #tpu.memory_space<vmem>>
      %dma_start3A_492 = arith.constant 0 : i32
      %dma_start3A_493 = tpu.memref_slice %arg5[%squeeze3A_482, %dma_start3A_492] : memref<1000000x33xf32, #tpu.memory_space<hbm>> -> memref<1x33xf32, #tpu.memory_space<hbm>>
      %dma_start3A_494 = tpu.memref_squeeze %dma_start3A_493 : memref<1x33xf32, #tpu.memory_space<hbm>> -> memref<33xf32, #tpu.memory_space<hbm>>
      tpu.enqueue_dma source(%dma_start3A_494 : memref<33xf32, #tpu.memory_space<hbm>>) target(%dma_start3A_491 : memref<33xf32, #tpu.memory_space<vmem>>) target_semaphore(%arg13 : memref<!tpu.dma_semaphore, #tpu.memory_space<semaphore_mem>>)
      %mul3A_495 = arith.constant 16 : i32
      %mul3A_496 = arith.muli %scan3A_38, %mul3A_495 : i32
      %add3A_497 = arith.constant 14 : i32
      %add3A_498 = arith.addi %mul3A_496, %add3A_497 : i32
      %slice3A_499 = vector.extract_strided_slice %get3A_43 {offsets = [14], sizes = [1], strides = [1]} : vector<16xi32> to vector<1xi32>
      %squeeze3A_500 = vector.extract %slice3A_499[0] : i32 from vector<1xi32>
      %dma_start3A_501 = arith.constant 0 : i32
      %dma_start3A_502 = tpu.memref_slice %arg9[%add3A_498, %dma_start3A_501] : memref<256x128xf32, #tpu.memory_space<vmem>> -> memref<1x32xf32, #tpu.memory_space<vmem>>
      %dma_start3A_503 = tpu.memref_squeeze %dma_start3A_502 : memref<1x32xf32, #tpu.memory_space<vmem>> -> memref<32xf32, #tpu.memory_space<vmem>>
      %dma_start3A_504 = arith.constant 0 : i32
      %dma_start3A_505 = tpu.memref_slice %arg4[%squeeze3A_500, %dma_start3A_504] : memref<1000000x32xf32, #tpu.memory_space<hbm>> -> memref<1x32xf32, #tpu.memory_space<hbm>>
      %dma_start3A_506 = tpu.memref_squeeze %dma_start3A_505 : memref<1x32xf32, #tpu.memory_space<hbm>> -> memref<32xf32, #tpu.memory_space<hbm>>
      %dma_start3A_507 = arith.constant 0 : i32
      %dma_start3A_508 = tpu.memref_slice %arg9[%add3A_498, %dma_start3A_507] : memref<256x128xf32, #tpu.memory_space<vmem>> -> memref<1x32xf32, #tpu.memory_space<vmem>>
      %dma_start3A_509 = tpu.memref_squeeze %dma_start3A_508 : memref<1x32xf32, #tpu.memory_space<vmem>> -> memref<32xf32, #tpu.memory_space<vmem>>
      %dma_start3A_510 = arith.constant 0 : i32
      %dma_start3A_511 = tpu.memref_slice %arg4[%squeeze3A_500, %dma_start3A_510] : memref<1000000x32xf32, #tpu.memory_space<hbm>> -> memref<1x32xf32, #tpu.memory_space<hbm>>
      %dma_start3A_512 = tpu.memref_squeeze %dma_start3A_511 : memref<1x32xf32, #tpu.memory_space<hbm>> -> memref<32xf32, #tpu.memory_space<hbm>>
      tpu.enqueue_dma source(%dma_start3A_512 : memref<32xf32, #tpu.memory_space<hbm>>) target(%dma_start3A_509 : memref<32xf32, #tpu.memory_space<vmem>>) target_semaphore(%arg12 : memref<!tpu.dma_semaphore, #tpu.memory_space<semaphore_mem>>)
      %slice3A_513 = vector.extract_strided_slice %get3A_49 {offsets = [14], sizes = [1], strides = [1]} : vector<16xi32> to vector<1xi32>
      %squeeze3A_514 = vector.extract %slice3A_513[0] : i32 from vector<1xi32>
      %dma_start3A_515 = arith.constant 0 : i32
      %dma_start3A_516 = tpu.memref_slice %arg10[%add3A_498, %dma_start3A_515] : memref<256x128xf32, #tpu.memory_space<vmem>> -> memref<1x33xf32, #tpu.memory_space<vmem>>
      %dma_start3A_517 = tpu.memref_squeeze %dma_start3A_516 : memref<1x33xf32, #tpu.memory_space<vmem>> -> memref<33xf32, #tpu.memory_space<vmem>>
      %dma_start3A_518 = arith.constant 0 : i32
      %dma_start3A_519 = tpu.memref_slice %arg5[%squeeze3A_514, %dma_start3A_518] : memref<1000000x33xf32, #tpu.memory_space<hbm>> -> memref<1x33xf32, #tpu.memory_space<hbm>>
      %dma_start3A_520 = tpu.memref_squeeze %dma_start3A_519 : memref<1x33xf32, #tpu.memory_space<hbm>> -> memref<33xf32, #tpu.memory_space<hbm>>
      %dma_start3A_521 = arith.constant 0 : i32
      %dma_start3A_522 = tpu.memref_slice %arg10[%add3A_498, %dma_start3A_521] : memref<256x128xf32, #tpu.memory_space<vmem>> -> memref<1x33xf32, #tpu.memory_space<vmem>>
      %dma_start3A_523 = tpu.memref_squeeze %dma_start3A_522 : memref<1x33xf32, #tpu.memory_space<vmem>> -> memref<33xf32, #tpu.memory_space<vmem>>
      %dma_start3A_524 = arith.constant 0 : i32
      %dma_start3A_525 = tpu.memref_slice %arg5[%squeeze3A_514, %dma_start3A_524] : memref<1000000x33xf32, #tpu.memory_space<hbm>> -> memref<1x33xf32, #tpu.memory_space<hbm>>
      %dma_start3A_526 = tpu.memref_squeeze %dma_start3A_525 : memref<1x33xf32, #tpu.memory_space<hbm>> -> memref<33xf32, #tpu.memory_space<hbm>>
      tpu.enqueue_dma source(%dma_start3A_526 : memref<33xf32, #tpu.memory_space<hbm>>) target(%dma_start3A_523 : memref<33xf32, #tpu.memory_space<vmem>>) target_semaphore(%arg13 : memref<!tpu.dma_semaphore, #tpu.memory_space<semaphore_mem>>)
      %mul3A_527 = arith.constant 16 : i32
      %mul3A_528 = arith.muli %scan3A_38, %mul3A_527 : i32
      %add3A_529 = arith.constant 15 : i32
      %add3A_530 = arith.addi %mul3A_528, %add3A_529 : i32
      %slice3A_531 = vector.extract_strided_slice %get3A_43 {offsets = [15], sizes = [1], strides = [1]} : vector<16xi32> to vector<1xi32>
      %squeeze3A_532 = vector.extract %slice3A_531[0] : i32 from vector<1xi32>
      %dma_start3A_533 = arith.constant 0 : i32
      %dma_start3A_534 = tpu.memref_slice %arg9[%add3A_530, %dma_start3A_533] : memref<256x128xf32, #tpu.memory_space<vmem>> -> memref<1x32xf32, #tpu.memory_space<vmem>>
      %dma_start3A_535 = tpu.memref_squeeze %dma_start3A_534 : memref<1x32xf32, #tpu.memory_space<vmem>> -> memref<32xf32, #tpu.memory_space<vmem>>
      %dma_start3A_536 = arith.constant 0 : i32
      %dma_start3A_537 = tpu.memref_slice %arg4[%squeeze3A_532, %dma_start3A_536] : memref<1000000x32xf32, #tpu.memory_space<hbm>> -> memref<1x32xf32, #tpu.memory_space<hbm>>
      %dma_start3A_538 = tpu.memref_squeeze %dma_start3A_537 : memref<1x32xf32, #tpu.memory_space<hbm>> -> memref<32xf32, #tpu.memory_space<hbm>>
      %dma_start3A_539 = arith.constant 0 : i32
      %dma_start3A_540 = tpu.memref_slice %arg9[%add3A_530, %dma_start3A_539] : memref<256x128xf32, #tpu.memory_space<vmem>> -> memref<1x32xf32, #tpu.memory_space<vmem>>
      %dma_start3A_541 = tpu.memref_squeeze %dma_start3A_540 : memref<1x32xf32, #tpu.memory_space<vmem>> -> memref<32xf32, #tpu.memory_space<vmem>>
      %dma_start3A_542 = arith.constant 0 : i32
      %dma_start3A_543 = tpu.memref_slice %arg4[%squeeze3A_532, %dma_start3A_542] : memref<1000000x32xf32, #tpu.memory_space<hbm>> -> memref<1x32xf32, #tpu.memory_space<hbm>>
      %dma_start3A_544 = tpu.memref_squeeze %dma_start3A_543 : memref<1x32xf32, #tpu.memory_space<hbm>> -> memref<32xf32, #tpu.memory_space<hbm>>
      tpu.enqueue_dma source(%dma_start3A_544 : memref<32xf32, #tpu.memory_space<hbm>>) target(%dma_start3A_541 : memref<32xf32, #tpu.memory_space<vmem>>) target_semaphore(%arg12 : memref<!tpu.dma_semaphore, #tpu.memory_space<semaphore_mem>>)
      %slice3A_545 = vector.extract_strided_slice %get3A_49 {offsets = [15], sizes = [1], strides = [1]} : vector<16xi32> to vector<1xi32>
      %squeeze3A_546 = vector.extract %slice3A_545[0] : i32 from vector<1xi32>
      %dma_start3A_547 = arith.constant 0 : i32
      %dma_start3A_548 = tpu.memref_slice %arg10[%add3A_530, %dma_start3A_547] : memref<256x128xf32, #tpu.memory_space<vmem>> -> memref<1x33xf32, #tpu.memory_space<vmem>>
      %dma_start3A_549 = tpu.memref_squeeze %dma_start3A_548 : memref<1x33xf32, #tpu.memory_space<vmem>> -> memref<33xf32, #tpu.memory_space<vmem>>
      %dma_start3A_550 = arith.constant 0 : i32
      %dma_start3A_551 = tpu.memref_slice %arg5[%squeeze3A_546, %dma_start3A_550] : memref<1000000x33xf32, #tpu.memory_space<hbm>> -> memref<1x33xf32, #tpu.memory_space<hbm>>
      %dma_start3A_552 = tpu.memref_squeeze %dma_start3A_551 : memref<1x33xf32, #tpu.memory_space<hbm>> -> memref<33xf32, #tpu.memory_space<hbm>>
      %dma_start3A_553 = arith.constant 0 : i32
      %dma_start3A_554 = tpu.memref_slice %arg10[%add3A_530, %dma_start3A_553] : memref<256x128xf32, #tpu.memory_space<vmem>> -> memref<1x33xf32, #tpu.memory_space<vmem>>
      %dma_start3A_555 = tpu.memref_squeeze %dma_start3A_554 : memref<1x33xf32, #tpu.memory_space<vmem>> -> memref<33xf32, #tpu.memory_space<vmem>>
      %dma_start3A_556 = arith.constant 0 : i32
      %dma_start3A_557 = tpu.memref_slice %arg5[%squeeze3A_546, %dma_start3A_556] : memref<1000000x33xf32, #tpu.memory_space<hbm>> -> memref<1x33xf32, #tpu.memory_space<hbm>>
      %dma_start3A_558 = tpu.memref_squeeze %dma_start3A_557 : memref<1x33xf32, #tpu.memory_space<hbm>> -> memref<33xf32, #tpu.memory_space<hbm>>
      tpu.enqueue_dma source(%dma_start3A_558 : memref<33xf32, #tpu.memory_space<hbm>>) target(%dma_start3A_555 : memref<33xf32, #tpu.memory_space<vmem>>) target_semaphore(%arg13 : memref<!tpu.dma_semaphore, #tpu.memory_space<semaphore_mem>>)
    }
    %scan3A_25 = arith.constant 16 : i32
    %scan3A_26 = arith.constant 0 : i32
    %scan3A_27 = arith.constant 0 : i32
    %scan3A_28 = arith.constant 256 : i32
    %scan3A_29 = arith.addi %scan3A_27, %scan3A_28 : i32
    %scan3A_30 = arith.constant 1 : i32
    scf.for %scan3A_38 = %scan3A_27 to %scan3A_29 step %scan3A_30  : i32 {
      %dma_wait3A = arith.constant 0 : i32
      %dma_wait3A_39 = arith.constant 0 : i32
      %dma_wait3A_40 = arith.constant 0 : i32
      %dma_wait3A_41 = tpu.memref_slice %arg9[%dma_wait3A_39, %dma_wait3A_40] : memref<256x128xf32, #tpu.memory_space<vmem>> -> memref<1x32xf32, #tpu.memory_space<vmem>>
      %dma_wait3A_42 = tpu.memref_squeeze %dma_wait3A_41 : memref<1x32xf32, #tpu.memory_space<vmem>> -> memref<32xf32, #tpu.memory_space<vmem>>
      %dma_wait3A_43 = arith.constant 0 : i32
      %dma_wait3A_44 = tpu.memref_slice %arg4[%dma_wait3A, %dma_wait3A_43] : memref<1000000x32xf32, #tpu.memory_space<hbm>> -> memref<1x32xf32, #tpu.memory_space<hbm>>
      %dma_wait3A_45 = tpu.memref_squeeze %dma_wait3A_44 : memref<1x32xf32, #tpu.memory_space<hbm>> -> memref<32xf32, #tpu.memory_space<hbm>>
      %dma_wait3A_46 = arith.constant 0 : i32
      %dma_wait3A_47 = tpu.memref_slice %arg9[%dma_wait3A_39, %dma_wait3A_46] : memref<256x128xf32, #tpu.memory_space<vmem>> -> memref<1x32xf32, #tpu.memory_space<vmem>>
      %dma_wait3A_48 = tpu.memref_squeeze %dma_wait3A_47 : memref<1x32xf32, #tpu.memory_space<vmem>> -> memref<32xf32, #tpu.memory_space<vmem>>
      %dma_wait3A_49 = arith.constant 0 : i32
      %dma_wait3A_50 = tpu.memref_slice %arg4[%dma_wait3A, %dma_wait3A_49] : memref<1000000x32xf32, #tpu.memory_space<hbm>> -> memref<1x32xf32, #tpu.memory_space<hbm>>
      %dma_wait3A_51 = tpu.memref_squeeze %dma_wait3A_50 : memref<1x32xf32, #tpu.memory_space<hbm>> -> memref<32xf32, #tpu.memory_space<hbm>>
      tpu.wait_dma2 semaphore(%arg12 : memref<!tpu.dma_semaphore, #tpu.memory_space<semaphore_mem>>) src(%dma_wait3A_51 : memref<32xf32, #tpu.memory_space<hbm>>) dst(%dma_wait3A_48 : memref<32xf32, #tpu.memory_space<vmem>>)
      %dma_wait3A_52 = arith.constant 0 : i32
      %dma_wait3A_53 = arith.constant 0 : i32
      %dma_wait3A_54 = arith.constant 0 : i32
      %dma_wait3A_55 = tpu.memref_slice %arg10[%dma_wait3A_53, %dma_wait3A_54] : memref<256x128xf32, #tpu.memory_space<vmem>> -> memref<1x33xf32, #tpu.memory_space<vmem>>
      %dma_wait3A_56 = tpu.memref_squeeze %dma_wait3A_55 : memref<1x33xf32, #tpu.memory_space<vmem>> -> memref<33xf32, #tpu.memory_space<vmem>>
      %dma_wait3A_57 = arith.constant 0 : i32
      %dma_wait3A_58 = tpu.memref_slice %arg5[%dma_wait3A_52, %dma_wait3A_57] : memref<1000000x33xf32, #tpu.memory_space<hbm>> -> memref<1x33xf32, #tpu.memory_space<hbm>>
      %dma_wait3A_59 = tpu.memref_squeeze %dma_wait3A_58 : memref<1x33xf32, #tpu.memory_space<hbm>> -> memref<33xf32, #tpu.memory_space<hbm>>
      %dma_wait3A_60 = arith.constant 0 : i32
      %dma_wait3A_61 = tpu.memref_slice %arg10[%dma_wait3A_53, %dma_wait3A_60] : memref<256x128xf32, #tpu.memory_space<vmem>> -> memref<1x33xf32, #tpu.memory_space<vmem>>
      %dma_wait3A_62 = tpu.memref_squeeze %dma_wait3A_61 : memref<1x33xf32, #tpu.memory_space<vmem>> -> memref<33xf32, #tpu.memory_space<vmem>>
      %dma_wait3A_63 = arith.constant 0 : i32
      %dma_wait3A_64 = tpu.memref_slice %arg5[%dma_wait3A_52, %dma_wait3A_63] : memref<1000000x33xf32, #tpu.memory_space<hbm>> -> memref<1x33xf32, #tpu.memory_space<hbm>>
      %dma_wait3A_65 = tpu.memref_squeeze %dma_wait3A_64 : memref<1x33xf32, #tpu.memory_space<hbm>> -> memref<33xf32, #tpu.memory_space<hbm>>
      tpu.wait_dma2 semaphore(%arg13 : memref<!tpu.dma_semaphore, #tpu.memory_space<semaphore_mem>>) src(%dma_wait3A_65 : memref<33xf32, #tpu.memory_space<hbm>>) dst(%dma_wait3A_62 : memref<33xf32, #tpu.memory_space<vmem>>)
    }
    %scan3A_31 = arith.constant 256 : i32
    %scan3A_32 = arith.constant 0 : i32
    %scan3A_33 = arith.constant 0 : i32
    %scan3A_34 = arith.constant 16 : i32
    %scan3A_35 = arith.addi %scan3A_33, %scan3A_34 : i32
    %scan3A_36 = arith.constant 1 : i32
    scf.for %scan3A_38 = %scan3A_33 to %scan3A_35 step %scan3A_36  : i32 {
      %mul3A_39 = arith.constant 16 : i32
      %mul3A_40 = arith.muli %scan3A_38, %mul3A_39 : i32
      %iota3A = tpu.iota {dimensions = array<i32: 0>} : vector<16xi32>
      %add3A_41 = vector.broadcast %mul3A_40 : i32 to vector<16xi32>
      %add3A_42 = arith.addi %add3A_41, %iota3A : vector<16xi32>
      %broadcast_in_dim3A = arith.constant 32 : i32
      %broadcast_in_dim3A_43 = vector.broadcast %broadcast_in_dim3A : i32 to vector<16xi32>
      %gather3A = tpu.vector_load_idx %arg10[%add3A_42, %broadcast_in_dim3A_43] : memref<256x128xf32, #tpu.memory_space<vmem>>[vector<16xi32>, vector<16xi32>], vector<16xf32>,
      %broadcast_in_dim3A_44 = arith.constant 0 : i32
      %broadcast_in_dim3A_45 = vector.broadcast %broadcast_in_dim3A_44 : i32 to vector<16xi32>
      %gather3A_46 = tpu.vector_load_idx %arg9[%add3A_42, %broadcast_in_dim3A_45] : memref<256x128xf32, #tpu.memory_space<vmem>>[vector<16xi32>, vector<16xi32>], vector<16xf32>,
      %gather3A_47 = tpu.vector_load_idx %arg10[%add3A_42, %broadcast_in_dim3A_45] : memref<256x128xf32, #tpu.memory_space<vmem>>[vector<16xi32>, vector<16xi32>], vector<16xf32>,
      %mul3A_48 = arith.mulf %gather3A_46, %gather3A_47 : vector<16xf32>
      %add3A_49 = arith.addf %gather3A, %mul3A_48 : vector<16xf32>
      %broadcast_in_dim3A_50 = arith.constant 1 : i32
      %broadcast_in_dim3A_51 = vector.broadcast %broadcast_in_dim3A_50 : i32 to vector<16xi32>
      %gather3A_52 = tpu.vector_load_idx %arg9[%add3A_42, %broadcast_in_dim3A_51] : memref<256x128xf32, #tpu.memory_space<vmem>>[vector<16xi32>, vector<16xi32>], vector<16xf32>,
      %gather3A_53 = tpu.vector_load_idx %arg10[%add3A_42, %broadcast_in_dim3A_51] : memref<256x128xf32, #tpu.memory_space<vmem>>[vector<16xi32>, vector<16xi32>], vector<16xf32>,
      %mul3A_54 = arith.mulf %gather3A_52, %gather3A_53 : vector<16xf32>
      %add3A_55 = arith.addf %add3A_49, %mul3A_54 : vector<16xf32>
      %broadcast_in_dim3A_56 = arith.constant 2 : i32
      %broadcast_in_dim3A_57 = vector.broadcast %broadcast_in_dim3A_56 : i32 to vector<16xi32>
      %gather3A_58 = tpu.vector_load_idx %arg9[%add3A_42, %broadcast_in_dim3A_57] : memref<256x128xf32, #tpu.memory_space<vmem>>[vector<16xi32>, vector<16xi32>], vector<16xf32>,
      %gather3A_59 = tpu.vector_load_idx %arg10[%add3A_42, %broadcast_in_dim3A_57] : memref<256x128xf32, #tpu.memory_space<vmem>>[vector<16xi32>, vector<16xi32>], vector<16xf32>,
      %mul3A_60 = arith.mulf %gather3A_58, %gather3A_59 : vector<16xf32>
      %add3A_61 = arith.addf %add3A_55, %mul3A_60 : vector<16xf32>
      %broadcast_in_dim3A_62 = arith.constant 3 : i32
      %broadcast_in_dim3A_63 = vector.broadcast %broadcast_in_dim3A_62 : i32 to vector<16xi32>
      %gather3A_64 = tpu.vector_load_idx %arg9[%add3A_42, %broadcast_in_dim3A_63] : memref<256x128xf32, #tpu.memory_space<vmem>>[vector<16xi32>, vector<16xi32>], vector<16xf32>,
      %gather3A_65 = tpu.vector_load_idx %arg10[%add3A_42, %broadcast_in_dim3A_63] : memref<256x128xf32, #tpu.memory_space<vmem>>[vector<16xi32>, vector<16xi32>], vector<16xf32>,
      %mul3A_66 = arith.mulf %gather3A_64, %gather3A_65 : vector<16xf32>
      %add3A_67 = arith.addf %add3A_61, %mul3A_66 : vector<16xf32>
      %broadcast_in_dim3A_68 = arith.constant 4 : i32
      %broadcast_in_dim3A_69 = vector.broadcast %broadcast_in_dim3A_68 : i32 to vector<16xi32>
      %gather3A_70 = tpu.vector_load_idx %arg9[%add3A_42, %broadcast_in_dim3A_69] : memref<256x128xf32, #tpu.memory_space<vmem>>[vector<16xi32>, vector<16xi32>], vector<16xf32>,
      %gather3A_71 = tpu.vector_load_idx %arg10[%add3A_42, %broadcast_in_dim3A_69] : memref<256x128xf32, #tpu.memory_space<vmem>>[vector<16xi32>, vector<16xi32>], vector<16xf32>,
      %mul3A_72 = arith.mulf %gather3A_70, %gather3A_71 : vector<16xf32>
      %add3A_73 = arith.addf %add3A_67, %mul3A_72 : vector<16xf32>
      %broadcast_in_dim3A_74 = arith.constant 5 : i32
      %broadcast_in_dim3A_75 = vector.broadcast %broadcast_in_dim3A_74 : i32 to vector<16xi32>
      %gather3A_76 = tpu.vector_load_idx %arg9[%add3A_42, %broadcast_in_dim3A_75] : memref<256x128xf32, #tpu.memory_space<vmem>>[vector<16xi32>, vector<16xi32>], vector<16xf32>,
      %gather3A_77 = tpu.vector_load_idx %arg10[%add3A_42, %broadcast_in_dim3A_75] : memref<256x128xf32, #tpu.memory_space<vmem>>[vector<16xi32>, vector<16xi32>], vector<16xf32>,
      %mul3A_78 = arith.mulf %gather3A_76, %gather3A_77 : vector<16xf32>
      %add3A_79 = arith.addf %add3A_73, %mul3A_78 : vector<16xf32>
      %broadcast_in_dim3A_80 = arith.constant 6 : i32
      %broadcast_in_dim3A_81 = vector.broadcast %broadcast_in_dim3A_80 : i32 to vector<16xi32>
      %gather3A_82 = tpu.vector_load_idx %arg9[%add3A_42, %broadcast_in_dim3A_81] : memref<256x128xf32, #tpu.memory_space<vmem>>[vector<16xi32>, vector<16xi32>], vector<16xf32>,
      %gather3A_83 = tpu.vector_load_idx %arg10[%add3A_42, %broadcast_in_dim3A_81] : memref<256x128xf32, #tpu.memory_space<vmem>>[vector<16xi32>, vector<16xi32>], vector<16xf32>,
      %mul3A_84 = arith.mulf %gather3A_82, %gather3A_83 : vector<16xf32>
      %add3A_85 = arith.addf %add3A_79, %mul3A_84 : vector<16xf32>
      %broadcast_in_dim3A_86 = arith.constant 7 : i32
      %broadcast_in_dim3A_87 = vector.broadcast %broadcast_in_dim3A_86 : i32 to vector<16xi32>
      %gather3A_88 = tpu.vector_load_idx %arg9[%add3A_42, %broadcast_in_dim3A_87] : memref<256x128xf32, #tpu.memory_space<vmem>>[vector<16xi32>, vector<16xi32>], vector<16xf32>,
      %gather3A_89 = tpu.vector_load_idx %arg10[%add3A_42, %broadcast_in_dim3A_87] : memref<256x128xf32, #tpu.memory_space<vmem>>[vector<16xi32>, vector<16xi32>], vector<16xf32>,
      %mul3A_90 = arith.mulf %gather3A_88, %gather3A_89 : vector<16xf32>
      %add3A_91 = arith.addf %add3A_85, %mul3A_90 : vector<16xf32>
      %broadcast_in_dim3A_92 = arith.constant 8 : i32
      %broadcast_in_dim3A_93 = vector.broadcast %broadcast_in_dim3A_92 : i32 to vector<16xi32>
      %gather3A_94 = tpu.vector_load_idx %arg9[%add3A_42, %broadcast_in_dim3A_93] : memref<256x128xf32, #tpu.memory_space<vmem>>[vector<16xi32>, vector<16xi32>], vector<16xf32>,
      %gather3A_95 = tpu.vector_load_idx %arg10[%add3A_42, %broadcast_in_dim3A_93] : memref<256x128xf32, #tpu.memory_space<vmem>>[vector<16xi32>, vector<16xi32>], vector<16xf32>,
      %mul3A_96 = arith.mulf %gather3A_94, %gather3A_95 : vector<16xf32>
      %add3A_97 = arith.addf %add3A_91, %mul3A_96 : vector<16xf32>
      %broadcast_in_dim3A_98 = arith.constant 9 : i32
      %broadcast_in_dim3A_99 = vector.broadcast %broadcast_in_dim3A_98 : i32 to vector<16xi32>
      %gather3A_100 = tpu.vector_load_idx %arg9[%add3A_42, %broadcast_in_dim3A_99] : memref<256x128xf32, #tpu.memory_space<vmem>>[vector<16xi32>, vector<16xi32>], vector<16xf32>,
      %gather3A_101 = tpu.vector_load_idx %arg10[%add3A_42, %broadcast_in_dim3A_99] : memref<256x128xf32, #tpu.memory_space<vmem>>[vector<16xi32>, vector<16xi32>], vector<16xf32>,
      %mul3A_102 = arith.mulf %gather3A_100, %gather3A_101 : vector<16xf32>
      %add3A_103 = arith.addf %add3A_97, %mul3A_102 : vector<16xf32>
      %broadcast_in_dim3A_104 = arith.constant 10 : i32
      %broadcast_in_dim3A_105 = vector.broadcast %broadcast_in_dim3A_104 : i32 to vector<16xi32>
      %gather3A_106 = tpu.vector_load_idx %arg9[%add3A_42, %broadcast_in_dim3A_105] : memref<256x128xf32, #tpu.memory_space<vmem>>[vector<16xi32>, vector<16xi32>], vector<16xf32>,
      %gather3A_107 = tpu.vector_load_idx %arg10[%add3A_42, %broadcast_in_dim3A_105] : memref<256x128xf32, #tpu.memory_space<vmem>>[vector<16xi32>, vector<16xi32>], vector<16xf32>,
      %mul3A_108 = arith.mulf %gather3A_106, %gather3A_107 : vector<16xf32>
      %add3A_109 = arith.addf %add3A_103, %mul3A_108 : vector<16xf32>
      %broadcast_in_dim3A_110 = arith.constant 11 : i32
      %broadcast_in_dim3A_111 = vector.broadcast %broadcast_in_dim3A_110 : i32 to vector<16xi32>
      %gather3A_112 = tpu.vector_load_idx %arg9[%add3A_42, %broadcast_in_dim3A_111] : memref<256x128xf32, #tpu.memory_space<vmem>>[vector<16xi32>, vector<16xi32>], vector<16xf32>,
      %gather3A_113 = tpu.vector_load_idx %arg10[%add3A_42, %broadcast_in_dim3A_111] : memref<256x128xf32, #tpu.memory_space<vmem>>[vector<16xi32>, vector<16xi32>], vector<16xf32>,
      %mul3A_114 = arith.mulf %gather3A_112, %gather3A_113 : vector<16xf32>
      %add3A_115 = arith.addf %add3A_109, %mul3A_114 : vector<16xf32>
      %broadcast_in_dim3A_116 = arith.constant 12 : i32
      %broadcast_in_dim3A_117 = vector.broadcast %broadcast_in_dim3A_116 : i32 to vector<16xi32>
      %gather3A_118 = tpu.vector_load_idx %arg9[%add3A_42, %broadcast_in_dim3A_117] : memref<256x128xf32, #tpu.memory_space<vmem>>[vector<16xi32>, vector<16xi32>], vector<16xf32>,
      %gather3A_119 = tpu.vector_load_idx %arg10[%add3A_42, %broadcast_in_dim3A_117] : memref<256x128xf32, #tpu.memory_space<vmem>>[vector<16xi32>, vector<16xi32>], vector<16xf32>,
      %mul3A_120 = arith.mulf %gather3A_118, %gather3A_119 : vector<16xf32>
      %add3A_121 = arith.addf %add3A_115, %mul3A_120 : vector<16xf32>
      %broadcast_in_dim3A_122 = arith.constant 13 : i32
      %broadcast_in_dim3A_123 = vector.broadcast %broadcast_in_dim3A_122 : i32 to vector<16xi32>
      %gather3A_124 = tpu.vector_load_idx %arg9[%add3A_42, %broadcast_in_dim3A_123] : memref<256x128xf32, #tpu.memory_space<vmem>>[vector<16xi32>, vector<16xi32>], vector<16xf32>,
      %gather3A_125 = tpu.vector_load_idx %arg10[%add3A_42, %broadcast_in_dim3A_123] : memref<256x128xf32, #tpu.memory_space<vmem>>[vector<16xi32>, vector<16xi32>], vector<16xf32>,
      %mul3A_126 = arith.mulf %gather3A_124, %gather3A_125 : vector<16xf32>
      %add3A_127 = arith.addf %add3A_121, %mul3A_126 : vector<16xf32>
      %broadcast_in_dim3A_128 = arith.constant 14 : i32
      %broadcast_in_dim3A_129 = vector.broadcast %broadcast_in_dim3A_128 : i32 to vector<16xi32>
      %gather3A_130 = tpu.vector_load_idx %arg9[%add3A_42, %broadcast_in_dim3A_129] : memref<256x128xf32, #tpu.memory_space<vmem>>[vector<16xi32>, vector<16xi32>], vector<16xf32>,
      %gather3A_131 = tpu.vector_load_idx %arg10[%add3A_42, %broadcast_in_dim3A_129] : memref<256x128xf32, #tpu.memory_space<vmem>>[vector<16xi32>, vector<16xi32>], vector<16xf32>,
      %mul3A_132 = arith.mulf %gather3A_130, %gather3A_131 : vector<16xf32>
      %add3A_133 = arith.addf %add3A_127, %mul3A_132 : vector<16xf32>
      %broadcast_in_dim3A_134 = arith.constant 15 : i32
      %broadcast_in_dim3A_135 = vector.broadcast %broadcast_in_dim3A_134 : i32 to vector<16xi32>
      %gather3A_136 = tpu.vector_load_idx %arg9[%add3A_42, %broadcast_in_dim3A_135] : memref<256x128xf32, #tpu.memory_space<vmem>>[vector<16xi32>, vector<16xi32>], vector<16xf32>,
      %gather3A_137 = tpu.vector_load_idx %arg10[%add3A_42, %broadcast_in_dim3A_135] : memref<256x128xf32, #tpu.memory_space<vmem>>[vector<16xi32>, vector<16xi32>], vector<16xf32>,
      %mul3A_138 = arith.mulf %gather3A_136, %gather3A_137 : vector<16xf32>
      %add3A_139 = arith.addf %add3A_133, %mul3A_138 : vector<16xf32>
      %broadcast_in_dim3A_140 = arith.constant 16 : i32
      %broadcast_in_dim3A_141 = vector.broadcast %broadcast_in_dim3A_140 : i32 to vector<16xi32>
      %gather3A_142 = tpu.vector_load_idx %arg9[%add3A_42, %broadcast_in_dim3A_141] : memref<256x128xf32, #tpu.memory_space<vmem>>[vector<16xi32>, vector<16xi32>], vector<16xf32>,
      %gather3A_143 = tpu.vector_load_idx %arg10[%add3A_42, %broadcast_in_dim3A_141] : memref<256x128xf32, #tpu.memory_space<vmem>>[vector<16xi32>, vector<16xi32>], vector<16xf32>,
      %mul3A_144 = arith.mulf %gather3A_142, %gather3A_143 : vector<16xf32>
      %add3A_145 = arith.addf %add3A_139, %mul3A_144 : vector<16xf32>
      %broadcast_in_dim3A_146 = arith.constant 17 : i32
      %broadcast_in_dim3A_147 = vector.broadcast %broadcast_in_dim3A_146 : i32 to vector<16xi32>
      %gather3A_148 = tpu.vector_load_idx %arg9[%add3A_42, %broadcast_in_dim3A_147] : memref<256x128xf32, #tpu.memory_space<vmem>>[vector<16xi32>, vector<16xi32>], vector<16xf32>,
      %gather3A_149 = tpu.vector_load_idx %arg10[%add3A_42, %broadcast_in_dim3A_147] : memref<256x128xf32, #tpu.memory_space<vmem>>[vector<16xi32>, vector<16xi32>], vector<16xf32>,
      %mul3A_150 = arith.mulf %gather3A_148, %gather3A_149 : vector<16xf32>
      %add3A_151 = arith.addf %add3A_145, %mul3A_150 : vector<16xf32>
      %broadcast_in_dim3A_152 = arith.constant 18 : i32
      %broadcast_in_dim3A_153 = vector.broadcast %broadcast_in_dim3A_152 : i32 to vector<16xi32>
      %gather3A_154 = tpu.vector_load_idx %arg9[%add3A_42, %broadcast_in_dim3A_153] : memref<256x128xf32, #tpu.memory_space<vmem>>[vector<16xi32>, vector<16xi32>], vector<16xf32>,
      %gather3A_155 = tpu.vector_load_idx %arg10[%add3A_42, %broadcast_in_dim3A_153] : memref<256x128xf32, #tpu.memory_space<vmem>>[vector<16xi32>, vector<16xi32>], vector<16xf32>,
      %mul3A_156 = arith.mulf %gather3A_154, %gather3A_155 : vector<16xf32>
      %add3A_157 = arith.addf %add3A_151, %mul3A_156 : vector<16xf32>
      %broadcast_in_dim3A_158 = arith.constant 19 : i32
      %broadcast_in_dim3A_159 = vector.broadcast %broadcast_in_dim3A_158 : i32 to vector<16xi32>
      %gather3A_160 = tpu.vector_load_idx %arg9[%add3A_42, %broadcast_in_dim3A_159] : memref<256x128xf32, #tpu.memory_space<vmem>>[vector<16xi32>, vector<16xi32>], vector<16xf32>,
      %gather3A_161 = tpu.vector_load_idx %arg10[%add3A_42, %broadcast_in_dim3A_159] : memref<256x128xf32, #tpu.memory_space<vmem>>[vector<16xi32>, vector<16xi32>], vector<16xf32>,
      %mul3A_162 = arith.mulf %gather3A_160, %gather3A_161 : vector<16xf32>
      %add3A_163 = arith.addf %add3A_157, %mul3A_162 : vector<16xf32>
      %broadcast_in_dim3A_164 = arith.constant 20 : i32
      %broadcast_in_dim3A_165 = vector.broadcast %broadcast_in_dim3A_164 : i32 to vector<16xi32>
      %gather3A_166 = tpu.vector_load_idx %arg9[%add3A_42, %broadcast_in_dim3A_165] : memref<256x128xf32, #tpu.memory_space<vmem>>[vector<16xi32>, vector<16xi32>], vector<16xf32>,
      %gather3A_167 = tpu.vector_load_idx %arg10[%add3A_42, %broadcast_in_dim3A_165] : memref<256x128xf32, #tpu.memory_space<vmem>>[vector<16xi32>, vector<16xi32>], vector<16xf32>,
      %mul3A_168 = arith.mulf %gather3A_166, %gather3A_167 : vector<16xf32>
      %add3A_169 = arith.addf %add3A_163, %mul3A_168 : vector<16xf32>
      %broadcast_in_dim3A_170 = arith.constant 21 : i32
      %broadcast_in_dim3A_171 = vector.broadcast %broadcast_in_dim3A_170 : i32 to vector<16xi32>
      %gather3A_172 = tpu.vector_load_idx %arg9[%add3A_42, %broadcast_in_dim3A_171] : memref<256x128xf32, #tpu.memory_space<vmem>>[vector<16xi32>, vector<16xi32>], vector<16xf32>,
      %gather3A_173 = tpu.vector_load_idx %arg10[%add3A_42, %broadcast_in_dim3A_171] : memref<256x128xf32, #tpu.memory_space<vmem>>[vector<16xi32>, vector<16xi32>], vector<16xf32>,
      %mul3A_174 = arith.mulf %gather3A_172, %gather3A_173 : vector<16xf32>
      %add3A_175 = arith.addf %add3A_169, %mul3A_174 : vector<16xf32>
      %broadcast_in_dim3A_176 = arith.constant 22 : i32
      %broadcast_in_dim3A_177 = vector.broadcast %broadcast_in_dim3A_176 : i32 to vector<16xi32>
      %gather3A_178 = tpu.vector_load_idx %arg9[%add3A_42, %broadcast_in_dim3A_177] : memref<256x128xf32, #tpu.memory_space<vmem>>[vector<16xi32>, vector<16xi32>], vector<16xf32>,
      %gather3A_179 = tpu.vector_load_idx %arg10[%add3A_42, %broadcast_in_dim3A_177] : memref<256x128xf32, #tpu.memory_space<vmem>>[vector<16xi32>, vector<16xi32>], vector<16xf32>,
      %mul3A_180 = arith.mulf %gather3A_178, %gather3A_179 : vector<16xf32>
      %add3A_181 = arith.addf %add3A_175, %mul3A_180 : vector<16xf32>
      %broadcast_in_dim3A_182 = arith.constant 23 : i32
      %broadcast_in_dim3A_183 = vector.broadcast %broadcast_in_dim3A_182 : i32 to vector<16xi32>
      %gather3A_184 = tpu.vector_load_idx %arg9[%add3A_42, %broadcast_in_dim3A_183] : memref<256x128xf32, #tpu.memory_space<vmem>>[vector<16xi32>, vector<16xi32>], vector<16xf32>,
      %gather3A_185 = tpu.vector_load_idx %arg10[%add3A_42, %broadcast_in_dim3A_183] : memref<256x128xf32, #tpu.memory_space<vmem>>[vector<16xi32>, vector<16xi32>], vector<16xf32>,
      %mul3A_186 = arith.mulf %gather3A_184, %gather3A_185 : vector<16xf32>
      %add3A_187 = arith.addf %add3A_181, %mul3A_186 : vector<16xf32>
      %broadcast_in_dim3A_188 = arith.constant 24 : i32
      %broadcast_in_dim3A_189 = vector.broadcast %broadcast_in_dim3A_188 : i32 to vector<16xi32>
      %gather3A_190 = tpu.vector_load_idx %arg9[%add3A_42, %broadcast_in_dim3A_189] : memref<256x128xf32, #tpu.memory_space<vmem>>[vector<16xi32>, vector<16xi32>], vector<16xf32>,
      %gather3A_191 = tpu.vector_load_idx %arg10[%add3A_42, %broadcast_in_dim3A_189] : memref<256x128xf32, #tpu.memory_space<vmem>>[vector<16xi32>, vector<16xi32>], vector<16xf32>,
      %mul3A_192 = arith.mulf %gather3A_190, %gather3A_191 : vector<16xf32>
      %add3A_193 = arith.addf %add3A_187, %mul3A_192 : vector<16xf32>
      %broadcast_in_dim3A_194 = arith.constant 25 : i32
      %broadcast_in_dim3A_195 = vector.broadcast %broadcast_in_dim3A_194 : i32 to vector<16xi32>
      %gather3A_196 = tpu.vector_load_idx %arg9[%add3A_42, %broadcast_in_dim3A_195] : memref<256x128xf32, #tpu.memory_space<vmem>>[vector<16xi32>, vector<16xi32>], vector<16xf32>,
      %gather3A_197 = tpu.vector_load_idx %arg10[%add3A_42, %broadcast_in_dim3A_195] : memref<256x128xf32, #tpu.memory_space<vmem>>[vector<16xi32>, vector<16xi32>], vector<16xf32>,
      %mul3A_198 = arith.mulf %gather3A_196, %gather3A_197 : vector<16xf32>
      %add3A_199 = arith.addf %add3A_193, %mul3A_198 : vector<16xf32>
      %broadcast_in_dim3A_200 = arith.constant 26 : i32
      %broadcast_in_dim3A_201 = vector.broadcast %broadcast_in_dim3A_200 : i32 to vector<16xi32>
      %gather3A_202 = tpu.vector_load_idx %arg9[%add3A_42, %broadcast_in_dim3A_201] : memref<256x128xf32, #tpu.memory_space<vmem>>[vector<16xi32>, vector<16xi32>], vector<16xf32>,
      %gather3A_203 = tpu.vector_load_idx %arg10[%add3A_42, %broadcast_in_dim3A_201] : memref<256x128xf32, #tpu.memory_space<vmem>>[vector<16xi32>, vector<16xi32>], vector<16xf32>,
      %mul3A_204 = arith.mulf %gather3A_202, %gather3A_203 : vector<16xf32>
      %add3A_205 = arith.addf %add3A_199, %mul3A_204 : vector<16xf32>
      %broadcast_in_dim3A_206 = arith.constant 27 : i32
      %broadcast_in_dim3A_207 = vector.broadcast %broadcast_in_dim3A_206 : i32 to vector<16xi32>
      %gather3A_208 = tpu.vector_load_idx %arg9[%add3A_42, %broadcast_in_dim3A_207] : memref<256x128xf32, #tpu.memory_space<vmem>>[vector<16xi32>, vector<16xi32>], vector<16xf32>,
      %gather3A_209 = tpu.vector_load_idx %arg10[%add3A_42, %broadcast_in_dim3A_207] : memref<256x128xf32, #tpu.memory_space<vmem>>[vector<16xi32>, vector<16xi32>], vector<16xf32>,
      %mul3A_210 = arith.mulf %gather3A_208, %gather3A_209 : vector<16xf32>
      %add3A_211 = arith.addf %add3A_205, %mul3A_210 : vector<16xf32>
      %broadcast_in_dim3A_212 = arith.constant 28 : i32
      %broadcast_in_dim3A_213 = vector.broadcast %broadcast_in_dim3A_212 : i32 to vector<16xi32>
      %gather3A_214 = tpu.vector_load_idx %arg9[%add3A_42, %broadcast_in_dim3A_213] : memref<256x128xf32, #tpu.memory_space<vmem>>[vector<16xi32>, vector<16xi32>], vector<16xf32>,
      %gather3A_215 = tpu.vector_load_idx %arg10[%add3A_42, %broadcast_in_dim3A_213] : memref<256x128xf32, #tpu.memory_space<vmem>>[vector<16xi32>, vector<16xi32>], vector<16xf32>,
      %mul3A_216 = arith.mulf %gather3A_214, %gather3A_215 : vector<16xf32>
      %add3A_217 = arith.addf %add3A_211, %mul3A_216 : vector<16xf32>
      %broadcast_in_dim3A_218 = arith.constant 29 : i32
      %broadcast_in_dim3A_219 = vector.broadcast %broadcast_in_dim3A_218 : i32 to vector<16xi32>
      %gather3A_220 = tpu.vector_load_idx %arg9[%add3A_42, %broadcast_in_dim3A_219] : memref<256x128xf32, #tpu.memory_space<vmem>>[vector<16xi32>, vector<16xi32>], vector<16xf32>,
      %gather3A_221 = tpu.vector_load_idx %arg10[%add3A_42, %broadcast_in_dim3A_219] : memref<256x128xf32, #tpu.memory_space<vmem>>[vector<16xi32>, vector<16xi32>], vector<16xf32>,
      %mul3A_222 = arith.mulf %gather3A_220, %gather3A_221 : vector<16xf32>
      %add3A_223 = arith.addf %add3A_217, %mul3A_222 : vector<16xf32>
      %broadcast_in_dim3A_224 = arith.constant 30 : i32
      %broadcast_in_dim3A_225 = vector.broadcast %broadcast_in_dim3A_224 : i32 to vector<16xi32>
      %gather3A_226 = tpu.vector_load_idx %arg9[%add3A_42, %broadcast_in_dim3A_225] : memref<256x128xf32, #tpu.memory_space<vmem>>[vector<16xi32>, vector<16xi32>], vector<16xf32>,
      %gather3A_227 = tpu.vector_load_idx %arg10[%add3A_42, %broadcast_in_dim3A_225] : memref<256x128xf32, #tpu.memory_space<vmem>>[vector<16xi32>, vector<16xi32>], vector<16xf32>,
      %mul3A_228 = arith.mulf %gather3A_226, %gather3A_227 : vector<16xf32>
      %add3A_229 = arith.addf %add3A_223, %mul3A_228 : vector<16xf32>
      %broadcast_in_dim3A_230 = arith.constant 31 : i32
      %broadcast_in_dim3A_231 = vector.broadcast %broadcast_in_dim3A_230 : i32 to vector<16xi32>
      %gather3A_232 = tpu.vector_load_idx %arg9[%add3A_42, %broadcast_in_dim3A_231] : memref<256x128xf32, #tpu.memory_space<vmem>>[vector<16xi32>, vector<16xi32>], vector<16xf32>,
      %gather3A_233 = tpu.vector_load_idx %arg10[%add3A_42, %broadcast_in_dim3A_231] : memref<256x128xf32, #tpu.memory_space<vmem>>[vector<16xi32>, vector<16xi32>], vector<16xf32>,
      %mul3A_234 = arith.mulf %gather3A_232, %gather3A_233 : vector<16xf32>
      %add3A_235 = arith.addf %add3A_229, %mul3A_234 : vector<16xf32>
      %neg3A = arith.constant 0.000000e+00 : f32
      %neg3A_236 = vector.broadcast %neg3A : f32 to vector<16xf32>
      %neg3A_237 = arith.subf %neg3A_236, %add3A_235 : vector<16xf32>
      %exp3A = math.exp %neg3A_237 : vector<16xf32>
      %add3A_238 = arith.constant 1.000000e+00 : f32
      %add3A_239 = vector.broadcast %add3A_238 : f32 to vector<16xf32>
      %add3A_240 = arith.addf %add3A_239, %exp3A : vector<16xf32>
      %div3A = arith.constant 1.000000e+00 : f32
      %div3A_241 = vector.broadcast %div3A : f32 to vector<16xf32>
      %div3A_242 = arith.divf %div3A_241, %add3A_240 : vector<16xf32>
      %mul3A_243 = arith.constant 16 : i32
      %mul3A_244 = arith.muli %scan3A_38, %mul3A_243 : i32
      %add3A_245 = arith.constant 256 : i32
      %add3A_246 = arith.addi %add3A_245, %mul3A_244 : i32
      %swap3A = arith.index_cast %add3A_246 : i32 to index
      %swap3A_247 = tpu.vector_load %arg11[%swap3A] {strides = array<i32>} : memref<512xf32, #tpu.memory_space<vmem>>, vector<16xf32>,
      tpu.vector_store %arg11[%swap3A], %div3A_242 {strides = array<i32>} : memref<512xf32, #tpu.memory_space<vmem>>, vector<16xf32>,
    }
    %scan3A_37 = arith.constant 16 : i32
    "tpu.region"() ({
      %run_scoped3A = tpu.sem_alloc : memref<!tpu.dma_semaphore, #tpu.memory_space<semaphore_mem>>
      %dma_start3A = tpu.memref_slice %arg6[%mul3A_2] : memref<16384xf32, #tpu.memory_space<hbm>> -> memref<512xf32, #tpu.memory_space<hbm>>
      %dma_start3A_38 = tpu.memref_slice %arg6[%mul3A_2] : memref<16384xf32, #tpu.memory_space<hbm>> -> memref<512xf32, #tpu.memory_space<hbm>>
      tpu.enqueue_dma source(%arg11 : memref<512xf32, #tpu.memory_space<vmem>>) target(%dma_start3A_38 : memref<512xf32, #tpu.memory_space<hbm>>) target_semaphore(%run_scoped3A : memref<!tpu.dma_semaphore, #tpu.memory_space<semaphore_mem>>)
      %dma_wait3A = tpu.memref_slice %arg6[%mul3A_2] : memref<16384xf32, #tpu.memory_space<hbm>> -> memref<512xf32, #tpu.memory_space<hbm>>
      %dma_wait3A_39 = tpu.memref_slice %arg6[%mul3A_2] : memref<16384xf32, #tpu.memory_space<hbm>> -> memref<512xf32, #tpu.memory_space<hbm>>
      tpu.wait_dma2 semaphore(%run_scoped3A : memref<!tpu.dma_semaphore, #tpu.memory_space<semaphore_mem>>) src(%arg11 : memref<512xf32, #tpu.memory_space<vmem>>) dst(%dma_wait3A_39 : memref<512xf32, #tpu.memory_space<hbm>>)
      tpu.yield
    }) : () -> ()
    return
  }
}

</mosaic_0001>

<sc_bundles>
// kernel: kernel.3.cloned.1.call-start
scs
__scs_entry_jumppad:
0x0: {  	(pc) =	sbr.rel $0x88, $3  }
0x1: {  	(tag) =	ssettag $0x0;
	lr =	simm.s32 $0x1  }
0x2: {  	[smem:$0x3F9D] =	sst lr;
	_ =	strace $0xD0000000  }
0x3: {  	_ = 	snop  }
0x4: {  	_ = 	snop  }
0x5: {  	_ = 	snop  }
0x6: {  	_ = 	snop  }
0x7: {  	_ = 	snop  }
__scs_overlays_trampoline_lowered:
0x8: {  	[smem:$0x3FAC] =	sst s0  }
0x9: {  	[smem:$0x3FAD] =	sst s1  }
0xa: {  	[smem:$0x3FAE] =	sst s2  }
0xb: {  	[smem:$0x3FAF] =	sst s3  }
0xc: {  	[smem:$0x3FB0] =	sst s4  }
0xd: {  	[smem:$0x3FB1] =	sst s5  }
0xe: {  	[smem:$0x3FB2] =	sst s6  }
0xf: {  	[smem:$0x3FB3] =	sst s7  }
0x10: {  	[smem:$0x3FB4] =	sst s8  }
0x11: {  	[smem:$0x3FB5] =	sst s9;
	s0 =	simm.s32 @!p0 $0x0  }
0x12: {  	s1 =	sld [smem:$0x3F9B];
	s0 =	simm.s32 @p0 $0x1  }
0x13: {  	[smem:$0x3FB6] =	sst s0;
	s0 =	simm.s32 @!p1 $0x0  }
0x14: {  	s2 =	sld [smem:$0x3F9A];
	s0 =	simm.s32 @p1 $0x1  }
0x15: {  	[smem:$0x3FB7] =	sst s0;
	s0 =	simm.s32 @!p2 $0x0  }
0x16: {  	s3 =	sld [smem:$0x3FDB];
	s0 =	simm.s32 @p2 $0x1  }
0x17: {  	s4 =	simm.s32 $0x1BF5;
	[smem:$0x3FB9] =	sst s0  }
0x18: {  	s0 =	sld [smem:$0x3F9C];
	_ =	swait.ge [sflag:s4], $0x0  }
0x19: {  	s7 =	sld [smem:$0x3F9D]  }
0x1a: {  	s8 =	sadd.s32 $0xFFFFE003, lr  }
0x1b: {  	s9 =	sadd.s32 $0xFFFFFEF7, lr;
	s5 =	simm.s32 $0xFFFFFFFF;
	p2 =	slt.u32 s8, $0xFFFFF086  }
0x1c: {  	p1 =	slt.u32 s9, $0xF7A;
	s5 =	simm.s32 @!p2 $0x0  }
0x1d: {  	s5 =	simm.s32 @p1 $0x1;
	p0 =	seq.s32 s7, s2  }
0x1e: {  	s7 =	smul.u32 @!p0 $0xF7A, s2;
	p2 =	seq.s32 @!p0 s5, $0x0  }
0x1f: {  	s9 =	smul.u32 $0xF7A, s1;
	s8 =	simm.s32 @!p0 $0x1BF5;
	p2 =	por !p2, p0  }
0x20: {  	[sflag:s8] =	ssyncset.s32 @!p0 $0xFFFFF086;
	s6 =	sadd.s32 @!p0 s3, s7;
	s7 =	simm.s32 @!p0 $0x108  }
0x21: {  	s3 =	sadd.s32 s3, s9;
	s6 =	sadd.s32 @!p0 $0x88, s6;
	s7 =	simm.s32 @p2 $0x1082  }
0x22: {  	[simem:s7], [sflag:s8] =	dma.local @!p0 [hbm:s6], $0xF7A  }
0x23: {  	s9 =	sor.u32 $0xD0000000, s2;
	s6 =	simm.s32 $0x108;
	_ =	swait.ge @!p0 [sflag:s8], $0x0  }
0x24: {  	s3 =	sadd.s32 $0x88, s3;
	s6 =	simm.s32 @!p1 $0x1082;
	[sflag:s4] =	ssyncset.s32 $0xFFFFF086  }
0x25: {  	[simem:s6], [sflag:s4] =	dma.local [hbm:s3], $0xF7A  }
0x26: {  	[smem:$0x3F9D] =	sst s1;
	(tag) =	ssettag s2;
	_ =	strace s9  }
0x27: {  	s1 =	sld [smem:$0x3FAD]  }
0x28: {  	s2 =	sld [smem:$0x3FAE]  }
0x29: {  	s4 =	sld [smem:$0x3FB0]  }
0x2a: {  	p0 =	seq.s32 s5, $0x0;
	s5 =	sld [smem:$0x3FB1]  }
0x2b: {  	s6 =	sld [smem:$0x3FB2]  }
0x2c: {  	s7 =	sld [smem:$0x3FB3]  }
0x2d: {  	s3 =	simm.s32 $0x108;
	s8 =	sld [smem:$0x3FB4]  }
0x2e: {  	s3 =	simm.s32 @!p0 $0x1082;
	s9 =	sld [smem:$0x3FB5]  }
0x2f: {  	lr =	sadd.s32 s0, s3;
	s0 =	sld [smem:$0x3FAC]  }
0x30: {  	s3 =	sld [smem:$0x3FAF]  }
0x31: {  	[smem:$0x3FB8] =	sst s10  }
0x32: {  	s10 =	sld [smem:$0x3FB6];
	_ =	sdelay $0x3  }
0x33: {  	p0 =	seq.s32 s10, $0x1;
	s10 =	sld [smem:$0x3FB8];
	_ =	sdelay $0x3  }
0x34: {  	[smem:$0x3FB8] =	sst s10  }
0x35: {  	s10 =	sld [smem:$0x3FB7];
	_ =	sdelay $0x3  }
0x36: {  	p1 =	seq.s32 s10, $0x1;
	s10 =	sld [smem:$0x3FB8];
	_ =	sdelay $0x3  }
0x37: {  	[smem:$0x3FB8] =	sst s10  }
0x38: {  	s10 =	sld [smem:$0x3FB9]  }
0x39: {  	_ = 	snop;
	(pc) =	sbr.ind lr, $3  }
0x3a: {  	_ = 	snop  }
0x3b: {  	_ = 	snop  }
0x3c: {  	p2 =	seq.s32 s10, $0x1;
	s10 =	sld [smem:$0x3FB8]  }
0x3d: {  	_ =	shalt  }
0x3e: {  	_ =	shalt  }
0x3f: {  	_ =	shalt  }
0x40: {  	_ =	shalt  }
0x41: {  	_ =	shalt  }
0x42: {  	_ =	shalt  }
0x43: {  	_ =	shalt  }
0x44: {  	_ =	shalt  }
0x45: {  	_ =	shalt  }
0x46: {  	_ =	shalt  }
0x47: {  	_ =	shalt  }
0x48: {  	_ =	shalt  }
0x49: {  	_ =	shalt  }
0x4a: {  	_ =	shalt  }
0x4b: {  	_ =	shalt  }
0x4c: {  	_ =	shalt  }
0x4d: {  	_ =	shalt  }
0x4e: {  	_ =	shalt  }
0x4f: {  	_ =	shalt  }
0x50: {  	_ =	shalt  }
0x51: {  	_ =	shalt  }
0x52: {  	_ =	shalt  }
0x53: {  	_ =	shalt  }
0x54: {  	_ =	shalt  }
0x55: {  	_ =	shalt  }
0x56: {  	_ =	shalt  }
0x57: {  	_ =	shalt  }
0x58: {  	_ =	shalt  }
0x59: {  	_ =	shalt  }
0x5a: {  	_ =	shalt  }
0x5b: {  	_ =	shalt  }
0x5c: {  	_ =	shalt  }
0x5d: {  	_ =	shalt  }
0x5e: {  	_ =	shalt  }
0x5f: {  	_ =	shalt  }
0x60: {  	_ =	shalt  }
0x61: {  	_ =	shalt  }
0x62: {  	_ =	shalt  }
0x63: {  	_ =	shalt  }
0x64: {  	_ =	shalt  }
0x65: {  	_ =	shalt  }
0x66: {  	_ =	shalt  }
0x67: {  	_ =	shalt  }
0x68: {  	_ =	shalt  }
0x69: {  	_ =	shalt  }
0x6a: {  	_ =	shalt  }
0x6b: {  	_ =	shalt  }
0x6c: {  	_ =	shalt  }
0x6d: {  	_ =	shalt  }
0x6e: {  	_ =	shalt  }
0x6f: {  	_ =	shalt  }
0x70: {  	_ =	shalt  }
0x71: {  	_ =	shalt  }
0x72: {  	_ =	shalt  }
0x73: {  	_ =	shalt  }
0x74: {  	_ =	shalt  }
0x75: {  	_ =	shalt  }
0x76: {  	_ =	shalt  }
0x77: {  	_ =	shalt  }
0x78: {  	_ =	shalt  }
0x79: {  	_ =	shalt  }
0x7a: {  	_ =	shalt  }
0x7b: {  	_ =	shalt  }
0x7c: {  	_ =	shalt  }
0x7d: {  	_ =	shalt  }
0x7e: {  	_ =	shalt  }
0x7f: {  	_ =	shalt  }
0x80: {  	_ =	shalt  }
0x81: {  	_ =	shalt  }
0x82: {  	_ =	shalt  }
0x83: {  	_ =	shalt  }
0x84: {  	_ =	shalt  }
0x85: {  	_ =	shalt  }
0x86: {  	_ =	shalt  }
0x87: {  	_ =	shalt  }
.Lfunc_end0:
.L_simem_size_0:
called_computation_lowered:
.L_overlay_start_0:
0x88: {  	s2 =	sld [smem:$0x3FD9]  }
0x89: {  	s3 =	sld [smem:$0x3FFE];
	_ =	sdelay $0x1  }
0x8a: {  	s1 =	srdreg.scid  }
0x8b: {  	s0 =	sand.u32 $0x1, s1  }
0x8c: {  	s17 =	sshll.u32 s0, $0xA;
	s2 =	sadd.s32 s3, s2  }
0x8d: {  	s2 =	sadd.s32 s2, s17  }
0x8e: {  	[smem:$0x3FC4] =	sst s2  }
0x8f: {  	_ = 	snop  }
0x90: {  	s2 =	sld [smem:$0x3FC9]  }
0x91: {  	s18 =	sld [smem:$0x3FC8]  }
0x92: {  	s4 =	sld [smem:$0x3FD0];
	(tm) =	ssettm $0x1  }
0x93: {  	s5 =	sld [smem:$0x3FFB];
	_ =	sdelay $0x3  }
0x94: {  	_ =	strace s5  }
0x95: {  	s5 =	sld [smem:$0x3FFC];
	_ =	sdelay $0x3  }
0x96: {  	_ =	strace s5  }
0x97: {  	s5 =	sld [smem:$0x3FFD];
	_ =	sdelay $0x3  }
0x98: {  	_ =	strace s5  }
0x99: {  	_ =	strace $0x8FFFFFFF  }
0x9a: {  	s19 =	sld [smem:$0x3FDB];
	_ =	sdelay $0x1  }
0x9b: {  	s6 =	simm.s32 $_scs_section_size  }
0x9c: {  	s7 =	simm.s32 $_size__tile_overlayer_lowered;
	s8 =	simm.s32 $_tile_overlayer_lowered  }
0x9d: {  	s22 =	simm.s32 $0x1BFF;
	s21 =	sshll.u32 s8, $0x1;
	s5 =	sadd.s32 s6, s19  }
0x9e: {  	s9 =	simm.s32 $0x0;
	s20 =	sshll.u32 s7, $0x1;
	s7 =	sadd.s32 s21, s5  }
0x9f: {  	[timem:s9], [sflag:s22] =	dma.local [hbm:s7], s20  }
0xa0: {  	_ =	swait.ge [sflag:s22], s20  }
0xa1: {  	s6 =	ssub.s32 $0x0, s20;
	[sflag:s22] =	ssyncset.done $0x0  }
0xa2: {  	[sflag:s22] =	ssyncadd.s32 s6;
	_ =	sdelay $0x1  }
0xa3: {  	s23 =	simm.s32 $0x1B8B  }
0xa4: {  	_ =	swait.ge [sflag:s23], $0x1  }
0xa5: {  	[sflag:s23] =	ssyncset.done $0x0  }
0xa6: {  	s25 =	simm.s32 $0x1B8E;
	s24 =	sld [smem:$0x3FFE];
	[sflag:s23] =	ssyncadd.s32 $0xFFFFFFFF  }
0xa7: {  	s26 =	simm.s32 $execute0_lowered;
	[smem:$0x3FD2] =	sst s25  }
0xa8: {  	s7 =	sshll.u32 s26, $0x1;
	_ =	strace $0x80000046;
	[dreg:$0x1] =	wrdreg $0xFFFFFFFF  }
0xa9: {  	s28 =	simm.s32 $_size_execute0_lowered;
	s5 =	sadd.s32 s5, s7;
	[dreg:$0x0] =	wrdreg $0x0  }
0xaa: {  	s7 =	sshll.u32 s28, $0x1;
	[dreg:$0x2] =	wrdreg s5  }
0xab: {  	[dreg:$0x3] =	wrdreg s7  }
0xac: {  	[dreg:$0x4] =	wrdreg $0xC0  }
0xad: {  	_ =	task [dreg:s9], $0x5FFFF  }
0xae: {  	[dreg:$0x1] =	wrdreg $0xFFFFFFFF  }
0xaf: {  	[dreg:$0x0] =	wrdreg $0x60  }
0xb0: {  	[dreg:$0x2] =	wrdreg s2  }
0xb1: {  	[dreg:$0x3] =	wrdreg s18  }
0xb2: {  	[dreg:$0x4] =	wrdreg s24  }
0xb3: {  	[dreg:$0x5] =	wrdreg s4  }
0xb4: {  	[dreg:$0x6] =	wrdreg $0x9  }
0xb5: {  	_ =	task.clear_ibuf [dreg:s9], $0x7FFFF;
	_ =	strace $0x90000046  }
0xb6: {  	s29 =	simm.s32 $0x9;
	_ =	strace $0x80000048  }
0xb7: {  	_ =	swait.ge [sflag:s29], $0x1  }
0xb8: {  	[sflag:s29] =	ssyncadd.s32 $0xFFFFFFFF  }
0xb9: {  	_ =	strace $0x90000048  }
0xba: {  	_ =	sfence  }
0xbb: {  	s30 =	sld [smem:$0x0];
	_ =	sdelay $0x2  }
0xbc: {  	s31 =	sshll.u32 s1, $0xD;
	s1 =	sshrl.u32 s1, $0x2  }
0xbd: {  	s3 =	sand.u32 $0x4000, s31;
	s1 =	sadd.s32 s1, s30  }
0xbe: {  	s0 =	sor.u32 s3, s0;
	s1 =	sshll.u32 s1, $0x11  }
0xbf: {  	s0 =	sor.u32 s1, s0  }
0xc0: {  	s0 =	sadd.s32 $0x8F2B, s0  }
0xc1: {  	[sflag:s0] =	ssyncadd.remote.s32 $0x1  }
0xc2: {  	_ =	sfence.sel $0xFFFF  }
0xc3: {  	[dreg:$0x0] =	wrdreg $0xFFFFFFFF;
	(pc) =	sbr.abs _section_cstart, $3  }
0xc4: {  	[dreg:$0x1] =	wrdreg $0xFFFFFFFF  }
0xc5: {  	_ =	task.clear_ibuf [dreg:s9], $0x2FFFF;
	_ =	strace $0x9FFFFFFF  }
0xc6: {  	(tm) =	ssettm $0x7FFFFFFF  }
0xc7: {  	_ =	shalt  }
tec
execute0_lowered:
.L_overlay_start_1:
0x0: {  	(tag) =	ssettag $0x1  }
0x1: {  	s0 =	rddreg [dreg:$0x0]  }
0x2: {  	s2 =	rddreg [dreg:$0x1]  }
0x3: {  	s4 =	rddreg [dreg:$0x2]  }
0x4: {  	s5 =	rddreg [dreg:$0x3];
	s1 =	simm.s32 $0x0;
	s3 =	srdreg.scid  }
0x5: {  	s9 =	stileid.u32;
	s10 =	simm.s32 $0x80;
	s11 =	simm.s32 $0x400  }
0x6: {  	s12 =	simm.s32 $0x1;
	s13 =	simm.s32 $0x2;
	s6 =	sand.u32 $0x1, s3  }
0x7: {  	s9 =	sshll.u32 s9, $0x7;
	s7 =	ssub.s32 $0x2, s6;
	s6 =	sshll.u32 s6, $0x6  }
0x8: {  	s14 =	simm.s32 $0x8400;
	[smem:$0x7FF] =	sst s1;
	s6 =	sor.u32 s6, s9  }
0x9: {  	s3 =	sadd.s32 $0x400, s4;
	_ =	strace $0x80000047;
	s0 =	sadd.s32 s0, s6  }
0xa: {  	s8 =	sshrl.u32 s7, $0x1;
	s29 =	sadd.s32 s2, s6;
	[dreg:$0x5] =	wrdreg s0  }
0xb: {  	s8 =	ssub.s32 s7, s8;
	s30 =	sadd.s32 s5, s6;
	[dreg:$0x6] =	wrdreg s29  }
0xc: {  	v0 =	vlaneseq.u32;
	s4 =	sadd.s32 $0xF42800, s4;
	[dreg:$0x7] =	wrdreg s30;
	s31 =	smax.u32 s8, $0x1  }
0xd: {  	v0 =	vmul.u32 $0x80, v0;
	s2 =	simm.s32 $0x3;
	s5 =	simm.s32 $0x0;
	[dreg:$0x8] =	wrdreg s31  }
.LBB2_1:
0xe: {  	[dreg:$0x9] =	wrdreg s5  }
0xf: {  	s0 =	rddreg [dreg:$0x5]  }
0x10: {  	[tilespmem:s1], [sflag:$0x3] =	stream.linear.gather [hbm4b:s0+s1], $0x200, $0x38;
	[tilespmem:$0x10600] =	vst v63  }
0x11: {  	_ =	swait.ge [sflag:s2], $0x200  }
0x12: {  	[sflag:s2] =	ssyncset.done $0x0  }
0x13: {  	s17 =	simm.s32 $0x200;
	s23 =	rddreg [dreg:$0x6];
	[sflag:s2] =	ssyncadd.s32 $0xFFFFFE00  }
0x14: {  	[tilespmem:s17], [sflag:$0x3] =	stream.linear.gather [hbm4b:s23+s1], $0x200, $0x38;
	[tilespmem:$0x10600] =	vst v63  }
0x15: {  	_ =	swait.ge [sflag:s2], $0x200  }
0x16: {  	[sflag:s2] =	ssyncset.done $0x0  }
0x17: {  	[sflag:s2] =	ssyncadd.s32 $0xFFFFFE00  }
0x18: {  	v1 =	vld [tilespmem:s1+$0x0];
	_ =	sdelay $0x4  }
0x19: {  	v2 =	vshll.u32 v1, $0x4  }
0x1a: {  	v1 =	vld [tilespmem:s17+$0x0];
	(v2sf) =	vpush v2, $0x0;
	_ =	sdelay $0x1  }
0x1b: {  	(v2sf) =	vpush v2, $0x1;
	_ =	sdelay $0x1  }
0x1c: {  	(v2sf) =	vpush v2, $0x2  }
0x1d: {  	v1 =	vshll.u32 v1, $0x4  }
0x1e: {  	(v2sf) =	vpush v1, $0x0;
	_ =	sdelay $0x5  }
0x1f: {  	(v2sf) =	vpush v1, $0x1;
	_ =	sdelay $0x2  }
0x20: {  	s24 =	spop (v2sf)  }
0x21: {  	s0 =	sand.u32 $0x1FFFFFF0, s24  }
0x22: {  	s26 =	simm.s32 $0x400;
	s25 =	spop (v2sf);
	s0 =	sadd.s32 s3, s0  }
0x23: {  	[tilespmem:s26], [sflag:$0x1] =	stream.strided.gather [hbm4b:s0+s10], $0x0, s11, s10, $0x38;
	[tilespmem:$0x10600] =	vst v63  }
0x24: {  	s6 =	spop (v2sf)  }
0x25: {  	(v2sf) =	vpush v1, $0x2;
	[tilespmem:s26], [sflag:$0x1] =	stream.linear.gather [hbm4b:s0+s1], $0x20, $0x38;
	[tilespmem:$0x10600] =	vst v63  }
0x26: {  	s28 =	spop (v2sf)  }
0x27: {  	s0 =	sand.u32 $0x1FFFFFF0, s28  }
0x28: {  	s29 =	simm.s32 $0x8400;
	s0 =	sadd.s32 s4, s0  }
0x29: {  	(v2sf) =	vpush v2, $0x3;
	[tilespmem:s29], [sflag:$0x2] =	stream.strided.gather [hbm4b:s0+s10], $0x0, s11, s10, $0x38;
	[tilespmem:$0x10600] =	vst v63  }
0x2a: {  	s2 =	sand.u32 $0x1FFFFFF0, s25  }
0x2b: {  	[tilespmem:s29], [sflag:$0x2] =	stream.linear.gather [hbm4b:s0+s1], $0x21, $0x38;
	[tilespmem:$0x10600] =	vst v63  }
0x2c: {  	s31 =	simm.s32 $0x480;
	s2 =	sadd.s32 s3, s2;
	s30 =	spop (v2sf)  }
0x2d: {  	(v2sf) =	vpush v1, $0x3;
	[tilespmem:s31], [sflag:$0x1] =	stream.strided.gather [hbm4b:s2+s10], $0x0, s11, s10, $0x38;
	[tilespmem:$0x10600] =	vst v63  }
0x2e: {  	s0 =	sand.u32 $0x1FFFFFF0, s30  }
0x2f: {  	[tilespmem:s31], [sflag:$0x1] =	stream.linear.gather [hbm4b:s2+s1], $0x20, $0x38;
	[tilespmem:$0x10600] =	vst v63  }
0x30: {  	s7 =	simm.s32 $0x8480;
	s0 =	sadd.s32 s4, s0  }
0x31: {  	(v2sf) =	vpush v2, $0x4;
	[tilespmem:s7], [sflag:$0x2] =	stream.strided.gather [hbm4b:s0+s10], $0x0, s11, s10, $0x38;
	[tilespmem:$0x10600] =	vst v63  }
0x32: {  	s8 =	sand.u32 $0x1FFFFFF0, s6  }
0x33: {  	[tilespmem:s7], [sflag:$0x2] =	stream.linear.gather [hbm4b:s0+s1], $0x21, $0x38;
	[tilespmem:$0x10600] =	vst v63  }
0x34: {  	s15 =	simm.s32 $0x500;
	s5 =	sadd.s32 s3, s8;
	s9 =	spop (v2sf)  }
0x35: {  	(v2sf) =	vpush v1, $0x4;
	[tilespmem:s15], [sflag:$0x1] =	stream.strided.gather [hbm4b:s5+s10], $0x0, s11, s10, $0x38;
	[tilespmem:$0x10600] =	vst v63  }
0x36: {  	s0 =	sand.u32 $0x1FFFFFF0, s9  }
0x37: {  	[tilespmem:s15], [sflag:$0x1] =	stream.linear.gather [hbm4b:s5+s1], $0x20, $0x38;
	[tilespmem:$0x10600] =	vst v63  }
0x38: {  	s18 =	simm.s32 $0x8500;
	s16 =	spop (v2sf);
	s0 =	sadd.s32 s4, s0  }
0x39: {  	(v2sf) =	vpush v2, $0x5;
	[tilespmem:s18], [sflag:$0x2] =	stream.strided.gather [hbm4b:s0+s10], $0x0, s11, s10, $0x38;
	[tilespmem:$0x10600] =	vst v63  }
0x3a: {  	s2 =	sand.u32 $0x1FFFFFF0, s16  }
0x3b: {  	[tilespmem:s18], [sflag:$0x2] =	stream.linear.gather [hbm4b:s0+s1], $0x21, $0x38;
	[tilespmem:$0x10600] =	vst v63  }
0x3c: {  	s20 =	simm.s32 $0x580;
	s19 =	spop (v2sf);
	s2 =	sadd.s32 s3, s2  }
0x3d: {  	(v2sf) =	vpush v1, $0x5;
	[tilespmem:s20], [sflag:$0x1] =	stream.strided.gather [hbm4b:s2+s10], $0x0, s11, s10, $0x38;
	[tilespmem:$0x10600] =	vst v63  }
0x3e: {  	s0 =	sand.u32 $0x1FFFFFF0, s19  }
0x3f: {  	[tilespmem:s20], [sflag:$0x1] =	stream.linear.gather [hbm4b:s2+s1], $0x20, $0x38;
	[tilespmem:$0x10600] =	vst v63  }
0x40: {  	s22 =	simm.s32 $0x8580;
	s21 =	spop (v2sf);
	s0 =	sadd.s32 s4, s0  }
0x41: {  	(v2sf) =	vpush v2, $0x6;
	[tilespmem:s22], [sflag:$0x2] =	stream.strided.gather [hbm4b:s0+s10], $0x0, s11, s10, $0x38;
	[tilespmem:$0x10600] =	vst v63  }
0x42: {  	s2 =	sand.u32 $0x1FFFFFF0, s21  }
0x43: {  	[tilespmem:s22], [sflag:$0x2] =	stream.linear.gather [hbm4b:s0+s1], $0x21, $0x38;
	[tilespmem:$0x10600] =	vst v63  }
0x44: {  	s24 =	simm.s32 $0x600;
	s23 =	spop (v2sf);
	s2 =	sadd.s32 s3, s2  }
0x45: {  	(v2sf) =	vpush v1, $0x6;
	[tilespmem:s24], [sflag:$0x1] =	stream.strided.gather [hbm4b:s2+s10], $0x0, s11, s10, $0x38;
	[tilespmem:$0x10600] =	vst v63  }
0x46: {  	s0 =	sand.u32 $0x1FFFFFF0, s23  }
0x47: {  	[tilespmem:s24], [sflag:$0x1] =	stream.linear.gather [hbm4b:s2+s1], $0x20, $0x38;
	[tilespmem:$0x10600] =	vst v63  }
0x48: {  	s26 =	simm.s32 $0x8600;
	s25 =	spop (v2sf);
	s0 =	sadd.s32 s4, s0  }
0x49: {  	(v2sf) =	vpush v2, $0x7;
	[tilespmem:s26], [sflag:$0x2] =	stream.strided.gather [hbm4b:s0+s10], $0x0, s11, s10, $0x38;
	[tilespmem:$0x10600] =	vst v63  }
0x4a: {  	s2 =	sand.u32 $0x1FFFFFF0, s25  }
0x4b: {  	[tilespmem:s26], [sflag:$0x2] =	stream.linear.gather [hbm4b:s0+s1], $0x21, $0x38;
	[tilespmem:$0x10600] =	vst v63  }
0x4c: {  	s29 =	simm.s32 $0x680;
	s28 =	spop (v2sf);
	s2 =	sadd.s32 s3, s2  }
0x4d: {  	(v2sf) =	vpush v1, $0x7;
	[tilespmem:s29], [sflag:$0x1] =	stream.strided.gather [hbm4b:s2+s10], $0x0, s11, s10, $0x38;
	[tilespmem:$0x10600] =	vst v63  }
0x4e: {  	s0 =	sand.u32 $0x1FFFFFF0, s28  }
0x4f: {  	[tilespmem:s29], [sflag:$0x1] =	stream.linear.gather [hbm4b:s2+s1], $0x20, $0x38;
	[tilespmem:$0x10600] =	vst v63  }
0x50: {  	s31 =	simm.s32 $0x8680;
	s30 =	spop (v2sf);
	s0 =	sadd.s32 s4, s0  }
0x51: {  	(v2sf) =	vpush v2, $0x8;
	[tilespmem:s31], [sflag:$0x2] =	stream.strided.gather [hbm4b:s0+s10], $0x0, s11, s10, $0x38;
	[tilespmem:$0x10600] =	vst v63  }
0x52: {  	s2 =	sand.u32 $0x1FFFFFF0, s30  }
0x53: {  	[tilespmem:s31], [sflag:$0x2] =	stream.linear.gather [hbm4b:s0+s1], $0x21, $0x38;
	[tilespmem:$0x10600] =	vst v63  }
0x54: {  	s6 =	simm.s32 $0x700;
	s5 =	spop (v2sf);
	s2 =	sadd.s32 s3, s2  }
0x55: {  	(v2sf) =	vpush v1, $0x8;
	[tilespmem:s6], [sflag:$0x1] =	stream.strided.gather [hbm4b:s2+s10], $0x0, s11, s10, $0x38;
	[tilespmem:$0x10600] =	vst v63  }
0x56: {  	s0 =	sand.u32 $0x1FFFFFF0, s5  }
0x57: {  	[tilespmem:s6], [sflag:$0x1] =	stream.linear.gather [hbm4b:s2+s1], $0x20, $0x38;
	[tilespmem:$0x10600] =	vst v63  }
0x58: {  	s8 =	simm.s32 $0x8700;
	s7 =	spop (v2sf);
	s0 =	sadd.s32 s4, s0  }
0x59: {  	(v2sf) =	vpush v2, $0x9;
	[tilespmem:s8], [sflag:$0x2] =	stream.strided.gather [hbm4b:s0+s10], $0x0, s11, s10, $0x38;
	[tilespmem:$0x10600] =	vst v63  }
0x5a: {  	s2 =	sand.u32 $0x1FFFFFF0, s7  }
0x5b: {  	[tilespmem:s8], [sflag:$0x2] =	stream.linear.gather [hbm4b:s0+s1], $0x21, $0x38;
	[tilespmem:$0x10600] =	vst v63  }
0x5c: {  	s15 =	simm.s32 $0x780;
	s9 =	spop (v2sf);
	s2 =	sadd.s32 s3, s2  }
0x5d: {  	(v2sf) =	vpush v1, $0x9;
	[tilespmem:s15], [sflag:$0x1] =	stream.strided.gather [hbm4b:s2+s10], $0x0, s11, s10, $0x38;
	[tilespmem:$0x10600] =	vst v63  }
0x5e: {  	s0 =	sand.u32 $0x1FFFFFF0, s9  }
0x5f: {  	[tilespmem:s15], [sflag:$0x1] =	stream.linear.gather [hbm4b:s2+s1], $0x20, $0x38;
	[tilespmem:$0x10600] =	vst v63  }
0x60: {  	s18 =	simm.s32 $0x8780;
	s16 =	spop (v2sf);
	s0 =	sadd.s32 s4, s0  }
0x61: {  	(v2sf) =	vpush v2, $0xA;
	[tilespmem:s18], [sflag:$0x2] =	stream.strided.gather [hbm4b:s0+s10], $0x0, s11, s10, $0x38;
	[tilespmem:$0x10600] =	vst v63  }
0x62: {  	s2 =	sand.u32 $0x1FFFFFF0, s16  }
0x63: {  	[tilespmem:s18], [sflag:$0x2] =	stream.linear.gather [hbm4b:s0+s1], $0x21, $0x38;
	[tilespmem:$0x10600] =	vst v63  }
0x64: {  	s20 =	simm.s32 $0x800;
	s19 =	spop (v2sf);
	s2 =	sadd.s32 s3, s2  }
0x65: {  	(v2sf) =	vpush v1, $0xA;
	[tilespmem:s20], [sflag:$0x1] =	stream.strided.gather [hbm4b:s2+s10], $0x0, s11, s10, $0x38;
	[tilespmem:$0x10600] =	vst v63  }
0x66: {  	s0 =	sand.u32 $0x1FFFFFF0, s19  }
0x67: {  	[tilespmem:s20], [sflag:$0x1] =	stream.linear.gather [hbm4b:s2+s1], $0x20, $0x38;
	[tilespmem:$0x10600] =	vst v63  }
0x68: {  	s22 =	simm.s32 $0x8800;
	s21 =	spop (v2sf);
	s0 =	sadd.s32 s4, s0  }
0x69: {  	(v2sf) =	vpush v2, $0xB;
	[tilespmem:s22], [sflag:$0x2] =	stream.strided.gather [hbm4b:s0+s10], $0x0, s11, s10, $0x38;
	[tilespmem:$0x10600] =	vst v63  }
0x6a: {  	s2 =	sand.u32 $0x1FFFFFF0, s21  }
0x6b: {  	[tilespmem:s22], [sflag:$0x2] =	stream.linear.gather [hbm4b:s0+s1], $0x21, $0x38;
	[tilespmem:$0x10600] =	vst v63  }
0x6c: {  	s24 =	simm.s32 $0x880;
	s23 =	spop (v2sf);
	s2 =	sadd.s32 s3, s2  }
0x6d: {  	(v2sf) =	vpush v1, $0xB;
	[tilespmem:s24], [sflag:$0x1] =	stream.strided.gather [hbm4b:s2+s10], $0x0, s11, s10, $0x38;
	[tilespmem:$0x10600] =	vst v63  }
0x6e: {  	s0 =	sand.u32 $0x1FFFFFF0, s23  }
0x6f: {  	[tilespmem:s24], [sflag:$0x1] =	stream.linear.gather [hbm4b:s2+s1], $0x20, $0x38;
	[tilespmem:$0x10600] =	vst v63  }
0x70: {  	s26 =	simm.s32 $0x8880;
	s25 =	spop (v2sf);
	s0 =	sadd.s32 s4, s0  }
0x71: {  	(v2sf) =	vpush v2, $0xC;
	[tilespmem:s26], [sflag:$0x2] =	stream.strided.gather [hbm4b:s0+s10], $0x0, s11, s10, $0x38;
	[tilespmem:$0x10600] =	vst v63  }
0x72: {  	s2 =	sand.u32 $0x1FFFFFF0, s25  }
0x73: {  	[tilespmem:s26], [sflag:$0x2] =	stream.linear.gather [hbm4b:s0+s1], $0x21, $0x38;
	[tilespmem:$0x10600] =	vst v63  }
0x74: {  	s29 =	simm.s32 $0x900;
	s28 =	spop (v2sf);
	s2 =	sadd.s32 s3, s2  }
0x75: {  	(v2sf) =	vpush v1, $0xC;
	[tilespmem:s29], [sflag:$0x1] =	stream.strided.gather [hbm4b:s2+s10], $0x0, s11, s10, $0x38;
	[tilespmem:$0x10600] =	vst v63  }
0x76: {  	s0 =	sand.u32 $0x1FFFFFF0, s28  }
0x77: {  	[tilespmem:s29], [sflag:$0x1] =	stream.linear.gather [hbm4b:s2+s1], $0x20, $0x38;
	[tilespmem:$0x10600] =	vst v63  }
0x78: {  	s31 =	simm.s32 $0x8900;
	s30 =	spop (v2sf);
	s0 =	sadd.s32 s4, s0  }
0x79: {  	(v2sf) =	vpush v2, $0xD;
	[tilespmem:s31], [sflag:$0x2] =	stream.strided.gather [hbm4b:s0+s10], $0x0, s11, s10, $0x38;
	[tilespmem:$0x10600] =	vst v63  }
0x7a: {  	s2 =	sand.u32 $0x1FFFFFF0, s30  }
0x7b: {  	[tilespmem:s31], [sflag:$0x2] =	stream.linear.gather [hbm4b:s0+s1], $0x21, $0x38;
	[tilespmem:$0x10600] =	vst v63  }
0x7c: {  	s7 =	simm.s32 $0x980;
	s6 =	spop (v2sf);
	s2 =	sadd.s32 s3, s2  }
0x7d: {  	(v2sf) =	vpush v1, $0xD;
	[tilespmem:s7], [sflag:$0x1] =	stream.strided.gather [hbm4b:s2+s10], $0x0, s11, s10, $0x38;
	[tilespmem:$0x10600] =	vst v63  }
0x7e: {  	s0 =	sand.u32 $0x1FFFFFF0, s6  }
0x7f: {  	[tilespmem:s7], [sflag:$0x1] =	stream.linear.gather [hbm4b:s2+s1], $0x20, $0x38;
	[tilespmem:$0x10600] =	vst v63  }
0x80: {  	s9 =	simm.s32 $0x8980;
	s8 =	spop (v2sf);
	s0 =	sadd.s32 s4, s0  }
0x81: {  	(v2sf) =	vpush v2, $0xE;
	[tilespmem:s9], [sflag:$0x2] =	stream.strided.gather [hbm4b:s0+s10], $0x0, s11, s10, $0x38;
	[tilespmem:$0x10600] =	vst v63  }
0x82: {  	s2 =	sand.u32 $0x1FFFFFF0, s8  }
0x83: {  	[tilespmem:s9], [sflag:$0x2] =	stream.linear.gather [hbm4b:s0+s1], $0x21, $0x38;
	[tilespmem:$0x10600] =	vst v63  }
0x84: {  	s16 =	simm.s32 $0xA00;
	s15 =	spop (v2sf);
	s2 =	sadd.s32 s3, s2  }
0x85: {  	(v2sf) =	vpush v1, $0xE;
	[tilespmem:s16], [sflag:$0x1] =	stream.strided.gather [hbm4b:s2+s10], $0x0, s11, s10, $0x38;
	[tilespmem:$0x10600] =	vst v63  }
0x86: {  	s0 =	sand.u32 $0x1FFFFFF0, s15  }
0x87: {  	[tilespmem:s16], [sflag:$0x1] =	stream.linear.gather [hbm4b:s2+s1], $0x20, $0x38;
	[tilespmem:$0x10600] =	vst v63  }
0x88: {  	s19 =	simm.s32 $0x8A00;
	s18 =	spop (v2sf);
	s0 =	sadd.s32 s4, s0  }
0x89: {  	(v2sf) =	vpush v2, $0xF;
	[tilespmem:s19], [sflag:$0x2] =	stream.strided.gather [hbm4b:s0+s10], $0x0, s11, s10, $0x38;
	[tilespmem:$0x10600] =	vst v63  }
0x8a: {  	s2 =	sand.u32 $0x1FFFFFF0, s18  }
0x8b: {  	[tilespmem:s19], [sflag:$0x2] =	stream.linear.gather [hbm4b:s0+s1], $0x21, $0x38;
	[tilespmem:$0x10600] =	vst v63  }
0x8c: {  	s21 =	simm.s32 $0xA80;
	s20 =	spop (v2sf);
	s2 =	sadd.s32 s3, s2  }
0x8d: {  	(v2sf) =	vpush v1, $0xF;
	[tilespmem:s21], [sflag:$0x1] =	stream.strided.gather [hbm4b:s2+s10], $0x0, s11, s10, $0x38;
	[tilespmem:$0x10600] =	vst v63  }
0x8e: {  	s0 =	sand.u32 $0x1FFFFFF0, s20  }
0x8f: {  	[tilespmem:s21], [sflag:$0x1] =	stream.linear.gather [hbm4b:s2+s1], $0x20, $0x38;
	[tilespmem:$0x10600] =	vst v63  }
0x90: {  	s23 =	simm.s32 $0x8A80;
	s22 =	spop (v2sf);
	s0 =	sadd.s32 s4, s0  }
0x91: {  	[tilespmem:s23], [sflag:$0x2] =	stream.strided.gather [hbm4b:s0+s10], $0x0, s11, s10, $0x38;
	[tilespmem:$0x10600] =	vst v63  }
0x92: {  	s2 =	sand.u32 $0x1FFFFFF0, s22  }
0x93: {  	[tilespmem:s23], [sflag:$0x2] =	stream.linear.gather [hbm4b:s0+s1], $0x21, $0x38;
	[tilespmem:$0x10600] =	vst v63  }
0x94: {  	s25 =	simm.s32 $0xB00;
	s24 =	spop (v2sf);
	s2 =	sadd.s32 s3, s2  }
0x95: {  	[tilespmem:s25], [sflag:$0x1] =	stream.strided.gather [hbm4b:s2+s10], $0x0, s11, s10, $0x38;
	[tilespmem:$0x10600] =	vst v63  }
0x96: {  	s0 =	sand.u32 $0x1FFFFFF0, s24  }
0x97: {  	[tilespmem:s25], [sflag:$0x1] =	stream.linear.gather [hbm4b:s2+s1], $0x20, $0x38;
	[tilespmem:$0x10600] =	vst v63  }
0x98: {  	s28 =	simm.s32 $0x8B00;
	s26 =	spop (v2sf);
	s0 =	sadd.s32 s4, s0  }
0x99: {  	[tilespmem:s28], [sflag:$0x2] =	stream.strided.gather [hbm4b:s0+s10], $0x0, s11, s10, $0x38;
	[tilespmem:$0x10600] =	vst v63  }
0x9a: {  	s2 =	sand.u32 $0x1FFFFFF0, s26  }
0x9b: {  	[tilespmem:s28], [sflag:$0x2] =	stream.linear.gather [hbm4b:s0+s1], $0x21, $0x38;
	[tilespmem:$0x10600] =	vst v63  }
0x9c: {  	s30 =	simm.s32 $0xB80;
	s29 =	spop (v2sf);
	s2 =	sadd.s32 s3, s2  }
0x9d: {  	[tilespmem:s30], [sflag:$0x1] =	stream.strided.gather [hbm4b:s2+s10], $0x0, s11, s10, $0x38;
	[tilespmem:$0x10600] =	vst v63  }
0x9e: {  	s18 =	simm.s32 $0x2000;
	s31 =	sand.u32 $0x1FFFFFF0, s29  }
0x9f: {  	[tilespmem:s30], [sflag:$0x1] =	stream.linear.gather [hbm4b:s2+s1], $0x20, $0x38;
	[tilespmem:$0x10600] =	vst v63  }
0xa0: {  	s19 =	simm.s32 $0x0;
	s0 =	simm.s32 $0x8B80;
	s2 =	sadd.s32 s4, s31  }
0xa1: {  	[tilespmem:s0], [sflag:$0x2] =	stream.strided.gather [hbm4b:s2+s10], $0x0, s11, s10, $0x38;
	[tilespmem:$0x10600] =	vst v63  }
.LBB2_2:
0xa2: {  	p0 =	sne.s32 s18, $0x1E000;
	s19 =	sadd.s32 $0x10, s19;
	s17 =	sadd.s32 $0x10, s17  }
0xa3: {  	[tilespmem:s0], [sflag:$0x2] =	stream.linear.gather [hbm4b:s2+s1], $0x21, $0x38;
	[tilespmem:$0x10600] =	vst v63  }
0xa4: {  	s0 =	smov.u32 s18;
	s18 =	sadd.s32 $0x2000, s18;
	v1 =	vld [tilespmem:s19+$0x0];
	_ =	sdelay $0x3  }
0xa5: {  	v2 =	vld [tilespmem:s17+$0x0]  }
0xa6: {  	v1 =	vshll.u32 v1, $0x4  }
0xa7: {  	(v2sf) =	vpush v1, $0x0  }
0xa8: {  	(v2sf) =	vpush v1, $0x1  }
0xa9: {  	(v2sf) =	vpush v1, $0x2  }
0xaa: {  	v2 =	vshll.u32 v2, $0x4  }
0xab: {  	(v2sf) =	vpush v2, $0x0;
	_ =	sdelay $0x1  }
0xac: {  	(v2sf) =	vpush v2, $0x1  }
0xad: {  	(v2sf) =	vpush v2, $0x2;
	_ =	sdelay $0x3  }
0xae: {  	(v2sf) =	vpush v1, $0x3;
	_ =	sdelay $0x3  }
0xaf: {  	s2 =	spop (v2sf);
	(v2sf) =	vpush v2, $0x3  }
0xb0: {  	s20 =	sshra.s32 s0, $0x2;
	s0 =	sand.u32 $0x1FFFFFF0, s2;
	s2 =	spop (v2sf)  }
0xb1: {  	s5 =	sadd.s32 $0x400, s20;
	s0 =	sadd.s32 s3, s0;
	s6 =	spop (v2sf)  }
0xb2: {  	[tilespmem:s5], [sflag:$0x1] =	stream.strided.gather [hbm4b:s0+s10], $0x0, s11, s10, $0x38;
	[tilespmem:$0x10600] =	vst v63  }
0xb3: {  	s2 =	sand.u32 $0x1FFFFFF0, s2;
	s6 =	sand.u32 $0x1FFFFFF0, s6;
	s15 =	spop (v2sf);
	(v2sf) =	vpush v1, $0x4  }
0xb4: {  	[tilespmem:s5], [sflag:$0x1] =	stream.linear.gather [hbm4b:s0+s1], $0x20, $0x38;
	[tilespmem:$0x10600] =	vst v63  }
0xb5: {  	s0 =	sadd.s32 $0x8400, s20;
	s5 =	sand.u32 $0x1FFFFFF0, s15;
	s15 =	spop (v2sf);
	(v2sf) =	vpush v2, $0x4  }
0xb6: {  	s5 =	sadd.s32 s4, s5;
	s15 =	sand.u32 $0x1FFFFFF0, s15;
	s21 =	spop (v2sf)  }
0xb7: {  	[tilespmem:s0], [sflag:$0x2] =	stream.strided.gather [hbm4b:s5+s10], $0x0, s11, s10, $0x38;
	(v2sf) =	vpush v1, $0x5;
	[tilespmem:$0x10600] =	vst v63  }
0xb8: {  	s22 =	sadd.s32 $0x480, s20;
	s2 =	sadd.s32 s3, s2;
	s21 =	sand.u32 $0x1FFFFFF0, s21  }
0xb9: {  	[tilespmem:s0], [sflag:$0x2] =	stream.linear.gather [hbm4b:s5+s1], $0x21, $0x38;
	(v2sf) =	vpush v2, $0x5;
	[tilespmem:$0x10600] =	vst v63  }
0xba: {  	s0 =	spop (v2sf)  }
0xbb: {  	[tilespmem:s22], [sflag:$0x1] =	stream.strided.gather [hbm4b:s2+s10], $0x0, s11, s10, $0x38;
	(v2sf) =	vpush v1, $0x6;
	[tilespmem:$0x10600] =	vst v63  }
0xbc: {  	s15 =	sadd.s32 s4, s15;
	s5 =	sadd.s32 $0x8480, s20;
	s0 =	sand.u32 $0x1FFFFFF0, s0  }
0xbd: {  	[tilespmem:s22], [sflag:$0x1] =	stream.linear.gather [hbm4b:s2+s1], $0x20, $0x38;
	(v2sf) =	vpush v2, $0x6;
	[tilespmem:$0x10600] =	vst v63  }
0xbe: {  	s2 =	spop (v2sf)  }
0xbf: {  	[tilespmem:s5], [sflag:$0x2] =	stream.strided.gather [hbm4b:s15+s10], $0x0, s11, s10, $0x38;
	(v2sf) =	vpush v1, $0x7;
	[tilespmem:$0x10600] =	vst v63  }
0xc0: {  	s6 =	sadd.s32 s3, s6;
	s22 =	sadd.s32 $0x500, s20;
	s2 =	sand.u32 $0x1FFFFFF0, s2  }
0xc1: {  	[tilespmem:s5], [sflag:$0x2] =	stream.linear.gather [hbm4b:s15+s1], $0x21, $0x38;
	(v2sf) =	vpush v2, $0x7;
	[tilespmem:$0x10600] =	vst v63  }
0xc2: {  	s5 =	spop (v2sf)  }
0xc3: {  	[tilespmem:s22], [sflag:$0x1] =	stream.strided.gather [hbm4b:s6+s10], $0x0, s11, s10, $0x38;
	(v2sf) =	vpush v1, $0x8;
	[tilespmem:$0x10600] =	vst v63  }
0xc4: {  	s21 =	sadd.s32 s4, s21;
	s15 =	sadd.s32 $0x8500, s20;
	s23 =	spop (v2sf)  }
0xc5: {  	[tilespmem:s22], [sflag:$0x1] =	stream.linear.gather [hbm4b:s6+s1], $0x20, $0x38;
	(v2sf) =	vpush v2, $0x8;
	[tilespmem:$0x10600] =	vst v63  }
0xc6: {  	s6 =	sand.u32 $0x1FFFFFF0, s5;
	s22 =	sand.u32 $0x1FFFFFF0, s23;
	s5 =	spop (v2sf)  }
0xc7: {  	[tilespmem:s15], [sflag:$0x2] =	stream.strided.gather [hbm4b:s21+s10], $0x0, s11, s10, $0x38;
	(v2sf) =	vpush v1, $0x9;
	[tilespmem:$0x10600] =	vst v63  }
0xc8: {  	s0 =	sadd.s32 s3, s0;
	s23 =	sadd.s32 $0x580, s20;
	s24 =	spop (v2sf)  }
0xc9: {  	[tilespmem:s15], [sflag:$0x2] =	stream.linear.gather [hbm4b:s21+s1], $0x21, $0x38;
	(v2sf) =	vpush v2, $0x9;
	[tilespmem:$0x10600] =	vst v63  }
0xca: {  	s25 =	sand.u32 $0x1FFFFFF0, s5;
	s5 =	sand.u32 $0x1FFFFFF0, s24;
	s15 =	spop (v2sf)  }
0xcb: {  	[tilespmem:s23], [sflag:$0x1] =	stream.strided.gather [hbm4b:s0+s10], $0x0, s11, s10, $0x38;
	(v2sf) =	vpush v1, $0xA;
	[tilespmem:$0x10600] =	vst v63  }
0xcc: {  	s2 =	sadd.s32 s4, s2;
	s21 =	sadd.s32 $0x8580, s20;
	s24 =	spop (v2sf)  }
0xcd: {  	[tilespmem:s23], [sflag:$0x1] =	stream.linear.gather [hbm4b:s0+s1], $0x20, $0x38;
	(v2sf) =	vpush v2, $0xA;
	[tilespmem:$0x10600] =	vst v63  }
0xce: {  	s15 =	sand.u32 $0x1FFFFFF0, s15;
	s23 =	sand.u32 $0x1FFFFFF0, s24;
	s0 =	spop (v2sf)  }
0xcf: {  	[tilespmem:s21], [sflag:$0x2] =	stream.strided.gather [hbm4b:s2+s10], $0x0, s11, s10, $0x38;
	(v2sf) =	vpush v1, $0xB;
	[tilespmem:$0x10600] =	vst v63  }
0xd0: {  	s26 =	sadd.s32 $0x600, s20;
	s6 =	sadd.s32 s3, s6;
	s28 =	spop (v2sf)  }
0xd1: {  	[tilespmem:s21], [sflag:$0x2] =	stream.linear.gather [hbm4b:s2+s1], $0x21, $0x38;
	(v2sf) =	vpush v2, $0xB;
	[tilespmem:$0x10600] =	vst v63  }
0xd2: {  	s24 =	sand.u32 $0x1FFFFFF0, s0;
	s21 =	sand.u32 $0x1FFFFFF0, s28;
	s0 =	spop (v2sf)  }
0xd3: {  	[tilespmem:s26], [sflag:$0x1] =	stream.strided.gather [hbm4b:s6+s10], $0x0, s11, s10, $0x38;
	(v2sf) =	vpush v1, $0xC;
	[tilespmem:$0x10600] =	vst v63  }
0xd4: {  	s29 =	sadd.s32 s4, s22;
	s28 =	sadd.s32 $0x8600, s20;
	s2 =	spop (v2sf)  }
0xd5: {  	[tilespmem:s26], [sflag:$0x1] =	stream.linear.gather [hbm4b:s6+s1], $0x20, $0x38;
	(v2sf) =	vpush v2, $0xC;
	[tilespmem:$0x10600] =	vst v63  }
0xd6: {  	s22 =	sand.u32 $0x1FFFFFF0, s0;
	s2 =	sand.u32 $0x1FFFFFF0, s2;
	s0 =	spop (v2sf)  }
0xd7: {  	[tilespmem:s28], [sflag:$0x2] =	stream.strided.gather [hbm4b:s29+s10], $0x0, s11, s10, $0x38;
	(v2sf) =	vpush v1, $0xD;
	[tilespmem:$0x10600] =	vst v63  }
0xd8: {  	s25 =	sadd.s32 s3, s25;
	s26 =	sadd.s32 $0x680, s20;
	s30 =	spop (v2sf)  }
0xd9: {  	[tilespmem:s28], [sflag:$0x2] =	stream.linear.gather [hbm4b:s29+s1], $0x21, $0x38;
	(v2sf) =	vpush v2, $0xD;
	[tilespmem:$0x10600] =	vst v63  }
0xda: {  	s6 =	sand.u32 $0x1FFFFFF0, s0;
	s0 =	sand.u32 $0x1FFFFFF0, s30;
	s28 =	spop (v2sf)  }
0xdb: {  	[tilespmem:s26], [sflag:$0x1] =	stream.strided.gather [hbm4b:s25+s10], $0x0, s11, s10, $0x38;
	(v2sf) =	vpush v1, $0xE;
	[tilespmem:$0x10600] =	vst v63  }
0xdc: {  	s31 =	sadd.s32 s4, s5;
	s29 =	sadd.s32 $0x8680, s20;
	s30 =	spop (v2sf)  }
0xdd: {  	[tilespmem:s26], [sflag:$0x1] =	stream.linear.gather [hbm4b:s25+s1], $0x20, $0x38;
	[tilespmem:$0x10600] =	vst v63  }
0xde: {  	s5 =	sand.u32 $0x1FFFFFF0, s28;
	s30 =	sand.u32 $0x1FFFFFF0, s30;
	s25 =	spop (v2sf)  }
0xdf: {  	[tilespmem:s29], [sflag:$0x2] =	stream.strided.gather [hbm4b:s31+s10], $0x0, s11, s10, $0x38;
	(v2sf) =	vpush v2, $0xE;
	[tilespmem:$0x10600] =	vst v63  }
0xe0: {  	s7 =	sadd.s32 s3, s15;
	s26 =	sadd.s32 $0x700, s20;
	s28 =	spop (v2sf)  }
0xe1: {  	[tilespmem:s29], [sflag:$0x2] =	stream.linear.gather [hbm4b:s31+s1], $0x21, $0x38;
	(v2sf) =	vpush v1, $0xF;
	[tilespmem:$0x10600] =	vst v63  }
0xe2: {  	s15 =	sand.u32 $0x1FFFFFF0, s25;
	s28 =	sand.u32 $0x1FFFFFF0, s28;
	s25 =	spop (v2sf)  }
0xe3: {  	[tilespmem:s26], [sflag:$0x1] =	stream.strided.gather [hbm4b:s7+s10], $0x0, s11, s10, $0x38;
	(v2sf) =	vpush v2, $0xF;
	[tilespmem:$0x10600] =	vst v63  }
0xe4: {  	s23 =	sadd.s32 s4, s23;
	s29 =	sadd.s32 $0x8700, s20;
	s8 =	spop (v2sf)  }
0xe5: {  	[tilespmem:s26], [sflag:$0x1] =	stream.linear.gather [hbm4b:s7+s1], $0x20, $0x38;
	[tilespmem:$0x10600] =	vst v63  }
0xe6: {  	s31 =	sand.u32 $0x1FFFFFF0, s25;
	s26 =	sand.u32 $0x1FFFFFF0, s8;
	s7 =	spop (v2sf)  }
0xe7: {  	[tilespmem:s29], [sflag:$0x2] =	stream.strided.gather [hbm4b:s23+s10], $0x0, s11, s10, $0x38;
	[tilespmem:$0x10600] =	vst v63  }
0xe8: {  	s24 =	sadd.s32 s3, s24;
	s8 =	sadd.s32 $0x780, s20;
	s25 =	spop (v2sf)  }
0xe9: {  	[tilespmem:s29], [sflag:$0x2] =	stream.linear.gather [hbm4b:s23+s1], $0x21, $0x38;
	[tilespmem:$0x10600] =	vst v63  }
0xea: {  	s29 =	sand.u32 $0x1FFFFFF0, s7;
	s25 =	sand.u32 $0x1FFFFFF0, s25;
	s7 =	spop (v2sf)  }
0xeb: {  	[tilespmem:s8], [sflag:$0x1] =	stream.strided.gather [hbm4b:s24+s10], $0x0, s11, s10, $0x38;
	[tilespmem:$0x10600] =	vst v63  }
0xec: {  	s9 =	sadd.s32 $0x8780, s20;
	s21 =	sadd.s32 s4, s21;
	s23 =	sand.u32 $0x1FFFFFF0, s7  }
0xed: {  	[tilespmem:s8], [sflag:$0x1] =	stream.linear.gather [hbm4b:s24+s1], $0x20, $0x38;
	[tilespmem:$0x10600] =	vst v63  }
0xee: {  	s24 =	spop (v2sf)  }
0xef: {  	[tilespmem:s9], [sflag:$0x2] =	stream.strided.gather [hbm4b:s21+s10], $0x0, s11, s10, $0x38;
	[tilespmem:$0x10600] =	vst v63  }
0xf0: {  	s7 =	sadd.s32 $0x800, s20;
	s8 =	sadd.s32 s3, s22;
	s22 =	spop (v2sf)  }
0xf1: {  	[tilespmem:s9], [sflag:$0x2] =	stream.linear.gather [hbm4b:s21+s1], $0x21, $0x38;
	[tilespmem:$0x10600] =	vst v63  }
0xf2: {  	s22 =	sand.u32 $0x1FFFFFF0, s22;
	s21 =	spop (v2sf)  }
0xf3: {  	[tilespmem:s7], [sflag:$0x1] =	stream.strided.gather [hbm4b:s8+s10], $0x0, s11, s10, $0x38;
	[tilespmem:$0x10600] =	vst v63  }
0xf4: {  	s2 =	sadd.s32 s4, s2;
	s9 =	sadd.s32 $0x8800, s20  }
0xf5: {  	[tilespmem:s7], [sflag:$0x1] =	stream.linear.gather [hbm4b:s8+s1], $0x20, $0x38;
	[tilespmem:$0x10600] =	vst v63  }
0xf6: {  	_ = 	snop  }
0xf7: {  	[tilespmem:s9], [sflag:$0x2] =	stream.strided.gather [hbm4b:s2+s10], $0x0, s11, s10, $0x38;
	[tilespmem:$0x10600] =	vst v63  }
0xf8: {  	s6 =	sadd.s32 s3, s6;
	s7 =	sadd.s32 $0x880, s20  }
0xf9: {  	[tilespmem:s9], [sflag:$0x2] =	stream.linear.gather [hbm4b:s2+s1], $0x21, $0x38;
	[tilespmem:$0x10600] =	vst v63  }
0xfa: {  	_ = 	snop  }
0xfb: {  	[tilespmem:s7], [sflag:$0x1] =	stream.strided.gather [hbm4b:s6+s10], $0x0, s11, s10, $0x38;
	[tilespmem:$0x10600] =	vst v63  }
0xfc: {  	s0 =	sadd.s32 s4, s0;
	s2 =	sadd.s32 $0x8880, s20  }
0xfd: {  	[tilespmem:s7], [sflag:$0x1] =	stream.linear.gather [hbm4b:s6+s1], $0x20, $0x38;
	[tilespmem:$0x10600] =	vst v63  }
0xfe: {  	_ = 	snop  }
0xff: {  	[tilespmem:s2], [sflag:$0x2] =	stream.strided.gather [hbm4b:s0+s10], $0x0, s11, s10, $0x38;
	[tilespmem:$0x10600] =	vst v63  }
0x100: {  	s5 =	sadd.s32 s3, s5;
	s6 =	sadd.s32 $0x900, s20  }
0x101: {  	[tilespmem:s2], [sflag:$0x2] =	stream.linear.gather [hbm4b:s0+s1], $0x21, $0x38;
	[tilespmem:$0x10600] =	vst v63  }
0x102: {  	_ = 	snop  }
0x103: {  	[tilespmem:s6], [sflag:$0x1] =	stream.strided.gather [hbm4b:s5+s10], $0x0, s11, s10, $0x38;
	[tilespmem:$0x10600] =	vst v63  }
0x104: {  	s0 =	sadd.s32 $0x8900, s20;
	s2 =	sadd.s32 s4, s30  }
0x105: {  	[tilespmem:s6], [sflag:$0x1] =	stream.linear.gather [hbm4b:s5+s1], $0x20, $0x38;
	[tilespmem:$0x10600] =	vst v63  }
0x106: {  	_ = 	snop  }
0x107: {  	[tilespmem:s0], [sflag:$0x2] =	stream.strided.gather [hbm4b:s2+s10], $0x0, s11, s10, $0x38;
	[tilespmem:$0x10600] =	vst v63  }
0x108: {  	s5 =	sadd.s32 $0x980, s20;
	s6 =	sadd.s32 s3, s15  }
0x109: {  	[tilespmem:s0], [sflag:$0x2] =	stream.linear.gather [hbm4b:s2+s1], $0x21, $0x38;
	[tilespmem:$0x10600] =	vst v63  }
0x10a: {  	_ = 	snop  }
0x10b: {  	[tilespmem:s5], [sflag:$0x1] =	stream.strided.gather [hbm4b:s6+s10], $0x0, s11, s10, $0x38;
	[tilespmem:$0x10600] =	vst v63  }
0x10c: {  	s0 =	sadd.s32 $0x8980, s20;
	s2 =	sadd.s32 s4, s28  }
0x10d: {  	[tilespmem:s5], [sflag:$0x1] =	stream.linear.gather [hbm4b:s6+s1], $0x20, $0x38;
	[tilespmem:$0x10600] =	vst v63  }
0x10e: {  	_ = 	snop  }
0x10f: {  	[tilespmem:s0], [sflag:$0x2] =	stream.strided.gather [hbm4b:s2+s10], $0x0, s11, s10, $0x38;
	[tilespmem:$0x10600] =	vst v63  }
0x110: {  	s5 =	sadd.s32 $0xA00, s20;
	s6 =	sadd.s32 s3, s31  }
0x111: {  	[tilespmem:s0], [sflag:$0x2] =	stream.linear.gather [hbm4b:s2+s1], $0x21, $0x38;
	[tilespmem:$0x10600] =	vst v63  }
0x112: {  	_ = 	snop  }
0x113: {  	[tilespmem:s5], [sflag:$0x1] =	stream.strided.gather [hbm4b:s6+s10], $0x0, s11, s10, $0x38;
	[tilespmem:$0x10600] =	vst v63  }
0x114: {  	s0 =	sadd.s32 $0x8A00, s20;
	s2 =	sadd.s32 s4, s26  }
0x115: {  	[tilespmem:s5], [sflag:$0x1] =	stream.linear.gather [hbm4b:s6+s1], $0x20, $0x38;
	[tilespmem:$0x10600] =	vst v63  }
0x116: {  	_ = 	snop  }
0x117: {  	[tilespmem:s0], [sflag:$0x2] =	stream.strided.gather [hbm4b:s2+s10], $0x0, s11, s10, $0x38;
	[tilespmem:$0x10600] =	vst v63  }
0x118: {  	s5 =	sadd.s32 $0xA80, s20;
	s6 =	sadd.s32 s3, s29  }
0x119: {  	[tilespmem:s0], [sflag:$0x2] =	stream.linear.gather [hbm4b:s2+s1], $0x21, $0x38;
	[tilespmem:$0x10600] =	vst v63  }
0x11a: {  	_ = 	snop  }
0x11b: {  	[tilespmem:s5], [sflag:$0x1] =	stream.strided.gather [hbm4b:s6+s10], $0x0, s11, s10, $0x38;
	[tilespmem:$0x10600] =	vst v63  }
0x11c: {  	s0 =	sadd.s32 $0x8A80, s20;
	s2 =	sadd.s32 s4, s25  }
0x11d: {  	[tilespmem:s5], [sflag:$0x1] =	stream.linear.gather [hbm4b:s6+s1], $0x20, $0x38;
	[tilespmem:$0x10600] =	vst v63  }
0x11e: {  	_ = 	snop  }
0x11f: {  	[tilespmem:s0], [sflag:$0x2] =	stream.strided.gather [hbm4b:s2+s10], $0x0, s11, s10, $0x38;
	[tilespmem:$0x10600] =	vst v63  }
0x120: {  	s5 =	sadd.s32 $0xB00, s20;
	s6 =	sadd.s32 s3, s23  }
0x121: {  	[tilespmem:s0], [sflag:$0x2] =	stream.linear.gather [hbm4b:s2+s1], $0x21, $0x38;
	[tilespmem:$0x10600] =	vst v63  }
0x122: {  	s0 =	sand.u32 $0x1FFFFFF0, s24  }
0x123: {  	[tilespmem:s5], [sflag:$0x1] =	stream.strided.gather [hbm4b:s6+s10], $0x0, s11, s10, $0x38;
	[tilespmem:$0x10600] =	vst v63  }
0x124: {  	s2 =	sadd.s32 $0x8B00, s20;
	s0 =	sadd.s32 s4, s0  }
0x125: {  	[tilespmem:s5], [sflag:$0x1] =	stream.linear.gather [hbm4b:s6+s1], $0x20, $0x38;
	[tilespmem:$0x10600] =	vst v63  }
0x126: {  	_ = 	snop  }
0x127: {  	[tilespmem:s2], [sflag:$0x2] =	stream.strided.gather [hbm4b:s0+s10], $0x0, s11, s10, $0x38;
	[tilespmem:$0x10600] =	vst v63  }
0x128: {  	s5 =	sadd.s32 $0xB80, s20;
	s6 =	sadd.s32 s3, s22  }
0x129: {  	[tilespmem:s2], [sflag:$0x2] =	stream.linear.gather [hbm4b:s0+s1], $0x21, $0x38;
	[tilespmem:$0x10600] =	vst v63  }
0x12a: {  	s2 =	sand.u32 $0x1FFFFFF0, s21  }
0x12b: {  	[tilespmem:s5], [sflag:$0x1] =	stream.strided.gather [hbm4b:s6+s10], $0x0, s11, s10, $0x38;
	[tilespmem:$0x10600] =	vst v63  }
.Ltmp0:
0x12c: {  	_ = 	snop;
	(pc) =	sbr.rel @p0 .LBB2_2-.Ltmp0, $4  }
0x12d: {  	s0 =	sadd.s32 $0x8B80, s20;
	s2 =	sadd.s32 s4, s2  }
0x12e: {  	[tilespmem:s5], [sflag:$0x1] =	stream.linear.gather [hbm4b:s6+s1], $0x20, $0x38;
	[tilespmem:$0x10600] =	vst v63  }
0x12f: {  	_ = 	snop  }
0x130: {  	[tilespmem:s0], [sflag:$0x2] =	stream.strided.gather [hbm4b:s2+s10], $0x0, s11, s10, $0x38;
	[tilespmem:$0x10600] =	vst v63  }
0x131: {  	[tilespmem:s0], [sflag:$0x2] =	stream.linear.gather [hbm4b:s2+s1], $0x21, $0x38;
	[tilespmem:$0x10600] =	vst v63  }
0x132: {  	_ =	swait.ge [sflag:s12], $0x20  }
0x133: {  	[sflag:s12] =	ssyncset.done $0x0  }
0x134: {  	[sflag:s12] =	ssyncadd.s32 $0xFFFFFFE0  }
0x135: {  	_ =	swait.ge [sflag:s13], $0x21  }
0x136: {  	s0 =	simm.s32 $0xFF;
	[sflag:s13] =	ssyncset.done $0x0  }
.LBB2_4:
0x137: {  	p0 =	sne.s32 s0, $0x1;
	s0 =	sadd.s32 $0xFFFFFFFF, s0;
	[sflag:s13] =	ssyncadd.s32 $0xFFFFFFDF  }
.Ltmp1:
0x138: {  	_ =	swait.ge [sflag:s12], $0x20;
	(pc) =	sbr.rel @p0 .LBB2_4-.Ltmp1, $4  }
0x139: {  	[sflag:s12] =	ssyncset.done $0x0  }
0x13a: {  	[sflag:s12] =	ssyncadd.s32 $0xFFFFFFE0  }
0x13b: {  	_ =	swait.ge [sflag:s13], $0x21  }
0x13c: {  	[sflag:s13] =	ssyncset.done $0x0  }
0x13d: {  	s0 =	simm.s32 $0x0  }
0x13e: {  	v1 =	vmov s0  }
0x13f: {  	v1 =	vshll.u32 v1, $0x7  }
0x140: {  	v1 =	vor.u32 v0, v1;
	_ =	sdelay $0x1  }
0x141: {  	v2 =	vor.u32 $0x20, v1  }
0x142: {  	v3 =	vor.u32 $0x1, v1  }
0x143: {  	[sflag:s13] =	ssyncadd.s32 $0xFFFFFFDF  }
0x144: {  	v4 =	vor.u32 $0x2, v1;
	v5 =	vld.idx.msk [tilespmem:v1+s11+$0x0], $0xffff  }
0x145: {  	v6 =	vld.idx.msk [tilespmem:v1+s14+$0x0], $0xffff  }
0x146: {  	v7 =	vor.u32 $0x3, v1;
	v2 =	vld.idx.msk [tilespmem:v2+s14+$0x0], $0xffff  }
0x147: {  	v8 =	vld.idx.msk [tilespmem:v3+s11+$0x0], $0xffff  }
0x148: {  	v9 =	vor.u32 $0x4, v1;
	v3 =	vld.idx.msk [tilespmem:v3+s14+$0x0], $0xffff  }
0x149: {  	v10 =	vld.idx.msk [tilespmem:v4+s11+$0x0], $0xffff  }
0x14a: {  	v11 =	vor.u32 $0x5, v1;
	v4 =	vld.idx.msk [tilespmem:v4+s14+$0x0], $0xffff  }
0x14b: {  	v12 =	vld.idx.msk [tilespmem:v7+s11+$0x0], $0xffff;
	v5 =	vmul.f32 v6, v5  }
0x14c: {  	v39 =	vor.u32 $0x6, v1;
	v38 =	vld.idx.msk [tilespmem:v7+s14+$0x0], $0xffff  }
0x14d: {  	v13 =	vld.idx.msk [tilespmem:v9+s11+$0x0], $0xffff;
	v3 =	vmul.f32 v3, v8;
	v2 =	vadd.f32 v5, v2  }
0x14e: {  	v41 =	vor.u32 $0x7, v1;
	v40 =	vld.idx.msk [tilespmem:v9+s14+$0x0], $0xffff  }
0x14f: {  	v42 =	vld.idx.msk [tilespmem:v11+s11+$0x0], $0xffff;
	v2 =	vadd.f32 v3, v2;
	v3 =	vmul.f32 v4, v10  }
0x150: {  	v44 =	vor.u32 $0x8, v1;
	v43 =	vld.idx.msk [tilespmem:v11+s14+$0x0], $0xffff  }
0x151: {  	v45 =	vld.idx.msk [tilespmem:v39+s11+$0x0], $0xffff;
	v2 =	vadd.f32 v3, v2;
	v3 =	vmul.f32 v38, v12  }
0x152: {  	v47 =	vor.u32 $0x9, v1;
	v46 =	vld.idx.msk [tilespmem:v39+s14+$0x0], $0xffff  }
0x153: {  	v48 =	vld.idx.msk [tilespmem:v41+s11+$0x0], $0xffff;
	v2 =	vadd.f32 v3, v2;
	v3 =	vmul.f32 v40, v13  }
0x154: {  	v50 =	vor.u32 $0xA, v1;
	v49 =	vld.idx.msk [tilespmem:v41+s14+$0x0], $0xffff  }
0x155: {  	v51 =	vld.idx.msk [tilespmem:v44+s11+$0x0], $0xffff;
	v2 =	vadd.f32 v3, v2;
	v3 =	vmul.f32 v43, v42  }
0x156: {  	v53 =	vor.u32 $0xB, v1;
	v52 =	vld.idx.msk [tilespmem:v44+s14+$0x0], $0xffff  }
0x157: {  	v54 =	vld.idx.msk [tilespmem:v47+s11+$0x0], $0xffff;
	v2 =	vadd.f32 v3, v2;
	v3 =	vmul.f32 v46, v45  }
0x158: {  	v56 =	vor.u32 $0xC, v1;
	v55 =	vld.idx.msk [tilespmem:v47+s14+$0x0], $0xffff  }
0x159: {  	v57 =	vld.idx.msk [tilespmem:v50+s11+$0x0], $0xffff;
	v2 =	vadd.f32 v3, v2;
	v3 =	vmul.f32 v49, v48  }
0x15a: {  	v59 =	vor.u32 $0xD, v1;
	v58 =	vld.idx.msk [tilespmem:v50+s14+$0x0], $0xffff  }
0x15b: {  	v60 =	vld.idx.msk [tilespmem:v53+s11+$0x0], $0xffff;
	v2 =	vadd.f32 v3, v2;
	v3 =	vmul.f32 v52, v51  }
0x15c: {  	v62 =	vor.u32 $0xE, v1;
	v61 =	vld.idx.msk [tilespmem:v53+s14+$0x0], $0xffff  }
0x15d: {  	v63 =	vld.idx.msk [tilespmem:v56+s11+$0x0], $0xffff;
	v2 =	vadd.f32 v3, v2;
	v3 =	vmul.f32 v55, v54  }
0x15e: {  	v17 =	vor.u32 $0xF, v1;
	v16 =	vld.idx.msk [tilespmem:v56+s14+$0x0], $0xffff  }
0x15f: {  	v18 =	vld.idx.msk [tilespmem:v59+s11+$0x0], $0xffff;
	v2 =	vadd.f32 v3, v2;
	v3 =	vmul.f32 v58, v57  }
0x160: {  	v20 =	vor.u32 $0x10, v1;
	v19 =	vld.idx.msk [tilespmem:v59+s14+$0x0], $0xffff  }
0x161: {  	v21 =	vld.idx.msk [tilespmem:v62+s11+$0x0], $0xffff;
	v2 =	vadd.f32 v3, v2;
	v3 =	vmul.f32 v61, v60  }
0x162: {  	v23 =	vor.u32 $0x11, v1;
	v22 =	vld.idx.msk [tilespmem:v62+s14+$0x0], $0xffff  }
0x163: {  	v24 =	vld.idx.msk [tilespmem:v17+s11+$0x0], $0xffff;
	v2 =	vadd.f32 v3, v2;
	v3 =	vmul.f32 v16, v63  }
0x164: {  	v26 =	vor.u32 $0x12, v1;
	v25 =	vld.idx.msk [tilespmem:v17+s14+$0x0], $0xffff  }
0x165: {  	v27 =	vld.idx.msk [tilespmem:v20+s11+$0x0], $0xffff;
	v2 =	vadd.f32 v3, v2;
	v3 =	vmul.f32 v19, v18  }
0x166: {  	v29 =	vor.u32 $0x13, v1;
	v28 =	vld.idx.msk [tilespmem:v20+s14+$0x0], $0xffff  }
0x167: {  	v30 =	vld.idx.msk [tilespmem:v23+s11+$0x0], $0xffff;
	v2 =	vadd.f32 v3, v2;
	v3 =	vmul.f32 v22, v21  }
0x168: {  	v32 =	vor.u32 $0x14, v1;
	v31 =	vld.idx.msk [tilespmem:v23+s14+$0x0], $0xffff  }
0x169: {  	v33 =	vld.idx.msk [tilespmem:v26+s11+$0x0], $0xffff;
	v2 =	vadd.f32 v3, v2;
	v3 =	vmul.f32 v25, v24  }
0x16a: {  	v35 =	vor.u32 $0x15, v1;
	v34 =	vld.idx.msk [tilespmem:v26+s14+$0x0], $0xffff  }
0x16b: {  	v36 =	vld.idx.msk [tilespmem:v29+s11+$0x0], $0xffff;
	v2 =	vadd.f32 v3, v2;
	v3 =	vmul.f32 v28, v27  }
0x16c: {  	v37 =	vld.idx.msk [tilespmem:v29+s14+$0x0], $0xffff;
	v38 =	vor.u32 $0x16, v1  }
0x16d: {  	v39 =	vld.idx.msk [tilespmem:v32+s11+$0x0], $0xffff;
	v2 =	vadd.f32 v3, v2;
	v3 =	vmul.f32 v31, v30  }
0x16e: {  	v41 =	vor.u32 $0x17, v1;
	v40 =	vld.idx.msk [tilespmem:v32+s14+$0x0], $0xffff  }
0x16f: {  	v42 =	vld.idx.msk [tilespmem:v35+s11+$0x0], $0xffff;
	v2 =	vadd.f32 v3, v2;
	v3 =	vmul.f32 v34, v33  }
0x170: {  	v44 =	vor.u32 $0x18, v1;
	v43 =	vld.idx.msk [tilespmem:v35+s14+$0x0], $0xffff  }
0x171: {  	v45 =	vld.idx.msk [tilespmem:v38+s11+$0x0], $0xffff;
	v2 =	vadd.f32 v3, v2;
	v3 =	vmul.f32 v37, v36  }
0x172: {  	v47 =	vor.u32 $0x19, v1;
	v46 =	vld.idx.msk [tilespmem:v38+s14+$0x0], $0xffff  }
0x173: {  	v48 =	vld.idx.msk [tilespmem:v41+s11+$0x0], $0xffff;
	v2 =	vadd.f32 v3, v2;
	v3 =	vmul.f32 v40, v39  }
0x174: {  	v50 =	vor.u32 $0x1A, v1;
	v49 =	vld.idx.msk [tilespmem:v41+s14+$0x0], $0xffff  }
0x175: {  	v51 =	vld.idx.msk [tilespmem:v44+s11+$0x0], $0xffff;
	v2 =	vadd.f32 v3, v2;
	v3 =	vmul.f32 v43, v42  }
0x176: {  	v53 =	vor.u32 $0x1B, v1;
	v52 =	vld.idx.msk [tilespmem:v44+s14+$0x0], $0xffff  }
0x177: {  	v54 =	vld.idx.msk [tilespmem:v47+s11+$0x0], $0xffff;
	v2 =	vadd.f32 v3, v2;
	v3 =	vmul.f32 v46, v45  }
0x178: {  	v56 =	vor.u32 $0x1C, v1;
	v55 =	vld.idx.msk [tilespmem:v47+s14+$0x0], $0xffff  }
0x179: {  	v57 =	vld.idx.msk [tilespmem:v50+s11+$0x0], $0xffff;
	v2 =	vadd.f32 v3, v2;
	v3 =	vmul.f32 v49, v48  }
0x17a: {  	v59 =	vor.u32 $0x1D, v1;
	v58 =	vld.idx.msk [tilespmem:v50+s14+$0x0], $0xffff  }
0x17b: {  	v60 =	vld.idx.msk [tilespmem:v53+s11+$0x0], $0xffff;
	v2 =	vadd.f32 v3, v2;
	v3 =	vmul.f32 v52, v51  }
0x17c: {  	v62 =	vor.u32 $0x1E, v1;
	v61 =	vld.idx.msk [tilespmem:v53+s14+$0x0], $0xffff  }
0x17d: {  	v15 =	vld.idx.msk [tilespmem:v56+s14+$0x0], $0xffff;
	v2 =	vadd.f32 v3, v2;
	v3 =	vmul.f32 v55, v54  }
0x17e: {  	v1 =	vor.u32 $0x1F, v1;
	v63 =	vld.idx.msk [tilespmem:v56+s11+$0x0], $0xffff  }
0x17f: {  	v17 =	vld.idx.msk [tilespmem:v59+s14+$0x0], $0xffff;
	v2 =	vadd.f32 v3, v2;
	v3 =	vmul.f32 v58, v57  }
0x180: {  	v16 =	vld.idx.msk [tilespmem:v59+s11+$0x0], $0xffff  }
0x181: {  	v18 =	vld.idx.msk [tilespmem:v62+s11+$0x0], $0xffff;
	v2 =	vadd.f32 v3, v2;
	v3 =	vmul.f32 v61, v60  }
0x182: {  	v19 =	vld.idx.msk [tilespmem:v62+s14+$0x0], $0xffff  }
0x183: {  	v20 =	vld.idx.msk [tilespmem:v1+s11+$0x0], $0xffff;
	v2 =	vadd.f32 v3, v2;
	v3 =	vmul.f32 v15, v63  }
0x184: {  	v1 =	vld.idx.msk [tilespmem:v1+s14+$0x0], $0xffff  }
0x185: {  	v2 =	vadd.f32 v3, v2;
	v3 =	vmul.f32 v17, v16;
	_ =	sdelay $0x1  }
0x186: {  	v2 =	vadd.f32 v3, v2;
	v3 =	vmul.f32 v19, v18;
	_ =	sdelay $0x1  }
0x187: {  	v1 =	vmul.f32 v1, v20;
	v2 =	vadd.f32 v3, v2;
	_ =	sdelay $0x1  }
0x188: {  	v1 =	vadd.f32 v1, v2;
	_ =	sdelay $0x1  }
0x189: {  	v1 =	vsub.f32 $0.0e+00, v1;
	_ =	sdelay $0x1  }
0x18a: {  	v1 =	vmul.f32 $1.442695020e+00, v1;
	_ =	sdelay $0x1  }
0x18b: {  	(erf) = vpow2.f32 v1;
	_ =	sdelay $0x8  }
0x18c: {  	v1 =	vpop (erf)  }
0x18d: {  	v1 =	vadd.f32 $1.000000000e+00, v1;
	_ =	sdelay $0x1  }
0x18e: {  	(erf) = vrcp.f32 v1;
	_ =	sdelay $0x1  }
0x18f: {  	s30 =	simm.s32 $0x10  }
0x190: {  	v1 =	vmov s30  }
0x191: {  	v1 =	vshll.u32 v1, $0x7  }
0x192: {  	v1 =	vor.u32 v0, v1  }
0x193: {  	v2 =	vor.u32 $0x20, v1;
	_ =	sdelay $0x2  }
0x194: {  	s17 =	simm.s32 $0x10400;
	v3 =	vor.u32 $0x1, v1;
	v21 =	vpop (erf)  }
0x195: {  	[tilespmem:s17+$0x0] =	vst v21  }
0x196: {  	v22 =	vor.u32 $0x2, v1;
	v2 =	vld.idx.msk [tilespmem:v2+s14+$0x0], $0xffff  }
0x197: {  	v23 =	vld.idx.msk [tilespmem:v1+s11+$0x0], $0xffff  }
0x198: {  	v25 =	vor.u32 $0x3, v1;
	v24 =	vld.idx.msk [tilespmem:v1+s14+$0x0], $0xffff  }
0x199: {  	v26 =	vld.idx.msk [tilespmem:v3+s11+$0x0], $0xffff  }
0x19a: {  	v27 =	vor.u32 $0x4, v1;
	v3 =	vld.idx.msk [tilespmem:v3+s14+$0x0], $0xffff  }
0x19b: {  	v28 =	vld.idx.msk [tilespmem:v22+s11+$0x0], $0xffff  }
0x19c: {  	v29 =	vor.u32 $0x5, v1;
	v4 =	vld.idx.msk [tilespmem:v22+s14+$0x0], $0xffff  }
0x19d: {  	v30 =	vld.idx.msk [tilespmem:v25+s11+$0x0], $0xffff;
	v5 =	vmul.f32 v24, v23  }
0x19e: {  	v32 =	vor.u32 $0x6, v1;
	v31 =	vld.idx.msk [tilespmem:v25+s14+$0x0], $0xffff  }
0x19f: {  	v33 =	vld.idx.msk [tilespmem:v27+s11+$0x0], $0xffff;
	v3 =	vmul.f32 v3, v26;
	v2 =	vadd.f32 v5, v2  }
0x1a0: {  	v35 =	vor.u32 $0x7, v1;
	v34 =	vld.idx.msk [tilespmem:v27+s14+$0x0], $0xffff  }
0x1a1: {  	v36 =	vld.idx.msk [tilespmem:v29+s11+$0x0], $0xffff;
	v2 =	vadd.f32 v3, v2;
	v3 =	vmul.f32 v4, v28  }
0x1a2: {  	v38 =	vor.u32 $0x8, v1;
	v37 =	vld.idx.msk [tilespmem:v29+s14+$0x0], $0xffff  }
0x1a3: {  	v39 =	vld.idx.msk [tilespmem:v32+s11+$0x0], $0xffff;
	v2 =	vadd.f32 v3, v2;
	v3 =	vmul.f32 v31, v30  }
0x1a4: {  	v41 =	vor.u32 $0x9, v1;
	v40 =	vld.idx.msk [tilespmem:v32+s14+$0x0], $0xffff  }
0x1a5: {  	v42 =	vld.idx.msk [tilespmem:v35+s11+$0x0], $0xffff;
	v2 =	vadd.f32 v3, v2;
	v3 =	vmul.f32 v34, v33  }
0x1a6: {  	v44 =	vor.u32 $0xA, v1;
	v43 =	vld.idx.msk [tilespmem:v35+s14+$0x0], $0xffff  }
0x1a7: {  	v45 =	vld.idx.msk [tilespmem:v38+s11+$0x0], $0xffff;
	v2 =	vadd.f32 v3, v2;
	v3 =	vmul.f32 v37, v36  }
0x1a8: {  	v47 =	vor.u32 $0xB, v1;
	v46 =	vld.idx.msk [tilespmem:v38+s14+$0x0], $0xffff  }
0x1a9: {  	v48 =	vld.idx.msk [tilespmem:v41+s11+$0x0], $0xffff;
	v2 =	vadd.f32 v3, v2;
	v3 =	vmul.f32 v40, v39  }
0x1aa: {  	v50 =	vor.u32 $0xC, v1;
	v49 =	vld.idx.msk [tilespmem:v41+s14+$0x0], $0xffff  }
0x1ab: {  	v51 =	vld.idx.msk [tilespmem:v44+s11+$0x0], $0xffff;
	v2 =	vadd.f32 v3, v2;
	v3 =	vmul.f32 v43, v42  }
0x1ac: {  	v53 =	vor.u32 $0xD, v1;
	v52 =	vld.idx.msk [tilespmem:v44+s14+$0x0], $0xffff  }
0x1ad: {  	v54 =	vld.idx.msk [tilespmem:v47+s11+$0x0], $0xffff;
	v2 =	vadd.f32 v3, v2;
	v3 =	vmul.f32 v46, v45  }
0x1ae: {  	v56 =	vor.u32 $0xE, v1;
	v55 =	vld.idx.msk [tilespmem:v47+s14+$0x0], $0xffff  }
0x1af: {  	v57 =	vld.idx.msk [tilespmem:v50+s11+$0x0], $0xffff;
	v2 =	vadd.f32 v3, v2;
	v3 =	vmul.f32 v49, v48  }
0x1b0: {  	v59 =	vor.u32 $0xF, v1;
	v58 =	vld.idx.msk [tilespmem:v50+s14+$0x0], $0xffff  }
0x1b1: {  	v60 =	vld.idx.msk [tilespmem:v53+s11+$0x0], $0xffff;
	v2 =	vadd.f32 v3, v2;
	v3 =	vmul.f32 v52, v51  }
0x1b2: {  	v62 =	vor.u32 $0x10, v1;
	v61 =	vld.idx.msk [tilespmem:v53+s14+$0x0], $0xffff  }
0x1b3: {  	v63 =	vld.idx.msk [tilespmem:v56+s11+$0x0], $0xffff;
	v2 =	vadd.f32 v3, v2;
	v3 =	vmul.f32 v55, v54  }
0x1b4: {  	v17 =	vor.u32 $0x11, v1;
	v16 =	vld.idx.msk [tilespmem:v56+s14+$0x0], $0xffff  }
0x1b5: {  	v18 =	vld.idx.msk [tilespmem:v59+s11+$0x0], $0xffff;
	v2 =	vadd.f32 v3, v2;
	v3 =	vmul.f32 v58, v57  }
0x1b6: {  	v20 =	vor.u32 $0x12, v1;
	v19 =	vld.idx.msk [tilespmem:v59+s14+$0x0], $0xffff  }
0x1b7: {  	v21 =	vld.idx.msk [tilespmem:v62+s11+$0x0], $0xffff;
	v2 =	vadd.f32 v3, v2;
	v3 =	vmul.f32 v61, v60  }
0x1b8: {  	v22 =	vld.idx.msk [tilespmem:v62+s14+$0x0], $0xffff;
	v23 =	vor.u32 $0x13, v1  }
0x1b9: {  	v25 =	vld.idx.msk [tilespmem:v17+s14+$0x0], $0xffff;
	v2 =	vadd.f32 v3, v2;
	v3 =	vmul.f32 v16, v63  }
0x1ba: {  	v24 =	vld.idx.msk [tilespmem:v17+s11+$0x0], $0xffff;
	v26 =	vor.u32 $0x14, v1  }
0x1bb: {  	v27 =	vld.idx.msk [tilespmem:v20+s11+$0x0], $0xffff;
	v2 =	vadd.f32 v3, v2;
	v3 =	vmul.f32 v19, v18  }
0x1bc: {  	v29 =	vor.u32 $0x15, v1;
	v28 =	vld.idx.msk [tilespmem:v20+s14+$0x0], $0xffff  }
0x1bd: {  	v30 =	vld.idx.msk [tilespmem:v23+s11+$0x0], $0xffff;
	v2 =	vadd.f32 v3, v2;
	v3 =	vmul.f32 v22, v21  }
0x1be: {  	v32 =	vor.u32 $0x16, v1;
	v31 =	vld.idx.msk [tilespmem:v23+s14+$0x0], $0xffff  }
0x1bf: {  	v33 =	vld.idx.msk [tilespmem:v26+s11+$0x0], $0xffff;
	v2 =	vadd.f32 v3, v2;
	v3 =	vmul.f32 v25, v24  }
0x1c0: {  	v35 =	vor.u32 $0x17, v1;
	v34 =	vld.idx.msk [tilespmem:v26+s14+$0x0], $0xffff  }
0x1c1: {  	v36 =	vld.idx.msk [tilespmem:v29+s11+$0x0], $0xffff;
	v2 =	vadd.f32 v3, v2;
	v3 =	vmul.f32 v28, v27  }
0x1c2: {  	v38 =	vor.u32 $0x18, v1;
	v37 =	vld.idx.msk [tilespmem:v29+s14+$0x0], $0xffff  }
0x1c3: {  	v39 =	vld.idx.msk [tilespmem:v32+s11+$0x0], $0xffff;
	v2 =	vadd.f32 v3, v2;
	v3 =	vmul.f32 v31, v30  }
0x1c4: {  	v41 =	vor.u32 $0x19, v1;
	v40 =	vld.idx.msk [tilespmem:v32+s14+$0x0], $0xffff  }
0x1c5: {  	v42 =	vld.idx.msk [tilespmem:v35+s11+$0x0], $0xffff;
	v2 =	vadd.f32 v3, v2;
	v3 =	vmul.f32 v34, v33  }
0x1c6: {  	v44 =	vor.u32 $0x1A, v1;
	v43 =	vld.idx.msk [tilespmem:v35+s14+$0x0], $0xffff  }
0x1c7: {  	v45 =	vld.idx.msk [tilespmem:v38+s11+$0x0], $0xffff;
	v2 =	vadd.f32 v3, v2;
	v3 =	vmul.f32 v37, v36  }
0x1c8: {  	v47 =	vor.u32 $0x1B, v1;
	v46 =	vld.idx.msk [tilespmem:v38+s14+$0x0], $0xffff  }
0x1c9: {  	v48 =	vld.idx.msk [tilespmem:v41+s11+$0x0], $0xffff;
	v2 =	vadd.f32 v3, v2;
	v3 =	vmul.f32 v40, v39  }
0x1ca: {  	v50 =	vor.u32 $0x1C, v1;
	v49 =	vld.idx.msk [tilespmem:v41+s14+$0x0], $0xffff  }
0x1cb: {  	v51 =	vld.idx.msk [tilespmem:v44+s11+$0x0], $0xffff;
	v2 =	vadd.f32 v3, v2;
	v3 =	vmul.f32 v43, v42  }
0x1cc: {  	v53 =	vor.u32 $0x1D, v1;
	v52 =	vld.idx.msk [tilespmem:v44+s14+$0x0], $0xffff  }
0x1cd: {  	v54 =	vld.idx.msk [tilespmem:v47+s11+$0x0], $0xffff;
	v2 =	vadd.f32 v3, v2;
	v3 =	vmul.f32 v46, v45  }
0x1ce: {  	v56 =	vor.u32 $0x1E, v1;
	v55 =	vld.idx.msk [tilespmem:v47+s14+$0x0], $0xffff  }
0x1cf: {  	v57 =	vld.idx.msk [tilespmem:v50+s11+$0x0], $0xffff;
	v2 =	vadd.f32 v3, v2;
	v3 =	vmul.f32 v49, v48  }
0x1d0: {  	v1 =	vor.u32 $0x1F, v1;
	v58 =	vld.idx.msk [tilespmem:v50+s14+$0x0], $0xffff  }
0x1d1: {  	v59 =	vld.idx.msk [tilespmem:v53+s11+$0x0], $0xffff;
	v2 =	vadd.f32 v3, v2;
	v3 =	vmul.f32 v52, v51  }
0x1d2: {  	v60 =	vld.idx.msk [tilespmem:v53+s14+$0x0], $0xffff  }
0x1d3: {  	v62 =	vld.idx.msk [tilespmem:v56+s14+$0x0], $0xffff;
	v2 =	vadd.f32 v3, v2;
	v3 =	vmul.f32 v55, v54  }
0x1d4: {  	v61 =	vld.idx.msk [tilespmem:v56+s11+$0x0], $0xffff  }
0x1d5: {  	v63 =	vld.idx.msk [tilespmem:v1+s11+$0x0], $0xffff;
	v2 =	vadd.f32 v3, v2;
	v3 =	vmul.f32 v58, v57  }
0x1d6: {  	v1 =	vld.idx.msk [tilespmem:v1+s14+$0x0], $0xffff  }
0x1d7: {  	v2 =	vadd.f32 v3, v2;
	v3 =	vmul.f32 v60, v59;
	_ =	sdelay $0x1  }
0x1d8: {  	v2 =	vadd.f32 v3, v2;
	v3 =	vmul.f32 v62, v61;
	_ =	sdelay $0x1  }
0x1d9: {  	v1 =	vmul.f32 v1, v63;
	v2 =	vadd.f32 v3, v2;
	_ =	sdelay $0x1  }
0x1da: {  	v1 =	vadd.f32 v1, v2;
	_ =	sdelay $0x1  }
0x1db: {  	v1 =	vsub.f32 $0.0e+00, v1;
	_ =	sdelay $0x1  }
0x1dc: {  	v1 =	vmul.f32 $1.442695020e+00, v1;
	_ =	sdelay $0x1  }
0x1dd: {  	(erf) = vpow2.f32 v1;
	_ =	sdelay $0x8  }
0x1de: {  	v1 =	vpop (erf)  }
0x1df: {  	v3 =	vadd.f32 $1.000000000e+00, v1;
	_ =	sdelay $0x1  }
0x1e0: {  	(erf) = vrcp.f32 v3;
	_ =	sdelay $0x1  }
0x1e1: {  	s31 =	simm.s32 $0x20  }
0x1e2: {  	v2 =	vmov s31  }
0x1e3: {  	v1 =	vshll.u32 v2, $0x7  }
0x1e4: {  	v1 =	vor.u32 v0, v1  }
0x1e5: {  	s18 =	simm.s32 $0x30;
	v2 =	vor.u32 $0x20, v1  }
.LBB2_6:
0x1e6: {  	p0 =	sne.s32 s18, $0xF0;
	_ =	sdelay $0x1  }
0x1e7: {  	v3 =	vor.u32 $0x1, v1;
	s17 =	sadd.s32 $0x10, s17;
	v4 =	vpop (erf)  }
0x1e8: {  	[tilespmem:s17+$0x0] =	vst v4  }
0x1e9: {  	v4 =	vor.u32 $0x2, v1;
	v2 =	vld.idx.msk [tilespmem:v2+s14+$0x0], $0xffff  }
0x1ea: {  	v5 =	vld.idx.msk [tilespmem:v1+s11+$0x0], $0xffff  }
0x1eb: {  	v7 =	vor.u32 $0x3, v1;
	v6 =	vld.idx.msk [tilespmem:v1+s14+$0x0], $0xffff  }
0x1ec: {  	v8 =	vld.idx.msk [tilespmem:v3+s11+$0x0], $0xffff  }
0x1ed: {  	v9 =	vor.u32 $0x4, v1;
	v3 =	vld.idx.msk [tilespmem:v3+s14+$0x0], $0xffff  }
0x1ee: {  	v10 =	vld.idx.msk [tilespmem:v4+s11+$0x0], $0xffff  }
0x1ef: {  	v11 =	vor.u32 $0x5, v1;
	v4 =	vld.idx.msk [tilespmem:v4+s14+$0x0], $0xffff  }
0x1f0: {  	v12 =	vld.idx.msk [tilespmem:v7+s11+$0x0], $0xffff  }
0x1f1: {  	v5 =	vmul.f32 v6, v5;
	v6 =	vld.idx.msk [tilespmem:v7+s14+$0x0], $0xffff;
	v7 =	vor.u32 $0x6, v1  }
0x1f2: {  	v13 =	vld.idx.msk [tilespmem:v9+s11+$0x0], $0xffff  }
0x1f3: {  	v2 =	vadd.f32 v5, v2;
	v3 =	vmul.f32 v3, v8;
	v8 =	vor.u32 $0x7, v1;
	v5 =	vld.idx.msk [tilespmem:v9+s14+$0x0], $0xffff  }
0x1f4: {  	v9 =	vld.idx.msk [tilespmem:v11+s11+$0x0], $0xffff  }
0x1f5: {  	v2 =	vadd.f32 v3, v2;
	v3 =	vmul.f32 v4, v10;
	v10 =	vor.u32 $0x8, v1;
	v4 =	vld.idx.msk [tilespmem:v11+s14+$0x0], $0xffff  }
0x1f6: {  	v11 =	vld.idx.msk [tilespmem:v7+s11+$0x0], $0xffff  }
0x1f7: {  	v2 =	vadd.f32 v3, v2;
	v3 =	vmul.f32 v6, v12;
	v6 =	vld.idx.msk [tilespmem:v7+s14+$0x0], $0xffff;
	v7 =	vor.u32 $0x9, v1  }
0x1f8: {  	v12 =	vld.idx.msk [tilespmem:v8+s11+$0x0], $0xffff  }
0x1f9: {  	v2 =	vadd.f32 v3, v2;
	v3 =	vmul.f32 v5, v13;
	v5 =	vld.idx.msk [tilespmem:v8+s14+$0x0], $0xffff;
	v8 =	vor.u32 $0xA, v1  }
0x1fa: {  	v13 =	vld.idx.msk [tilespmem:v10+s11+$0x0], $0xffff  }
0x1fb: {  	v2 =	vadd.f32 v3, v2;
	v3 =	vmul.f32 v4, v9;
	v9 =	vor.u32 $0xB, v1;
	v4 =	vld.idx.msk [tilespmem:v10+s14+$0x0], $0xffff  }
0x1fc: {  	v10 =	vld.idx.msk [tilespmem:v7+s11+$0x0], $0xffff  }
0x1fd: {  	v2 =	vadd.f32 v3, v2;
	v3 =	vmul.f32 v6, v11;
	v6 =	vld.idx.msk [tilespmem:v7+s14+$0x0], $0xffff;
	v7 =	vor.u32 $0xC, v1  }
0x1fe: {  	v11 =	vld.idx.msk [tilespmem:v8+s11+$0x0], $0xffff  }
0x1ff: {  	v2 =	vadd.f32 v3, v2;
	v3 =	vmul.f32 v5, v12;
	v5 =	vld.idx.msk [tilespmem:v8+s14+$0x0], $0xffff;
	v8 =	vor.u32 $0xD, v1  }
0x200: {  	v12 =	vld.idx.msk [tilespmem:v9+s11+$0x0], $0xffff  }
0x201: {  	v2 =	vadd.f32 v3, v2;
	v3 =	vmul.f32 v4, v13;
	v4 =	vld.idx.msk [tilespmem:v9+s14+$0x0], $0xffff;
	v9 =	vor.u32 $0xE, v1  }
0x202: {  	v13 =	vld.idx.msk [tilespmem:v7+s11+$0x0], $0xffff  }
0x203: {  	v2 =	vadd.f32 v3, v2;
	v3 =	vmul.f32 v6, v10;
	v6 =	vld.idx.msk [tilespmem:v7+s14+$0x0], $0xffff;
	v7 =	vor.u32 $0xF, v1  }
0x204: {  	v10 =	vld.idx.msk [tilespmem:v8+s11+$0x0], $0xffff  }
0x205: {  	v2 =	vadd.f32 v3, v2;
	v3 =	vmul.f32 v5, v11;
	v5 =	vld.idx.msk [tilespmem:v8+s14+$0x0], $0xffff;
	v8 =	vor.u32 $0x10, v1  }
0x206: {  	v11 =	vld.idx.msk [tilespmem:v9+s11+$0x0], $0xffff  }
0x207: {  	v2 =	vadd.f32 v3, v2;
	v3 =	vmul.f32 v4, v12;
	v4 =	vld.idx.msk [tilespmem:v9+s14+$0x0], $0xffff;
	v9 =	vor.u32 $0x11, v1  }
0x208: {  	v12 =	vld.idx.msk [tilespmem:v7+s11+$0x0], $0xffff  }
0x209: {  	v2 =	vadd.f32 v3, v2;
	v3 =	vmul.f32 v6, v13;
	v6 =	vld.idx.msk [tilespmem:v7+s14+$0x0], $0xffff;
	v7 =	vor.u32 $0x12, v1  }
0x20a: {  	v13 =	vld.idx.msk [tilespmem:v8+s11+$0x0], $0xffff  }
0x20b: {  	v2 =	vadd.f32 v3, v2;
	v3 =	vmul.f32 v5, v10;
	v5 =	vld.idx.msk [tilespmem:v8+s14+$0x0], $0xffff;
	v8 =	vor.u32 $0x13, v1  }
0x20c: {  	v10 =	vld.idx.msk [tilespmem:v9+s11+$0x0], $0xffff  }
0x20d: {  	v2 =	vadd.f32 v3, v2;
	v3 =	vmul.f32 v4, v11;
	v4 =	vld.idx.msk [tilespmem:v9+s14+$0x0], $0xffff;
	v9 =	vor.u32 $0x14, v1  }
0x20e: {  	v11 =	vld.idx.msk [tilespmem:v7+s11+$0x0], $0xffff  }
0x20f: {  	v2 =	vadd.f32 v3, v2;
	v3 =	vmul.f32 v6, v12;
	v6 =	vld.idx.msk [tilespmem:v7+s14+$0x0], $0xffff;
	v7 =	vor.u32 $0x15, v1  }
0x210: {  	v12 =	vld.idx.msk [tilespmem:v8+s11+$0x0], $0xffff  }
0x211: {  	v2 =	vadd.f32 v3, v2;
	v3 =	vmul.f32 v5, v13;
	v5 =	vld.idx.msk [tilespmem:v8+s14+$0x0], $0xffff;
	v8 =	vor.u32 $0x16, v1  }
0x212: {  	v13 =	vld.idx.msk [tilespmem:v9+s11+$0x0], $0xffff  }
0x213: {  	v2 =	vadd.f32 v3, v2;
	v3 =	vmul.f32 v4, v10;
	v4 =	vld.idx.msk [tilespmem:v9+s14+$0x0], $0xffff;
	v9 =	vor.u32 $0x17, v1  }
0x214: {  	v10 =	vld.idx.msk [tilespmem:v7+s11+$0x0], $0xffff  }
0x215: {  	v2 =	vadd.f32 v3, v2;
	v3 =	vmul.f32 v6, v11;
	v6 =	vld.idx.msk [tilespmem:v7+s14+$0x0], $0xffff;
	v7 =	vor.u32 $0x18, v1  }
0x216: {  	v11 =	vld.idx.msk [tilespmem:v8+s11+$0x0], $0xffff  }
0x217: {  	v2 =	vadd.f32 v3, v2;
	v3 =	vmul.f32 v5, v12;
	v5 =	vld.idx.msk [tilespmem:v8+s14+$0x0], $0xffff;
	v8 =	vor.u32 $0x19, v1  }
0x218: {  	v12 =	vld.idx.msk [tilespmem:v9+s11+$0x0], $0xffff  }
0x219: {  	v2 =	vadd.f32 v3, v2;
	v3 =	vmul.f32 v4, v13;
	v4 =	vld.idx.msk [tilespmem:v9+s14+$0x0], $0xffff;
	v9 =	vor.u32 $0x1A, v1  }
0x21a: {  	v13 =	vld.idx.msk [tilespmem:v7+s11+$0x0], $0xffff  }
0x21b: {  	v2 =	vadd.f32 v3, v2;
	v3 =	vmul.f32 v6, v10;
	v6 =	vld.idx.msk [tilespmem:v7+s14+$0x0], $0xffff;
	v7 =	vor.u32 $0x1B, v1  }
0x21c: {  	v10 =	vld.idx.msk [tilespmem:v8+s11+$0x0], $0xffff  }
0x21d: {  	v2 =	vadd.f32 v3, v2;
	v3 =	vmul.f32 v5, v11;
	v5 =	vld.idx.msk [tilespmem:v8+s14+$0x0], $0xffff;
	v8 =	vor.u32 $0x1C, v1  }
0x21e: {  	v11 =	vld.idx.msk [tilespmem:v9+s11+$0x0], $0xffff  }
0x21f: {  	v2 =	vadd.f32 v3, v2;
	v3 =	vmul.f32 v4, v12;
	v4 =	vld.idx.msk [tilespmem:v9+s14+$0x0], $0xffff;
	v9 =	vor.u32 $0x1D, v1  }
0x220: {  	v12 =	vld.idx.msk [tilespmem:v7+s11+$0x0], $0xffff  }
0x221: {  	v2 =	vadd.f32 v3, v2;
	v3 =	vmul.f32 v6, v13;
	v6 =	vld.idx.msk [tilespmem:v7+s14+$0x0], $0xffff;
	v7 =	vor.u32 $0x1E, v1  }
0x222: {  	v13 =	vld.idx.msk [tilespmem:v8+s11+$0x0], $0xffff  }
0x223: {  	v1 =	vor.u32 $0x1F, v1;
	v2 =	vadd.f32 v3, v2;
	v3 =	vmul.f32 v5, v10;
	v5 =	vld.idx.msk [tilespmem:v8+s14+$0x0], $0xffff  }
0x224: {  	v8 =	vld.idx.msk [tilespmem:v9+s11+$0x0], $0xffff  }
0x225: {  	v2 =	vadd.f32 v3, v2;
	v3 =	vmul.f32 v4, v11;
	v4 =	vld.idx.msk [tilespmem:v9+s14+$0x0], $0xffff  }
0x226: {  	v9 =	vld.idx.msk [tilespmem:v7+s11+$0x0], $0xffff  }
0x227: {  	v2 =	vadd.f32 v3, v2;
	v3 =	vmul.f32 v6, v12;
	v6 =	vld.idx.msk [tilespmem:v7+s14+$0x0], $0xffff  }
0x228: {  	v7 =	vld.idx.msk [tilespmem:v1+s11+$0x0], $0xffff  }
0x229: {  	v2 =	vadd.f32 v3, v2;
	v3 =	vmul.f32 v5, v13;
	v1 =	vld.idx.msk [tilespmem:v1+s14+$0x0], $0xffff;
	_ =	sdelay $0x1  }
0x22a: {  	v2 =	vadd.f32 v3, v2;
	v3 =	vmul.f32 v4, v8;
	_ =	sdelay $0x1  }
0x22b: {  	v2 =	vadd.f32 v3, v2;
	v3 =	vmul.f32 v6, v9;
	_ =	sdelay $0x1  }
0x22c: {  	v2 =	vadd.f32 v3, v2;
	v1 =	vmul.f32 v1, v7;
	_ =	sdelay $0x1  }
0x22d: {  	v1 =	vadd.f32 v1, v2;
	_ =	sdelay $0x1  }
0x22e: {  	v1 =	vsub.f32 $0.0e+00, v1;
	_ =	sdelay $0x1  }
0x22f: {  	v1 =	vmul.f32 $1.442695020e+00, v1;
	_ =	sdelay $0x1  }
0x230: {  	(erf) = vpow2.f32 v1;
	_ =	sdelay $0x8  }
0x231: {  	v1 =	vpop (erf)  }
0x232: {  	v1 =	vadd.f32 $1.000000000e+00, v1;
	_ =	sdelay $0x1  }
0x233: {  	(erf) = vrcp.f32 v1;
	_ =	sdelay $0x1  }
.Ltmp2:
0x234: {  	(pc) =	sbr.rel @p0 .LBB2_6-.Ltmp2, $4  }
0x235: {  	v1 =	vmov s18  }
0x236: {  	v1 =	vshll.u32 v1, $0x7  }
0x237: {  	v1 =	vor.u32 v0, v1  }
0x238: {  	s18 =	sadd.s32 $0x10, s18;
	v2 =	vor.u32 $0x20, v1  }
0x239: {  	_ =	sdelay $0x1  }
0x23a: {  	v3 =	vor.u32 $0x1, v1;
	s17 =	sadd.s32 $0x10, s17;
	v4 =	vpop (erf)  }
0x23b: {  	[tilespmem:s17+$0x0] =	vst v4  }
0x23c: {  	v31 =	vor.u32 $0x2, v1;
	v2 =	vld.idx.msk [tilespmem:v2+s14+$0x0], $0xffff  }
0x23d: {  	v5 =	vld.idx.msk [tilespmem:v1+s11+$0x0], $0xffff  }
0x23e: {  	v7 =	vor.u32 $0x3, v1;
	v6 =	vld.idx.msk [tilespmem:v1+s14+$0x0], $0xffff  }
0x23f: {  	v8 =	vld.idx.msk [tilespmem:v3+s11+$0x0], $0xffff  }
0x240: {  	v9 =	vor.u32 $0x4, v1;
	v3 =	vld.idx.msk [tilespmem:v3+s14+$0x0], $0xffff  }
0x241: {  	v10 =	vld.idx.msk [tilespmem:v31+s11+$0x0], $0xffff  }
0x242: {  	v11 =	vor.u32 $0x5, v1;
	v4 =	vld.idx.msk [tilespmem:v31+s14+$0x0], $0xffff  }
0x243: {  	v12 =	vld.idx.msk [tilespmem:v7+s11+$0x0], $0xffff;
	v5 =	vmul.f32 v6, v5  }
0x244: {  	v33 =	vor.u32 $0x6, v1;
	v32 =	vld.idx.msk [tilespmem:v7+s14+$0x0], $0xffff  }
0x245: {  	v13 =	vld.idx.msk [tilespmem:v9+s11+$0x0], $0xffff;
	v3 =	vmul.f32 v3, v8;
	v2 =	vadd.f32 v5, v2  }
0x246: {  	v35 =	vor.u32 $0x7, v1;
	v34 =	vld.idx.msk [tilespmem:v9+s14+$0x0], $0xffff  }
0x247: {  	v36 =	vld.idx.msk [tilespmem:v11+s11+$0x0], $0xffff;
	v2 =	vadd.f32 v3, v2;
	v3 =	vmul.f32 v4, v10  }
0x248: {  	v38 =	vor.u32 $0x8, v1;
	v37 =	vld.idx.msk [tilespmem:v11+s14+$0x0], $0xffff  }
0x249: {  	v39 =	vld.idx.msk [tilespmem:v33+s11+$0x0], $0xffff;
	v2 =	vadd.f32 v3, v2;
	v3 =	vmul.f32 v32, v12  }
0x24a: {  	v41 =	vor.u32 $0x9, v1;
	v40 =	vld.idx.msk [tilespmem:v33+s14+$0x0], $0xffff  }
0x24b: {  	v42 =	vld.idx.msk [tilespmem:v35+s11+$0x0], $0xffff;
	v2 =	vadd.f32 v3, v2;
	v3 =	vmul.f32 v34, v13  }
0x24c: {  	v44 =	vor.u32 $0xA, v1;
	v43 =	vld.idx.msk [tilespmem:v35+s14+$0x0], $0xffff  }
0x24d: {  	v45 =	vld.idx.msk [tilespmem:v38+s11+$0x0], $0xffff;
	v2 =	vadd.f32 v3, v2;
	v3 =	vmul.f32 v37, v36  }
0x24e: {  	v47 =	vor.u32 $0xB, v1;
	v46 =	vld.idx.msk [tilespmem:v38+s14+$0x0], $0xffff  }
0x24f: {  	v48 =	vld.idx.msk [tilespmem:v41+s11+$0x0], $0xffff;
	v2 =	vadd.f32 v3, v2;
	v3 =	vmul.f32 v40, v39  }
0x250: {  	v50 =	vor.u32 $0xC, v1;
	v49 =	vld.idx.msk [tilespmem:v41+s14+$0x0], $0xffff  }
0x251: {  	v51 =	vld.idx.msk [tilespmem:v44+s11+$0x0], $0xffff;
	v2 =	vadd.f32 v3, v2;
	v3 =	vmul.f32 v43, v42  }
0x252: {  	v53 =	vor.u32 $0xD, v1;
	v52 =	vld.idx.msk [tilespmem:v44+s14+$0x0], $0xffff  }
0x253: {  	v54 =	vld.idx.msk [tilespmem:v47+s11+$0x0], $0xffff;
	v2 =	vadd.f32 v3, v2;
	v3 =	vmul.f32 v46, v45  }
0x254: {  	v56 =	vor.u32 $0xE, v1;
	v55 =	vld.idx.msk [tilespmem:v47+s14+$0x0], $0xffff  }
0x255: {  	v57 =	vld.idx.msk [tilespmem:v50+s11+$0x0], $0xffff;
	v2 =	vadd.f32 v3, v2;
	v3 =	vmul.f32 v49, v48  }
0x256: {  	v59 =	vor.u32 $0xF, v1;
	v58 =	vld.idx.msk [tilespmem:v50+s14+$0x0], $0xffff  }
0x257: {  	v60 =	vld.idx.msk [tilespmem:v53+s11+$0x0], $0xffff;
	v2 =	vadd.f32 v3, v2;
	v3 =	vmul.f32 v52, v51  }
0x258: {  	v62 =	vor.u32 $0x10, v1;
	v61 =	vld.idx.msk [tilespmem:v53+s14+$0x0], $0xffff  }
0x259: {  	v63 =	vld.idx.msk [tilespmem:v56+s11+$0x0], $0xffff;
	v2 =	vadd.f32 v3, v2;
	v3 =	vmul.f32 v55, v54  }
0x25a: {  	v17 =	vor.u32 $0x11, v1;
	v16 =	vld.idx.msk [tilespmem:v56+s14+$0x0], $0xffff  }
0x25b: {  	v18 =	vld.idx.msk [tilespmem:v59+s11+$0x0], $0xffff;
	v2 =	vadd.f32 v3, v2;
	v3 =	vmul.f32 v58, v57  }
0x25c: {  	v20 =	vor.u32 $0x12, v1;
	v19 =	vld.idx.msk [tilespmem:v59+s14+$0x0], $0xffff  }
0x25d: {  	v21 =	vld.idx.msk [tilespmem:v62+s11+$0x0], $0xffff;
	v2 =	vadd.f32 v3, v2;
	v3 =	vmul.f32 v61, v60  }
0x25e: {  	v23 =	vor.u32 $0x13, v1;
	v22 =	vld.idx.msk [tilespmem:v62+s14+$0x0], $0xffff  }
0x25f: {  	v24 =	vld.idx.msk [tilespmem:v17+s11+$0x0], $0xffff;
	v2 =	vadd.f32 v3, v2;
	v3 =	vmul.f32 v16, v63  }
0x260: {  	v26 =	vor.u32 $0x14, v1;
	v25 =	vld.idx.msk [tilespmem:v17+s14+$0x0], $0xffff  }
0x261: {  	v27 =	vld.idx.msk [tilespmem:v20+s11+$0x0], $0xffff;
	v2 =	vadd.f32 v3, v2;
	v3 =	vmul.f32 v19, v18  }
0x262: {  	v29 =	vor.u32 $0x15, v1;
	v28 =	vld.idx.msk [tilespmem:v20+s14+$0x0], $0xffff  }
0x263: {  	v30 =	vld.idx.msk [tilespmem:v23+s11+$0x0], $0xffff;
	v2 =	vadd.f32 v3, v2;
	v3 =	vmul.f32 v22, v21  }
0x264: {  	v31 =	vld.idx.msk [tilespmem:v23+s14+$0x0], $0xffff;
	v32 =	vor.u32 $0x16, v1  }
0x265: {  	v33 =	vld.idx.msk [tilespmem:v26+s11+$0x0], $0xffff;
	v2 =	vadd.f32 v3, v2;
	v3 =	vmul.f32 v25, v24  }
0x266: {  	v35 =	vor.u32 $0x17, v1;
	v34 =	vld.idx.msk [tilespmem:v26+s14+$0x0], $0xffff  }
0x267: {  	v36 =	vld.idx.msk [tilespmem:v29+s11+$0x0], $0xffff;
	v2 =	vadd.f32 v3, v2;
	v3 =	vmul.f32 v28, v27  }
0x268: {  	v38 =	vor.u32 $0x18, v1;
	v37 =	vld.idx.msk [tilespmem:v29+s14+$0x0], $0xffff  }
0x269: {  	v39 =	vld.idx.msk [tilespmem:v32+s11+$0x0], $0xffff;
	v2 =	vadd.f32 v3, v2;
	v3 =	vmul.f32 v31, v30  }
0x26a: {  	v41 =	vor.u32 $0x19, v1;
	v40 =	vld.idx.msk [tilespmem:v32+s14+$0x0], $0xffff  }
0x26b: {  	v42 =	vld.idx.msk [tilespmem:v35+s11+$0x0], $0xffff;
	v2 =	vadd.f32 v3, v2;
	v3 =	vmul.f32 v34, v33  }
0x26c: {  	v44 =	vor.u32 $0x1A, v1;
	v43 =	vld.idx.msk [tilespmem:v35+s14+$0x0], $0xffff  }
0x26d: {  	v45 =	vld.idx.msk [tilespmem:v38+s11+$0x0], $0xffff;
	v2 =	vadd.f32 v3, v2;
	v3 =	vmul.f32 v37, v36  }
0x26e: {  	v47 =	vor.u32 $0x1B, v1;
	v46 =	vld.idx.msk [tilespmem:v38+s14+$0x0], $0xffff  }
0x26f: {  	v48 =	vld.idx.msk [tilespmem:v41+s11+$0x0], $0xffff;
	v2 =	vadd.f32 v3, v2;
	v3 =	vmul.f32 v40, v39  }
0x270: {  	v50 =	vor.u32 $0x1C, v1;
	v49 =	vld.idx.msk [tilespmem:v41+s14+$0x0], $0xffff  }
0x271: {  	v51 =	vld.idx.msk [tilespmem:v44+s11+$0x0], $0xffff;
	v2 =	vadd.f32 v3, v2;
	v3 =	vmul.f32 v43, v42  }
0x272: {  	v53 =	vor.u32 $0x1D, v1;
	v52 =	vld.idx.msk [tilespmem:v44+s14+$0x0], $0xffff  }
0x273: {  	v54 =	vld.idx.msk [tilespmem:v47+s11+$0x0], $0xffff;
	v2 =	vadd.f32 v3, v2;
	v3 =	vmul.f32 v46, v45  }
0x274: {  	v56 =	vor.u32 $0x1E, v1;
	v55 =	vld.idx.msk [tilespmem:v47+s14+$0x0], $0xffff  }
0x275: {  	v57 =	vld.idx.msk [tilespmem:v50+s11+$0x0], $0xffff;
	v2 =	vadd.f32 v3, v2;
	v3 =	vmul.f32 v49, v48  }
0x276: {  	v1 =	vor.u32 $0x1F, v1;
	v58 =	vld.idx.msk [tilespmem:v50+s14+$0x0], $0xffff  }
0x277: {  	v59 =	vld.idx.msk [tilespmem:v53+s11+$0x0], $0xffff;
	v2 =	vadd.f32 v3, v2;
	v3 =	vmul.f32 v52, v51  }
0x278: {  	v60 =	vld.idx.msk [tilespmem:v53+s14+$0x0], $0xffff  }
0x279: {  	v62 =	vld.idx.msk [tilespmem:v56+s14+$0x0], $0xffff;
	v2 =	vadd.f32 v3, v2;
	v3 =	vmul.f32 v55, v54  }
0x27a: {  	v61 =	vld.idx.msk [tilespmem:v56+s11+$0x0], $0xffff  }
0x27b: {  	v63 =	vld.idx.msk [tilespmem:v1+s11+$0x0], $0xffff;
	v2 =	vadd.f32 v3, v2;
	v3 =	vmul.f32 v58, v57  }
0x27c: {  	v1 =	vld.idx.msk [tilespmem:v1+s14+$0x0], $0xffff  }
0x27d: {  	v2 =	vadd.f32 v3, v2;
	v3 =	vmul.f32 v60, v59;
	_ =	sdelay $0x1  }
0x27e: {  	v2 =	vadd.f32 v3, v2;
	v3 =	vmul.f32 v62, v61;
	_ =	sdelay $0x1  }
0x27f: {  	v1 =	vmul.f32 v1, v63;
	v2 =	vadd.f32 v3, v2;
	_ =	sdelay $0x1  }
0x280: {  	v1 =	vadd.f32 v1, v2;
	_ =	sdelay $0x1  }
0x281: {  	v1 =	vsub.f32 $0.0e+00, v1;
	_ =	sdelay $0x1  }
0x282: {  	v1 =	vmul.f32 $1.442695020e+00, v1;
	_ =	sdelay $0x1  }
0x283: {  	(erf) = vpow2.f32 v1;
	_ =	sdelay $0x8  }
0x284: {  	v1 =	vpop (erf)  }
0x285: {  	v1 =	vadd.f32 $1.000000000e+00, v1;
	_ =	sdelay $0x1  }
0x286: {  	(erf) = vrcp.f32 v1;
	_ =	sdelay $0x8  }
0x287: {  	s0 =	sadd.s32 $0x10, s17;
	v1 =	vpop (erf)  }
0x288: {  	s17 =	simm.s32 $0x100;
	[tilespmem:s0+$0x0] =	vst v1  }
0x289: {  	v1 =	vld [tilespmem:s17+$0x0];
	_ =	sdelay $0x4  }
0x28a: {  	s18 =	simm.s32 $0x300;
	v2 =	vshll.u32 v1, $0x4  }
0x28b: {  	v1 =	vld [tilespmem:s18+$0x0];
	(v2sf) =	vpush v2, $0x0;
	_ =	sdelay $0x1  }
0x28c: {  	(v2sf) =	vpush v2, $0x1;
	_ =	sdelay $0x1  }
0x28d: {  	(v2sf) =	vpush v2, $0x2  }
0x28e: {  	v1 =	vshll.u32 v1, $0x4  }
0x28f: {  	(v2sf) =	vpush v1, $0x0;
	_ =	sdelay $0x8  }
0x290: {  	s23 =	spop (v2sf)  }
0x291: {  	(v2sf) =	vpush v1, $0x1;
	s0 =	sand.u32 $0x1FFFFFF0, s23  }
0x292: {  	s5 =	simm.s32 $0x400;
	s2 =	spop (v2sf);
	s0 =	sadd.s32 s3, s0  }
0x293: {  	[tilespmem:s5], [sflag:$0x1] =	stream.strided.gather [hbm4b:s0+s10], $0x0, s11, s10, $0x38;
	[tilespmem:$0x10600] =	vst v63  }
0x294: {  	s6 =	spop (v2sf)  }
0x295: {  	[tilespmem:s5], [sflag:$0x1] =	stream.linear.gather [hbm4b:s0+s1], $0x20, $0x38;
	[tilespmem:$0x10600] =	vst v63  }
0x296: {  	s24 =	spop (v2sf)  }
0x297: {  	(v2sf) =	vpush v1, $0x2;
	s0 =	sand.u32 $0x1FFFFFF0, s24  }
0x298: {  	s25 =	simm.s32 $0x8400;
	s0 =	sadd.s32 s4, s0  }
0x299: {  	[tilespmem:s25], [sflag:$0x2] =	stream.strided.gather [hbm4b:s0+s10], $0x0, s11, s10, $0x38;
	[tilespmem:$0x10600] =	vst v63  }
0x29a: {  	s26 =	sand.u32 $0x1FFFFFF0, s2  }
0x29b: {  	(v2sf) =	vpush v2, $0x3;
	[tilespmem:s25], [sflag:$0x2] =	stream.linear.gather [hbm4b:s0+s1], $0x21, $0x38;
	[tilespmem:$0x10600] =	vst v63  }
0x29c: {  	s28 =	simm.s32 $0x480;
	s0 =	sadd.s32 s3, s26  }
0x29d: {  	[tilespmem:s28], [sflag:$0x1] =	stream.strided.gather [hbm4b:s0+s10], $0x0, s11, s10, $0x38;
	[tilespmem:$0x10600] =	vst v63  }
0x29e: {  	_ = 	snop  }
0x29f: {  	(v2sf) =	vpush v1, $0x3;
	[tilespmem:s28], [sflag:$0x1] =	stream.linear.gather [hbm4b:s0+s1], $0x20, $0x38;
	[tilespmem:$0x10600] =	vst v63  }
0x2a0: {  	s29 =	spop (v2sf)  }
0x2a1: {  	s0 =	sand.u32 $0x1FFFFFF0, s29  }
0x2a2: {  	s30 =	simm.s32 $0x8480;
	s0 =	sadd.s32 s4, s0  }
0x2a3: {  	(v2sf) =	vpush v2, $0x4;
	[tilespmem:s30], [sflag:$0x2] =	stream.strided.gather [hbm4b:s0+s10], $0x0, s11, s10, $0x38;
	[tilespmem:$0x10600] =	vst v63  }
0x2a4: {  	s31 =	sand.u32 $0x1FFFFFF0, s6  }
0x2a5: {  	[tilespmem:s30], [sflag:$0x2] =	stream.linear.gather [hbm4b:s0+s1], $0x21, $0x38;
	[tilespmem:$0x10600] =	vst v63  }
0x2a6: {  	s7 =	simm.s32 $0x500;
	s5 =	sadd.s32 s3, s31;
	s6 =	spop (v2sf)  }
0x2a7: {  	(v2sf) =	vpush v1, $0x4;
	[tilespmem:s7], [sflag:$0x1] =	stream.strided.gather [hbm4b:s5+s10], $0x0, s11, s10, $0x38;
	[tilespmem:$0x10600] =	vst v63  }
0x2a8: {  	s0 =	sand.u32 $0x1FFFFFF0, s6  }
0x2a9: {  	[tilespmem:s7], [sflag:$0x1] =	stream.linear.gather [hbm4b:s5+s1], $0x20, $0x38;
	[tilespmem:$0x10600] =	vst v63  }
0x2aa: {  	s9 =	simm.s32 $0x8500;
	s8 =	spop (v2sf);
	s0 =	sadd.s32 s4, s0  }
0x2ab: {  	(v2sf) =	vpush v2, $0x5;
	[tilespmem:s9], [sflag:$0x2] =	stream.strided.gather [hbm4b:s0+s10], $0x0, s11, s10, $0x38;
	[tilespmem:$0x10600] =	vst v63  }
0x2ac: {  	s2 =	sand.u32 $0x1FFFFFF0, s8  }
0x2ad: {  	[tilespmem:s9], [sflag:$0x2] =	stream.linear.gather [hbm4b:s0+s1], $0x21, $0x38;
	[tilespmem:$0x10600] =	vst v63  }
0x2ae: {  	s16 =	simm.s32 $0x580;
	s2 =	sadd.s32 s3, s2;
	s15 =	spop (v2sf)  }
0x2af: {  	(v2sf) =	vpush v1, $0x5;
	[tilespmem:s16], [sflag:$0x1] =	stream.strided.gather [hbm4b:s2+s10], $0x0, s11, s10, $0x38;
	[tilespmem:$0x10600] =	vst v63  }
0x2b0: {  	s0 =	sand.u32 $0x1FFFFFF0, s15  }
0x2b1: {  	[tilespmem:s16], [sflag:$0x1] =	stream.linear.gather [hbm4b:s2+s1], $0x20, $0x38;
	[tilespmem:$0x10600] =	vst v63  }
0x2b2: {  	s20 =	simm.s32 $0x8580;
	s0 =	sadd.s32 s4, s0;
	s19 =	spop (v2sf)  }
0x2b3: {  	(v2sf) =	vpush v2, $0x6;
	[tilespmem:s20], [sflag:$0x2] =	stream.strided.gather [hbm4b:s0+s10], $0x0, s11, s10, $0x38;
	[tilespmem:$0x10600] =	vst v63  }
0x2b4: {  	s2 =	sand.u32 $0x1FFFFFF0, s19  }
0x2b5: {  	[tilespmem:s20], [sflag:$0x2] =	stream.linear.gather [hbm4b:s0+s1], $0x21, $0x38;
	[tilespmem:$0x10600] =	vst v63  }
0x2b6: {  	s22 =	simm.s32 $0x600;
	s21 =	spop (v2sf);
	s2 =	sadd.s32 s3, s2  }
0x2b7: {  	(v2sf) =	vpush v1, $0x6;
	[tilespmem:s22], [sflag:$0x1] =	stream.strided.gather [hbm4b:s2+s10], $0x0, s11, s10, $0x38;
	[tilespmem:$0x10600] =	vst v63  }
0x2b8: {  	s0 =	sand.u32 $0x1FFFFFF0, s21  }
0x2b9: {  	[tilespmem:s22], [sflag:$0x1] =	stream.linear.gather [hbm4b:s2+s1], $0x20, $0x38;
	[tilespmem:$0x10600] =	vst v63  }
0x2ba: {  	s24 =	simm.s32 $0x8600;
	s23 =	spop (v2sf);
	s0 =	sadd.s32 s4, s0  }
0x2bb: {  	(v2sf) =	vpush v2, $0x7;
	[tilespmem:s24], [sflag:$0x2] =	stream.strided.gather [hbm4b:s0+s10], $0x0, s11, s10, $0x38;
	[tilespmem:$0x10600] =	vst v63  }
0x2bc: {  	s2 =	sand.u32 $0x1FFFFFF0, s23  }
0x2bd: {  	[tilespmem:s24], [sflag:$0x2] =	stream.linear.gather [hbm4b:s0+s1], $0x21, $0x38;
	[tilespmem:$0x10600] =	vst v63  }
0x2be: {  	s26 =	simm.s32 $0x680;
	s25 =	spop (v2sf);
	s2 =	sadd.s32 s3, s2  }
0x2bf: {  	(v2sf) =	vpush v1, $0x7;
	[tilespmem:s26], [sflag:$0x1] =	stream.strided.gather [hbm4b:s2+s10], $0x0, s11, s10, $0x38;
	[tilespmem:$0x10600] =	vst v63  }
0x2c0: {  	s0 =	sand.u32 $0x1FFFFFF0, s25  }
0x2c1: {  	[tilespmem:s26], [sflag:$0x1] =	stream.linear.gather [hbm4b:s2+s1], $0x20, $0x38;
	[tilespmem:$0x10600] =	vst v63  }
0x2c2: {  	s29 =	simm.s32 $0x8680;
	s28 =	spop (v2sf);
	s0 =	sadd.s32 s4, s0  }
0x2c3: {  	(v2sf) =	vpush v2, $0x8;
	[tilespmem:s29], [sflag:$0x2] =	stream.strided.gather [hbm4b:s0+s10], $0x0, s11, s10, $0x38;
	[tilespmem:$0x10600] =	vst v63  }
0x2c4: {  	s2 =	sand.u32 $0x1FFFFFF0, s28  }
0x2c5: {  	[tilespmem:s29], [sflag:$0x2] =	stream.linear.gather [hbm4b:s0+s1], $0x21, $0x38;
	[tilespmem:$0x10600] =	vst v63  }
0x2c6: {  	s31 =	simm.s32 $0x700;
	s30 =	spop (v2sf);
	s2 =	sadd.s32 s3, s2  }
0x2c7: {  	(v2sf) =	vpush v1, $0x8;
	[tilespmem:s31], [sflag:$0x1] =	stream.strided.gather [hbm4b:s2+s10], $0x0, s11, s10, $0x38;
	[tilespmem:$0x10600] =	vst v63  }
0x2c8: {  	s0 =	sand.u32 $0x1FFFFFF0, s30  }
0x2c9: {  	[tilespmem:s31], [sflag:$0x1] =	stream.linear.gather [hbm4b:s2+s1], $0x20, $0x38;
	[tilespmem:$0x10600] =	vst v63  }
0x2ca: {  	s7 =	simm.s32 $0x8700;
	s6 =	spop (v2sf);
	s0 =	sadd.s32 s4, s0  }
0x2cb: {  	(v2sf) =	vpush v2, $0x9;
	[tilespmem:s7], [sflag:$0x2] =	stream.strided.gather [hbm4b:s0+s10], $0x0, s11, s10, $0x38;
	[tilespmem:$0x10600] =	vst v63  }
0x2cc: {  	s2 =	sand.u32 $0x1FFFFFF0, s6  }
0x2cd: {  	[tilespmem:s7], [sflag:$0x2] =	stream.linear.gather [hbm4b:s0+s1], $0x21, $0x38;
	[tilespmem:$0x10600] =	vst v63  }
0x2ce: {  	s9 =	simm.s32 $0x780;
	s8 =	spop (v2sf);
	s2 =	sadd.s32 s3, s2  }
0x2cf: {  	(v2sf) =	vpush v1, $0x9;
	[tilespmem:s9], [sflag:$0x1] =	stream.strided.gather [hbm4b:s2+s10], $0x0, s11, s10, $0x38;
	[tilespmem:$0x10600] =	vst v63  }
0x2d0: {  	s0 =	sand.u32 $0x1FFFFFF0, s8  }
0x2d1: {  	[tilespmem:s9], [sflag:$0x1] =	stream.linear.gather [hbm4b:s2+s1], $0x20, $0x38;
	[tilespmem:$0x10600] =	vst v63  }
0x2d2: {  	s16 =	simm.s32 $0x8780;
	s15 =	spop (v2sf);
	s0 =	sadd.s32 s4, s0  }
0x2d3: {  	(v2sf) =	vpush v2, $0xA;
	[tilespmem:s16], [sflag:$0x2] =	stream.strided.gather [hbm4b:s0+s10], $0x0, s11, s10, $0x38;
	[tilespmem:$0x10600] =	vst v63  }
0x2d4: {  	s2 =	sand.u32 $0x1FFFFFF0, s15  }
0x2d5: {  	[tilespmem:s16], [sflag:$0x2] =	stream.linear.gather [hbm4b:s0+s1], $0x21, $0x38;
	[tilespmem:$0x10600] =	vst v63  }
0x2d6: {  	s20 =	simm.s32 $0x800;
	s19 =	spop (v2sf);
	s2 =	sadd.s32 s3, s2  }
0x2d7: {  	(v2sf) =	vpush v1, $0xA;
	[tilespmem:s20], [sflag:$0x1] =	stream.strided.gather [hbm4b:s2+s10], $0x0, s11, s10, $0x38;
	[tilespmem:$0x10600] =	vst v63  }
0x2d8: {  	s0 =	sand.u32 $0x1FFFFFF0, s19  }
0x2d9: {  	[tilespmem:s20], [sflag:$0x1] =	stream.linear.gather [hbm4b:s2+s1], $0x20, $0x38;
	[tilespmem:$0x10600] =	vst v63  }
0x2da: {  	s22 =	simm.s32 $0x8800;
	s21 =	spop (v2sf);
	s0 =	sadd.s32 s4, s0  }
0x2db: {  	(v2sf) =	vpush v2, $0xB;
	[tilespmem:s22], [sflag:$0x2] =	stream.strided.gather [hbm4b:s0+s10], $0x0, s11, s10, $0x38;
	[tilespmem:$0x10600] =	vst v63  }
0x2dc: {  	s2 =	sand.u32 $0x1FFFFFF0, s21  }
0x2dd: {  	[tilespmem:s22], [sflag:$0x2] =	stream.linear.gather [hbm4b:s0+s1], $0x21, $0x38;
	[tilespmem:$0x10600] =	vst v63  }
0x2de: {  	s24 =	simm.s32 $0x880;
	s23 =	spop (v2sf);
	s2 =	sadd.s32 s3, s2  }
0x2df: {  	(v2sf) =	vpush v1, $0xB;
	[tilespmem:s24], [sflag:$0x1] =	stream.strided.gather [hbm4b:s2+s10], $0x0, s11, s10, $0x38;
	[tilespmem:$0x10600] =	vst v63  }
0x2e0: {  	s0 =	sand.u32 $0x1FFFFFF0, s23  }
0x2e1: {  	[tilespmem:s24], [sflag:$0x1] =	stream.linear.gather [hbm4b:s2+s1], $0x20, $0x38;
	[tilespmem:$0x10600] =	vst v63  }
0x2e2: {  	s26 =	simm.s32 $0x8880;
	s25 =	spop (v2sf);
	s0 =	sadd.s32 s4, s0  }
0x2e3: {  	(v2sf) =	vpush v2, $0xC;
	[tilespmem:s26], [sflag:$0x2] =	stream.strided.gather [hbm4b:s0+s10], $0x0, s11, s10, $0x38;
	[tilespmem:$0x10600] =	vst v63  }
0x2e4: {  	s2 =	sand.u32 $0x1FFFFFF0, s25  }
0x2e5: {  	[tilespmem:s26], [sflag:$0x2] =	stream.linear.gather [hbm4b:s0+s1], $0x21, $0x38;
	[tilespmem:$0x10600] =	vst v63  }
0x2e6: {  	s29 =	simm.s32 $0x900;
	s28 =	spop (v2sf);
	s2 =	sadd.s32 s3, s2  }
0x2e7: {  	(v2sf) =	vpush v1, $0xC;
	[tilespmem:s29], [sflag:$0x1] =	stream.strided.gather [hbm4b:s2+s10], $0x0, s11, s10, $0x38;
	[tilespmem:$0x10600] =	vst v63  }
0x2e8: {  	s0 =	sand.u32 $0x1FFFFFF0, s28  }
0x2e9: {  	[tilespmem:s29], [sflag:$0x1] =	stream.linear.gather [hbm4b:s2+s1], $0x20, $0x38;
	[tilespmem:$0x10600] =	vst v63  }
0x2ea: {  	s31 =	simm.s32 $0x8900;
	s30 =	spop (v2sf);
	s0 =	sadd.s32 s4, s0  }
0x2eb: {  	(v2sf) =	vpush v2, $0xD;
	[tilespmem:s31], [sflag:$0x2] =	stream.strided.gather [hbm4b:s0+s10], $0x0, s11, s10, $0x38;
	[tilespmem:$0x10600] =	vst v63  }
0x2ec: {  	s2 =	sand.u32 $0x1FFFFFF0, s30  }
0x2ed: {  	[tilespmem:s31], [sflag:$0x2] =	stream.linear.gather [hbm4b:s0+s1], $0x21, $0x38;
	[tilespmem:$0x10600] =	vst v63  }
0x2ee: {  	s6 =	simm.s32 $0x980;
	s5 =	spop (v2sf);
	s2 =	sadd.s32 s3, s2  }
0x2ef: {  	(v2sf) =	vpush v1, $0xD;
	[tilespmem:s6], [sflag:$0x1] =	stream.strided.gather [hbm4b:s2+s10], $0x0, s11, s10, $0x38;
	[tilespmem:$0x10600] =	vst v63  }
0x2f0: {  	s0 =	sand.u32 $0x1FFFFFF0, s5  }
0x2f1: {  	[tilespmem:s6], [sflag:$0x1] =	stream.linear.gather [hbm4b:s2+s1], $0x20, $0x38;
	[tilespmem:$0x10600] =	vst v63  }
0x2f2: {  	s8 =	simm.s32 $0x8980;
	s7 =	spop (v2sf);
	s0 =	sadd.s32 s4, s0  }
0x2f3: {  	(v2sf) =	vpush v2, $0xE;
	[tilespmem:s8], [sflag:$0x2] =	stream.strided.gather [hbm4b:s0+s10], $0x0, s11, s10, $0x38;
	[tilespmem:$0x10600] =	vst v63  }
0x2f4: {  	s2 =	sand.u32 $0x1FFFFFF0, s7  }
0x2f5: {  	[tilespmem:s8], [sflag:$0x2] =	stream.linear.gather [hbm4b:s0+s1], $0x21, $0x38;
	[tilespmem:$0x10600] =	vst v63  }
0x2f6: {  	s15 =	simm.s32 $0xA00;
	s9 =	spop (v2sf);
	s2 =	sadd.s32 s3, s2  }
0x2f7: {  	(v2sf) =	vpush v1, $0xE;
	[tilespmem:s15], [sflag:$0x1] =	stream.strided.gather [hbm4b:s2+s10], $0x0, s11, s10, $0x38;
	[tilespmem:$0x10600] =	vst v63  }
0x2f8: {  	s0 =	sand.u32 $0x1FFFFFF0, s9  }
0x2f9: {  	[tilespmem:s15], [sflag:$0x1] =	stream.linear.gather [hbm4b:s2+s1], $0x20, $0x38;
	[tilespmem:$0x10600] =	vst v63  }
0x2fa: {  	s19 =	simm.s32 $0x8A00;
	s16 =	spop (v2sf);
	s0 =	sadd.s32 s4, s0  }
0x2fb: {  	(v2sf) =	vpush v2, $0xF;
	[tilespmem:s19], [sflag:$0x2] =	stream.strided.gather [hbm4b:s0+s10], $0x0, s11, s10, $0x38;
	[tilespmem:$0x10600] =	vst v63  }
0x2fc: {  	s2 =	sand.u32 $0x1FFFFFF0, s16  }
0x2fd: {  	[tilespmem:s19], [sflag:$0x2] =	stream.linear.gather [hbm4b:s0+s1], $0x21, $0x38;
	[tilespmem:$0x10600] =	vst v63  }
0x2fe: {  	s21 =	simm.s32 $0xA80;
	s20 =	spop (v2sf);
	s2 =	sadd.s32 s3, s2  }
0x2ff: {  	(v2sf) =	vpush v1, $0xF;
	[tilespmem:s21], [sflag:$0x1] =	stream.strided.gather [hbm4b:s2+s10], $0x0, s11, s10, $0x38;
	[tilespmem:$0x10600] =	vst v63  }
0x300: {  	s0 =	sand.u32 $0x1FFFFFF0, s20  }
0x301: {  	[tilespmem:s21], [sflag:$0x1] =	stream.linear.gather [hbm4b:s2+s1], $0x20, $0x38;
	[tilespmem:$0x10600] =	vst v63  }
0x302: {  	s23 =	simm.s32 $0x8A80;
	s22 =	spop (v2sf);
	s0 =	sadd.s32 s4, s0  }
0x303: {  	[tilespmem:s23], [sflag:$0x2] =	stream.strided.gather [hbm4b:s0+s10], $0x0, s11, s10, $0x38;
	[tilespmem:$0x10600] =	vst v63  }
0x304: {  	s2 =	sand.u32 $0x1FFFFFF0, s22  }
0x305: {  	[tilespmem:s23], [sflag:$0x2] =	stream.linear.gather [hbm4b:s0+s1], $0x21, $0x38;
	[tilespmem:$0x10600] =	vst v63  }
0x306: {  	s25 =	simm.s32 $0xB00;
	s24 =	spop (v2sf);
	s2 =	sadd.s32 s3, s2  }
0x307: {  	[tilespmem:s25], [sflag:$0x1] =	stream.strided.gather [hbm4b:s2+s10], $0x0, s11, s10, $0x38;
	[tilespmem:$0x10600] =	vst v63  }
0x308: {  	s0 =	sand.u32 $0x1FFFFFF0, s24  }
0x309: {  	[tilespmem:s25], [sflag:$0x1] =	stream.linear.gather [hbm4b:s2+s1], $0x20, $0x38;
	[tilespmem:$0x10600] =	vst v63  }
0x30a: {  	s28 =	simm.s32 $0x8B00;
	s26 =	spop (v2sf);
	s0 =	sadd.s32 s4, s0  }
0x30b: {  	[tilespmem:s28], [sflag:$0x2] =	stream.strided.gather [hbm4b:s0+s10], $0x0, s11, s10, $0x38;
	[tilespmem:$0x10600] =	vst v63  }
0x30c: {  	s2 =	sand.u32 $0x1FFFFFF0, s26  }
0x30d: {  	[tilespmem:s28], [sflag:$0x2] =	stream.linear.gather [hbm4b:s0+s1], $0x21, $0x38;
	[tilespmem:$0x10600] =	vst v63  }
0x30e: {  	s30 =	simm.s32 $0xB80;
	s29 =	spop (v2sf);
	s2 =	sadd.s32 s3, s2  }
0x30f: {  	[tilespmem:s30], [sflag:$0x1] =	stream.strided.gather [hbm4b:s2+s10], $0x0, s11, s10, $0x38;
	[tilespmem:$0x10600] =	vst v63  }
0x310: {  	s31 =	sand.u32 $0x1FFFFFF0, s29  }
0x311: {  	[tilespmem:s30], [sflag:$0x1] =	stream.linear.gather [hbm4b:s2+s1], $0x20, $0x38;
	[tilespmem:$0x10600] =	vst v63  }
0x312: {  	s19 =	simm.s32 $0x2000;
	s0 =	simm.s32 $0x8B80;
	s2 =	sadd.s32 s4, s31  }
0x313: {  	[tilespmem:s0], [sflag:$0x2] =	stream.strided.gather [hbm4b:s2+s10], $0x0, s11, s10, $0x38;
	[tilespmem:$0x10600] =	vst v63  }
.LBB2_8:
0x314: {  	p0 =	sne.s32 s19, $0x1E000;
	s17 =	sadd.s32 $0x10, s17;
	s18 =	sadd.s32 $0x10, s18  }
0x315: {  	[tilespmem:s0], [sflag:$0x2] =	stream.linear.gather [hbm4b:s2+s1], $0x21, $0x38;
	[tilespmem:$0x10600] =	vst v63  }
0x316: {  	s0 =	smov.u32 s19;
	s19 =	sadd.s32 $0x2000, s19;
	v1 =	vld [tilespmem:s17+$0x0];
	_ =	sdelay $0x3  }
0x317: {  	v2 =	vld [tilespmem:s18+$0x0]  }
0x318: {  	v1 =	vshll.u32 v1, $0x4  }
0x319: {  	(v2sf) =	vpush v1, $0x0  }
0x31a: {  	(v2sf) =	vpush v1, $0x1  }
0x31b: {  	(v2sf) =	vpush v1, $0x2  }
0x31c: {  	v2 =	vshll.u32 v2, $0x4  }
0x31d: {  	(v2sf) =	vpush v2, $0x0;
	_ =	sdelay $0x1  }
0x31e: {  	(v2sf) =	vpush v2, $0x1  }
0x31f: {  	(v2sf) =	vpush v2, $0x2;
	_ =	sdelay $0x3  }
0x320: {  	(v2sf) =	vpush v1, $0x3;
	_ =	sdelay $0x3  }
0x321: {  	s2 =	spop (v2sf);
	(v2sf) =	vpush v2, $0x3  }
0x322: {  	s20 =	sshra.s32 s0, $0x2;
	s0 =	sand.u32 $0x1FFFFFF0, s2;
	s2 =	spop (v2sf)  }
0x323: {  	s5 =	sadd.s32 $0x400, s20;
	s0 =	sadd.s32 s3, s0;
	s6 =	spop (v2sf)  }
0x324: {  	[tilespmem:s5], [sflag:$0x1] =	stream.strided.gather [hbm4b:s0+s10], $0x0, s11, s10, $0x38;
	[tilespmem:$0x10600] =	vst v63  }
0x325: {  	s2 =	sand.u32 $0x1FFFFFF0, s2;
	s6 =	sand.u32 $0x1FFFFFF0, s6;
	s7 =	spop (v2sf);
	(v2sf) =	vpush v1, $0x4  }
0x326: {  	[tilespmem:s5], [sflag:$0x1] =	stream.linear.gather [hbm4b:s0+s1], $0x20, $0x38;
	[tilespmem:$0x10600] =	vst v63  }
0x327: {  	s0 =	sadd.s32 $0x8400, s20;
	s5 =	sand.u32 $0x1FFFFFF0, s7;
	s7 =	spop (v2sf);
	(v2sf) =	vpush v2, $0x4  }
0x328: {  	s5 =	sadd.s32 s4, s5;
	s7 =	sand.u32 $0x1FFFFFF0, s7;
	s8 =	spop (v2sf)  }
0x329: {  	[tilespmem:s0], [sflag:$0x2] =	stream.strided.gather [hbm4b:s5+s10], $0x0, s11, s10, $0x38;
	(v2sf) =	vpush v1, $0x5;
	[tilespmem:$0x10600] =	vst v63  }
0x32a: {  	s9 =	sadd.s32 $0x480, s20;
	s2 =	sadd.s32 s3, s2;
	s8 =	sand.u32 $0x1FFFFFF0, s8  }
0x32b: {  	[tilespmem:s0], [sflag:$0x2] =	stream.linear.gather [hbm4b:s5+s1], $0x21, $0x38;
	(v2sf) =	vpush v2, $0x5;
	[tilespmem:$0x10600] =	vst v63  }
0x32c: {  	s0 =	spop (v2sf)  }
0x32d: {  	[tilespmem:s9], [sflag:$0x1] =	stream.strided.gather [hbm4b:s2+s10], $0x0, s11, s10, $0x38;
	(v2sf) =	vpush v1, $0x6;
	[tilespmem:$0x10600] =	vst v63  }
0x32e: {  	s7 =	sadd.s32 s4, s7;
	s5 =	sadd.s32 $0x8480, s20;
	s0 =	sand.u32 $0x1FFFFFF0, s0  }
0x32f: {  	[tilespmem:s9], [sflag:$0x1] =	stream.linear.gather [hbm4b:s2+s1], $0x20, $0x38;
	(v2sf) =	vpush v2, $0x6;
	[tilespmem:$0x10600] =	vst v63  }
0x330: {  	s2 =	spop (v2sf)  }
0x331: {  	[tilespmem:s5], [sflag:$0x2] =	stream.strided.gather [hbm4b:s7+s10], $0x0, s11, s10, $0x38;
	(v2sf) =	vpush v1, $0x7;
	[tilespmem:$0x10600] =	vst v63  }
0x332: {  	s6 =	sadd.s32 s3, s6;
	s9 =	sadd.s32 $0x500, s20;
	s2 =	sand.u32 $0x1FFFFFF0, s2  }
0x333: {  	[tilespmem:s5], [sflag:$0x2] =	stream.linear.gather [hbm4b:s7+s1], $0x21, $0x38;
	(v2sf) =	vpush v2, $0x7;
	[tilespmem:$0x10600] =	vst v63  }
0x334: {  	s5 =	spop (v2sf)  }
0x335: {  	[tilespmem:s9], [sflag:$0x1] =	stream.strided.gather [hbm4b:s6+s10], $0x0, s11, s10, $0x38;
	(v2sf) =	vpush v1, $0x8;
	[tilespmem:$0x10600] =	vst v63  }
0x336: {  	s8 =	sadd.s32 s4, s8;
	s7 =	sadd.s32 $0x8500, s20;
	s15 =	spop (v2sf)  }
0x337: {  	[tilespmem:s9], [sflag:$0x1] =	stream.linear.gather [hbm4b:s6+s1], $0x20, $0x38;
	(v2sf) =	vpush v2, $0x8;
	[tilespmem:$0x10600] =	vst v63  }
0x338: {  	s6 =	sand.u32 $0x1FFFFFF0, s5;
	s9 =	sand.u32 $0x1FFFFFF0, s15;
	s5 =	spop (v2sf)  }
0x339: {  	[tilespmem:s7], [sflag:$0x2] =	stream.strided.gather [hbm4b:s8+s10], $0x0, s11, s10, $0x38;
	(v2sf) =	vpush v1, $0x9;
	[tilespmem:$0x10600] =	vst v63  }
0x33a: {  	s0 =	sadd.s32 s3, s0;
	s15 =	sadd.s32 $0x580, s20;
	s21 =	spop (v2sf)  }
0x33b: {  	[tilespmem:s7], [sflag:$0x2] =	stream.linear.gather [hbm4b:s8+s1], $0x21, $0x38;
	(v2sf) =	vpush v2, $0x9;
	[tilespmem:$0x10600] =	vst v63  }
0x33c: {  	s7 =	sand.u32 $0x1FFFFFF0, s5;
	s5 =	sand.u32 $0x1FFFFFF0, s21;
	s8 =	spop (v2sf)  }
0x33d: {  	[tilespmem:s15], [sflag:$0x1] =	stream.strided.gather [hbm4b:s0+s10], $0x0, s11, s10, $0x38;
	(v2sf) =	vpush v1, $0xA;
	[tilespmem:$0x10600] =	vst v63  }
0x33e: {  	s2 =	sadd.s32 s4, s2;
	s21 =	sadd.s32 $0x8580, s20;
	s22 =	spop (v2sf)  }
0x33f: {  	[tilespmem:s15], [sflag:$0x1] =	stream.linear.gather [hbm4b:s0+s1], $0x20, $0x38;
	(v2sf) =	vpush v2, $0xA;
	[tilespmem:$0x10600] =	vst v63  }
0x340: {  	s15 =	sand.u32 $0x1FFFFFF0, s8;
	s23 =	sand.u32 $0x1FFFFFF0, s22;
	s0 =	spop (v2sf)  }
0x341: {  	[tilespmem:s21], [sflag:$0x2] =	stream.strided.gather [hbm4b:s2+s10], $0x0, s11, s10, $0x38;
	(v2sf) =	vpush v1, $0xB;
	[tilespmem:$0x10600] =	vst v63  }
0x342: {  	s6 =	sadd.s32 s3, s6;
	s8 =	sadd.s32 $0x600, s20;
	s22 =	spop (v2sf)  }
0x343: {  	[tilespmem:s21], [sflag:$0x2] =	stream.linear.gather [hbm4b:s2+s1], $0x21, $0x38;
	(v2sf) =	vpush v2, $0xB;
	[tilespmem:$0x10600] =	vst v63  }
0x344: {  	s24 =	sand.u32 $0x1FFFFFF0, s0;
	s21 =	sand.u32 $0x1FFFFFF0, s22;
	s0 =	spop (v2sf)  }
0x345: {  	[tilespmem:s8], [sflag:$0x1] =	stream.strided.gather [hbm4b:s6+s10], $0x0, s11, s10, $0x38;
	(v2sf) =	vpush v1, $0xC;
	[tilespmem:$0x10600] =	vst v63  }
0x346: {  	s25 =	sadd.s32 $0x8600, s20;
	s9 =	sadd.s32 s4, s9;
	s2 =	spop (v2sf)  }
0x347: {  	[tilespmem:s8], [sflag:$0x1] =	stream.linear.gather [hbm4b:s6+s1], $0x20, $0x38;
	(v2sf) =	vpush v2, $0xC;
	[tilespmem:$0x10600] =	vst v63  }
0x348: {  	s22 =	sand.u32 $0x1FFFFFF0, s0;
	s2 =	sand.u32 $0x1FFFFFF0, s2;
	s0 =	spop (v2sf)  }
0x349: {  	[tilespmem:s25], [sflag:$0x2] =	stream.strided.gather [hbm4b:s9+s10], $0x0, s11, s10, $0x38;
	(v2sf) =	vpush v1, $0xD;
	[tilespmem:$0x10600] =	vst v63  }
0x34a: {  	s7 =	sadd.s32 s3, s7;
	s8 =	sadd.s32 $0x680, s20;
	s26 =	spop (v2sf)  }
0x34b: {  	[tilespmem:s25], [sflag:$0x2] =	stream.linear.gather [hbm4b:s9+s1], $0x21, $0x38;
	(v2sf) =	vpush v2, $0xD;
	[tilespmem:$0x10600] =	vst v63  }
0x34c: {  	s6 =	sand.u32 $0x1FFFFFF0, s0;
	s0 =	sand.u32 $0x1FFFFFF0, s26;
	s9 =	spop (v2sf)  }
0x34d: {  	[tilespmem:s8], [sflag:$0x1] =	stream.strided.gather [hbm4b:s7+s10], $0x0, s11, s10, $0x38;
	(v2sf) =	vpush v1, $0xE;
	[tilespmem:$0x10600] =	vst v63  }
0x34e: {  	s25 =	sadd.s32 $0x8680, s20;
	s26 =	sadd.s32 s4, s5;
	s28 =	spop (v2sf)  }
0x34f: {  	[tilespmem:s8], [sflag:$0x1] =	stream.linear.gather [hbm4b:s7+s1], $0x20, $0x38;
	[tilespmem:$0x10600] =	vst v63  }
0x350: {  	s5 =	sand.u32 $0x1FFFFFF0, s9;
	s30 =	sand.u32 $0x1FFFFFF0, s28;
	s7 =	spop (v2sf)  }
0x351: {  	[tilespmem:s25], [sflag:$0x2] =	stream.strided.gather [hbm4b:s26+s10], $0x0, s11, s10, $0x38;
	(v2sf) =	vpush v2, $0xE;
	[tilespmem:$0x10600] =	vst v63  }
0x352: {  	s9 =	sadd.s32 s3, s15;
	s8 =	sadd.s32 $0x700, s20;
	s28 =	spop (v2sf)  }
0x353: {  	[tilespmem:s25], [sflag:$0x2] =	stream.linear.gather [hbm4b:s26+s1], $0x21, $0x38;
	(v2sf) =	vpush v1, $0xF;
	[tilespmem:$0x10600] =	vst v63  }
0x354: {  	s15 =	sand.u32 $0x1FFFFFF0, s7;
	s28 =	sand.u32 $0x1FFFFFF0, s28;
	s7 =	spop (v2sf)  }
0x355: {  	[tilespmem:s8], [sflag:$0x1] =	stream.strided.gather [hbm4b:s9+s10], $0x0, s11, s10, $0x38;
	(v2sf) =	vpush v2, $0xF;
	[tilespmem:$0x10600] =	vst v63  }
0x356: {  	s23 =	sadd.s32 s4, s23;
	s25 =	sadd.s32 $0x8700, s20;
	s26 =	spop (v2sf)  }
0x357: {  	[tilespmem:s8], [sflag:$0x1] =	stream.linear.gather [hbm4b:s9+s1], $0x20, $0x38;
	[tilespmem:$0x10600] =	vst v63  }
0x358: {  	s31 =	sand.u32 $0x1FFFFFF0, s7;
	s26 =	sand.u32 $0x1FFFFFF0, s26;
	s7 =	spop (v2sf)  }
0x359: {  	[tilespmem:s25], [sflag:$0x2] =	stream.strided.gather [hbm4b:s23+s10], $0x0, s11, s10, $0x38;
	[tilespmem:$0x10600] =	vst v63  }
0x35a: {  	s8 =	sadd.s32 $0x780, s20;
	s9 =	sadd.s32 s3, s24;
	s24 =	spop (v2sf)  }
0x35b: {  	[tilespmem:s25], [sflag:$0x2] =	stream.linear.gather [hbm4b:s23+s1], $0x21, $0x38;
	[tilespmem:$0x10600] =	vst v63  }
0x35c: {  	s29 =	sand.u32 $0x1FFFFFF0, s7;
	s25 =	sand.u32 $0x1FFFFFF0, s24;
	s7 =	spop (v2sf)  }
0x35d: {  	[tilespmem:s8], [sflag:$0x1] =	stream.strided.gather [hbm4b:s9+s10], $0x0, s11, s10, $0x38;
	[tilespmem:$0x10600] =	vst v63  }
0x35e: {  	s16 =	sadd.s32 $0x8780, s20;
	s21 =	sadd.s32 s4, s21;
	s23 =	sand.u32 $0x1FFFFFF0, s7  }
0x35f: {  	[tilespmem:s8], [sflag:$0x1] =	stream.linear.gather [hbm4b:s9+s1], $0x20, $0x38;
	[tilespmem:$0x10600] =	vst v63  }
0x360: {  	s24 =	spop (v2sf)  }
0x361: {  	[tilespmem:s16], [sflag:$0x2] =	stream.strided.gather [hbm4b:s21+s10], $0x0, s11, s10, $0x38;
	[tilespmem:$0x10600] =	vst v63  }
0x362: {  	s7 =	sadd.s32 $0x800, s20;
	s8 =	sadd.s32 s3, s22;
	s9 =	spop (v2sf)  }
0x363: {  	[tilespmem:s16], [sflag:$0x2] =	stream.linear.gather [hbm4b:s21+s1], $0x21, $0x38;
	[tilespmem:$0x10600] =	vst v63  }
0x364: {  	s22 =	sand.u32 $0x1FFFFFF0, s9;
	s21 =	spop (v2sf)  }
0x365: {  	[tilespmem:s7], [sflag:$0x1] =	stream.strided.gather [hbm4b:s8+s10], $0x0, s11, s10, $0x38;
	[tilespmem:$0x10600] =	vst v63  }
0x366: {  	s2 =	sadd.s32 s4, s2;
	s9 =	sadd.s32 $0x8800, s20  }
0x367: {  	[tilespmem:s7], [sflag:$0x1] =	stream.linear.gather [hbm4b:s8+s1], $0x20, $0x38;
	[tilespmem:$0x10600] =	vst v63  }
0x368: {  	_ = 	snop  }
0x369: {  	[tilespmem:s9], [sflag:$0x2] =	stream.strided.gather [hbm4b:s2+s10], $0x0, s11, s10, $0x38;
	[tilespmem:$0x10600] =	vst v63  }
0x36a: {  	s6 =	sadd.s32 s3, s6;
	s7 =	sadd.s32 $0x880, s20  }
0x36b: {  	[tilespmem:s9], [sflag:$0x2] =	stream.linear.gather [hbm4b:s2+s1], $0x21, $0x38;
	[tilespmem:$0x10600] =	vst v63  }
0x36c: {  	_ = 	snop  }
0x36d: {  	[tilespmem:s7], [sflag:$0x1] =	stream.strided.gather [hbm4b:s6+s10], $0x0, s11, s10, $0x38;
	[tilespmem:$0x10600] =	vst v63  }
0x36e: {  	s0 =	sadd.s32 s4, s0;
	s2 =	sadd.s32 $0x8880, s20  }
0x36f: {  	[tilespmem:s7], [sflag:$0x1] =	stream.linear.gather [hbm4b:s6+s1], $0x20, $0x38;
	[tilespmem:$0x10600] =	vst v63  }
0x370: {  	_ = 	snop  }
0x371: {  	[tilespmem:s2], [sflag:$0x2] =	stream.strided.gather [hbm4b:s0+s10], $0x0, s11, s10, $0x38;
	[tilespmem:$0x10600] =	vst v63  }
0x372: {  	s5 =	sadd.s32 s3, s5;
	s6 =	sadd.s32 $0x900, s20  }
0x373: {  	[tilespmem:s2], [sflag:$0x2] =	stream.linear.gather [hbm4b:s0+s1], $0x21, $0x38;
	[tilespmem:$0x10600] =	vst v63  }
0x374: {  	_ = 	snop  }
0x375: {  	[tilespmem:s6], [sflag:$0x1] =	stream.strided.gather [hbm4b:s5+s10], $0x0, s11, s10, $0x38;
	[tilespmem:$0x10600] =	vst v63  }
0x376: {  	s0 =	sadd.s32 $0x8900, s20;
	s2 =	sadd.s32 s4, s30  }
0x377: {  	[tilespmem:s6], [sflag:$0x1] =	stream.linear.gather [hbm4b:s5+s1], $0x20, $0x38;
	[tilespmem:$0x10600] =	vst v63  }
0x378: {  	_ = 	snop  }
0x379: {  	[tilespmem:s0], [sflag:$0x2] =	stream.strided.gather [hbm4b:s2+s10], $0x0, s11, s10, $0x38;
	[tilespmem:$0x10600] =	vst v63  }
0x37a: {  	s5 =	sadd.s32 $0x980, s20;
	s6 =	sadd.s32 s3, s15  }
0x37b: {  	[tilespmem:s0], [sflag:$0x2] =	stream.linear.gather [hbm4b:s2+s1], $0x21, $0x38;
	[tilespmem:$0x10600] =	vst v63  }
0x37c: {  	_ = 	snop  }
0x37d: {  	[tilespmem:s5], [sflag:$0x1] =	stream.strided.gather [hbm4b:s6+s10], $0x0, s11, s10, $0x38;
	[tilespmem:$0x10600] =	vst v63  }
0x37e: {  	s0 =	sadd.s32 $0x8980, s20;
	s2 =	sadd.s32 s4, s28  }
0x37f: {  	[tilespmem:s5], [sflag:$0x1] =	stream.linear.gather [hbm4b:s6+s1], $0x20, $0x38;
	[tilespmem:$0x10600] =	vst v63  }
0x380: {  	_ = 	snop  }
0x381: {  	[tilespmem:s0], [sflag:$0x2] =	stream.strided.gather [hbm4b:s2+s10], $0x0, s11, s10, $0x38;
	[tilespmem:$0x10600] =	vst v63  }
0x382: {  	s5 =	sadd.s32 $0xA00, s20;
	s6 =	sadd.s32 s3, s31  }
0x383: {  	[tilespmem:s0], [sflag:$0x2] =	stream.linear.gather [hbm4b:s2+s1], $0x21, $0x38;
	[tilespmem:$0x10600] =	vst v63  }
0x384: {  	_ = 	snop  }
0x385: {  	[tilespmem:s5], [sflag:$0x1] =	stream.strided.gather [hbm4b:s6+s10], $0x0, s11, s10, $0x38;
	[tilespmem:$0x10600] =	vst v63  }
0x386: {  	s0 =	sadd.s32 $0x8A00, s20;
	s2 =	sadd.s32 s4, s26  }
0x387: {  	[tilespmem:s5], [sflag:$0x1] =	stream.linear.gather [hbm4b:s6+s1], $0x20, $0x38;
	[tilespmem:$0x10600] =	vst v63  }
0x388: {  	_ = 	snop  }
0x389: {  	[tilespmem:s0], [sflag:$0x2] =	stream.strided.gather [hbm4b:s2+s10], $0x0, s11, s10, $0x38;
	[tilespmem:$0x10600] =	vst v63  }
0x38a: {  	s5 =	sadd.s32 $0xA80, s20;
	s6 =	sadd.s32 s3, s29  }
0x38b: {  	[tilespmem:s0], [sflag:$0x2] =	stream.linear.gather [hbm4b:s2+s1], $0x21, $0x38;
	[tilespmem:$0x10600] =	vst v63  }
0x38c: {  	_ = 	snop  }
0x38d: {  	[tilespmem:s5], [sflag:$0x1] =	stream.strided.gather [hbm4b:s6+s10], $0x0, s11, s10, $0x38;
	[tilespmem:$0x10600] =	vst v63  }
0x38e: {  	s0 =	sadd.s32 $0x8A80, s20;
	s2 =	sadd.s32 s4, s25  }
0x38f: {  	[tilespmem:s5], [sflag:$0x1] =	stream.linear.gather [hbm4b:s6+s1], $0x20, $0x38;
	[tilespmem:$0x10600] =	vst v63  }
0x390: {  	_ = 	snop  }
0x391: {  	[tilespmem:s0], [sflag:$0x2] =	stream.strided.gather [hbm4b:s2+s10], $0x0, s11, s10, $0x38;
	[tilespmem:$0x10600] =	vst v63  }
0x392: {  	s5 =	sadd.s32 $0xB00, s20;
	s6 =	sadd.s32 s3, s23  }
0x393: {  	[tilespmem:s0], [sflag:$0x2] =	stream.linear.gather [hbm4b:s2+s1], $0x21, $0x38;
	[tilespmem:$0x10600] =	vst v63  }
0x394: {  	s0 =	sand.u32 $0x1FFFFFF0, s24  }
0x395: {  	[tilespmem:s5], [sflag:$0x1] =	stream.strided.gather [hbm4b:s6+s10], $0x0, s11, s10, $0x38;
	[tilespmem:$0x10600] =	vst v63  }
0x396: {  	s2 =	sadd.s32 $0x8B00, s20;
	s0 =	sadd.s32 s4, s0  }
0x397: {  	[tilespmem:s5], [sflag:$0x1] =	stream.linear.gather [hbm4b:s6+s1], $0x20, $0x38;
	[tilespmem:$0x10600] =	vst v63  }
0x398: {  	_ = 	snop  }
0x399: {  	[tilespmem:s2], [sflag:$0x2] =	stream.strided.gather [hbm4b:s0+s10], $0x0, s11, s10, $0x38;
	[tilespmem:$0x10600] =	vst v63  }
0x39a: {  	s5 =	sadd.s32 $0xB80, s20;
	s6 =	sadd.s32 s3, s22  }
0x39b: {  	[tilespmem:s2], [sflag:$0x2] =	stream.linear.gather [hbm4b:s0+s1], $0x21, $0x38;
	[tilespmem:$0x10600] =	vst v63  }
0x39c: {  	s2 =	sand.u32 $0x1FFFFFF0, s21  }
0x39d: {  	[tilespmem:s5], [sflag:$0x1] =	stream.strided.gather [hbm4b:s6+s10], $0x0, s11, s10, $0x38;
	[tilespmem:$0x10600] =	vst v63  }
.Ltmp3:
0x39e: {  	_ = 	snop;
	(pc) =	sbr.rel @p0 .LBB2_8-.Ltmp3, $4  }
0x39f: {  	s0 =	sadd.s32 $0x8B80, s20;
	s2 =	sadd.s32 s4, s2  }
0x3a0: {  	[tilespmem:s5], [sflag:$0x1] =	stream.linear.gather [hbm4b:s6+s1], $0x20, $0x38;
	[tilespmem:$0x10600] =	vst v63  }
0x3a1: {  	_ = 	snop  }
0x3a2: {  	[tilespmem:s0], [sflag:$0x2] =	stream.strided.gather [hbm4b:s2+s10], $0x0, s11, s10, $0x38;
	[tilespmem:$0x10600] =	vst v63  }
0x3a3: {  	[tilespmem:s0], [sflag:$0x2] =	stream.linear.gather [hbm4b:s2+s1], $0x21, $0x38;
	[tilespmem:$0x10600] =	vst v63  }
0x3a4: {  	_ =	swait.ge [sflag:s12], $0x20  }
0x3a5: {  	[sflag:s12] =	ssyncset.done $0x0  }
0x3a6: {  	[sflag:s12] =	ssyncadd.s32 $0xFFFFFFE0  }
0x3a7: {  	_ =	swait.ge [sflag:s13], $0x21  }
0x3a8: {  	s0 =	simm.s32 $0xFF;
	[sflag:s13] =	ssyncset.done $0x0  }
.LBB2_10:
0x3a9: {  	p0 =	sne.s32 s0, $0x1;
	s0 =	sadd.s32 $0xFFFFFFFF, s0;
	[sflag:s13] =	ssyncadd.s32 $0xFFFFFFDF  }
.Ltmp4:
0x3aa: {  	_ =	swait.ge [sflag:s12], $0x20;
	(pc) =	sbr.rel @p0 .LBB2_10-.Ltmp4, $4  }
0x3ab: {  	[sflag:s12] =	ssyncset.done $0x0  }
0x3ac: {  	[sflag:s12] =	ssyncadd.s32 $0xFFFFFFE0  }
0x3ad: {  	_ =	swait.ge [sflag:s13], $0x21  }
0x3ae: {  	[sflag:s13] =	ssyncset.done $0x0  }
0x3af: {  	s17 =	simm.s32 $0x0  }
0x3b0: {  	v1 =	vmov s17  }
0x3b1: {  	v1 =	vshll.u32 v1, $0x7  }
0x3b2: {  	v1 =	vor.u32 v0, v1;
	_ =	sdelay $0x1  }
0x3b3: {  	v2 =	vor.u32 $0x20, v1  }
0x3b4: {  	v3 =	vor.u32 $0x1, v1  }
0x3b5: {  	[sflag:s13] =	ssyncadd.s32 $0xFFFFFFDF  }
0x3b6: {  	v4 =	vor.u32 $0x2, v1;
	v5 =	vld.idx.msk [tilespmem:v1+s11+$0x0], $0xffff  }
0x3b7: {  	v6 =	vld.idx.msk [tilespmem:v1+s14+$0x0], $0xffff  }
0x3b8: {  	v7 =	vor.u32 $0x3, v1;
	v2 =	vld.idx.msk [tilespmem:v2+s14+$0x0], $0xffff  }
0x3b9: {  	v8 =	vld.idx.msk [tilespmem:v3+s11+$0x0], $0xffff  }
0x3ba: {  	v9 =	vor.u32 $0x4, v1;
	v3 =	vld.idx.msk [tilespmem:v3+s14+$0x0], $0xffff  }
0x3bb: {  	v10 =	vld.idx.msk [tilespmem:v4+s11+$0x0], $0xffff  }
0x3bc: {  	v11 =	vor.u32 $0x5, v1;
	v4 =	vld.idx.msk [tilespmem:v4+s14+$0x0], $0xffff  }
0x3bd: {  	v12 =	vld.idx.msk [tilespmem:v7+s11+$0x0], $0xffff;
	v5 =	vmul.f32 v6, v5  }
0x3be: {  	v33 =	vor.u32 $0x6, v1;
	v32 =	vld.idx.msk [tilespmem:v7+s14+$0x0], $0xffff  }
0x3bf: {  	v13 =	vld.idx.msk [tilespmem:v9+s11+$0x0], $0xffff;
	v3 =	vmul.f32 v3, v8;
	v2 =	vadd.f32 v5, v2  }
0x3c0: {  	v35 =	vor.u32 $0x7, v1;
	v34 =	vld.idx.msk [tilespmem:v9+s14+$0x0], $0xffff  }
0x3c1: {  	v36 =	vld.idx.msk [tilespmem:v11+s11+$0x0], $0xffff;
	v2 =	vadd.f32 v3, v2;
	v3 =	vmul.f32 v4, v10  }
0x3c2: {  	v38 =	vor.u32 $0x8, v1;
	v37 =	vld.idx.msk [tilespmem:v11+s14+$0x0], $0xffff  }
0x3c3: {  	v39 =	vld.idx.msk [tilespmem:v33+s11+$0x0], $0xffff;
	v2 =	vadd.f32 v3, v2;
	v3 =	vmul.f32 v32, v12  }
0x3c4: {  	v41 =	vor.u32 $0x9, v1;
	v40 =	vld.idx.msk [tilespmem:v33+s14+$0x0], $0xffff  }
0x3c5: {  	v42 =	vld.idx.msk [tilespmem:v35+s11+$0x0], $0xffff;
	v2 =	vadd.f32 v3, v2;
	v3 =	vmul.f32 v34, v13  }
0x3c6: {  	v44 =	vor.u32 $0xA, v1;
	v43 =	vld.idx.msk [tilespmem:v35+s14+$0x0], $0xffff  }
0x3c7: {  	v45 =	vld.idx.msk [tilespmem:v38+s11+$0x0], $0xffff;
	v2 =	vadd.f32 v3, v2;
	v3 =	vmul.f32 v37, v36  }
0x3c8: {  	v47 =	vor.u32 $0xB, v1;
	v46 =	vld.idx.msk [tilespmem:v38+s14+$0x0], $0xffff  }
0x3c9: {  	v48 =	vld.idx.msk [tilespmem:v41+s11+$0x0], $0xffff;
	v2 =	vadd.f32 v3, v2;
	v3 =	vmul.f32 v40, v39  }
0x3ca: {  	v50 =	vor.u32 $0xC, v1;
	v49 =	vld.idx.msk [tilespmem:v41+s14+$0x0], $0xffff  }
0x3cb: {  	v51 =	vld.idx.msk [tilespmem:v44+s11+$0x0], $0xffff;
	v2 =	vadd.f32 v3, v2;
	v3 =	vmul.f32 v43, v42  }
0x3cc: {  	v53 =	vor.u32 $0xD, v1;
	v52 =	vld.idx.msk [tilespmem:v44+s14+$0x0], $0xffff  }
0x3cd: {  	v54 =	vld.idx.msk [tilespmem:v47+s11+$0x0], $0xffff;
	v2 =	vadd.f32 v3, v2;
	v3 =	vmul.f32 v46, v45  }
0x3ce: {  	v56 =	vor.u32 $0xE, v1;
	v55 =	vld.idx.msk [tilespmem:v47+s14+$0x0], $0xffff  }
0x3cf: {  	v57 =	vld.idx.msk [tilespmem:v50+s11+$0x0], $0xffff;
	v2 =	vadd.f32 v3, v2;
	v3 =	vmul.f32 v49, v48  }
0x3d0: {  	v59 =	vor.u32 $0xF, v1;
	v58 =	vld.idx.msk [tilespmem:v50+s14+$0x0], $0xffff  }
0x3d1: {  	v60 =	vld.idx.msk [tilespmem:v53+s11+$0x0], $0xffff;
	v2 =	vadd.f32 v3, v2;
	v3 =	vmul.f32 v52, v51  }
0x3d2: {  	v62 =	vor.u32 $0x10, v1;
	v61 =	vld.idx.msk [tilespmem:v53+s14+$0x0], $0xffff  }
0x3d3: {  	v63 =	vld.idx.msk [tilespmem:v56+s11+$0x0], $0xffff;
	v2 =	vadd.f32 v3, v2;
	v3 =	vmul.f32 v55, v54  }
0x3d4: {  	v17 =	vor.u32 $0x11, v1;
	v16 =	vld.idx.msk [tilespmem:v56+s14+$0x0], $0xffff  }
0x3d5: {  	v18 =	vld.idx.msk [tilespmem:v59+s11+$0x0], $0xffff;
	v2 =	vadd.f32 v3, v2;
	v3 =	vmul.f32 v58, v57  }
0x3d6: {  	v20 =	vor.u32 $0x12, v1;
	v19 =	vld.idx.msk [tilespmem:v59+s14+$0x0], $0xffff  }
0x3d7: {  	v21 =	vld.idx.msk [tilespmem:v62+s11+$0x0], $0xffff;
	v2 =	vadd.f32 v3, v2;
	v3 =	vmul.f32 v61, v60  }
0x3d8: {  	v23 =	vor.u32 $0x13, v1;
	v22 =	vld.idx.msk [tilespmem:v62+s14+$0x0], $0xffff  }
0x3d9: {  	v24 =	vld.idx.msk [tilespmem:v17+s11+$0x0], $0xffff;
	v2 =	vadd.f32 v3, v2;
	v3 =	vmul.f32 v16, v63  }
0x3da: {  	v26 =	vor.u32 $0x14, v1;
	v25 =	vld.idx.msk [tilespmem:v17+s14+$0x0], $0xffff  }
0x3db: {  	v27 =	vld.idx.msk [tilespmem:v20+s11+$0x0], $0xffff;
	v2 =	vadd.f32 v3, v2;
	v3 =	vmul.f32 v19, v18  }
0x3dc: {  	v29 =	vor.u32 $0x15, v1;
	v28 =	vld.idx.msk [tilespmem:v20+s14+$0x0], $0xffff  }
0x3dd: {  	v30 =	vld.idx.msk [tilespmem:v23+s11+$0x0], $0xffff;
	v2 =	vadd.f32 v3, v2;
	v3 =	vmul.f32 v22, v21  }
0x3de: {  	v31 =	vld.idx.msk [tilespmem:v23+s14+$0x0], $0xffff;
	v32 =	vor.u32 $0x16, v1  }
0x3df: {  	v33 =	vld.idx.msk [tilespmem:v26+s11+$0x0], $0xffff;
	v2 =	vadd.f32 v3, v2;
	v3 =	vmul.f32 v25, v24  }
0x3e0: {  	v35 =	vor.u32 $0x17, v1;
	v34 =	vld.idx.msk [tilespmem:v26+s14+$0x0], $0xffff  }
0x3e1: {  	v36 =	vld.idx.msk [tilespmem:v29+s11+$0x0], $0xffff;
	v2 =	vadd.f32 v3, v2;
	v3 =	vmul.f32 v28, v27  }
0x3e2: {  	v38 =	vor.u32 $0x18, v1;
	v37 =	vld.idx.msk [tilespmem:v29+s14+$0x0], $0xffff  }
0x3e3: {  	v39 =	vld.idx.msk [tilespmem:v32+s11+$0x0], $0xffff;
	v2 =	vadd.f32 v3, v2;
	v3 =	vmul.f32 v31, v30  }
0x3e4: {  	v41 =	vor.u32 $0x19, v1;
	v40 =	vld.idx.msk [tilespmem:v32+s14+$0x0], $0xffff  }
0x3e5: {  	v42 =	vld.idx.msk [tilespmem:v35+s11+$0x0], $0xffff;
	v2 =	vadd.f32 v3, v2;
	v3 =	vmul.f32 v34, v33  }
0x3e6: {  	v44 =	vor.u32 $0x1A, v1;
	v43 =	vld.idx.msk [tilespmem:v35+s14+$0x0], $0xffff  }
0x3e7: {  	v45 =	vld.idx.msk [tilespmem:v38+s11+$0x0], $0xffff;
	v2 =	vadd.f32 v3, v2;
	v3 =	vmul.f32 v37, v36  }
0x3e8: {  	v47 =	vor.u32 $0x1B, v1;
	v46 =	vld.idx.msk [tilespmem:v38+s14+$0x0], $0xffff  }
0x3e9: {  	v48 =	vld.idx.msk [tilespmem:v41+s11+$0x0], $0xffff;
	v2 =	vadd.f32 v3, v2;
	v3 =	vmul.f32 v40, v39  }
0x3ea: {  	v50 =	vor.u32 $0x1C, v1;
	v49 =	vld.idx.msk [tilespmem:v41+s14+$0x0], $0xffff  }
0x3eb: {  	v51 =	vld.idx.msk [tilespmem:v44+s11+$0x0], $0xffff;
	v2 =	vadd.f32 v3, v2;
	v3 =	vmul.f32 v43, v42  }
0x3ec: {  	v53 =	vor.u32 $0x1D, v1;
	v52 =	vld.idx.msk [tilespmem:v44+s14+$0x0], $0xffff  }
0x3ed: {  	v54 =	vld.idx.msk [tilespmem:v47+s11+$0x0], $0xffff;
	v2 =	vadd.f32 v3, v2;
	v3 =	vmul.f32 v46, v45  }
0x3ee: {  	v56 =	vor.u32 $0x1E, v1;
	v55 =	vld.idx.msk [tilespmem:v47+s14+$0x0], $0xffff  }
0x3ef: {  	v57 =	vld.idx.msk [tilespmem:v50+s11+$0x0], $0xffff;
	v2 =	vadd.f32 v3, v2;
	v3 =	vmul.f32 v49, v48  }
0x3f0: {  	v1 =	vor.u32 $0x1F, v1;
	v58 =	vld.idx.msk [tilespmem:v50+s14+$0x0], $0xffff  }
0x3f1: {  	v59 =	vld.idx.msk [tilespmem:v53+s11+$0x0], $0xffff;
	v2 =	vadd.f32 v3, v2;
	v3 =	vmul.f32 v52, v51  }
0x3f2: {  	v60 =	vld.idx.msk [tilespmem:v53+s14+$0x0], $0xffff  }
0x3f3: {  	v62 =	vld.idx.msk [tilespmem:v56+s14+$0x0], $0xffff;
	v2 =	vadd.f32 v3, v2;
	v3 =	vmul.f32 v55, v54  }
0x3f4: {  	v61 =	vld.idx.msk [tilespmem:v56+s11+$0x0], $0xffff  }
0x3f5: {  	v63 =	vld.idx.msk [tilespmem:v1+s11+$0x0], $0xffff;
	v2 =	vadd.f32 v3, v2;
	v3 =	vmul.f32 v58, v57  }
0x3f6: {  	v1 =	vld.idx.msk [tilespmem:v1+s14+$0x0], $0xffff  }
0x3f7: {  	v2 =	vadd.f32 v3, v2;
	v3 =	vmul.f32 v60, v59;
	_ =	sdelay $0x1  }
0x3f8: {  	v2 =	vadd.f32 v3, v2;
	v3 =	vmul.f32 v62, v61;
	_ =	sdelay $0x1  }
0x3f9: {  	v1 =	vmul.f32 v1, v63;
	v2 =	vadd.f32 v3, v2;
	_ =	sdelay $0x1  }
0x3fa: {  	v1 =	vadd.f32 v1, v2;
	_ =	sdelay $0x1  }
0x3fb: {  	v1 =	vsub.f32 $0.0e+00, v1;
	_ =	sdelay $0x1  }
0x3fc: {  	v1 =	vmul.f32 $1.442695020e+00, v1;
	_ =	sdelay $0x1  }
0x3fd: {  	(erf) = vpow2.f32 v1;
	_ =	sdelay $0x8  }
0x3fe: {  	v1 =	vpop (erf)  }
0x3ff: {  	v3 =	vadd.f32 $1.000000000e+00, v1;
	_ =	sdelay $0x1  }
0x400: {  	(erf) = vrcp.f32 v3;
	_ =	sdelay $0x1  }
0x401: {  	s18 =	simm.s32 $0x10  }
0x402: {  	v2 =	vmov s18  }
0x403: {  	v1 =	vshll.u32 v2, $0x7  }
0x404: {  	v1 =	vor.u32 v0, v1  }
0x405: {  	s19 =	simm.s32 $0x20;
	s2 =	simm.s32 $0x3;
	v2 =	vor.u32 $0x20, v1  }
.LBB2_12:
0x406: {  	p0 =	sne.s32 s19, $0xF0;
	_ =	sdelay $0x1  }
0x407: {  	v3 =	vor.u32 $0x1, v1;
	s0 =	sand.u32 $0xF0, s17;
	s17 =	smov.u32 s18;
	s18 =	smov.u32 s19;
	v4 =	vpop (erf)  }
0x408: {  	[tilespmem:s0+$0x10500] =	vst v4  }
0x409: {  	v4 =	vor.u32 $0x2, v1;
	v2 =	vld.idx.msk [tilespmem:v2+s14+$0x0], $0xffff  }
0x40a: {  	v5 =	vld.idx.msk [tilespmem:v1+s11+$0x0], $0xffff  }
0x40b: {  	v7 =	vor.u32 $0x3, v1;
	v6 =	vld.idx.msk [tilespmem:v1+s14+$0x0], $0xffff  }
0x40c: {  	v8 =	vld.idx.msk [tilespmem:v3+s11+$0x0], $0xffff  }
0x40d: {  	v9 =	vor.u32 $0x4, v1;
	v3 =	vld.idx.msk [tilespmem:v3+s14+$0x0], $0xffff  }
0x40e: {  	v10 =	vld.idx.msk [tilespmem:v4+s11+$0x0], $0xffff  }
0x40f: {  	v11 =	vor.u32 $0x5, v1;
	v4 =	vld.idx.msk [tilespmem:v4+s14+$0x0], $0xffff  }
0x410: {  	v12 =	vld.idx.msk [tilespmem:v7+s11+$0x0], $0xffff  }
0x411: {  	v5 =	vmul.f32 v6, v5;
	v6 =	vld.idx.msk [tilespmem:v7+s14+$0x0], $0xffff;
	v7 =	vor.u32 $0x6, v1  }
0x412: {  	v13 =	vld.idx.msk [tilespmem:v9+s11+$0x0], $0xffff  }
0x413: {  	v2 =	vadd.f32 v5, v2;
	v3 =	vmul.f32 v3, v8;
	v8 =	vor.u32 $0x7, v1;
	v5 =	vld.idx.msk [tilespmem:v9+s14+$0x0], $0xffff  }
0x414: {  	v9 =	vld.idx.msk [tilespmem:v11+s11+$0x0], $0xffff  }
0x415: {  	v2 =	vadd.f32 v3, v2;
	v3 =	vmul.f32 v4, v10;
	v10 =	vor.u32 $0x8, v1;
	v4 =	vld.idx.msk [tilespmem:v11+s14+$0x0], $0xffff  }
0x416: {  	v11 =	vld.idx.msk [tilespmem:v7+s11+$0x0], $0xffff  }
0x417: {  	v2 =	vadd.f32 v3, v2;
	v3 =	vmul.f32 v6, v12;
	v6 =	vld.idx.msk [tilespmem:v7+s14+$0x0], $0xffff;
	v7 =	vor.u32 $0x9, v1  }
0x418: {  	v12 =	vld.idx.msk [tilespmem:v8+s11+$0x0], $0xffff  }
0x419: {  	v2 =	vadd.f32 v3, v2;
	v3 =	vmul.f32 v5, v13;
	v5 =	vld.idx.msk [tilespmem:v8+s14+$0x0], $0xffff;
	v8 =	vor.u32 $0xA, v1  }
0x41a: {  	v13 =	vld.idx.msk [tilespmem:v10+s11+$0x0], $0xffff  }
0x41b: {  	v2 =	vadd.f32 v3, v2;
	v3 =	vmul.f32 v4, v9;
	v9 =	vor.u32 $0xB, v1;
	v4 =	vld.idx.msk [tilespmem:v10+s14+$0x0], $0xffff  }
0x41c: {  	v10 =	vld.idx.msk [tilespmem:v7+s11+$0x0], $0xffff  }
0x41d: {  	v2 =	vadd.f32 v3, v2;
	v3 =	vmul.f32 v6, v11;
	v6 =	vld.idx.msk [tilespmem:v7+s14+$0x0], $0xffff;
	v7 =	vor.u32 $0xC, v1  }
0x41e: {  	v11 =	vld.idx.msk [tilespmem:v8+s11+$0x0], $0xffff  }
0x41f: {  	v2 =	vadd.f32 v3, v2;
	v3 =	vmul.f32 v5, v12;
	v5 =	vld.idx.msk [tilespmem:v8+s14+$0x0], $0xffff;
	v8 =	vor.u32 $0xD, v1  }
0x420: {  	v12 =	vld.idx.msk [tilespmem:v9+s11+$0x0], $0xffff  }
0x421: {  	v2 =	vadd.f32 v3, v2;
	v3 =	vmul.f32 v4, v13;
	v4 =	vld.idx.msk [tilespmem:v9+s14+$0x0], $0xffff;
	v9 =	vor.u32 $0xE, v1  }
0x422: {  	v13 =	vld.idx.msk [tilespmem:v7+s11+$0x0], $0xffff  }
0x423: {  	v2 =	vadd.f32 v3, v2;
	v3 =	vmul.f32 v6, v10;
	v6 =	vld.idx.msk [tilespmem:v7+s14+$0x0], $0xffff;
	v7 =	vor.u32 $0xF, v1  }
0x424: {  	v10 =	vld.idx.msk [tilespmem:v8+s11+$0x0], $0xffff  }
0x425: {  	v2 =	vadd.f32 v3, v2;
	v3 =	vmul.f32 v5, v11;
	v5 =	vld.idx.msk [tilespmem:v8+s14+$0x0], $0xffff;
	v8 =	vor.u32 $0x10, v1  }
0x426: {  	v11 =	vld.idx.msk [tilespmem:v9+s11+$0x0], $0xffff  }
0x427: {  	v2 =	vadd.f32 v3, v2;
	v3 =	vmul.f32 v4, v12;
	v4 =	vld.idx.msk [tilespmem:v9+s14+$0x0], $0xffff;
	v9 =	vor.u32 $0x11, v1  }
0x428: {  	v12 =	vld.idx.msk [tilespmem:v7+s11+$0x0], $0xffff  }
0x429: {  	v2 =	vadd.f32 v3, v2;
	v3 =	vmul.f32 v6, v13;
	v6 =	vld.idx.msk [tilespmem:v7+s14+$0x0], $0xffff;
	v7 =	vor.u32 $0x12, v1  }
0x42a: {  	v13 =	vld.idx.msk [tilespmem:v8+s11+$0x0], $0xffff  }
0x42b: {  	v2 =	vadd.f32 v3, v2;
	v3 =	vmul.f32 v5, v10;
	v5 =	vld.idx.msk [tilespmem:v8+s14+$0x0], $0xffff;
	v8 =	vor.u32 $0x13, v1  }
0x42c: {  	v10 =	vld.idx.msk [tilespmem:v9+s11+$0x0], $0xffff  }
0x42d: {  	v2 =	vadd.f32 v3, v2;
	v3 =	vmul.f32 v4, v11;
	v4 =	vld.idx.msk [tilespmem:v9+s14+$0x0], $0xffff;
	v9 =	vor.u32 $0x14, v1  }
0x42e: {  	v11 =	vld.idx.msk [tilespmem:v7+s11+$0x0], $0xffff  }
0x42f: {  	v2 =	vadd.f32 v3, v2;
	v3 =	vmul.f32 v6, v12;
	v6 =	vld.idx.msk [tilespmem:v7+s14+$0x0], $0xffff;
	v7 =	vor.u32 $0x15, v1  }
0x430: {  	v12 =	vld.idx.msk [tilespmem:v8+s11+$0x0], $0xffff  }
0x431: {  	v2 =	vadd.f32 v3, v2;
	v3 =	vmul.f32 v5, v13;
	v5 =	vld.idx.msk [tilespmem:v8+s14+$0x0], $0xffff;
	v8 =	vor.u32 $0x16, v1  }
0x432: {  	v13 =	vld.idx.msk [tilespmem:v9+s11+$0x0], $0xffff  }
0x433: {  	v2 =	vadd.f32 v3, v2;
	v3 =	vmul.f32 v4, v10;
	v4 =	vld.idx.msk [tilespmem:v9+s14+$0x0], $0xffff;
	v9 =	vor.u32 $0x17, v1  }
0x434: {  	v10 =	vld.idx.msk [tilespmem:v7+s11+$0x0], $0xffff  }
0x435: {  	v2 =	vadd.f32 v3, v2;
	v3 =	vmul.f32 v6, v11;
	v6 =	vld.idx.msk [tilespmem:v7+s14+$0x0], $0xffff;
	v7 =	vor.u32 $0x18, v1  }
0x436: {  	v11 =	vld.idx.msk [tilespmem:v8+s11+$0x0], $0xffff  }
0x437: {  	v2 =	vadd.f32 v3, v2;
	v3 =	vmul.f32 v5, v12;
	v5 =	vld.idx.msk [tilespmem:v8+s14+$0x0], $0xffff;
	v8 =	vor.u32 $0x19, v1  }
0x438: {  	v12 =	vld.idx.msk [tilespmem:v9+s11+$0x0], $0xffff  }
0x439: {  	v2 =	vadd.f32 v3, v2;
	v3 =	vmul.f32 v4, v13;
	v4 =	vld.idx.msk [tilespmem:v9+s14+$0x0], $0xffff;
	v9 =	vor.u32 $0x1A, v1  }
0x43a: {  	v13 =	vld.idx.msk [tilespmem:v7+s11+$0x0], $0xffff  }
0x43b: {  	v2 =	vadd.f32 v3, v2;
	v3 =	vmul.f32 v6, v10;
	v6 =	vld.idx.msk [tilespmem:v7+s14+$0x0], $0xffff;
	v7 =	vor.u32 $0x1B, v1  }
0x43c: {  	v10 =	vld.idx.msk [tilespmem:v8+s11+$0x0], $0xffff  }
0x43d: {  	v2 =	vadd.f32 v3, v2;
	v3 =	vmul.f32 v5, v11;
	v5 =	vld.idx.msk [tilespmem:v8+s14+$0x0], $0xffff;
	v8 =	vor.u32 $0x1C, v1  }
0x43e: {  	v11 =	vld.idx.msk [tilespmem:v9+s11+$0x0], $0xffff  }
0x43f: {  	v2 =	vadd.f32 v3, v2;
	v3 =	vmul.f32 v4, v12;
	v4 =	vld.idx.msk [tilespmem:v9+s14+$0x0], $0xffff;
	v9 =	vor.u32 $0x1D, v1  }
0x440: {  	v12 =	vld.idx.msk [tilespmem:v7+s11+$0x0], $0xffff  }
0x441: {  	v2 =	vadd.f32 v3, v2;
	v3 =	vmul.f32 v6, v13;
	v6 =	vld.idx.msk [tilespmem:v7+s14+$0x0], $0xffff;
	v7 =	vor.u32 $0x1E, v1  }
0x442: {  	v13 =	vld.idx.msk [tilespmem:v8+s11+$0x0], $0xffff  }
0x443: {  	v1 =	vor.u32 $0x1F, v1;
	v2 =	vadd.f32 v3, v2;
	v3 =	vmul.f32 v5, v10;
	v5 =	vld.idx.msk [tilespmem:v8+s14+$0x0], $0xffff  }
0x444: {  	v8 =	vld.idx.msk [tilespmem:v9+s11+$0x0], $0xffff  }
0x445: {  	v2 =	vadd.f32 v3, v2;
	v3 =	vmul.f32 v4, v11;
	v4 =	vld.idx.msk [tilespmem:v9+s14+$0x0], $0xffff  }
0x446: {  	v9 =	vld.idx.msk [tilespmem:v7+s11+$0x0], $0xffff  }
0x447: {  	v2 =	vadd.f32 v3, v2;
	v3 =	vmul.f32 v6, v12;
	v6 =	vld.idx.msk [tilespmem:v7+s14+$0x0], $0xffff  }
0x448: {  	v7 =	vld.idx.msk [tilespmem:v1+s11+$0x0], $0xffff  }
0x449: {  	v2 =	vadd.f32 v3, v2;
	v3 =	vmul.f32 v5, v13;
	v1 =	vld.idx.msk [tilespmem:v1+s14+$0x0], $0xffff;
	_ =	sdelay $0x1  }
0x44a: {  	v2 =	vadd.f32 v3, v2;
	v3 =	vmul.f32 v4, v8;
	_ =	sdelay $0x1  }
0x44b: {  	v2 =	vadd.f32 v3, v2;
	v3 =	vmul.f32 v6, v9;
	_ =	sdelay $0x1  }
0x44c: {  	v2 =	vadd.f32 v3, v2;
	v1 =	vmul.f32 v1, v7;
	_ =	sdelay $0x1  }
0x44d: {  	v1 =	vadd.f32 v1, v2;
	_ =	sdelay $0x1  }
0x44e: {  	v1 =	vsub.f32 $0.0e+00, v1;
	_ =	sdelay $0x1  }
0x44f: {  	v1 =	vmul.f32 $1.442695020e+00, v1;
	_ =	sdelay $0x1  }
0x450: {  	(erf) = vpow2.f32 v1;
	_ =	sdelay $0x8  }
0x451: {  	v1 =	vpop (erf)  }
0x452: {  	v1 =	vadd.f32 $1.000000000e+00, v1;
	_ =	sdelay $0x1  }
0x453: {  	(erf) = vrcp.f32 v1;
	_ =	sdelay $0x1  }
.Ltmp5:
0x454: {  	(pc) =	sbr.rel @p0 .LBB2_12-.Ltmp5, $4  }
0x455: {  	v1 =	vmov s19  }
0x456: {  	v1 =	vshll.u32 v1, $0x7  }
0x457: {  	v1 =	vor.u32 v0, v1  }
0x458: {  	s19 =	sadd.s32 $0x10, s19;
	v2 =	vor.u32 $0x20, v1  }
0x459: {  	_ =	sdelay $0x1  }
0x45a: {  	v3 =	vor.u32 $0x1, v1;
	s0 =	sand.u32 $0xF0, s17;
	v4 =	vpop (erf)  }
0x45b: {  	[tilespmem:s0+$0x10500] =	vst v4  }
0x45c: {  	v31 =	vor.u32 $0x2, v1;
	v2 =	vld.idx.msk [tilespmem:v2+s14+$0x0], $0xffff  }
0x45d: {  	v5 =	vld.idx.msk [tilespmem:v1+s11+$0x0], $0xffff  }
0x45e: {  	v7 =	vor.u32 $0x3, v1;
	v6 =	vld.idx.msk [tilespmem:v1+s14+$0x0], $0xffff  }
0x45f: {  	v8 =	vld.idx.msk [tilespmem:v3+s11+$0x0], $0xffff  }
0x460: {  	v9 =	vor.u32 $0x4, v1;
	v3 =	vld.idx.msk [tilespmem:v3+s14+$0x0], $0xffff  }
0x461: {  	v10 =	vld.idx.msk [tilespmem:v31+s11+$0x0], $0xffff  }
0x462: {  	v11 =	vor.u32 $0x5, v1;
	v4 =	vld.idx.msk [tilespmem:v31+s14+$0x0], $0xffff  }
0x463: {  	v12 =	vld.idx.msk [tilespmem:v7+s11+$0x0], $0xffff;
	v5 =	vmul.f32 v6, v5  }
0x464: {  	v33 =	vor.u32 $0x6, v1;
	v32 =	vld.idx.msk [tilespmem:v7+s14+$0x0], $0xffff  }
0x465: {  	v13 =	vld.idx.msk [tilespmem:v9+s11+$0x0], $0xffff;
	v3 =	vmul.f32 v3, v8;
	v2 =	vadd.f32 v5, v2  }
0x466: {  	v35 =	vor.u32 $0x7, v1;
	v34 =	vld.idx.msk [tilespmem:v9+s14+$0x0], $0xffff  }
0x467: {  	v36 =	vld.idx.msk [tilespmem:v11+s11+$0x0], $0xffff;
	v2 =	vadd.f32 v3, v2;
	v3 =	vmul.f32 v4, v10  }
0x468: {  	v38 =	vor.u32 $0x8, v1;
	v37 =	vld.idx.msk [tilespmem:v11+s14+$0x0], $0xffff  }
0x469: {  	v39 =	vld.idx.msk [tilespmem:v33+s11+$0x0], $0xffff;
	v2 =	vadd.f32 v3, v2;
	v3 =	vmul.f32 v32, v12  }
0x46a: {  	v41 =	vor.u32 $0x9, v1;
	v40 =	vld.idx.msk [tilespmem:v33+s14+$0x0], $0xffff  }
0x46b: {  	v42 =	vld.idx.msk [tilespmem:v35+s11+$0x0], $0xffff;
	v2 =	vadd.f32 v3, v2;
	v3 =	vmul.f32 v34, v13  }
0x46c: {  	v44 =	vor.u32 $0xA, v1;
	v43 =	vld.idx.msk [tilespmem:v35+s14+$0x0], $0xffff  }
0x46d: {  	v45 =	vld.idx.msk [tilespmem:v38+s11+$0x0], $0xffff;
	v2 =	vadd.f32 v3, v2;
	v3 =	vmul.f32 v37, v36  }
0x46e: {  	v47 =	vor.u32 $0xB, v1;
	v46 =	vld.idx.msk [tilespmem:v38+s14+$0x0], $0xffff  }
0x46f: {  	v48 =	vld.idx.msk [tilespmem:v41+s11+$0x0], $0xffff;
	v2 =	vadd.f32 v3, v2;
	v3 =	vmul.f32 v40, v39  }
0x470: {  	v50 =	vor.u32 $0xC, v1;
	v49 =	vld.idx.msk [tilespmem:v41+s14+$0x0], $0xffff  }
0x471: {  	v51 =	vld.idx.msk [tilespmem:v44+s11+$0x0], $0xffff;
	v2 =	vadd.f32 v3, v2;
	v3 =	vmul.f32 v43, v42  }
0x472: {  	v53 =	vor.u32 $0xD, v1;
	v52 =	vld.idx.msk [tilespmem:v44+s14+$0x0], $0xffff  }
0x473: {  	v54 =	vld.idx.msk [tilespmem:v47+s11+$0x0], $0xffff;
	v2 =	vadd.f32 v3, v2;
	v3 =	vmul.f32 v46, v45  }
0x474: {  	v56 =	vor.u32 $0xE, v1;
	v55 =	vld.idx.msk [tilespmem:v47+s14+$0x0], $0xffff  }
0x475: {  	v57 =	vld.idx.msk [tilespmem:v50+s11+$0x0], $0xffff;
	v2 =	vadd.f32 v3, v2;
	v3 =	vmul.f32 v49, v48  }
0x476: {  	v59 =	vor.u32 $0xF, v1;
	v58 =	vld.idx.msk [tilespmem:v50+s14+$0x0], $0xffff  }
0x477: {  	v60 =	vld.idx.msk [tilespmem:v53+s11+$0x0], $0xffff;
	v2 =	vadd.f32 v3, v2;
	v3 =	vmul.f32 v52, v51  }
0x478: {  	v62 =	vor.u32 $0x10, v1;
	v61 =	vld.idx.msk [tilespmem:v53+s14+$0x0], $0xffff  }
0x479: {  	v63 =	vld.idx.msk [tilespmem:v56+s11+$0x0], $0xffff;
	v2 =	vadd.f32 v3, v2;
	v3 =	vmul.f32 v55, v54  }
0x47a: {  	v17 =	vor.u32 $0x11, v1;
	v16 =	vld.idx.msk [tilespmem:v56+s14+$0x0], $0xffff  }
0x47b: {  	v18 =	vld.idx.msk [tilespmem:v59+s11+$0x0], $0xffff;
	v2 =	vadd.f32 v3, v2;
	v3 =	vmul.f32 v58, v57  }
0x47c: {  	v20 =	vor.u32 $0x12, v1;
	v19 =	vld.idx.msk [tilespmem:v59+s14+$0x0], $0xffff  }
0x47d: {  	v21 =	vld.idx.msk [tilespmem:v62+s11+$0x0], $0xffff;
	v2 =	vadd.f32 v3, v2;
	v3 =	vmul.f32 v61, v60  }
0x47e: {  	v23 =	vor.u32 $0x13, v1;
	v22 =	vld.idx.msk [tilespmem:v62+s14+$0x0], $0xffff  }
0x47f: {  	v24 =	vld.idx.msk [tilespmem:v17+s11+$0x0], $0xffff;
	v2 =	vadd.f32 v3, v2;
	v3 =	vmul.f32 v16, v63  }
0x480: {  	v26 =	vor.u32 $0x14, v1;
	v25 =	vld.idx.msk [tilespmem:v17+s14+$0x0], $0xffff  }
0x481: {  	v27 =	vld.idx.msk [tilespmem:v20+s11+$0x0], $0xffff;
	v2 =	vadd.f32 v3, v2;
	v3 =	vmul.f32 v19, v18  }
0x482: {  	v29 =	vor.u32 $0x15, v1;
	v28 =	vld.idx.msk [tilespmem:v20+s14+$0x0], $0xffff  }
0x483: {  	v30 =	vld.idx.msk [tilespmem:v23+s11+$0x0], $0xffff;
	v2 =	vadd.f32 v3, v2;
	v3 =	vmul.f32 v22, v21  }
0x484: {  	v31 =	vld.idx.msk [tilespmem:v23+s14+$0x0], $0xffff;
	v32 =	vor.u32 $0x16, v1  }
0x485: {  	v33 =	vld.idx.msk [tilespmem:v26+s11+$0x0], $0xffff;
	v2 =	vadd.f32 v3, v2;
	v3 =	vmul.f32 v25, v24  }
0x486: {  	v35 =	vor.u32 $0x17, v1;
	v34 =	vld.idx.msk [tilespmem:v26+s14+$0x0], $0xffff  }
0x487: {  	v36 =	vld.idx.msk [tilespmem:v29+s11+$0x0], $0xffff;
	v2 =	vadd.f32 v3, v2;
	v3 =	vmul.f32 v28, v27  }
0x488: {  	v38 =	vor.u32 $0x18, v1;
	v37 =	vld.idx.msk [tilespmem:v29+s14+$0x0], $0xffff  }
0x489: {  	v39 =	vld.idx.msk [tilespmem:v32+s11+$0x0], $0xffff;
	v2 =	vadd.f32 v3, v2;
	v3 =	vmul.f32 v31, v30  }
0x48a: {  	v41 =	vor.u32 $0x19, v1;
	v40 =	vld.idx.msk [tilespmem:v32+s14+$0x0], $0xffff  }
0x48b: {  	v42 =	vld.idx.msk [tilespmem:v35+s11+$0x0], $0xffff;
	v2 =	vadd.f32 v3, v2;
	v3 =	vmul.f32 v34, v33  }
0x48c: {  	v44 =	vor.u32 $0x1A, v1;
	v43 =	vld.idx.msk [tilespmem:v35+s14+$0x0], $0xffff  }
0x48d: {  	v45 =	vld.idx.msk [tilespmem:v38+s11+$0x0], $0xffff;
	v2 =	vadd.f32 v3, v2;
	v3 =	vmul.f32 v37, v36  }
0x48e: {  	v47 =	vor.u32 $0x1B, v1;
	v46 =	vld.idx.msk [tilespmem:v38+s14+$0x0], $0xffff  }
0x48f: {  	v48 =	vld.idx.msk [tilespmem:v41+s11+$0x0], $0xffff;
	v2 =	vadd.f32 v3, v2;
	v3 =	vmul.f32 v40, v39  }
0x490: {  	v50 =	vor.u32 $0x1C, v1;
	v49 =	vld.idx.msk [tilespmem:v41+s14+$0x0], $0xffff  }
0x491: {  	v51 =	vld.idx.msk [tilespmem:v44+s11+$0x0], $0xffff;
	v2 =	vadd.f32 v3, v2;
	v3 =	vmul.f32 v43, v42  }
0x492: {  	v53 =	vor.u32 $0x1D, v1;
	v52 =	vld.idx.msk [tilespmem:v44+s14+$0x0], $0xffff  }
0x493: {  	v54 =	vld.idx.msk [tilespmem:v47+s11+$0x0], $0xffff;
	v2 =	vadd.f32 v3, v2;
	v3 =	vmul.f32 v46, v45  }
0x494: {  	v56 =	vor.u32 $0x1E, v1;
	v55 =	vld.idx.msk [tilespmem:v47+s14+$0x0], $0xffff  }
0x495: {  	v57 =	vld.idx.msk [tilespmem:v50+s11+$0x0], $0xffff;
	v2 =	vadd.f32 v3, v2;
	v3 =	vmul.f32 v49, v48  }
0x496: {  	v1 =	vor.u32 $0x1F, v1;
	v58 =	vld.idx.msk [tilespmem:v50+s14+$0x0], $0xffff  }
0x497: {  	v59 =	vld.idx.msk [tilespmem:v53+s11+$0x0], $0xffff;
	v2 =	vadd.f32 v3, v2;
	v3 =	vmul.f32 v52, v51  }
0x498: {  	v60 =	vld.idx.msk [tilespmem:v53+s14+$0x0], $0xffff  }
0x499: {  	v62 =	vld.idx.msk [tilespmem:v56+s14+$0x0], $0xffff;
	v2 =	vadd.f32 v3, v2;
	v3 =	vmul.f32 v55, v54  }
0x49a: {  	v61 =	vld.idx.msk [tilespmem:v56+s11+$0x0], $0xffff  }
0x49b: {  	v63 =	vld.idx.msk [tilespmem:v1+s11+$0x0], $0xffff;
	v2 =	vadd.f32 v3, v2;
	v3 =	vmul.f32 v58, v57  }
0x49c: {  	v1 =	vld.idx.msk [tilespmem:v1+s14+$0x0], $0xffff  }
0x49d: {  	v2 =	vadd.f32 v3, v2;
	v3 =	vmul.f32 v60, v59;
	_ =	sdelay $0x1  }
0x49e: {  	v2 =	vadd.f32 v3, v2;
	v3 =	vmul.f32 v62, v61;
	_ =	sdelay $0x1  }
0x49f: {  	v1 =	vmul.f32 v1, v63;
	v2 =	vadd.f32 v3, v2;
	_ =	sdelay $0x1  }
0x4a0: {  	v1 =	vadd.f32 v1, v2;
	_ =	sdelay $0x1  }
0x4a1: {  	v1 =	vsub.f32 $0.0e+00, v1;
	_ =	sdelay $0x1  }
0x4a2: {  	v1 =	vmul.f32 $1.442695020e+00, v1;
	_ =	sdelay $0x1  }
0x4a3: {  	(erf) = vpow2.f32 v1;
	_ =	sdelay $0x8  }
0x4a4: {  	v1 =	vpop (erf)  }
0x4a5: {  	v1 =	vadd.f32 $1.000000000e+00, v1;
	_ =	sdelay $0x1  }
0x4a6: {  	(erf) = vrcp.f32 v1;
	_ =	sdelay $0x8  }
0x4a7: {  	s28 =	sand.u32 $0xF0, s18;
	v1 =	vpop (erf)  }
0x4a8: {  	s29 =	rddreg [dreg:$0x7];
	s5 =	simm.s32 $0x10400;
	[tilespmem:s28+$0x10500] =	vst v1  }
0x4a9: {  	[hbm4b:s29+s1] =	stream.linear.scatter [tilespmem:s5], [sflag:$0x3], $0x200, $0x38;
	[tilespmem:$0x10600] =	vst v63  }
0x4aa: {  	_ =	swait.ge [sflag:s2], $0x200  }
0x4ab: {  	s30 =	rddreg [dreg:$0x9]  }
0x4ac: {  	s31 =	rddreg [dreg:$0x8];
	s5 =	sadd.s32 $0x1, s30  }
0x4ad: {  	p0 =	sne.s32 s5, s31  }
.Ltmp6:
0x4ae: {  	_ = 	snop;
	(pc) =	sbr.rel @p0 .LBB2_1-.Ltmp6, $3  }
0x4af: {  	_ =	sdelay $0x1  }
0x4b0: {  	[sflag:s2] =	ssyncset.done $0x0  }
0x4b1: {  	[sflag:s2] =	ssyncadd.s32 $0xFFFFFE00  }
0x4b2: {  	_ =	sfence.sel $0x180000  }
0x4b3: {  	[bflag:$0x0] =	sbarrier.arrive $0xFFFF  }
0x4b4: {  	_ =	strace $0x90000047  }
0x4b5: {  	s0 =	stileid.u32;
	[bflag:$0x2] =	sbarrier.arrive $0xFFFF  }
0x4b6: {  	p0 =	sne.s32 s0, $0x0;
	s0 =	rddreg [dreg:$0x4]  }
0x4b7: {  	s0 =	sadd.s32 @!p0 $0x100000, s0  }
0x4b8: {  	[sflag:s0] =	ssyncadd.tile.s32 @!p0 $0x1;
	_ =	shalt  }
.Lfunc_end2:
_tile_overlayer_lowered:
.L_overlay_start_2:
0x4b9: {  	(tag) =	ssettag $0x2  }
0x4ba: {  	s0 =	rddreg [dreg:$0x0];
	s2 =	stileid.u32  }
0x4bb: {  	s1 =	rddreg [dreg:$0x1];
	p0 =	sne.s32 s2, $0x0  }
0x4bc: {  	s3 =	rddreg [dreg:$0x2];
	[bflag:$0x3] =	sbarrier.arrive $0xFFFF;
	s2 =	simm.s32 @!p0 $0x1C03  }
0x4bd: {  	[timem:s3], [sflag:s2] =	dma.local @!p0 [hbm:s0], s1  }
0x4be: {  	s0 =	simm.s32 @!p0 $0x3  }
0x4bf: {  	_ =	swait.ge @!p0 [sflag:s0], s1  }
0x4c0: {  	s1 =	ssub.s32 @!p0 $0x0, s1;
	[sflag:s0] =	ssyncset.done @!p0 $0x0  }
0x4c1: {  	[sflag:s0] =	ssyncadd.s32 @!p0 s1  }
0x4c2: {  	[bflag:$0x3] =	sbarrier.arrive $0xFFFF  }
0x4c3: {  	_ =	shalt  }

</sc_bundles>
